<compile_context>
chip_gen: v7x
topology: tpu7x:2x2x1
jax: 0.10.2.dev20260603
libtpu: 0.0.44.dev20260713+nightly
codegen_flags: <defaults>
</compile_context>

<pallas_src>
import jax
import jax.numpy as jnp
from jax import lax
from jax.experimental import pallas as pl
from jax.experimental.pallas import tpu as pltpu
from jax.experimental.pallas import tpu_sc as plsc

B, L, N, S = 8, 2048, 1000, 4
P = B * L
NCORES = 2
NSUB = 16
NW = NCORES * NSUB
PW = P // NW
LANES = 16
CN = 112
OFFS = [0, 112, 224, 336, 448, 560, 672, 784, 888]
WINS = [(0, 112), (112, 224), (224, 336), (336, 448), (448, 560),
        (560, 672), (672, 784), (784, 896), (896, 1000)]
IPC = PW // LANES
W_PER_USER = L // PW


def _log1p_poly(z):
    t = z / (z + 2.0)
    t2 = t * t
    p = 1.0 / 7.0 + t2 * (1.0 / 9.0)
    p = 1.0 / 5.0 + t2 * p
    p = 1.0 / 3.0 + t2 * p
    return 2.0 * t * (1.0 + t2 * p)


def _log_sigmoid(d):
    z = jnp.exp(-jnp.abs(d))
    return jnp.minimum(d, 0.0) - _log1p_poly(z)


def _body(scores, labels, negs, xlens, parts,
          lab_v, nid_sv, xl_v, chunk_v, chunk2_v, pv_v, nv_v,
          res_v, sem):
    wid = lax.axis_index("s") * NCORES + lax.axis_index("c")
    b_user = lax.div(wid, W_PER_USER)
    l0 = lax.rem(wid, W_PER_USER) * PW
    iota = lax.iota(jnp.int32, LANES)

    pltpu.sync_copy(labels.at[b_user, pl.ds(l0, PW)], lab_v)
    for s in range(S):
        pltpu.sync_copy(negs.at[b_user * S + s, pl.ds(l0, PW)], nid_sv.at[s])
    pltpu.sync_copy(xlens, xl_v)

    xlen = xl_v[wid]
    m1 = (l0 + iota * LANES) < xlen
    m2 = (l0 + (LANES + iota) * LANES) < xlen
    nv1 = plsc.all_reduce_population_count(m1)
    nv2 = plsc.all_reduce_population_count(m2)
    n_vregs = nv1[0] + nv2[0]

    @pl.when(n_vregs > 0)
    def _():
        bufs = [chunk_v, chunk2_v]
        NWIN = len(OFFS)

        def start(g):
            return pltpu.async_copy(
                scores.at[pl.ds(b_user * N + OFFS[g], CN), pl.ds(l0, PW)],
                bufs[g % 2], sem)

        start(0)
        for g in range(NWIN):
            if g + 1 < NWIN:
                start(g + 1)
            pltpu.make_async_copy(
                scores.at[pl.ds(b_user * N + OFFS[g], CN), pl.ds(l0, PW)],
                bufs[g % 2], sem).wait()
            rb = OFFS[g]
            w0, w1 = WINS[g]
            buf = bufs[g % 2]

            def harvest(i, carry, buf=buf, rb=rb, w0=w0, w1=w1):
                lcol = i * LANES + iota
                lab16 = lab_v[pl.ds(i * LANES, LANES)]
                m = jnp.logical_and(lab16 >= w0, lab16 < w1)
                nl = jnp.where(m, lab16 - rb, 0)
                v = plsc.load_gather(buf, [nl, lcol])
                pv_v[pl.ds(i * LANES, LANES)] = jnp.where(
                    m, v, pv_v[pl.ds(i * LANES, LANES)])
                for s in range(S):
                    nid16 = nid_sv[s, pl.ds(i * LANES, LANES)]
                    ms = jnp.logical_and(nid16 >= w0, nid16 < w1)
                    nls = jnp.where(ms, nid16 - rb, 0)
                    vs = plsc.load_gather(buf, [nls, lcol])
                    nv_v[s, pl.ds(i * LANES, LANES)] = jnp.where(
                        ms, vs, nv_v[s, pl.ds(i * LANES, LANES)])
                return carry

            lax.fori_loop(0, n_vregs, harvest, 0)

    xlenf = jnp.maximum(xlen, 1).astype(jnp.float32)
    scale = (-1.0 / B) / xlenf

    def comp(i, acc):
        pos = pv_v[pl.ds(i * LANES, LANES)]
        ls = jnp.zeros((LANES,), jnp.float32)
        for s in range(S):
            neg = nv_v[s, pl.ds(i * LANES, LANES)]
            ls = ls + _log_sigmoid(pos - neg)
        l_pos = l0 + i * LANES + iota
        return acc + jnp.where(l_pos < xlen, ls, 0.0)

    acc = lax.fori_loop(0, n_vregs, comp, jnp.zeros((LANES,), jnp.float32))
    res_v[...] = acc * scale
    pltpu.sync_copy(res_v, parts.at[wid])


def _body2(p_ref, o_ref):
    o_ref[...] = jnp.sum(p_ref[...]).reshape(1, 1)


@jax.jit
def _bpr_loss(output, labels, x_lens, neg_ids):
    scores = jnp.transpose(output, (0, 2, 1)).reshape(B * N, L)
    lab = labels
    neg = jnp.transpose(neg_ids, (0, 2, 1)).reshape(B * S, L)
    xl_rep = jnp.broadcast_to(
        jnp.repeat(x_lens.astype(jnp.int32), W_PER_USER)[:, None],
        (NW, LANES))
    mesh = plsc.VectorSubcoreMesh(
        core_axis_name="c", subcore_axis_name="s", num_cores=NCORES)
    params = pltpu.CompilerParams(needs_layout_passes=False)
    parts = pl.kernel(
        _body,
        out_type=jax.ShapeDtypeStruct((NW, LANES), jnp.float32),
        mesh=mesh,
        scratch_types=[
            pltpu.VMEM((PW,), jnp.int32),
            pltpu.VMEM((S, PW), jnp.int32),
            pltpu.VMEM((NW, LANES), jnp.int32),
            pltpu.VMEM((CN, PW), jnp.float32),
            pltpu.VMEM((CN, PW), jnp.float32),
            pltpu.VMEM((PW,), jnp.float32),
            pltpu.VMEM((S, PW), jnp.float32),
            pltpu.VMEM((LANES,), jnp.float32),
            pltpu.SemaphoreType.DMA,
        ],
        compiler_params=params,
    )(scores, lab, neg, xl_rep)
    res = pl.pallas_call(
        _body2,
        out_shape=jax.ShapeDtypeStruct((1, 1), jnp.float32),
    )(parts)
    return res.reshape(1)


def kernel(output, labels, x_lens, uids, neg_ids):
    return _bpr_loss(output, labels, x_lens, neg_ids)

# --- scband reference (transcript-rebuilt; emitter-appended) ---
"""Pipeline reference for scband-bprloss-2439541424725 (READ-ONLY COPY).

The authoritative reference and input builder live on the scoring server;
editing this copy changes nothing except your own understanding.
"""

import jax, jax.numpy as jnp
import numpy as np

B, L, N, S = 8, 2048, 1000, 4

def setup_inputs(seed: int = 0) -> dict:
    key = jax.random.key(seed)
    k1, k2, k3, k4 = jax.random.split(key, 4)
    output = jax.random.normal(k1, (B, L, N), dtype=jnp.float32)
    labels = jax.random.randint(k2, (B, L), 0, N, dtype=jnp.int32)
    x_lens = jnp.maximum(jax.random.randint(k3, (B,), 1, L + 1, dtype=jnp.int32), 1)
    uids = jnp.arange(B, dtype=jnp.int32)
    # Precomputed negative samples (the torch module draws these with np.random.choice
    # per position; here they are materialized deterministically as an input tensor).
    neg_ids = jax.random.randint(k4, (B, L, S), 0, N, dtype=jnp.int32)
    return {"output": output, "labels": labels, "x_lens": x_lens, "uids": uids, "neg_ids": neg_ids}

def reference(output, labels, x_lens, uids, neg_ids):
    # output: [B, L, N] model scores over items per position
    # positive score gather: gather(all_indices, dim=1, index=labels.unsqueeze(1))
    pos = jnp.take_along_axis(output, labels[:, :, None].astype(jnp.int32), axis=2)  # [B, L, 1]
    # negative score gather for the sampled negative item ids
    neg = jnp.take_along_axis(output, neg_ids.astype(jnp.int32), axis=2)  # [B, L, S]
    diff = pos - neg  # broadcast [B, L, S]
    ls = jax.nn.log_sigmoid(diff)
    per_pos = jnp.sum(ls, axis=2)  # sum over negative samples, [B, L]
    # ragged masking: only the first x_lens[i] positions count for user i
    mask = (jnp.arange(L, dtype=jnp.int32)[None, :] < x_lens[:, None]).astype(output.dtype)  # [B, L]
    denom = jnp.maximum(x_lens, 1).astype(output.dtype)
    per_user = jnp.sum(per_pos * mask, axis=1) / denom  # mean over valid positions, [B]
    # accumulator += -mean(...); final accumulator / B  ->  mean over users of -per_user
    loss = -jnp.mean(per_user)
    return loss.reshape(1)

if __name__ == "__main__":
    import jax
    _d = setup_inputs()
    print(jax.jit(kernel)(*tuple(_d.values())))

</pallas_src>

<mosaic_0001>
#map = affine_map<(d0, d1) -> (0, 0)>
module attributes {stable_mosaic.version = 14 : i64} {
  func.func @_body(%arg0: i32, %arg1: i32, %arg2: memref<8000x2048xf32, #tpu.memory_space<hbm>>, %arg3: memref<8x2048xi32, #tpu.memory_space<hbm>>, %arg4: memref<32x2048xi32, #tpu.memory_space<hbm>>, %arg5: memref<32x16xi32, #tpu.memory_space<hbm>>, %arg6: memref<32x16xf32, #tpu.memory_space<hbm>>, %arg7: memref<512xi32, #tpu.memory_space<vmem>>, %arg8: memref<4x512xi32, #tpu.memory_space<vmem>>, %arg9: memref<32x16xi32, #tpu.memory_space<vmem>>, %arg10: memref<112x512xf32, #tpu.memory_space<vmem>>, %arg11: memref<112x512xf32, #tpu.memory_space<vmem>>, %arg12: memref<512xf32, #tpu.memory_space<vmem>>, %arg13: memref<4x512xf32, #tpu.memory_space<vmem>>, %arg14: memref<16xf32, #tpu.memory_space<vmem>>, %arg15: memref<!tpu.dma_semaphore, #tpu.memory_space<semaphore_mem>>) attributes {dimension_semantics = [#tpu.dimension_semantics<core_parallel>, #tpu.dimension_semantics<subcore_parallel>], iteration_bounds = array<i64: 2, 16>, scalar_prefetch = 0 : i64, scratch_operands = 9 : i64, tpu.core_type = #tpu.core_type<sc_vector_subcore>, window_params = [{transform_indices = #map}, {transform_indices = #map}, {transform_indices = #map}, {transform_indices = #map}, {transform_indices = #map}]} {
    %mul3A = arith.constant 2 : i32
    %mul3A_0 = arith.muli %arg1, %mul3A : i32
    %add3A = arith.addi %mul3A_0, %arg0 : i32
    %div3A = arith.constant 4 : i32
    %div3A_1 = arith.divsi %add3A, %div3A : i32
    %rem3A = arith.constant 4 : i32
    %rem3A_2 = arith.remsi %add3A, %rem3A : i32
    %mul3A_3 = arith.constant 512 : i32
    %mul3A_4 = arith.muli %rem3A_2, %mul3A_3 : i32
    %iota3A = tpu.iota {dimensions = array<i32: 0>} : vector<16xi32>
    "tpu.region"() ({
      %run_scoped3A_65 = tpu.sem_alloc : memref<!tpu.dma_semaphore, #tpu.memory_space<semaphore_mem>>
      %dma_start3A = tpu.memref_slice %arg3[%div3A_1, %mul3A_4] : memref<8x2048xi32, #tpu.memory_space<hbm>> -> memref<1x512xi32, #tpu.memory_space<hbm>>
      %dma_start3A_66 = tpu.memref_squeeze %dma_start3A : memref<1x512xi32, #tpu.memory_space<hbm>> -> memref<512xi32, #tpu.memory_space<hbm>>
      %dma_start3A_67 = tpu.memref_slice %arg3[%div3A_1, %mul3A_4] : memref<8x2048xi32, #tpu.memory_space<hbm>> -> memref<1x512xi32, #tpu.memory_space<hbm>>
      %dma_start3A_68 = tpu.memref_squeeze %dma_start3A_67 : memref<1x512xi32, #tpu.memory_space<hbm>> -> memref<512xi32, #tpu.memory_space<hbm>>
      tpu.enqueue_dma source(%dma_start3A_68 : memref<512xi32, #tpu.memory_space<hbm>>) target(%arg7 : memref<512xi32, #tpu.memory_space<vmem>>) target_semaphore(%run_scoped3A_65 : memref<!tpu.dma_semaphore, #tpu.memory_space<semaphore_mem>>)
      %dma_wait3A = tpu.memref_slice %arg3[%div3A_1, %mul3A_4] : memref<8x2048xi32, #tpu.memory_space<hbm>> -> memref<1x512xi32, #tpu.memory_space<hbm>>
      %dma_wait3A_69 = tpu.memref_squeeze %dma_wait3A : memref<1x512xi32, #tpu.memory_space<hbm>> -> memref<512xi32, #tpu.memory_space<hbm>>
      %dma_wait3A_70 = tpu.memref_slice %arg3[%div3A_1, %mul3A_4] : memref<8x2048xi32, #tpu.memory_space<hbm>> -> memref<1x512xi32, #tpu.memory_space<hbm>>
      %dma_wait3A_71 = tpu.memref_squeeze %dma_wait3A_70 : memref<1x512xi32, #tpu.memory_space<hbm>> -> memref<512xi32, #tpu.memory_space<hbm>>
      tpu.wait_dma2 semaphore(%run_scoped3A_65 : memref<!tpu.dma_semaphore, #tpu.memory_space<semaphore_mem>>) src(%dma_wait3A_71 : memref<512xi32, #tpu.memory_space<hbm>>) dst(%arg7 : memref<512xi32, #tpu.memory_space<vmem>>)
      tpu.yield
    }) : () -> ()
    %mul3A_5 = arith.constant 4 : i32
    %mul3A_6 = arith.muli %div3A_1, %mul3A_5 : i32
    %add3A_7 = arith.constant 0 : i32
    %add3A_8 = arith.addi %mul3A_6, %add3A_7 : i32
    %run_scoped3A = arith.constant 0 : i32
    "tpu.region"() ({
      %run_scoped3A_65 = tpu.sem_alloc : memref<!tpu.dma_semaphore, #tpu.memory_space<semaphore_mem>>
      %dma_start3A = arith.constant 0 : i32
      %dma_start3A_66 = tpu.memref_slice %arg8[%run_scoped3A, %dma_start3A] : memref<4x512xi32, #tpu.memory_space<vmem>> -> memref<1x512xi32, #tpu.memory_space<vmem>>
      %dma_start3A_67 = tpu.memref_squeeze %dma_start3A_66 : memref<1x512xi32, #tpu.memory_space<vmem>> -> memref<512xi32, #tpu.memory_space<vmem>>
      %dma_start3A_68 = tpu.memref_slice %arg4[%add3A_8, %mul3A_4] : memref<32x2048xi32, #tpu.memory_space<hbm>> -> memref<1x512xi32, #tpu.memory_space<hbm>>
      %dma_start3A_69 = tpu.memref_squeeze %dma_start3A_68 : memref<1x512xi32, #tpu.memory_space<hbm>> -> memref<512xi32, #tpu.memory_space<hbm>>
      %dma_start3A_70 = arith.constant 0 : i32
      %dma_start3A_71 = tpu.memref_slice %arg8[%run_scoped3A, %dma_start3A_70] : memref<4x512xi32, #tpu.memory_space<vmem>> -> memref<1x512xi32, #tpu.memory_space<vmem>>
      %dma_start3A_72 = tpu.memref_squeeze %dma_start3A_71 : memref<1x512xi32, #tpu.memory_space<vmem>> -> memref<512xi32, #tpu.memory_space<vmem>>
      %dma_start3A_73 = tpu.memref_slice %arg4[%add3A_8, %mul3A_4] : memref<32x2048xi32, #tpu.memory_space<hbm>> -> memref<1x512xi32, #tpu.memory_space<hbm>>
      %dma_start3A_74 = tpu.memref_squeeze %dma_start3A_73 : memref<1x512xi32, #tpu.memory_space<hbm>> -> memref<512xi32, #tpu.memory_space<hbm>>
      tpu.enqueue_dma source(%dma_start3A_74 : memref<512xi32, #tpu.memory_space<hbm>>) target(%dma_start3A_72 : memref<512xi32, #tpu.memory_space<vmem>>) target_semaphore(%run_scoped3A_65 : memref<!tpu.dma_semaphore, #tpu.memory_space<semaphore_mem>>)
      %dma_wait3A = arith.constant 0 : i32
      %dma_wait3A_75 = tpu.memref_slice %arg8[%run_scoped3A, %dma_wait3A] : memref<4x512xi32, #tpu.memory_space<vmem>> -> memref<1x512xi32, #tpu.memory_space<vmem>>
      %dma_wait3A_76 = tpu.memref_squeeze %dma_wait3A_75 : memref<1x512xi32, #tpu.memory_space<vmem>> -> memref<512xi32, #tpu.memory_space<vmem>>
      %dma_wait3A_77 = tpu.memref_slice %arg4[%add3A_8, %mul3A_4] : memref<32x2048xi32, #tpu.memory_space<hbm>> -> memref<1x512xi32, #tpu.memory_space<hbm>>
      %dma_wait3A_78 = tpu.memref_squeeze %dma_wait3A_77 : memref<1x512xi32, #tpu.memory_space<hbm>> -> memref<512xi32, #tpu.memory_space<hbm>>
      %dma_wait3A_79 = arith.constant 0 : i32
      %dma_wait3A_80 = tpu.memref_slice %arg8[%run_scoped3A, %dma_wait3A_79] : memref<4x512xi32, #tpu.memory_space<vmem>> -> memref<1x512xi32, #tpu.memory_space<vmem>>
      %dma_wait3A_81 = tpu.memref_squeeze %dma_wait3A_80 : memref<1x512xi32, #tpu.memory_space<vmem>> -> memref<512xi32, #tpu.memory_space<vmem>>
      %dma_wait3A_82 = tpu.memref_slice %arg4[%add3A_8, %mul3A_4] : memref<32x2048xi32, #tpu.memory_space<hbm>> -> memref<1x512xi32, #tpu.memory_space<hbm>>
      %dma_wait3A_83 = tpu.memref_squeeze %dma_wait3A_82 : memref<1x512xi32, #tpu.memory_space<hbm>> -> memref<512xi32, #tpu.memory_space<hbm>>
      tpu.wait_dma2 semaphore(%run_scoped3A_65 : memref<!tpu.dma_semaphore, #tpu.memory_space<semaphore_mem>>) src(%dma_wait3A_83 : memref<512xi32, #tpu.memory_space<hbm>>) dst(%dma_wait3A_81 : memref<512xi32, #tpu.memory_space<vmem>>)
      tpu.yield
    }) : () -> ()
    %mul3A_9 = arith.constant 4 : i32
    %mul3A_10 = arith.muli %div3A_1, %mul3A_9 : i32
    %add3A_11 = arith.constant 1 : i32
    %add3A_12 = arith.addi %mul3A_10, %add3A_11 : i32
    %run_scoped3A_13 = arith.constant 1 : i32
    "tpu.region"() ({
      %run_scoped3A_65 = tpu.sem_alloc : memref<!tpu.dma_semaphore, #tpu.memory_space<semaphore_mem>>
      %dma_start3A = arith.constant 0 : i32
      %dma_start3A_66 = tpu.memref_slice %arg8[%run_scoped3A_13, %dma_start3A] : memref<4x512xi32, #tpu.memory_space<vmem>> -> memref<1x512xi32, #tpu.memory_space<vmem>>
      %dma_start3A_67 = tpu.memref_squeeze %dma_start3A_66 : memref<1x512xi32, #tpu.memory_space<vmem>> -> memref<512xi32, #tpu.memory_space<vmem>>
      %dma_start3A_68 = tpu.memref_slice %arg4[%add3A_12, %mul3A_4] : memref<32x2048xi32, #tpu.memory_space<hbm>> -> memref<1x512xi32, #tpu.memory_space<hbm>>
      %dma_start3A_69 = tpu.memref_squeeze %dma_start3A_68 : memref<1x512xi32, #tpu.memory_space<hbm>> -> memref<512xi32, #tpu.memory_space<hbm>>
      %dma_start3A_70 = arith.constant 0 : i32
      %dma_start3A_71 = tpu.memref_slice %arg8[%run_scoped3A_13, %dma_start3A_70] : memref<4x512xi32, #tpu.memory_space<vmem>> -> memref<1x512xi32, #tpu.memory_space<vmem>>
      %dma_start3A_72 = tpu.memref_squeeze %dma_start3A_71 : memref<1x512xi32, #tpu.memory_space<vmem>> -> memref<512xi32, #tpu.memory_space<vmem>>
      %dma_start3A_73 = tpu.memref_slice %arg4[%add3A_12, %mul3A_4] : memref<32x2048xi32, #tpu.memory_space<hbm>> -> memref<1x512xi32, #tpu.memory_space<hbm>>
      %dma_start3A_74 = tpu.memref_squeeze %dma_start3A_73 : memref<1x512xi32, #tpu.memory_space<hbm>> -> memref<512xi32, #tpu.memory_space<hbm>>
      tpu.enqueue_dma source(%dma_start3A_74 : memref<512xi32, #tpu.memory_space<hbm>>) target(%dma_start3A_72 : memref<512xi32, #tpu.memory_space<vmem>>) target_semaphore(%run_scoped3A_65 : memref<!tpu.dma_semaphore, #tpu.memory_space<semaphore_mem>>)
      %dma_wait3A = arith.constant 0 : i32
      %dma_wait3A_75 = tpu.memref_slice %arg8[%run_scoped3A_13, %dma_wait3A] : memref<4x512xi32, #tpu.memory_space<vmem>> -> memref<1x512xi32, #tpu.memory_space<vmem>>
      %dma_wait3A_76 = tpu.memref_squeeze %dma_wait3A_75 : memref<1x512xi32, #tpu.memory_space<vmem>> -> memref<512xi32, #tpu.memory_space<vmem>>
      %dma_wait3A_77 = tpu.memref_slice %arg4[%add3A_12, %mul3A_4] : memref<32x2048xi32, #tpu.memory_space<hbm>> -> memref<1x512xi32, #tpu.memory_space<hbm>>
      %dma_wait3A_78 = tpu.memref_squeeze %dma_wait3A_77 : memref<1x512xi32, #tpu.memory_space<hbm>> -> memref<512xi32, #tpu.memory_space<hbm>>
      %dma_wait3A_79 = arith.constant 0 : i32
      %dma_wait3A_80 = tpu.memref_slice %arg8[%run_scoped3A_13, %dma_wait3A_79] : memref<4x512xi32, #tpu.memory_space<vmem>> -> memref<1x512xi32, #tpu.memory_space<vmem>>
      %dma_wait3A_81 = tpu.memref_squeeze %dma_wait3A_80 : memref<1x512xi32, #tpu.memory_space<vmem>> -> memref<512xi32, #tpu.memory_space<vmem>>
      %dma_wait3A_82 = tpu.memref_slice %arg4[%add3A_12, %mul3A_4] : memref<32x2048xi32, #tpu.memory_space<hbm>> -> memref<1x512xi32, #tpu.memory_space<hbm>>
      %dma_wait3A_83 = tpu.memref_squeeze %dma_wait3A_82 : memref<1x512xi32, #tpu.memory_space<hbm>> -> memref<512xi32, #tpu.memory_space<hbm>>
      tpu.wait_dma2 semaphore(%run_scoped3A_65 : memref<!tpu.dma_semaphore, #tpu.memory_space<semaphore_mem>>) src(%dma_wait3A_83 : memref<512xi32, #tpu.memory_space<hbm>>) dst(%dma_wait3A_81 : memref<512xi32, #tpu.memory_space<vmem>>)
      tpu.yield
    }) : () -> ()
    %mul3A_14 = arith.constant 4 : i32
    %mul3A_15 = arith.muli %div3A_1, %mul3A_14 : i32
    %add3A_16 = arith.constant 2 : i32
    %add3A_17 = arith.addi %mul3A_15, %add3A_16 : i32
    %run_scoped3A_18 = arith.constant 2 : i32
    "tpu.region"() ({
      %run_scoped3A_65 = tpu.sem_alloc : memref<!tpu.dma_semaphore, #tpu.memory_space<semaphore_mem>>
      %dma_start3A = arith.constant 0 : i32
      %dma_start3A_66 = tpu.memref_slice %arg8[%run_scoped3A_18, %dma_start3A] : memref<4x512xi32, #tpu.memory_space<vmem>> -> memref<1x512xi32, #tpu.memory_space<vmem>>
      %dma_start3A_67 = tpu.memref_squeeze %dma_start3A_66 : memref<1x512xi32, #tpu.memory_space<vmem>> -> memref<512xi32, #tpu.memory_space<vmem>>
      %dma_start3A_68 = tpu.memref_slice %arg4[%add3A_17, %mul3A_4] : memref<32x2048xi32, #tpu.memory_space<hbm>> -> memref<1x512xi32, #tpu.memory_space<hbm>>
      %dma_start3A_69 = tpu.memref_squeeze %dma_start3A_68 : memref<1x512xi32, #tpu.memory_space<hbm>> -> memref<512xi32, #tpu.memory_space<hbm>>
      %dma_start3A_70 = arith.constant 0 : i32
      %dma_start3A_71 = tpu.memref_slice %arg8[%run_scoped3A_18, %dma_start3A_70] : memref<4x512xi32, #tpu.memory_space<vmem>> -> memref<1x512xi32, #tpu.memory_space<vmem>>
      %dma_start3A_72 = tpu.memref_squeeze %dma_start3A_71 : memref<1x512xi32, #tpu.memory_space<vmem>> -> memref<512xi32, #tpu.memory_space<vmem>>
      %dma_start3A_73 = tpu.memref_slice %arg4[%add3A_17, %mul3A_4] : memref<32x2048xi32, #tpu.memory_space<hbm>> -> memref<1x512xi32, #tpu.memory_space<hbm>>
      %dma_start3A_74 = tpu.memref_squeeze %dma_start3A_73 : memref<1x512xi32, #tpu.memory_space<hbm>> -> memref<512xi32, #tpu.memory_space<hbm>>
      tpu.enqueue_dma source(%dma_start3A_74 : memref<512xi32, #tpu.memory_space<hbm>>) target(%dma_start3A_72 : memref<512xi32, #tpu.memory_space<vmem>>) target_semaphore(%run_scoped3A_65 : memref<!tpu.dma_semaphore, #tpu.memory_space<semaphore_mem>>)
      %dma_wait3A = arith.constant 0 : i32
      %dma_wait3A_75 = tpu.memref_slice %arg8[%run_scoped3A_18, %dma_wait3A] : memref<4x512xi32, #tpu.memory_space<vmem>> -> memref<1x512xi32, #tpu.memory_space<vmem>>
      %dma_wait3A_76 = tpu.memref_squeeze %dma_wait3A_75 : memref<1x512xi32, #tpu.memory_space<vmem>> -> memref<512xi32, #tpu.memory_space<vmem>>
      %dma_wait3A_77 = tpu.memref_slice %arg4[%add3A_17, %mul3A_4] : memref<32x2048xi32, #tpu.memory_space<hbm>> -> memref<1x512xi32, #tpu.memory_space<hbm>>
      %dma_wait3A_78 = tpu.memref_squeeze %dma_wait3A_77 : memref<1x512xi32, #tpu.memory_space<hbm>> -> memref<512xi32, #tpu.memory_space<hbm>>
      %dma_wait3A_79 = arith.constant 0 : i32
      %dma_wait3A_80 = tpu.memref_slice %arg8[%run_scoped3A_18, %dma_wait3A_79] : memref<4x512xi32, #tpu.memory_space<vmem>> -> memref<1x512xi32, #tpu.memory_space<vmem>>
      %dma_wait3A_81 = tpu.memref_squeeze %dma_wait3A_80 : memref<1x512xi32, #tpu.memory_space<vmem>> -> memref<512xi32, #tpu.memory_space<vmem>>
      %dma_wait3A_82 = tpu.memref_slice %arg4[%add3A_17, %mul3A_4] : memref<32x2048xi32, #tpu.memory_space<hbm>> -> memref<1x512xi32, #tpu.memory_space<hbm>>
      %dma_wait3A_83 = tpu.memref_squeeze %dma_wait3A_82 : memref<1x512xi32, #tpu.memory_space<hbm>> -> memref<512xi32, #tpu.memory_space<hbm>>
      tpu.wait_dma2 semaphore(%run_scoped3A_65 : memref<!tpu.dma_semaphore, #tpu.memory_space<semaphore_mem>>) src(%dma_wait3A_83 : memref<512xi32, #tpu.memory_space<hbm>>) dst(%dma_wait3A_81 : memref<512xi32, #tpu.memory_space<vmem>>)
      tpu.yield
    }) : () -> ()
    %mul3A_19 = arith.constant 4 : i32
    %mul3A_20 = arith.muli %div3A_1, %mul3A_19 : i32
    %add3A_21 = arith.constant 3 : i32
    %add3A_22 = arith.addi %mul3A_20, %add3A_21 : i32
    %run_scoped3A_23 = arith.constant 3 : i32
    "tpu.region"() ({
      %run_scoped3A_65 = tpu.sem_alloc : memref<!tpu.dma_semaphore, #tpu.memory_space<semaphore_mem>>
      %dma_start3A = arith.constant 0 : i32
      %dma_start3A_66 = tpu.memref_slice %arg8[%run_scoped3A_23, %dma_start3A] : memref<4x512xi32, #tpu.memory_space<vmem>> -> memref<1x512xi32, #tpu.memory_space<vmem>>
      %dma_start3A_67 = tpu.memref_squeeze %dma_start3A_66 : memref<1x512xi32, #tpu.memory_space<vmem>> -> memref<512xi32, #tpu.memory_space<vmem>>
      %dma_start3A_68 = tpu.memref_slice %arg4[%add3A_22, %mul3A_4] : memref<32x2048xi32, #tpu.memory_space<hbm>> -> memref<1x512xi32, #tpu.memory_space<hbm>>
      %dma_start3A_69 = tpu.memref_squeeze %dma_start3A_68 : memref<1x512xi32, #tpu.memory_space<hbm>> -> memref<512xi32, #tpu.memory_space<hbm>>
      %dma_start3A_70 = arith.constant 0 : i32
      %dma_start3A_71 = tpu.memref_slice %arg8[%run_scoped3A_23, %dma_start3A_70] : memref<4x512xi32, #tpu.memory_space<vmem>> -> memref<1x512xi32, #tpu.memory_space<vmem>>
      %dma_start3A_72 = tpu.memref_squeeze %dma_start3A_71 : memref<1x512xi32, #tpu.memory_space<vmem>> -> memref<512xi32, #tpu.memory_space<vmem>>
      %dma_start3A_73 = tpu.memref_slice %arg4[%add3A_22, %mul3A_4] : memref<32x2048xi32, #tpu.memory_space<hbm>> -> memref<1x512xi32, #tpu.memory_space<hbm>>
      %dma_start3A_74 = tpu.memref_squeeze %dma_start3A_73 : memref<1x512xi32, #tpu.memory_space<hbm>> -> memref<512xi32, #tpu.memory_space<hbm>>
      tpu.enqueue_dma source(%dma_start3A_74 : memref<512xi32, #tpu.memory_space<hbm>>) target(%dma_start3A_72 : memref<512xi32, #tpu.memory_space<vmem>>) target_semaphore(%run_scoped3A_65 : memref<!tpu.dma_semaphore, #tpu.memory_space<semaphore_mem>>)
      %dma_wait3A = arith.constant 0 : i32
      %dma_wait3A_75 = tpu.memref_slice %arg8[%run_scoped3A_23, %dma_wait3A] : memref<4x512xi32, #tpu.memory_space<vmem>> -> memref<1x512xi32, #tpu.memory_space<vmem>>
      %dma_wait3A_76 = tpu.memref_squeeze %dma_wait3A_75 : memref<1x512xi32, #tpu.memory_space<vmem>> -> memref<512xi32, #tpu.memory_space<vmem>>
      %dma_wait3A_77 = tpu.memref_slice %arg4[%add3A_22, %mul3A_4] : memref<32x2048xi32, #tpu.memory_space<hbm>> -> memref<1x512xi32, #tpu.memory_space<hbm>>
      %dma_wait3A_78 = tpu.memref_squeeze %dma_wait3A_77 : memref<1x512xi32, #tpu.memory_space<hbm>> -> memref<512xi32, #tpu.memory_space<hbm>>
      %dma_wait3A_79 = arith.constant 0 : i32
      %dma_wait3A_80 = tpu.memref_slice %arg8[%run_scoped3A_23, %dma_wait3A_79] : memref<4x512xi32, #tpu.memory_space<vmem>> -> memref<1x512xi32, #tpu.memory_space<vmem>>
      %dma_wait3A_81 = tpu.memref_squeeze %dma_wait3A_80 : memref<1x512xi32, #tpu.memory_space<vmem>> -> memref<512xi32, #tpu.memory_space<vmem>>
      %dma_wait3A_82 = tpu.memref_slice %arg4[%add3A_22, %mul3A_4] : memref<32x2048xi32, #tpu.memory_space<hbm>> -> memref<1x512xi32, #tpu.memory_space<hbm>>
      %dma_wait3A_83 = tpu.memref_squeeze %dma_wait3A_82 : memref<1x512xi32, #tpu.memory_space<hbm>> -> memref<512xi32, #tpu.memory_space<hbm>>
      tpu.wait_dma2 semaphore(%run_scoped3A_65 : memref<!tpu.dma_semaphore, #tpu.memory_space<semaphore_mem>>) src(%dma_wait3A_83 : memref<512xi32, #tpu.memory_space<hbm>>) dst(%dma_wait3A_81 : memref<512xi32, #tpu.memory_space<vmem>>)
      tpu.yield
    }) : () -> ()
    "tpu.region"() ({
      %run_scoped3A_65 = tpu.sem_alloc : memref<!tpu.dma_semaphore, #tpu.memory_space<semaphore_mem>>
      tpu.enqueue_dma source(%arg5 : memref<32x16xi32, #tpu.memory_space<hbm>>) target(%arg9 : memref<32x16xi32, #tpu.memory_space<vmem>>) target_semaphore(%run_scoped3A_65 : memref<!tpu.dma_semaphore, #tpu.memory_space<semaphore_mem>>)
      tpu.wait_dma2 semaphore(%run_scoped3A_65 : memref<!tpu.dma_semaphore, #tpu.memory_space<semaphore_mem>>) src(%arg5 : memref<32x16xi32, #tpu.memory_space<hbm>>) dst(%arg9 : memref<32x16xi32, #tpu.memory_space<vmem>>)
      tpu.yield
    }) : () -> ()
    %get3A = arith.index_cast %add3A : i32 to index
    %get3A_24 = arith.constant 0 : index
    %get3A_25 = tpu.vector_load %arg9[%get3A, %get3A_24] {strides = array<i32>} : memref<32x16xi32, #tpu.memory_space<vmem>>, vector<16xi32>,
    %mul3A_26 = arith.constant 16 : i32
    %mul3A_27 = vector.broadcast %mul3A_26 : i32 to vector<16xi32>
    %mul3A_28 = arith.muli %iota3A, %mul3A_27 : vector<16xi32>
    %add3A_29 = vector.broadcast %mul3A_4 : i32 to vector<16xi32>
    %add3A_30 = arith.addi %add3A_29, %mul3A_28 : vector<16xi32>
    %lt3A = arith.cmpi slt, %add3A_30, %get3A_25 : vector<16xi32>
    %add3A_31 = arith.constant 16 : i32
    %add3A_32 = vector.broadcast %add3A_31 : i32 to vector<16xi32>
    %add3A_33 = arith.addi %add3A_32, %iota3A : vector<16xi32>
    %mul3A_34 = arith.constant 16 : i32
    %mul3A_35 = vector.broadcast %mul3A_34 : i32 to vector<16xi32>
    %mul3A_36 = arith.muli %add3A_33, %mul3A_35 : vector<16xi32>
    %add3A_37 = vector.broadcast %mul3A_4 : i32 to vector<16xi32>
    %add3A_38 = arith.addi %add3A_37, %mul3A_36 : vector<16xi32>
    %lt3A_39 = arith.cmpi slt, %add3A_38, %get3A_25 : vector<16xi32>
    %all_reduce_population_count3A = tpu.all_reduce %lt3A {dim = 0 : i64, kind = #tpu.reduction_kind<sum>} : vector<16xi1> -> vector<16xi32>
    %all_reduce_population_count3A_40 = tpu.all_reduce %lt3A_39 {dim = 0 : i64, kind = #tpu.reduction_kind<sum>} : vector<16xi1> -> vector<16xi32>
    %slice3A = vector.extract_strided_slice %all_reduce_population_count3A {offsets = [0], sizes = [1], strides = [1]} : vector<16xi32> to vector<1xi32>
    %squeeze3A = vector.extract %slice3A[0] : i32 from vector<1xi32>
    %slice3A_41 = vector.extract_strided_slice %all_reduce_population_count3A_40 {offsets = [0], sizes = [1], strides = [1]} : vector<16xi32> to vector<1xi32>
    %squeeze3A_42 = vector.extract %slice3A_41[0] : i32 from vector<1xi32>
    %add3A_43 = arith.addi %squeeze3A, %squeeze3A_42 : i32
    %gt3A = arith.constant 0 : i32
    %gt3A_44 = arith.cmpi sgt, %add3A_43, %gt3A : i32
    %convert_element_type3A = arith.extui %gt3A_44 : i1 to i32
    %cond3A = arith.constant 0 : i32
    %cond3A_45 = arith.cmpi ne, %convert_element_type3A, %cond3A : i32
    scf.if %cond3A_45 {
      %mul3A_65 = arith.constant 1000 : i32
      %mul3A_66 = arith.muli %div3A_1, %mul3A_65 : i32
      %add3A_67 = arith.constant 0 : i32
      %add3A_68 = arith.addi %mul3A_66, %add3A_67 : i32
      %dma_start3A = tpu.memref_slice %arg2[%add3A_68, %mul3A_4] : memref<8000x2048xf32, #tpu.memory_space<hbm>> -> memref<112x512xf32, #tpu.memory_space<hbm>>
      %dma_start3A_69 = tpu.memref_slice %arg2[%add3A_68, %mul3A_4] : memref<8000x2048xf32, #tpu.memory_space<hbm>> -> memref<112x512xf32, #tpu.memory_space<hbm>>
      tpu.enqueue_dma source(%dma_start3A_69 : memref<112x512xf32, #tpu.memory_space<hbm>>) target(%arg10 : memref<112x512xf32, #tpu.memory_space<vmem>>) target_semaphore(%arg15 : memref<!tpu.dma_semaphore, #tpu.memory_space<semaphore_mem>>)
      %mul3A_70 = arith.constant 1000 : i32
      %mul3A_71 = arith.muli %div3A_1, %mul3A_70 : i32
      %add3A_72 = arith.constant 112 : i32
      %add3A_73 = arith.addi %mul3A_71, %add3A_72 : i32
      %dma_start3A_74 = tpu.memref_slice %arg2[%add3A_73, %mul3A_4] : memref<8000x2048xf32, #tpu.memory_space<hbm>> -> memref<112x512xf32, #tpu.memory_space<hbm>>
      %dma_start3A_75 = tpu.memref_slice %arg2[%add3A_73, %mul3A_4] : memref<8000x2048xf32, #tpu.memory_space<hbm>> -> memref<112x512xf32, #tpu.memory_space<hbm>>
      tpu.enqueue_dma source(%dma_start3A_75 : memref<112x512xf32, #tpu.memory_space<hbm>>) target(%arg11 : memref<112x512xf32, #tpu.memory_space<vmem>>) target_semaphore(%arg15 : memref<!tpu.dma_semaphore, #tpu.memory_space<semaphore_mem>>)
      %mul3A_76 = arith.constant 1000 : i32
      %mul3A_77 = arith.muli %div3A_1, %mul3A_76 : i32
      %add3A_78 = arith.constant 0 : i32
      %add3A_79 = arith.addi %mul3A_77, %add3A_78 : i32
      %dma_wait3A = tpu.memref_slice %arg2[%add3A_79, %mul3A_4] : memref<8000x2048xf32, #tpu.memory_space<hbm>> -> memref<112x512xf32, #tpu.memory_space<hbm>>
      %dma_wait3A_80 = tpu.memref_slice %arg2[%add3A_79, %mul3A_4] : memref<8000x2048xf32, #tpu.memory_space<hbm>> -> memref<112x512xf32, #tpu.memory_space<hbm>>
      tpu.wait_dma2 semaphore(%arg15 : memref<!tpu.dma_semaphore, #tpu.memory_space<semaphore_mem>>) src(%dma_wait3A_80 : memref<112x512xf32, #tpu.memory_space<hbm>>) dst(%arg10 : memref<112x512xf32, #tpu.memory_space<vmem>>)
      %while3A_81 = arith.constant 0 : i32
      %while3A_82 = arith.constant 0 : i32
      %while3A_83 = arith.subi %add3A_43, %while3A_82 : i32
      %while3A_84 = arith.addi %while3A_82, %while3A_83 : i32
      %while3A_85 = arith.constant 1 : i32
      %while3A_86 = arith.divsi %while3A_83, %while3A_85 : i32
      %while3A_87 = arith.muli %while3A_86, %while3A_85 : i32
      %while3A_88 = arith.addi %while3A_82, %while3A_87 : i32
      %while3A_89 = arith.constant 1 : i32
      scf.for %while3A_261 = %while3A_82 to %while3A_88 step %while3A_89  : i32 {
        %mul3A_262 = arith.constant 16 : i32
        %mul3A_263 = arith.muli %while3A_261, %mul3A_262 : i32
        %add3A_264 = vector.broadcast %mul3A_263 : i32 to vector<16xi32>
        %add3A_265 = arith.addi %add3A_264, %iota3A : vector<16xi32>
        %mul3A_266 = arith.constant 16 : i32
        %mul3A_267 = arith.muli %while3A_261, %mul3A_266 : i32
        %get3A_268 = arith.index_cast %mul3A_267 : i32 to index
        %get3A_269 = tpu.vector_load %arg7[%get3A_268] {strides = array<i32>} : memref<512xi32, #tpu.memory_space<vmem>>, vector<16xi32>,
        %ge3A = arith.constant 0 : i32
        %ge3A_270 = vector.broadcast %ge3A : i32 to vector<16xi32>
        %ge3A_271 = arith.cmpi sge, %get3A_269, %ge3A_270 : vector<16xi32>
        %lt3A_272 = arith.constant 112 : i32
        %lt3A_273 = vector.broadcast %lt3A_272 : i32 to vector<16xi32>
        %lt3A_274 = arith.cmpi slt, %get3A_269, %lt3A_273 : vector<16xi32>
        %and3A = arith.andi %ge3A_271, %lt3A_274 : vector<16xi1>
        %sub3A = arith.constant 0 : i32
        %sub3A_275 = vector.broadcast %sub3A : i32 to vector<16xi32>
        %sub3A_276 = arith.subi %get3A_269, %sub3A_275 : vector<16xi32>
        %jit3A = arith.constant 0 : i32
        %broadcast_in_dim3A_277 = vector.broadcast %jit3A : i32 to vector<16xi32>
        %select_n3A = arith.select %and3A, %sub3A_276, %broadcast_in_dim3A_277 : vector<16xi1>, vector<16xi32>
        %gather3A = tpu.vector_load_idx %arg10[%select_n3A, %add3A_265] : memref<112x512xf32, #tpu.memory_space<vmem>>[vector<16xi32>, vector<16xi32>], vector<16xf32>,
        %mul3A_278 = arith.constant 16 : i32
        %mul3A_279 = arith.muli %while3A_261, %mul3A_278 : i32
        %get3A_280 = arith.index_cast %mul3A_279 : i32 to index
        %get3A_281 = tpu.vector_load %arg12[%get3A_280] {strides = array<i32>} : memref<512xf32, #tpu.memory_space<vmem>>, vector<16xf32>,
        %select_n3A_282 = arith.select %and3A, %gather3A, %get3A_281 : vector<16xi1>, vector<16xf32>
        %mul3A_283 = arith.constant 16 : i32
        %mul3A_284 = arith.muli %while3A_261, %mul3A_283 : i32
        %swap3A_285 = arith.index_cast %mul3A_284 : i32 to index
        %swap3A_286 = tpu.vector_load %arg12[%swap3A_285] {strides = array<i32>} : memref<512xf32, #tpu.memory_space<vmem>>, vector<16xf32>,
        tpu.vector_store %arg12[%swap3A_285], %select_n3A_282 {strides = array<i32>} : memref<512xf32, #tpu.memory_space<vmem>>, vector<16xf32>,
        %mul3A_287 = arith.constant 16 : i32
        %mul3A_288 = arith.muli %while3A_261, %mul3A_287 : i32
        %get3A_289 = arith.constant 0 : i32
        %get3A_290 = arith.index_cast %get3A_289 : i32 to index
        %get3A_291 = arith.index_cast %mul3A_288 : i32 to index
        %get3A_292 = tpu.vector_load %arg8[%get3A_290, %get3A_291] {strides = array<i32>} : memref<4x512xi32, #tpu.memory_space<vmem>>, vector<16xi32>,
        %ge3A_293 = arith.constant 0 : i32
        %ge3A_294 = vector.broadcast %ge3A_293 : i32 to vector<16xi32>
        %ge3A_295 = arith.cmpi sge, %get3A_292, %ge3A_294 : vector<16xi32>
        %lt3A_296 = arith.constant 112 : i32
        %lt3A_297 = vector.broadcast %lt3A_296 : i32 to vector<16xi32>
        %lt3A_298 = arith.cmpi slt, %get3A_292, %lt3A_297 : vector<16xi32>
        %and3A_299 = arith.andi %ge3A_295, %lt3A_298 : vector<16xi1>
        %sub3A_300 = arith.constant 0 : i32
        %sub3A_301 = vector.broadcast %sub3A_300 : i32 to vector<16xi32>
        %sub3A_302 = arith.subi %get3A_292, %sub3A_301 : vector<16xi32>
        %jit3A_303 = arith.constant 0 : i32
        %broadcast_in_dim3A_304 = vector.broadcast %jit3A_303 : i32 to vector<16xi32>
        %select_n3A_305 = arith.select %and3A_299, %sub3A_302, %broadcast_in_dim3A_304 : vector<16xi1>, vector<16xi32>
        %gather3A_306 = tpu.vector_load_idx %arg10[%select_n3A_305, %add3A_265] : memref<112x512xf32, #tpu.memory_space<vmem>>[vector<16xi32>, vector<16xi32>], vector<16xf32>,
        %mul3A_307 = arith.constant 16 : i32
        %mul3A_308 = arith.muli %while3A_261, %mul3A_307 : i32
        %get3A_309 = arith.constant 0 : i32
        %get3A_310 = arith.index_cast %get3A_309 : i32 to index
        %get3A_311 = arith.index_cast %mul3A_308 : i32 to index
        %get3A_312 = tpu.vector_load %arg13[%get3A_310, %get3A_311] {strides = array<i32>} : memref<4x512xf32, #tpu.memory_space<vmem>>, vector<16xf32>,
        %select_n3A_313 = arith.select %and3A_299, %gather3A_306, %get3A_312 : vector<16xi1>, vector<16xf32>
        %mul3A_314 = arith.constant 16 : i32
        %mul3A_315 = arith.muli %while3A_261, %mul3A_314 : i32
        %swap3A_316 = arith.constant 0 : i32
        %swap3A_317 = arith.index_cast %swap3A_316 : i32 to index
        %swap3A_318 = arith.index_cast %mul3A_315 : i32 to index
        %swap3A_319 = tpu.vector_load %arg13[%swap3A_317, %swap3A_318] {strides = array<i32>} : memref<4x512xf32, #tpu.memory_space<vmem>>, vector<16xf32>,
        tpu.vector_store %arg13[%swap3A_317, %swap3A_318], %select_n3A_313 {strides = array<i32>} : memref<4x512xf32, #tpu.memory_space<vmem>>, vector<16xf32>,
        %mul3A_320 = arith.constant 16 : i32
        %mul3A_321 = arith.muli %while3A_261, %mul3A_320 : i32
        %get3A_322 = arith.constant 1 : i32
        %get3A_323 = arith.index_cast %get3A_322 : i32 to index
        %get3A_324 = arith.index_cast %mul3A_321 : i32 to index
        %get3A_325 = tpu.vector_load %arg8[%get3A_323, %get3A_324] {strides = array<i32>} : memref<4x512xi32, #tpu.memory_space<vmem>>, vector<16xi32>,
        %ge3A_326 = arith.constant 0 : i32
        %ge3A_327 = vector.broadcast %ge3A_326 : i32 to vector<16xi32>
        %ge3A_328 = arith.cmpi sge, %get3A_325, %ge3A_327 : vector<16xi32>
        %lt3A_329 = arith.constant 112 : i32
        %lt3A_330 = vector.broadcast %lt3A_329 : i32 to vector<16xi32>
        %lt3A_331 = arith.cmpi slt, %get3A_325, %lt3A_330 : vector<16xi32>
        %and3A_332 = arith.andi %ge3A_328, %lt3A_331 : vector<16xi1>
        %sub3A_333 = arith.constant 0 : i32
        %sub3A_334 = vector.broadcast %sub3A_333 : i32 to vector<16xi32>
        %sub3A_335 = arith.subi %get3A_325, %sub3A_334 : vector<16xi32>
        %jit3A_336 = arith.constant 0 : i32
        %broadcast_in_dim3A_337 = vector.broadcast %jit3A_336 : i32 to vector<16xi32>
        %select_n3A_338 = arith.select %and3A_332, %sub3A_335, %broadcast_in_dim3A_337 : vector<16xi1>, vector<16xi32>
        %gather3A_339 = tpu.vector_load_idx %arg10[%select_n3A_338, %add3A_265] : memref<112x512xf32, #tpu.memory_space<vmem>>[vector<16xi32>, vector<16xi32>], vector<16xf32>,
        %mul3A_340 = arith.constant 16 : i32
        %mul3A_341 = arith.muli %while3A_261, %mul3A_340 : i32
        %get3A_342 = arith.constant 1 : i32
        %get3A_343 = arith.index_cast %get3A_342 : i32 to index
        %get3A_344 = arith.index_cast %mul3A_341 : i32 to index
        %get3A_345 = tpu.vector_load %arg13[%get3A_343, %get3A_344] {strides = array<i32>} : memref<4x512xf32, #tpu.memory_space<vmem>>, vector<16xf32>,
        %select_n3A_346 = arith.select %and3A_332, %gather3A_339, %get3A_345 : vector<16xi1>, vector<16xf32>
        %mul3A_347 = arith.constant 16 : i32
        %mul3A_348 = arith.muli %while3A_261, %mul3A_347 : i32
        %swap3A_349 = arith.constant 1 : i32
        %swap3A_350 = arith.index_cast %swap3A_349 : i32 to index
        %swap3A_351 = arith.index_cast %mul3A_348 : i32 to index
        %swap3A_352 = tpu.vector_load %arg13[%swap3A_350, %swap3A_351] {strides = array<i32>} : memref<4x512xf32, #tpu.memory_space<vmem>>, vector<16xf32>,
        tpu.vector_store %arg13[%swap3A_350, %swap3A_351], %select_n3A_346 {strides = array<i32>} : memref<4x512xf32, #tpu.memory_space<vmem>>, vector<16xf32>,
        %mul3A_353 = arith.constant 16 : i32
        %mul3A_354 = arith.muli %while3A_261, %mul3A_353 : i32
        %get3A_355 = arith.constant 2 : i32
        %get3A_356 = arith.index_cast %get3A_355 : i32 to index
        %get3A_357 = arith.index_cast %mul3A_354 : i32 to index
        %get3A_358 = tpu.vector_load %arg8[%get3A_356, %get3A_357] {strides = array<i32>} : memref<4x512xi32, #tpu.memory_space<vmem>>, vector<16xi32>,
        %ge3A_359 = arith.constant 0 : i32
        %ge3A_360 = vector.broadcast %ge3A_359 : i32 to vector<16xi32>
        %ge3A_361 = arith.cmpi sge, %get3A_358, %ge3A_360 : vector<16xi32>
        %lt3A_362 = arith.constant 112 : i32
        %lt3A_363 = vector.broadcast %lt3A_362 : i32 to vector<16xi32>
        %lt3A_364 = arith.cmpi slt, %get3A_358, %lt3A_363 : vector<16xi32>
        %and3A_365 = arith.andi %ge3A_361, %lt3A_364 : vector<16xi1>
        %sub3A_366 = arith.constant 0 : i32
        %sub3A_367 = vector.broadcast %sub3A_366 : i32 to vector<16xi32>
        %sub3A_368 = arith.subi %get3A_358, %sub3A_367 : vector<16xi32>
        %jit3A_369 = arith.constant 0 : i32
        %broadcast_in_dim3A_370 = vector.broadcast %jit3A_369 : i32 to vector<16xi32>
        %select_n3A_371 = arith.select %and3A_365, %sub3A_368, %broadcast_in_dim3A_370 : vector<16xi1>, vector<16xi32>
        %gather3A_372 = tpu.vector_load_idx %arg10[%select_n3A_371, %add3A_265] : memref<112x512xf32, #tpu.memory_space<vmem>>[vector<16xi32>, vector<16xi32>], vector<16xf32>,
        %mul3A_373 = arith.constant 16 : i32
        %mul3A_374 = arith.muli %while3A_261, %mul3A_373 : i32
        %get3A_375 = arith.constant 2 : i32
        %get3A_376 = arith.index_cast %get3A_375 : i32 to index
        %get3A_377 = arith.index_cast %mul3A_374 : i32 to index
        %get3A_378 = tpu.vector_load %arg13[%get3A_376, %get3A_377] {strides = array<i32>} : memref<4x512xf32, #tpu.memory_space<vmem>>, vector<16xf32>,
        %select_n3A_379 = arith.select %and3A_365, %gather3A_372, %get3A_378 : vector<16xi1>, vector<16xf32>
        %mul3A_380 = arith.constant 16 : i32
        %mul3A_381 = arith.muli %while3A_261, %mul3A_380 : i32
        %swap3A_382 = arith.constant 2 : i32
        %swap3A_383 = arith.index_cast %swap3A_382 : i32 to index
        %swap3A_384 = arith.index_cast %mul3A_381 : i32 to index
        %swap3A_385 = tpu.vector_load %arg13[%swap3A_383, %swap3A_384] {strides = array<i32>} : memref<4x512xf32, #tpu.memory_space<vmem>>, vector<16xf32>,
        tpu.vector_store %arg13[%swap3A_383, %swap3A_384], %select_n3A_379 {strides = array<i32>} : memref<4x512xf32, #tpu.memory_space<vmem>>, vector<16xf32>,
        %mul3A_386 = arith.constant 16 : i32
        %mul3A_387 = arith.muli %while3A_261, %mul3A_386 : i32
        %get3A_388 = arith.constant 3 : i32
        %get3A_389 = arith.index_cast %get3A_388 : i32 to index
        %get3A_390 = arith.index_cast %mul3A_387 : i32 to index
        %get3A_391 = tpu.vector_load %arg8[%get3A_389, %get3A_390] {strides = array<i32>} : memref<4x512xi32, #tpu.memory_space<vmem>>, vector<16xi32>,
        %ge3A_392 = arith.constant 0 : i32
        %ge3A_393 = vector.broadcast %ge3A_392 : i32 to vector<16xi32>
        %ge3A_394 = arith.cmpi sge, %get3A_391, %ge3A_393 : vector<16xi32>
        %lt3A_395 = arith.constant 112 : i32
        %lt3A_396 = vector.broadcast %lt3A_395 : i32 to vector<16xi32>
        %lt3A_397 = arith.cmpi slt, %get3A_391, %lt3A_396 : vector<16xi32>
        %and3A_398 = arith.andi %ge3A_394, %lt3A_397 : vector<16xi1>
        %sub3A_399 = arith.constant 0 : i32
        %sub3A_400 = vector.broadcast %sub3A_399 : i32 to vector<16xi32>
        %sub3A_401 = arith.subi %get3A_391, %sub3A_400 : vector<16xi32>
        %jit3A_402 = arith.constant 0 : i32
        %broadcast_in_dim3A_403 = vector.broadcast %jit3A_402 : i32 to vector<16xi32>
        %select_n3A_404 = arith.select %and3A_398, %sub3A_401, %broadcast_in_dim3A_403 : vector<16xi1>, vector<16xi32>
        %gather3A_405 = tpu.vector_load_idx %arg10[%select_n3A_404, %add3A_265] : memref<112x512xf32, #tpu.memory_space<vmem>>[vector<16xi32>, vector<16xi32>], vector<16xf32>,
        %mul3A_406 = arith.constant 16 : i32
        %mul3A_407 = arith.muli %while3A_261, %mul3A_406 : i32
        %get3A_408 = arith.constant 3 : i32
        %get3A_409 = arith.index_cast %get3A_408 : i32 to index
        %get3A_410 = arith.index_cast %mul3A_407 : i32 to index
        %get3A_411 = tpu.vector_load %arg13[%get3A_409, %get3A_410] {strides = array<i32>} : memref<4x512xf32, #tpu.memory_space<vmem>>, vector<16xf32>,
        %select_n3A_412 = arith.select %and3A_398, %gather3A_405, %get3A_411 : vector<16xi1>, vector<16xf32>
        %mul3A_413 = arith.constant 16 : i32
        %mul3A_414 = arith.muli %while3A_261, %mul3A_413 : i32
        %swap3A_415 = arith.constant 3 : i32
        %swap3A_416 = arith.index_cast %swap3A_415 : i32 to index
        %swap3A_417 = arith.index_cast %mul3A_414 : i32 to index
        %swap3A_418 = tpu.vector_load %arg13[%swap3A_416, %swap3A_417] {strides = array<i32>} : memref<4x512xf32, #tpu.memory_space<vmem>>, vector<16xf32>,
        tpu.vector_store %arg13[%swap3A_416, %swap3A_417], %select_n3A_412 {strides = array<i32>} : memref<4x512xf32, #tpu.memory_space<vmem>>, vector<16xf32>,
      }
      %while3A_90 = arith.constant 1 : i32
      scf.for %while3A_261 = %while3A_88 to %while3A_84 step %while3A_90  : i32 {
        %mul3A_262 = arith.constant 16 : i32
        %mul3A_263 = arith.muli %while3A_261, %mul3A_262 : i32
        %add3A_264 = vector.broadcast %mul3A_263 : i32 to vector<16xi32>
        %add3A_265 = arith.addi %add3A_264, %iota3A : vector<16xi32>
        %mul3A_266 = arith.constant 16 : i32
        %mul3A_267 = arith.muli %while3A_261, %mul3A_266 : i32
        %get3A_268 = arith.index_cast %mul3A_267 : i32 to index
        %get3A_269 = tpu.vector_load %arg7[%get3A_268] {strides = array<i32>} : memref<512xi32, #tpu.memory_space<vmem>>, vector<16xi32>,
        %ge3A = arith.constant 0 : i32
        %ge3A_270 = vector.broadcast %ge3A : i32 to vector<16xi32>
        %ge3A_271 = arith.cmpi sge, %get3A_269, %ge3A_270 : vector<16xi32>
        %lt3A_272 = arith.constant 112 : i32
        %lt3A_273 = vector.broadcast %lt3A_272 : i32 to vector<16xi32>
        %lt3A_274 = arith.cmpi slt, %get3A_269, %lt3A_273 : vector<16xi32>
        %and3A = arith.andi %ge3A_271, %lt3A_274 : vector<16xi1>
        %sub3A = arith.constant 0 : i32
        %sub3A_275 = vector.broadcast %sub3A : i32 to vector<16xi32>
        %sub3A_276 = arith.subi %get3A_269, %sub3A_275 : vector<16xi32>
        %jit3A = arith.constant 0 : i32
        %broadcast_in_dim3A_277 = vector.broadcast %jit3A : i32 to vector<16xi32>
        %select_n3A = arith.select %and3A, %sub3A_276, %broadcast_in_dim3A_277 : vector<16xi1>, vector<16xi32>
        %gather3A = tpu.vector_load_idx %arg10[%select_n3A, %add3A_265] : memref<112x512xf32, #tpu.memory_space<vmem>>[vector<16xi32>, vector<16xi32>], vector<16xf32>,
        %mul3A_278 = arith.constant 16 : i32
        %mul3A_279 = arith.muli %while3A_261, %mul3A_278 : i32
        %get3A_280 = arith.index_cast %mul3A_279 : i32 to index
        %get3A_281 = tpu.vector_load %arg12[%get3A_280] {strides = array<i32>} : memref<512xf32, #tpu.memory_space<vmem>>, vector<16xf32>,
        %select_n3A_282 = arith.select %and3A, %gather3A, %get3A_281 : vector<16xi1>, vector<16xf32>
        %mul3A_283 = arith.constant 16 : i32
        %mul3A_284 = arith.muli %while3A_261, %mul3A_283 : i32
        %swap3A_285 = arith.index_cast %mul3A_284 : i32 to index
        %swap3A_286 = tpu.vector_load %arg12[%swap3A_285] {strides = array<i32>} : memref<512xf32, #tpu.memory_space<vmem>>, vector<16xf32>,
        tpu.vector_store %arg12[%swap3A_285], %select_n3A_282 {strides = array<i32>} : memref<512xf32, #tpu.memory_space<vmem>>, vector<16xf32>,
        %mul3A_287 = arith.constant 16 : i32
        %mul3A_288 = arith.muli %while3A_261, %mul3A_287 : i32
        %get3A_289 = arith.constant 0 : i32
        %get3A_290 = arith.index_cast %get3A_289 : i32 to index
        %get3A_291 = arith.index_cast %mul3A_288 : i32 to index
        %get3A_292 = tpu.vector_load %arg8[%get3A_290, %get3A_291] {strides = array<i32>} : memref<4x512xi32, #tpu.memory_space<vmem>>, vector<16xi32>,
        %ge3A_293 = arith.constant 0 : i32
        %ge3A_294 = vector.broadcast %ge3A_293 : i32 to vector<16xi32>
        %ge3A_295 = arith.cmpi sge, %get3A_292, %ge3A_294 : vector<16xi32>
        %lt3A_296 = arith.constant 112 : i32
        %lt3A_297 = vector.broadcast %lt3A_296 : i32 to vector<16xi32>
        %lt3A_298 = arith.cmpi slt, %get3A_292, %lt3A_297 : vector<16xi32>
        %and3A_299 = arith.andi %ge3A_295, %lt3A_298 : vector<16xi1>
        %sub3A_300 = arith.constant 0 : i32
        %sub3A_301 = vector.broadcast %sub3A_300 : i32 to vector<16xi32>
        %sub3A_302 = arith.subi %get3A_292, %sub3A_301 : vector<16xi32>
        %jit3A_303 = arith.constant 0 : i32
        %broadcast_in_dim3A_304 = vector.broadcast %jit3A_303 : i32 to vector<16xi32>
        %select_n3A_305 = arith.select %and3A_299, %sub3A_302, %broadcast_in_dim3A_304 : vector<16xi1>, vector<16xi32>
        %gather3A_306 = tpu.vector_load_idx %arg10[%select_n3A_305, %add3A_265] : memref<112x512xf32, #tpu.memory_space<vmem>>[vector<16xi32>, vector<16xi32>], vector<16xf32>,
        %mul3A_307 = arith.constant 16 : i32
        %mul3A_308 = arith.muli %while3A_261, %mul3A_307 : i32
        %get3A_309 = arith.constant 0 : i32
        %get3A_310 = arith.index_cast %get3A_309 : i32 to index
        %get3A_311 = arith.index_cast %mul3A_308 : i32 to index
        %get3A_312 = tpu.vector_load %arg13[%get3A_310, %get3A_311] {strides = array<i32>} : memref<4x512xf32, #tpu.memory_space<vmem>>, vector<16xf32>,
        %select_n3A_313 = arith.select %and3A_299, %gather3A_306, %get3A_312 : vector<16xi1>, vector<16xf32>
        %mul3A_314 = arith.constant 16 : i32
        %mul3A_315 = arith.muli %while3A_261, %mul3A_314 : i32
        %swap3A_316 = arith.constant 0 : i32
        %swap3A_317 = arith.index_cast %swap3A_316 : i32 to index
        %swap3A_318 = arith.index_cast %mul3A_315 : i32 to index
        %swap3A_319 = tpu.vector_load %arg13[%swap3A_317, %swap3A_318] {strides = array<i32>} : memref<4x512xf32, #tpu.memory_space<vmem>>, vector<16xf32>,
        tpu.vector_store %arg13[%swap3A_317, %swap3A_318], %select_n3A_313 {strides = array<i32>} : memref<4x512xf32, #tpu.memory_space<vmem>>, vector<16xf32>,
        %mul3A_320 = arith.constant 16 : i32
        %mul3A_321 = arith.muli %while3A_261, %mul3A_320 : i32
        %get3A_322 = arith.constant 1 : i32
        %get3A_323 = arith.index_cast %get3A_322 : i32 to index
        %get3A_324 = arith.index_cast %mul3A_321 : i32 to index
        %get3A_325 = tpu.vector_load %arg8[%get3A_323, %get3A_324] {strides = array<i32>} : memref<4x512xi32, #tpu.memory_space<vmem>>, vector<16xi32>,
        %ge3A_326 = arith.constant 0 : i32
        %ge3A_327 = vector.broadcast %ge3A_326 : i32 to vector<16xi32>
        %ge3A_328 = arith.cmpi sge, %get3A_325, %ge3A_327 : vector<16xi32>
        %lt3A_329 = arith.constant 112 : i32
        %lt3A_330 = vector.broadcast %lt3A_329 : i32 to vector<16xi32>
        %lt3A_331 = arith.cmpi slt, %get3A_325, %lt3A_330 : vector<16xi32>
        %and3A_332 = arith.andi %ge3A_328, %lt3A_331 : vector<16xi1>
        %sub3A_333 = arith.constant 0 : i32
        %sub3A_334 = vector.broadcast %sub3A_333 : i32 to vector<16xi32>
        %sub3A_335 = arith.subi %get3A_325, %sub3A_334 : vector<16xi32>
        %jit3A_336 = arith.constant 0 : i32
        %broadcast_in_dim3A_337 = vector.broadcast %jit3A_336 : i32 to vector<16xi32>
        %select_n3A_338 = arith.select %and3A_332, %sub3A_335, %broadcast_in_dim3A_337 : vector<16xi1>, vector<16xi32>
        %gather3A_339 = tpu.vector_load_idx %arg10[%select_n3A_338, %add3A_265] : memref<112x512xf32, #tpu.memory_space<vmem>>[vector<16xi32>, vector<16xi32>], vector<16xf32>,
        %mul3A_340 = arith.constant 16 : i32
        %mul3A_341 = arith.muli %while3A_261, %mul3A_340 : i32
        %get3A_342 = arith.constant 1 : i32
        %get3A_343 = arith.index_cast %get3A_342 : i32 to index
        %get3A_344 = arith.index_cast %mul3A_341 : i32 to index
        %get3A_345 = tpu.vector_load %arg13[%get3A_343, %get3A_344] {strides = array<i32>} : memref<4x512xf32, #tpu.memory_space<vmem>>, vector<16xf32>,
        %select_n3A_346 = arith.select %and3A_332, %gather3A_339, %get3A_345 : vector<16xi1>, vector<16xf32>
        %mul3A_347 = arith.constant 16 : i32
        %mul3A_348 = arith.muli %while3A_261, %mul3A_347 : i32
        %swap3A_349 = arith.constant 1 : i32
        %swap3A_350 = arith.index_cast %swap3A_349 : i32 to index
        %swap3A_351 = arith.index_cast %mul3A_348 : i32 to index
        %swap3A_352 = tpu.vector_load %arg13[%swap3A_350, %swap3A_351] {strides = array<i32>} : memref<4x512xf32, #tpu.memory_space<vmem>>, vector<16xf32>,
        tpu.vector_store %arg13[%swap3A_350, %swap3A_351], %select_n3A_346 {strides = array<i32>} : memref<4x512xf32, #tpu.memory_space<vmem>>, vector<16xf32>,
        %mul3A_353 = arith.constant 16 : i32
        %mul3A_354 = arith.muli %while3A_261, %mul3A_353 : i32
        %get3A_355 = arith.constant 2 : i32
        %get3A_356 = arith.index_cast %get3A_355 : i32 to index
        %get3A_357 = arith.index_cast %mul3A_354 : i32 to index
        %get3A_358 = tpu.vector_load %arg8[%get3A_356, %get3A_357] {strides = array<i32>} : memref<4x512xi32, #tpu.memory_space<vmem>>, vector<16xi32>,
        %ge3A_359 = arith.constant 0 : i32
        %ge3A_360 = vector.broadcast %ge3A_359 : i32 to vector<16xi32>
        %ge3A_361 = arith.cmpi sge, %get3A_358, %ge3A_360 : vector<16xi32>
        %lt3A_362 = arith.constant 112 : i32
        %lt3A_363 = vector.broadcast %lt3A_362 : i32 to vector<16xi32>
        %lt3A_364 = arith.cmpi slt, %get3A_358, %lt3A_363 : vector<16xi32>
        %and3A_365 = arith.andi %ge3A_361, %lt3A_364 : vector<16xi1>
        %sub3A_366 = arith.constant 0 : i32
        %sub3A_367 = vector.broadcast %sub3A_366 : i32 to vector<16xi32>
        %sub3A_368 = arith.subi %get3A_358, %sub3A_367 : vector<16xi32>
        %jit3A_369 = arith.constant 0 : i32
        %broadcast_in_dim3A_370 = vector.broadcast %jit3A_369 : i32 to vector<16xi32>
        %select_n3A_371 = arith.select %and3A_365, %sub3A_368, %broadcast_in_dim3A_370 : vector<16xi1>, vector<16xi32>
        %gather3A_372 = tpu.vector_load_idx %arg10[%select_n3A_371, %add3A_265] : memref<112x512xf32, #tpu.memory_space<vmem>>[vector<16xi32>, vector<16xi32>], vector<16xf32>,
        %mul3A_373 = arith.constant 16 : i32
        %mul3A_374 = arith.muli %while3A_261, %mul3A_373 : i32
        %get3A_375 = arith.constant 2 : i32
        %get3A_376 = arith.index_cast %get3A_375 : i32 to index
        %get3A_377 = arith.index_cast %mul3A_374 : i32 to index
        %get3A_378 = tpu.vector_load %arg13[%get3A_376, %get3A_377] {strides = array<i32>} : memref<4x512xf32, #tpu.memory_space<vmem>>, vector<16xf32>,
        %select_n3A_379 = arith.select %and3A_365, %gather3A_372, %get3A_378 : vector<16xi1>, vector<16xf32>
        %mul3A_380 = arith.constant 16 : i32
        %mul3A_381 = arith.muli %while3A_261, %mul3A_380 : i32
        %swap3A_382 = arith.constant 2 : i32
        %swap3A_383 = arith.index_cast %swap3A_382 : i32 to index
        %swap3A_384 = arith.index_cast %mul3A_381 : i32 to index
        %swap3A_385 = tpu.vector_load %arg13[%swap3A_383, %swap3A_384] {strides = array<i32>} : memref<4x512xf32, #tpu.memory_space<vmem>>, vector<16xf32>,
        tpu.vector_store %arg13[%swap3A_383, %swap3A_384], %select_n3A_379 {strides = array<i32>} : memref<4x512xf32, #tpu.memory_space<vmem>>, vector<16xf32>,
        %mul3A_386 = arith.constant 16 : i32
        %mul3A_387 = arith.muli %while3A_261, %mul3A_386 : i32
        %get3A_388 = arith.constant 3 : i32
        %get3A_389 = arith.index_cast %get3A_388 : i32 to index
        %get3A_390 = arith.index_cast %mul3A_387 : i32 to index
        %get3A_391 = tpu.vector_load %arg8[%get3A_389, %get3A_390] {strides = array<i32>} : memref<4x512xi32, #tpu.memory_space<vmem>>, vector<16xi32>,
        %ge3A_392 = arith.constant 0 : i32
        %ge3A_393 = vector.broadcast %ge3A_392 : i32 to vector<16xi32>
        %ge3A_394 = arith.cmpi sge, %get3A_391, %ge3A_393 : vector<16xi32>
        %lt3A_395 = arith.constant 112 : i32
        %lt3A_396 = vector.broadcast %lt3A_395 : i32 to vector<16xi32>
        %lt3A_397 = arith.cmpi slt, %get3A_391, %lt3A_396 : vector<16xi32>
        %and3A_398 = arith.andi %ge3A_394, %lt3A_397 : vector<16xi1>
        %sub3A_399 = arith.constant 0 : i32
        %sub3A_400 = vector.broadcast %sub3A_399 : i32 to vector<16xi32>
        %sub3A_401 = arith.subi %get3A_391, %sub3A_400 : vector<16xi32>
        %jit3A_402 = arith.constant 0 : i32
        %broadcast_in_dim3A_403 = vector.broadcast %jit3A_402 : i32 to vector<16xi32>
        %select_n3A_404 = arith.select %and3A_398, %sub3A_401, %broadcast_in_dim3A_403 : vector<16xi1>, vector<16xi32>
        %gather3A_405 = tpu.vector_load_idx %arg10[%select_n3A_404, %add3A_265] : memref<112x512xf32, #tpu.memory_space<vmem>>[vector<16xi32>, vector<16xi32>], vector<16xf32>,
        %mul3A_406 = arith.constant 16 : i32
        %mul3A_407 = arith.muli %while3A_261, %mul3A_406 : i32
        %get3A_408 = arith.constant 3 : i32
        %get3A_409 = arith.index_cast %get3A_408 : i32 to index
        %get3A_410 = arith.index_cast %mul3A_407 : i32 to index
        %get3A_411 = tpu.vector_load %arg13[%get3A_409, %get3A_410] {strides = array<i32>} : memref<4x512xf32, #tpu.memory_space<vmem>>, vector<16xf32>,
        %select_n3A_412 = arith.select %and3A_398, %gather3A_405, %get3A_411 : vector<16xi1>, vector<16xf32>
        %mul3A_413 = arith.constant 16 : i32
        %mul3A_414 = arith.muli %while3A_261, %mul3A_413 : i32
        %swap3A_415 = arith.constant 3 : i32
        %swap3A_416 = arith.index_cast %swap3A_415 : i32 to index
        %swap3A_417 = arith.index_cast %mul3A_414 : i32 to index
        %swap3A_418 = tpu.vector_load %arg13[%swap3A_416, %swap3A_417] {strides = array<i32>} : memref<4x512xf32, #tpu.memory_space<vmem>>, vector<16xf32>,
        tpu.vector_store %arg13[%swap3A_416, %swap3A_417], %select_n3A_412 {strides = array<i32>} : memref<4x512xf32, #tpu.memory_space<vmem>>, vector<16xf32>,
      }
      %mul3A_91 = arith.constant 1000 : i32
      %mul3A_92 = arith.muli %div3A_1, %mul3A_91 : i32
      %add3A_93 = arith.constant 224 : i32
      %add3A_94 = arith.addi %mul3A_92, %add3A_93 : i32
      %dma_start3A_95 = tpu.memref_slice %arg2[%add3A_94, %mul3A_4] : memref<8000x2048xf32, #tpu.memory_space<hbm>> -> memref<112x512xf32, #tpu.memory_space<hbm>>
      %dma_start3A_96 = tpu.memref_slice %arg2[%add3A_94, %mul3A_4] : memref<8000x2048xf32, #tpu.memory_space<hbm>> -> memref<112x512xf32, #tpu.memory_space<hbm>>
      tpu.enqueue_dma source(%dma_start3A_96 : memref<112x512xf32, #tpu.memory_space<hbm>>) target(%arg10 : memref<112x512xf32, #tpu.memory_space<vmem>>) target_semaphore(%arg15 : memref<!tpu.dma_semaphore, #tpu.memory_space<semaphore_mem>>)
      %mul3A_97 = arith.constant 1000 : i32
      %mul3A_98 = arith.muli %div3A_1, %mul3A_97 : i32
      %add3A_99 = arith.constant 112 : i32
      %add3A_100 = arith.addi %mul3A_98, %add3A_99 : i32
      %dma_wait3A_101 = tpu.memref_slice %arg2[%add3A_100, %mul3A_4] : memref<8000x2048xf32, #tpu.memory_space<hbm>> -> memref<112x512xf32, #tpu.memory_space<hbm>>
      %dma_wait3A_102 = tpu.memref_slice %arg2[%add3A_100, %mul3A_4] : memref<8000x2048xf32, #tpu.memory_space<hbm>> -> memref<112x512xf32, #tpu.memory_space<hbm>>
      tpu.wait_dma2 semaphore(%arg15 : memref<!tpu.dma_semaphore, #tpu.memory_space<semaphore_mem>>) src(%dma_wait3A_102 : memref<112x512xf32, #tpu.memory_space<hbm>>) dst(%arg11 : memref<112x512xf32, #tpu.memory_space<vmem>>)
      %while3A_103 = arith.constant 0 : i32
      %while3A_104 = arith.constant 0 : i32
      %while3A_105 = arith.subi %add3A_43, %while3A_104 : i32
      %while3A_106 = arith.addi %while3A_104, %while3A_105 : i32
      %while3A_107 = arith.constant 1 : i32
      %while3A_108 = arith.divsi %while3A_105, %while3A_107 : i32
      %while3A_109 = arith.muli %while3A_108, %while3A_107 : i32
      %while3A_110 = arith.addi %while3A_104, %while3A_109 : i32
      %while3A_111 = arith.constant 1 : i32
      scf.for %while3A_261 = %while3A_104 to %while3A_110 step %while3A_111  : i32 {
        %mul3A_262 = arith.constant 16 : i32
        %mul3A_263 = arith.muli %while3A_261, %mul3A_262 : i32
        %add3A_264 = vector.broadcast %mul3A_263 : i32 to vector<16xi32>
        %add3A_265 = arith.addi %add3A_264, %iota3A : vector<16xi32>
        %mul3A_266 = arith.constant 16 : i32
        %mul3A_267 = arith.muli %while3A_261, %mul3A_266 : i32
        %get3A_268 = arith.index_cast %mul3A_267 : i32 to index
        %get3A_269 = tpu.vector_load %arg7[%get3A_268] {strides = array<i32>} : memref<512xi32, #tpu.memory_space<vmem>>, vector<16xi32>,
        %ge3A = arith.constant 112 : i32
        %ge3A_270 = vector.broadcast %ge3A : i32 to vector<16xi32>
        %ge3A_271 = arith.cmpi sge, %get3A_269, %ge3A_270 : vector<16xi32>
        %lt3A_272 = arith.constant 224 : i32
        %lt3A_273 = vector.broadcast %lt3A_272 : i32 to vector<16xi32>
        %lt3A_274 = arith.cmpi slt, %get3A_269, %lt3A_273 : vector<16xi32>
        %and3A = arith.andi %ge3A_271, %lt3A_274 : vector<16xi1>
        %sub3A = arith.constant 112 : i32
        %sub3A_275 = vector.broadcast %sub3A : i32 to vector<16xi32>
        %sub3A_276 = arith.subi %get3A_269, %sub3A_275 : vector<16xi32>
        %jit3A = arith.constant 0 : i32
        %broadcast_in_dim3A_277 = vector.broadcast %jit3A : i32 to vector<16xi32>
        %select_n3A = arith.select %and3A, %sub3A_276, %broadcast_in_dim3A_277 : vector<16xi1>, vector<16xi32>
        %gather3A = tpu.vector_load_idx %arg11[%select_n3A, %add3A_265] : memref<112x512xf32, #tpu.memory_space<vmem>>[vector<16xi32>, vector<16xi32>], vector<16xf32>,
        %mul3A_278 = arith.constant 16 : i32
        %mul3A_279 = arith.muli %while3A_261, %mul3A_278 : i32
        %get3A_280 = arith.index_cast %mul3A_279 : i32 to index
        %get3A_281 = tpu.vector_load %arg12[%get3A_280] {strides = array<i32>} : memref<512xf32, #tpu.memory_space<vmem>>, vector<16xf32>,
        %select_n3A_282 = arith.select %and3A, %gather3A, %get3A_281 : vector<16xi1>, vector<16xf32>
        %mul3A_283 = arith.constant 16 : i32
        %mul3A_284 = arith.muli %while3A_261, %mul3A_283 : i32
        %swap3A_285 = arith.index_cast %mul3A_284 : i32 to index
        %swap3A_286 = tpu.vector_load %arg12[%swap3A_285] {strides = array<i32>} : memref<512xf32, #tpu.memory_space<vmem>>, vector<16xf32>,
        tpu.vector_store %arg12[%swap3A_285], %select_n3A_282 {strides = array<i32>} : memref<512xf32, #tpu.memory_space<vmem>>, vector<16xf32>,
        %mul3A_287 = arith.constant 16 : i32
        %mul3A_288 = arith.muli %while3A_261, %mul3A_287 : i32
        %get3A_289 = arith.constant 0 : i32
        %get3A_290 = arith.index_cast %get3A_289 : i32 to index
        %get3A_291 = arith.index_cast %mul3A_288 : i32 to index
        %get3A_292 = tpu.vector_load %arg8[%get3A_290, %get3A_291] {strides = array<i32>} : memref<4x512xi32, #tpu.memory_space<vmem>>, vector<16xi32>,
        %ge3A_293 = arith.constant 112 : i32
        %ge3A_294 = vector.broadcast %ge3A_293 : i32 to vector<16xi32>
        %ge3A_295 = arith.cmpi sge, %get3A_292, %ge3A_294 : vector<16xi32>
        %lt3A_296 = arith.constant 224 : i32
        %lt3A_297 = vector.broadcast %lt3A_296 : i32 to vector<16xi32>
        %lt3A_298 = arith.cmpi slt, %get3A_292, %lt3A_297 : vector<16xi32>
        %and3A_299 = arith.andi %ge3A_295, %lt3A_298 : vector<16xi1>
        %sub3A_300 = arith.constant 112 : i32
        %sub3A_301 = vector.broadcast %sub3A_300 : i32 to vector<16xi32>
        %sub3A_302 = arith.subi %get3A_292, %sub3A_301 : vector<16xi32>
        %jit3A_303 = arith.constant 0 : i32
        %broadcast_in_dim3A_304 = vector.broadcast %jit3A_303 : i32 to vector<16xi32>
        %select_n3A_305 = arith.select %and3A_299, %sub3A_302, %broadcast_in_dim3A_304 : vector<16xi1>, vector<16xi32>
        %gather3A_306 = tpu.vector_load_idx %arg11[%select_n3A_305, %add3A_265] : memref<112x512xf32, #tpu.memory_space<vmem>>[vector<16xi32>, vector<16xi32>], vector<16xf32>,
        %mul3A_307 = arith.constant 16 : i32
        %mul3A_308 = arith.muli %while3A_261, %mul3A_307 : i32
        %get3A_309 = arith.constant 0 : i32
        %get3A_310 = arith.index_cast %get3A_309 : i32 to index
        %get3A_311 = arith.index_cast %mul3A_308 : i32 to index
        %get3A_312 = tpu.vector_load %arg13[%get3A_310, %get3A_311] {strides = array<i32>} : memref<4x512xf32, #tpu.memory_space<vmem>>, vector<16xf32>,
        %select_n3A_313 = arith.select %and3A_299, %gather3A_306, %get3A_312 : vector<16xi1>, vector<16xf32>
        %mul3A_314 = arith.constant 16 : i32
        %mul3A_315 = arith.muli %while3A_261, %mul3A_314 : i32
        %swap3A_316 = arith.constant 0 : i32
        %swap3A_317 = arith.index_cast %swap3A_316 : i32 to index
        %swap3A_318 = arith.index_cast %mul3A_315 : i32 to index
        %swap3A_319 = tpu.vector_load %arg13[%swap3A_317, %swap3A_318] {strides = array<i32>} : memref<4x512xf32, #tpu.memory_space<vmem>>, vector<16xf32>,
        tpu.vector_store %arg13[%swap3A_317, %swap3A_318], %select_n3A_313 {strides = array<i32>} : memref<4x512xf32, #tpu.memory_space<vmem>>, vector<16xf32>,
        %mul3A_320 = arith.constant 16 : i32
        %mul3A_321 = arith.muli %while3A_261, %mul3A_320 : i32
        %get3A_322 = arith.constant 1 : i32
        %get3A_323 = arith.index_cast %get3A_322 : i32 to index
        %get3A_324 = arith.index_cast %mul3A_321 : i32 to index
        %get3A_325 = tpu.vector_load %arg8[%get3A_323, %get3A_324] {strides = array<i32>} : memref<4x512xi32, #tpu.memory_space<vmem>>, vector<16xi32>,
        %ge3A_326 = arith.constant 112 : i32
        %ge3A_327 = vector.broadcast %ge3A_326 : i32 to vector<16xi32>
        %ge3A_328 = arith.cmpi sge, %get3A_325, %ge3A_327 : vector<16xi32>
        %lt3A_329 = arith.constant 224 : i32
        %lt3A_330 = vector.broadcast %lt3A_329 : i32 to vector<16xi32>
        %lt3A_331 = arith.cmpi slt, %get3A_325, %lt3A_330 : vector<16xi32>
        %and3A_332 = arith.andi %ge3A_328, %lt3A_331 : vector<16xi1>
        %sub3A_333 = arith.constant 112 : i32
        %sub3A_334 = vector.broadcast %sub3A_333 : i32 to vector<16xi32>
        %sub3A_335 = arith.subi %get3A_325, %sub3A_334 : vector<16xi32>
        %jit3A_336 = arith.constant 0 : i32
        %broadcast_in_dim3A_337 = vector.broadcast %jit3A_336 : i32 to vector<16xi32>
        %select_n3A_338 = arith.select %and3A_332, %sub3A_335, %broadcast_in_dim3A_337 : vector<16xi1>, vector<16xi32>
        %gather3A_339 = tpu.vector_load_idx %arg11[%select_n3A_338, %add3A_265] : memref<112x512xf32, #tpu.memory_space<vmem>>[vector<16xi32>, vector<16xi32>], vector<16xf32>,
        %mul3A_340 = arith.constant 16 : i32
        %mul3A_341 = arith.muli %while3A_261, %mul3A_340 : i32
        %get3A_342 = arith.constant 1 : i32
        %get3A_343 = arith.index_cast %get3A_342 : i32 to index
        %get3A_344 = arith.index_cast %mul3A_341 : i32 to index
        %get3A_345 = tpu.vector_load %arg13[%get3A_343, %get3A_344] {strides = array<i32>} : memref<4x512xf32, #tpu.memory_space<vmem>>, vector<16xf32>,
        %select_n3A_346 = arith.select %and3A_332, %gather3A_339, %get3A_345 : vector<16xi1>, vector<16xf32>
        %mul3A_347 = arith.constant 16 : i32
        %mul3A_348 = arith.muli %while3A_261, %mul3A_347 : i32
        %swap3A_349 = arith.constant 1 : i32
        %swap3A_350 = arith.index_cast %swap3A_349 : i32 to index
        %swap3A_351 = arith.index_cast %mul3A_348 : i32 to index
        %swap3A_352 = tpu.vector_load %arg13[%swap3A_350, %swap3A_351] {strides = array<i32>} : memref<4x512xf32, #tpu.memory_space<vmem>>, vector<16xf32>,
        tpu.vector_store %arg13[%swap3A_350, %swap3A_351], %select_n3A_346 {strides = array<i32>} : memref<4x512xf32, #tpu.memory_space<vmem>>, vector<16xf32>,
        %mul3A_353 = arith.constant 16 : i32
        %mul3A_354 = arith.muli %while3A_261, %mul3A_353 : i32
        %get3A_355 = arith.constant 2 : i32
        %get3A_356 = arith.index_cast %get3A_355 : i32 to index
        %get3A_357 = arith.index_cast %mul3A_354 : i32 to index
        %get3A_358 = tpu.vector_load %arg8[%get3A_356, %get3A_357] {strides = array<i32>} : memref<4x512xi32, #tpu.memory_space<vmem>>, vector<16xi32>,
        %ge3A_359 = arith.constant 112 : i32
        %ge3A_360 = vector.broadcast %ge3A_359 : i32 to vector<16xi32>
        %ge3A_361 = arith.cmpi sge, %get3A_358, %ge3A_360 : vector<16xi32>
        %lt3A_362 = arith.constant 224 : i32
        %lt3A_363 = vector.broadcast %lt3A_362 : i32 to vector<16xi32>
        %lt3A_364 = arith.cmpi slt, %get3A_358, %lt3A_363 : vector<16xi32>
        %and3A_365 = arith.andi %ge3A_361, %lt3A_364 : vector<16xi1>
        %sub3A_366 = arith.constant 112 : i32
        %sub3A_367 = vector.broadcast %sub3A_366 : i32 to vector<16xi32>
        %sub3A_368 = arith.subi %get3A_358, %sub3A_367 : vector<16xi32>
        %jit3A_369 = arith.constant 0 : i32
        %broadcast_in_dim3A_370 = vector.broadcast %jit3A_369 : i32 to vector<16xi32>
        %select_n3A_371 = arith.select %and3A_365, %sub3A_368, %broadcast_in_dim3A_370 : vector<16xi1>, vector<16xi32>
        %gather3A_372 = tpu.vector_load_idx %arg11[%select_n3A_371, %add3A_265] : memref<112x512xf32, #tpu.memory_space<vmem>>[vector<16xi32>, vector<16xi32>], vector<16xf32>,
        %mul3A_373 = arith.constant 16 : i32
        %mul3A_374 = arith.muli %while3A_261, %mul3A_373 : i32
        %get3A_375 = arith.constant 2 : i32
        %get3A_376 = arith.index_cast %get3A_375 : i32 to index
        %get3A_377 = arith.index_cast %mul3A_374 : i32 to index
        %get3A_378 = tpu.vector_load %arg13[%get3A_376, %get3A_377] {strides = array<i32>} : memref<4x512xf32, #tpu.memory_space<vmem>>, vector<16xf32>,
        %select_n3A_379 = arith.select %and3A_365, %gather3A_372, %get3A_378 : vector<16xi1>, vector<16xf32>
        %mul3A_380 = arith.constant 16 : i32
        %mul3A_381 = arith.muli %while3A_261, %mul3A_380 : i32
        %swap3A_382 = arith.constant 2 : i32
        %swap3A_383 = arith.index_cast %swap3A_382 : i32 to index
        %swap3A_384 = arith.index_cast %mul3A_381 : i32 to index
        %swap3A_385 = tpu.vector_load %arg13[%swap3A_383, %swap3A_384] {strides = array<i32>} : memref<4x512xf32, #tpu.memory_space<vmem>>, vector<16xf32>,
        tpu.vector_store %arg13[%swap3A_383, %swap3A_384], %select_n3A_379 {strides = array<i32>} : memref<4x512xf32, #tpu.memory_space<vmem>>, vector<16xf32>,
        %mul3A_386 = arith.constant 16 : i32
        %mul3A_387 = arith.muli %while3A_261, %mul3A_386 : i32
        %get3A_388 = arith.constant 3 : i32
        %get3A_389 = arith.index_cast %get3A_388 : i32 to index
        %get3A_390 = arith.index_cast %mul3A_387 : i32 to index
        %get3A_391 = tpu.vector_load %arg8[%get3A_389, %get3A_390] {strides = array<i32>} : memref<4x512xi32, #tpu.memory_space<vmem>>, vector<16xi32>,
        %ge3A_392 = arith.constant 112 : i32
        %ge3A_393 = vector.broadcast %ge3A_392 : i32 to vector<16xi32>
        %ge3A_394 = arith.cmpi sge, %get3A_391, %ge3A_393 : vector<16xi32>
        %lt3A_395 = arith.constant 224 : i32
        %lt3A_396 = vector.broadcast %lt3A_395 : i32 to vector<16xi32>
        %lt3A_397 = arith.cmpi slt, %get3A_391, %lt3A_396 : vector<16xi32>
        %and3A_398 = arith.andi %ge3A_394, %lt3A_397 : vector<16xi1>
        %sub3A_399 = arith.constant 112 : i32
        %sub3A_400 = vector.broadcast %sub3A_399 : i32 to vector<16xi32>
        %sub3A_401 = arith.subi %get3A_391, %sub3A_400 : vector<16xi32>
        %jit3A_402 = arith.constant 0 : i32
        %broadcast_in_dim3A_403 = vector.broadcast %jit3A_402 : i32 to vector<16xi32>
        %select_n3A_404 = arith.select %and3A_398, %sub3A_401, %broadcast_in_dim3A_403 : vector<16xi1>, vector<16xi32>
        %gather3A_405 = tpu.vector_load_idx %arg11[%select_n3A_404, %add3A_265] : memref<112x512xf32, #tpu.memory_space<vmem>>[vector<16xi32>, vector<16xi32>], vector<16xf32>,
        %mul3A_406 = arith.constant 16 : i32
        %mul3A_407 = arith.muli %while3A_261, %mul3A_406 : i32
        %get3A_408 = arith.constant 3 : i32
        %get3A_409 = arith.index_cast %get3A_408 : i32 to index
        %get3A_410 = arith.index_cast %mul3A_407 : i32 to index
        %get3A_411 = tpu.vector_load %arg13[%get3A_409, %get3A_410] {strides = array<i32>} : memref<4x512xf32, #tpu.memory_space<vmem>>, vector<16xf32>,
        %select_n3A_412 = arith.select %and3A_398, %gather3A_405, %get3A_411 : vector<16xi1>, vector<16xf32>
        %mul3A_413 = arith.constant 16 : i32
        %mul3A_414 = arith.muli %while3A_261, %mul3A_413 : i32
        %swap3A_415 = arith.constant 3 : i32
        %swap3A_416 = arith.index_cast %swap3A_415 : i32 to index
        %swap3A_417 = arith.index_cast %mul3A_414 : i32 to index
        %swap3A_418 = tpu.vector_load %arg13[%swap3A_416, %swap3A_417] {strides = array<i32>} : memref<4x512xf32, #tpu.memory_space<vmem>>, vector<16xf32>,
        tpu.vector_store %arg13[%swap3A_416, %swap3A_417], %select_n3A_412 {strides = array<i32>} : memref<4x512xf32, #tpu.memory_space<vmem>>, vector<16xf32>,
      }
      %while3A_112 = arith.constant 1 : i32
      scf.for %while3A_261 = %while3A_110 to %while3A_106 step %while3A_112  : i32 {
        %mul3A_262 = arith.constant 16 : i32
        %mul3A_263 = arith.muli %while3A_261, %mul3A_262 : i32
        %add3A_264 = vector.broadcast %mul3A_263 : i32 to vector<16xi32>
        %add3A_265 = arith.addi %add3A_264, %iota3A : vector<16xi32>
        %mul3A_266 = arith.constant 16 : i32
        %mul3A_267 = arith.muli %while3A_261, %mul3A_266 : i32
        %get3A_268 = arith.index_cast %mul3A_267 : i32 to index
        %get3A_269 = tpu.vector_load %arg7[%get3A_268] {strides = array<i32>} : memref<512xi32, #tpu.memory_space<vmem>>, vector<16xi32>,
        %ge3A = arith.constant 112 : i32
        %ge3A_270 = vector.broadcast %ge3A : i32 to vector<16xi32>
        %ge3A_271 = arith.cmpi sge, %get3A_269, %ge3A_270 : vector<16xi32>
        %lt3A_272 = arith.constant 224 : i32
        %lt3A_273 = vector.broadcast %lt3A_272 : i32 to vector<16xi32>
        %lt3A_274 = arith.cmpi slt, %get3A_269, %lt3A_273 : vector<16xi32>
        %and3A = arith.andi %ge3A_271, %lt3A_274 : vector<16xi1>
        %sub3A = arith.constant 112 : i32
        %sub3A_275 = vector.broadcast %sub3A : i32 to vector<16xi32>
        %sub3A_276 = arith.subi %get3A_269, %sub3A_275 : vector<16xi32>
        %jit3A = arith.constant 0 : i32
        %broadcast_in_dim3A_277 = vector.broadcast %jit3A : i32 to vector<16xi32>
        %select_n3A = arith.select %and3A, %sub3A_276, %broadcast_in_dim3A_277 : vector<16xi1>, vector<16xi32>
        %gather3A = tpu.vector_load_idx %arg11[%select_n3A, %add3A_265] : memref<112x512xf32, #tpu.memory_space<vmem>>[vector<16xi32>, vector<16xi32>], vector<16xf32>,
        %mul3A_278 = arith.constant 16 : i32
        %mul3A_279 = arith.muli %while3A_261, %mul3A_278 : i32
        %get3A_280 = arith.index_cast %mul3A_279 : i32 to index
        %get3A_281 = tpu.vector_load %arg12[%get3A_280] {strides = array<i32>} : memref<512xf32, #tpu.memory_space<vmem>>, vector<16xf32>,
        %select_n3A_282 = arith.select %and3A, %gather3A, %get3A_281 : vector<16xi1>, vector<16xf32>
        %mul3A_283 = arith.constant 16 : i32
        %mul3A_284 = arith.muli %while3A_261, %mul3A_283 : i32
        %swap3A_285 = arith.index_cast %mul3A_284 : i32 to index
        %swap3A_286 = tpu.vector_load %arg12[%swap3A_285] {strides = array<i32>} : memref<512xf32, #tpu.memory_space<vmem>>, vector<16xf32>,
        tpu.vector_store %arg12[%swap3A_285], %select_n3A_282 {strides = array<i32>} : memref<512xf32, #tpu.memory_space<vmem>>, vector<16xf32>,
        %mul3A_287 = arith.constant 16 : i32
        %mul3A_288 = arith.muli %while3A_261, %mul3A_287 : i32
        %get3A_289 = arith.constant 0 : i32
        %get3A_290 = arith.index_cast %get3A_289 : i32 to index
        %get3A_291 = arith.index_cast %mul3A_288 : i32 to index
        %get3A_292 = tpu.vector_load %arg8[%get3A_290, %get3A_291] {strides = array<i32>} : memref<4x512xi32, #tpu.memory_space<vmem>>, vector<16xi32>,
        %ge3A_293 = arith.constant 112 : i32
        %ge3A_294 = vector.broadcast %ge3A_293 : i32 to vector<16xi32>
        %ge3A_295 = arith.cmpi sge, %get3A_292, %ge3A_294 : vector<16xi32>
        %lt3A_296 = arith.constant 224 : i32
        %lt3A_297 = vector.broadcast %lt3A_296 : i32 to vector<16xi32>
        %lt3A_298 = arith.cmpi slt, %get3A_292, %lt3A_297 : vector<16xi32>
        %and3A_299 = arith.andi %ge3A_295, %lt3A_298 : vector<16xi1>
        %sub3A_300 = arith.constant 112 : i32
        %sub3A_301 = vector.broadcast %sub3A_300 : i32 to vector<16xi32>
        %sub3A_302 = arith.subi %get3A_292, %sub3A_301 : vector<16xi32>
        %jit3A_303 = arith.constant 0 : i32
        %broadcast_in_dim3A_304 = vector.broadcast %jit3A_303 : i32 to vector<16xi32>
        %select_n3A_305 = arith.select %and3A_299, %sub3A_302, %broadcast_in_dim3A_304 : vector<16xi1>, vector<16xi32>
        %gather3A_306 = tpu.vector_load_idx %arg11[%select_n3A_305, %add3A_265] : memref<112x512xf32, #tpu.memory_space<vmem>>[vector<16xi32>, vector<16xi32>], vector<16xf32>,
        %mul3A_307 = arith.constant 16 : i32
        %mul3A_308 = arith.muli %while3A_261, %mul3A_307 : i32
        %get3A_309 = arith.constant 0 : i32
        %get3A_310 = arith.index_cast %get3A_309 : i32 to index
        %get3A_311 = arith.index_cast %mul3A_308 : i32 to index
        %get3A_312 = tpu.vector_load %arg13[%get3A_310, %get3A_311] {strides = array<i32>} : memref<4x512xf32, #tpu.memory_space<vmem>>, vector<16xf32>,
        %select_n3A_313 = arith.select %and3A_299, %gather3A_306, %get3A_312 : vector<16xi1>, vector<16xf32>
        %mul3A_314 = arith.constant 16 : i32
        %mul3A_315 = arith.muli %while3A_261, %mul3A_314 : i32
        %swap3A_316 = arith.constant 0 : i32
        %swap3A_317 = arith.index_cast %swap3A_316 : i32 to index
        %swap3A_318 = arith.index_cast %mul3A_315 : i32 to index
        %swap3A_319 = tpu.vector_load %arg13[%swap3A_317, %swap3A_318] {strides = array<i32>} : memref<4x512xf32, #tpu.memory_space<vmem>>, vector<16xf32>,
        tpu.vector_store %arg13[%swap3A_317, %swap3A_318], %select_n3A_313 {strides = array<i32>} : memref<4x512xf32, #tpu.memory_space<vmem>>, vector<16xf32>,
        %mul3A_320 = arith.constant 16 : i32
        %mul3A_321 = arith.muli %while3A_261, %mul3A_320 : i32
        %get3A_322 = arith.constant 1 : i32
        %get3A_323 = arith.index_cast %get3A_322 : i32 to index
        %get3A_324 = arith.index_cast %mul3A_321 : i32 to index
        %get3A_325 = tpu.vector_load %arg8[%get3A_323, %get3A_324] {strides = array<i32>} : memref<4x512xi32, #tpu.memory_space<vmem>>, vector<16xi32>,
        %ge3A_326 = arith.constant 112 : i32
        %ge3A_327 = vector.broadcast %ge3A_326 : i32 to vector<16xi32>
        %ge3A_328 = arith.cmpi sge, %get3A_325, %ge3A_327 : vector<16xi32>
        %lt3A_329 = arith.constant 224 : i32
        %lt3A_330 = vector.broadcast %lt3A_329 : i32 to vector<16xi32>
        %lt3A_331 = arith.cmpi slt, %get3A_325, %lt3A_330 : vector<16xi32>
        %and3A_332 = arith.andi %ge3A_328, %lt3A_331 : vector<16xi1>
        %sub3A_333 = arith.constant 112 : i32
        %sub3A_334 = vector.broadcast %sub3A_333 : i32 to vector<16xi32>
        %sub3A_335 = arith.subi %get3A_325, %sub3A_334 : vector<16xi32>
        %jit3A_336 = arith.constant 0 : i32
        %broadcast_in_dim3A_337 = vector.broadcast %jit3A_336 : i32 to vector<16xi32>
        %select_n3A_338 = arith.select %and3A_332, %sub3A_335, %broadcast_in_dim3A_337 : vector<16xi1>, vector<16xi32>
        %gather3A_339 = tpu.vector_load_idx %arg11[%select_n3A_338, %add3A_265] : memref<112x512xf32, #tpu.memory_space<vmem>>[vector<16xi32>, vector<16xi32>], vector<16xf32>,
        %mul3A_340 = arith.constant 16 : i32
        %mul3A_341 = arith.muli %while3A_261, %mul3A_340 : i32
        %get3A_342 = arith.constant 1 : i32
        %get3A_343 = arith.index_cast %get3A_342 : i32 to index
        %get3A_344 = arith.index_cast %mul3A_341 : i32 to index
        %get3A_345 = tpu.vector_load %arg13[%get3A_343, %get3A_344] {strides = array<i32>} : memref<4x512xf32, #tpu.memory_space<vmem>>, vector<16xf32>,
        %select_n3A_346 = arith.select %and3A_332, %gather3A_339, %get3A_345 : vector<16xi1>, vector<16xf32>
        %mul3A_347 = arith.constant 16 : i32
        %mul3A_348 = arith.muli %while3A_261, %mul3A_347 : i32
        %swap3A_349 = arith.constant 1 : i32
        %swap3A_350 = arith.index_cast %swap3A_349 : i32 to index
        %swap3A_351 = arith.index_cast %mul3A_348 : i32 to index
        %swap3A_352 = tpu.vector_load %arg13[%swap3A_350, %swap3A_351] {strides = array<i32>} : memref<4x512xf32, #tpu.memory_space<vmem>>, vector<16xf32>,
        tpu.vector_store %arg13[%swap3A_350, %swap3A_351], %select_n3A_346 {strides = array<i32>} : memref<4x512xf32, #tpu.memory_space<vmem>>, vector<16xf32>,
        %mul3A_353 = arith.constant 16 : i32
        %mul3A_354 = arith.muli %while3A_261, %mul3A_353 : i32
        %get3A_355 = arith.constant 2 : i32
        %get3A_356 = arith.index_cast %get3A_355 : i32 to index
        %get3A_357 = arith.index_cast %mul3A_354 : i32 to index
        %get3A_358 = tpu.vector_load %arg8[%get3A_356, %get3A_357] {strides = array<i32>} : memref<4x512xi32, #tpu.memory_space<vmem>>, vector<16xi32>,
        %ge3A_359 = arith.constant 112 : i32
        %ge3A_360 = vector.broadcast %ge3A_359 : i32 to vector<16xi32>
        %ge3A_361 = arith.cmpi sge, %get3A_358, %ge3A_360 : vector<16xi32>
        %lt3A_362 = arith.constant 224 : i32
        %lt3A_363 = vector.broadcast %lt3A_362 : i32 to vector<16xi32>
        %lt3A_364 = arith.cmpi slt, %get3A_358, %lt3A_363 : vector<16xi32>
        %and3A_365 = arith.andi %ge3A_361, %lt3A_364 : vector<16xi1>
        %sub3A_366 = arith.constant 112 : i32
        %sub3A_367 = vector.broadcast %sub3A_366 : i32 to vector<16xi32>
        %sub3A_368 = arith.subi %get3A_358, %sub3A_367 : vector<16xi32>
        %jit3A_369 = arith.constant 0 : i32
        %broadcast_in_dim3A_370 = vector.broadcast %jit3A_369 : i32 to vector<16xi32>
        %select_n3A_371 = arith.select %and3A_365, %sub3A_368, %broadcast_in_dim3A_370 : vector<16xi1>, vector<16xi32>
        %gather3A_372 = tpu.vector_load_idx %arg11[%select_n3A_371, %add3A_265] : memref<112x512xf32, #tpu.memory_space<vmem>>[vector<16xi32>, vector<16xi32>], vector<16xf32>,
        %mul3A_373 = arith.constant 16 : i32
        %mul3A_374 = arith.muli %while3A_261, %mul3A_373 : i32
        %get3A_375 = arith.constant 2 : i32
        %get3A_376 = arith.index_cast %get3A_375 : i32 to index
        %get3A_377 = arith.index_cast %mul3A_374 : i32 to index
        %get3A_378 = tpu.vector_load %arg13[%get3A_376, %get3A_377] {strides = array<i32>} : memref<4x512xf32, #tpu.memory_space<vmem>>, vector<16xf32>,
        %select_n3A_379 = arith.select %and3A_365, %gather3A_372, %get3A_378 : vector<16xi1>, vector<16xf32>
        %mul3A_380 = arith.constant 16 : i32
        %mul3A_381 = arith.muli %while3A_261, %mul3A_380 : i32
        %swap3A_382 = arith.constant 2 : i32
        %swap3A_383 = arith.index_cast %swap3A_382 : i32 to index
        %swap3A_384 = arith.index_cast %mul3A_381 : i32 to index
        %swap3A_385 = tpu.vector_load %arg13[%swap3A_383, %swap3A_384] {strides = array<i32>} : memref<4x512xf32, #tpu.memory_space<vmem>>, vector<16xf32>,
        tpu.vector_store %arg13[%swap3A_383, %swap3A_384], %select_n3A_379 {strides = array<i32>} : memref<4x512xf32, #tpu.memory_space<vmem>>, vector<16xf32>,
        %mul3A_386 = arith.constant 16 : i32
        %mul3A_387 = arith.muli %while3A_261, %mul3A_386 : i32
        %get3A_388 = arith.constant 3 : i32
        %get3A_389 = arith.index_cast %get3A_388 : i32 to index
        %get3A_390 = arith.index_cast %mul3A_387 : i32 to index
        %get3A_391 = tpu.vector_load %arg8[%get3A_389, %get3A_390] {strides = array<i32>} : memref<4x512xi32, #tpu.memory_space<vmem>>, vector<16xi32>,
        %ge3A_392 = arith.constant 112 : i32
        %ge3A_393 = vector.broadcast %ge3A_392 : i32 to vector<16xi32>
        %ge3A_394 = arith.cmpi sge, %get3A_391, %ge3A_393 : vector<16xi32>
        %lt3A_395 = arith.constant 224 : i32
        %lt3A_396 = vector.broadcast %lt3A_395 : i32 to vector<16xi32>
        %lt3A_397 = arith.cmpi slt, %get3A_391, %lt3A_396 : vector<16xi32>
        %and3A_398 = arith.andi %ge3A_394, %lt3A_397 : vector<16xi1>
        %sub3A_399 = arith.constant 112 : i32
        %sub3A_400 = vector.broadcast %sub3A_399 : i32 to vector<16xi32>
        %sub3A_401 = arith.subi %get3A_391, %sub3A_400 : vector<16xi32>
        %jit3A_402 = arith.constant 0 : i32
        %broadcast_in_dim3A_403 = vector.broadcast %jit3A_402 : i32 to vector<16xi32>
        %select_n3A_404 = arith.select %and3A_398, %sub3A_401, %broadcast_in_dim3A_403 : vector<16xi1>, vector<16xi32>
        %gather3A_405 = tpu.vector_load_idx %arg11[%select_n3A_404, %add3A_265] : memref<112x512xf32, #tpu.memory_space<vmem>>[vector<16xi32>, vector<16xi32>], vector<16xf32>,
        %mul3A_406 = arith.constant 16 : i32
        %mul3A_407 = arith.muli %while3A_261, %mul3A_406 : i32
        %get3A_408 = arith.constant 3 : i32
        %get3A_409 = arith.index_cast %get3A_408 : i32 to index
        %get3A_410 = arith.index_cast %mul3A_407 : i32 to index
        %get3A_411 = tpu.vector_load %arg13[%get3A_409, %get3A_410] {strides = array<i32>} : memref<4x512xf32, #tpu.memory_space<vmem>>, vector<16xf32>,
        %select_n3A_412 = arith.select %and3A_398, %gather3A_405, %get3A_411 : vector<16xi1>, vector<16xf32>
        %mul3A_413 = arith.constant 16 : i32
        %mul3A_414 = arith.muli %while3A_261, %mul3A_413 : i32
        %swap3A_415 = arith.constant 3 : i32
        %swap3A_416 = arith.index_cast %swap3A_415 : i32 to index
        %swap3A_417 = arith.index_cast %mul3A_414 : i32 to index
        %swap3A_418 = tpu.vector_load %arg13[%swap3A_416, %swap3A_417] {strides = array<i32>} : memref<4x512xf32, #tpu.memory_space<vmem>>, vector<16xf32>,
        tpu.vector_store %arg13[%swap3A_416, %swap3A_417], %select_n3A_412 {strides = array<i32>} : memref<4x512xf32, #tpu.memory_space<vmem>>, vector<16xf32>,
      }
      %mul3A_113 = arith.constant 1000 : i32
      %mul3A_114 = arith.muli %div3A_1, %mul3A_113 : i32
      %add3A_115 = arith.constant 336 : i32
      %add3A_116 = arith.addi %mul3A_114, %add3A_115 : i32
      %dma_start3A_117 = tpu.memref_slice %arg2[%add3A_116, %mul3A_4] : memref<8000x2048xf32, #tpu.memory_space<hbm>> -> memref<112x512xf32, #tpu.memory_space<hbm>>
      %dma_start3A_118 = tpu.memref_slice %arg2[%add3A_116, %mul3A_4] : memref<8000x2048xf32, #tpu.memory_space<hbm>> -> memref<112x512xf32, #tpu.memory_space<hbm>>
      tpu.enqueue_dma source(%dma_start3A_118 : memref<112x512xf32, #tpu.memory_space<hbm>>) target(%arg11 : memref<112x512xf32, #tpu.memory_space<vmem>>) target_semaphore(%arg15 : memref<!tpu.dma_semaphore, #tpu.memory_space<semaphore_mem>>)
      %mul3A_119 = arith.constant 1000 : i32
      %mul3A_120 = arith.muli %div3A_1, %mul3A_119 : i32
      %add3A_121 = arith.constant 224 : i32
      %add3A_122 = arith.addi %mul3A_120, %add3A_121 : i32
      %dma_wait3A_123 = tpu.memref_slice %arg2[%add3A_122, %mul3A_4] : memref<8000x2048xf32, #tpu.memory_space<hbm>> -> memref<112x512xf32, #tpu.memory_space<hbm>>
      %dma_wait3A_124 = tpu.memref_slice %arg2[%add3A_122, %mul3A_4] : memref<8000x2048xf32, #tpu.memory_space<hbm>> -> memref<112x512xf32, #tpu.memory_space<hbm>>
      tpu.wait_dma2 semaphore(%arg15 : memref<!tpu.dma_semaphore, #tpu.memory_space<semaphore_mem>>) src(%dma_wait3A_124 : memref<112x512xf32, #tpu.memory_space<hbm>>) dst(%arg10 : memref<112x512xf32, #tpu.memory_space<vmem>>)
      %while3A_125 = arith.constant 0 : i32
      %while3A_126 = arith.constant 0 : i32
      %while3A_127 = arith.subi %add3A_43, %while3A_126 : i32
      %while3A_128 = arith.addi %while3A_126, %while3A_127 : i32
      %while3A_129 = arith.constant 1 : i32
      %while3A_130 = arith.divsi %while3A_127, %while3A_129 : i32
      %while3A_131 = arith.muli %while3A_130, %while3A_129 : i32
      %while3A_132 = arith.addi %while3A_126, %while3A_131 : i32
      %while3A_133 = arith.constant 1 : i32
      scf.for %while3A_261 = %while3A_126 to %while3A_132 step %while3A_133  : i32 {
        %mul3A_262 = arith.constant 16 : i32
        %mul3A_263 = arith.muli %while3A_261, %mul3A_262 : i32
        %add3A_264 = vector.broadcast %mul3A_263 : i32 to vector<16xi32>
        %add3A_265 = arith.addi %add3A_264, %iota3A : vector<16xi32>
        %mul3A_266 = arith.constant 16 : i32
        %mul3A_267 = arith.muli %while3A_261, %mul3A_266 : i32
        %get3A_268 = arith.index_cast %mul3A_267 : i32 to index
        %get3A_269 = tpu.vector_load %arg7[%get3A_268] {strides = array<i32>} : memref<512xi32, #tpu.memory_space<vmem>>, vector<16xi32>,
        %ge3A = arith.constant 224 : i32
        %ge3A_270 = vector.broadcast %ge3A : i32 to vector<16xi32>
        %ge3A_271 = arith.cmpi sge, %get3A_269, %ge3A_270 : vector<16xi32>
        %lt3A_272 = arith.constant 336 : i32
        %lt3A_273 = vector.broadcast %lt3A_272 : i32 to vector<16xi32>
        %lt3A_274 = arith.cmpi slt, %get3A_269, %lt3A_273 : vector<16xi32>
        %and3A = arith.andi %ge3A_271, %lt3A_274 : vector<16xi1>
        %sub3A = arith.constant 224 : i32
        %sub3A_275 = vector.broadcast %sub3A : i32 to vector<16xi32>
        %sub3A_276 = arith.subi %get3A_269, %sub3A_275 : vector<16xi32>
        %jit3A = arith.constant 0 : i32
        %broadcast_in_dim3A_277 = vector.broadcast %jit3A : i32 to vector<16xi32>
        %select_n3A = arith.select %and3A, %sub3A_276, %broadcast_in_dim3A_277 : vector<16xi1>, vector<16xi32>
        %gather3A = tpu.vector_load_idx %arg10[%select_n3A, %add3A_265] : memref<112x512xf32, #tpu.memory_space<vmem>>[vector<16xi32>, vector<16xi32>], vector<16xf32>,
        %mul3A_278 = arith.constant 16 : i32
        %mul3A_279 = arith.muli %while3A_261, %mul3A_278 : i32
        %get3A_280 = arith.index_cast %mul3A_279 : i32 to index
        %get3A_281 = tpu.vector_load %arg12[%get3A_280] {strides = array<i32>} : memref<512xf32, #tpu.memory_space<vmem>>, vector<16xf32>,
        %select_n3A_282 = arith.select %and3A, %gather3A, %get3A_281 : vector<16xi1>, vector<16xf32>
        %mul3A_283 = arith.constant 16 : i32
        %mul3A_284 = arith.muli %while3A_261, %mul3A_283 : i32
        %swap3A_285 = arith.index_cast %mul3A_284 : i32 to index
        %swap3A_286 = tpu.vector_load %arg12[%swap3A_285] {strides = array<i32>} : memref<512xf32, #tpu.memory_space<vmem>>, vector<16xf32>,
        tpu.vector_store %arg12[%swap3A_285], %select_n3A_282 {strides = array<i32>} : memref<512xf32, #tpu.memory_space<vmem>>, vector<16xf32>,
        %mul3A_287 = arith.constant 16 : i32
        %mul3A_288 = arith.muli %while3A_261, %mul3A_287 : i32
        %get3A_289 = arith.constant 0 : i32
        %get3A_290 = arith.index_cast %get3A_289 : i32 to index
        %get3A_291 = arith.index_cast %mul3A_288 : i32 to index
        %get3A_292 = tpu.vector_load %arg8[%get3A_290, %get3A_291] {strides = array<i32>} : memref<4x512xi32, #tpu.memory_space<vmem>>, vector<16xi32>,
        %ge3A_293 = arith.constant 224 : i32
        %ge3A_294 = vector.broadcast %ge3A_293 : i32 to vector<16xi32>
        %ge3A_295 = arith.cmpi sge, %get3A_292, %ge3A_294 : vector<16xi32>
        %lt3A_296 = arith.constant 336 : i32
        %lt3A_297 = vector.broadcast %lt3A_296 : i32 to vector<16xi32>
        %lt3A_298 = arith.cmpi slt, %get3A_292, %lt3A_297 : vector<16xi32>
        %and3A_299 = arith.andi %ge3A_295, %lt3A_298 : vector<16xi1>
        %sub3A_300 = arith.constant 224 : i32
        %sub3A_301 = vector.broadcast %sub3A_300 : i32 to vector<16xi32>
        %sub3A_302 = arith.subi %get3A_292, %sub3A_301 : vector<16xi32>
        %jit3A_303 = arith.constant 0 : i32
        %broadcast_in_dim3A_304 = vector.broadcast %jit3A_303 : i32 to vector<16xi32>
        %select_n3A_305 = arith.select %and3A_299, %sub3A_302, %broadcast_in_dim3A_304 : vector<16xi1>, vector<16xi32>
        %gather3A_306 = tpu.vector_load_idx %arg10[%select_n3A_305, %add3A_265] : memref<112x512xf32, #tpu.memory_space<vmem>>[vector<16xi32>, vector<16xi32>], vector<16xf32>,
        %mul3A_307 = arith.constant 16 : i32
        %mul3A_308 = arith.muli %while3A_261, %mul3A_307 : i32
        %get3A_309 = arith.constant 0 : i32
        %get3A_310 = arith.index_cast %get3A_309 : i32 to index
        %get3A_311 = arith.index_cast %mul3A_308 : i32 to index
        %get3A_312 = tpu.vector_load %arg13[%get3A_310, %get3A_311] {strides = array<i32>} : memref<4x512xf32, #tpu.memory_space<vmem>>, vector<16xf32>,
        %select_n3A_313 = arith.select %and3A_299, %gather3A_306, %get3A_312 : vector<16xi1>, vector<16xf32>
        %mul3A_314 = arith.constant 16 : i32
        %mul3A_315 = arith.muli %while3A_261, %mul3A_314 : i32
        %swap3A_316 = arith.constant 0 : i32
        %swap3A_317 = arith.index_cast %swap3A_316 : i32 to index
        %swap3A_318 = arith.index_cast %mul3A_315 : i32 to index
        %swap3A_319 = tpu.vector_load %arg13[%swap3A_317, %swap3A_318] {strides = array<i32>} : memref<4x512xf32, #tpu.memory_space<vmem>>, vector<16xf32>,
        tpu.vector_store %arg13[%swap3A_317, %swap3A_318], %select_n3A_313 {strides = array<i32>} : memref<4x512xf32, #tpu.memory_space<vmem>>, vector<16xf32>,
        %mul3A_320 = arith.constant 16 : i32
        %mul3A_321 = arith.muli %while3A_261, %mul3A_320 : i32
        %get3A_322 = arith.constant 1 : i32
        %get3A_323 = arith.index_cast %get3A_322 : i32 to index
        %get3A_324 = arith.index_cast %mul3A_321 : i32 to index
        %get3A_325 = tpu.vector_load %arg8[%get3A_323, %get3A_324] {strides = array<i32>} : memref<4x512xi32, #tpu.memory_space<vmem>>, vector<16xi32>,
        %ge3A_326 = arith.constant 224 : i32
        %ge3A_327 = vector.broadcast %ge3A_326 : i32 to vector<16xi32>
        %ge3A_328 = arith.cmpi sge, %get3A_325, %ge3A_327 : vector<16xi32>
        %lt3A_329 = arith.constant 336 : i32
        %lt3A_330 = vector.broadcast %lt3A_329 : i32 to vector<16xi32>
        %lt3A_331 = arith.cmpi slt, %get3A_325, %lt3A_330 : vector<16xi32>
        %and3A_332 = arith.andi %ge3A_328, %lt3A_331 : vector<16xi1>
        %sub3A_333 = arith.constant 224 : i32
        %sub3A_334 = vector.broadcast %sub3A_333 : i32 to vector<16xi32>
        %sub3A_335 = arith.subi %get3A_325, %sub3A_334 : vector<16xi32>
        %jit3A_336 = arith.constant 0 : i32
        %broadcast_in_dim3A_337 = vector.broadcast %jit3A_336 : i32 to vector<16xi32>
        %select_n3A_338 = arith.select %and3A_332, %sub3A_335, %broadcast_in_dim3A_337 : vector<16xi1>, vector<16xi32>
        %gather3A_339 = tpu.vector_load_idx %arg10[%select_n3A_338, %add3A_265] : memref<112x512xf32, #tpu.memory_space<vmem>>[vector<16xi32>, vector<16xi32>], vector<16xf32>,
        %mul3A_340 = arith.constant 16 : i32
        %mul3A_341 = arith.muli %while3A_261, %mul3A_340 : i32
        %get3A_342 = arith.constant 1 : i32
        %get3A_343 = arith.index_cast %get3A_342 : i32 to index
        %get3A_344 = arith.index_cast %mul3A_341 : i32 to index
        %get3A_345 = tpu.vector_load %arg13[%get3A_343, %get3A_344] {strides = array<i32>} : memref<4x512xf32, #tpu.memory_space<vmem>>, vector<16xf32>,
        %select_n3A_346 = arith.select %and3A_332, %gather3A_339, %get3A_345 : vector<16xi1>, vector<16xf32>
        %mul3A_347 = arith.constant 16 : i32
        %mul3A_348 = arith.muli %while3A_261, %mul3A_347 : i32
        %swap3A_349 = arith.constant 1 : i32
        %swap3A_350 = arith.index_cast %swap3A_349 : i32 to index
        %swap3A_351 = arith.index_cast %mul3A_348 : i32 to index
        %swap3A_352 = tpu.vector_load %arg13[%swap3A_350, %swap3A_351] {strides = array<i32>} : memref<4x512xf32, #tpu.memory_space<vmem>>, vector<16xf32>,
        tpu.vector_store %arg13[%swap3A_350, %swap3A_351], %select_n3A_346 {strides = array<i32>} : memref<4x512xf32, #tpu.memory_space<vmem>>, vector<16xf32>,
        %mul3A_353 = arith.constant 16 : i32
        %mul3A_354 = arith.muli %while3A_261, %mul3A_353 : i32
        %get3A_355 = arith.constant 2 : i32
        %get3A_356 = arith.index_cast %get3A_355 : i32 to index
        %get3A_357 = arith.index_cast %mul3A_354 : i32 to index
        %get3A_358 = tpu.vector_load %arg8[%get3A_356, %get3A_357] {strides = array<i32>} : memref<4x512xi32, #tpu.memory_space<vmem>>, vector<16xi32>,
        %ge3A_359 = arith.constant 224 : i32
        %ge3A_360 = vector.broadcast %ge3A_359 : i32 to vector<16xi32>
        %ge3A_361 = arith.cmpi sge, %get3A_358, %ge3A_360 : vector<16xi32>
        %lt3A_362 = arith.constant 336 : i32
        %lt3A_363 = vector.broadcast %lt3A_362 : i32 to vector<16xi32>
        %lt3A_364 = arith.cmpi slt, %get3A_358, %lt3A_363 : vector<16xi32>
        %and3A_365 = arith.andi %ge3A_361, %lt3A_364 : vector<16xi1>
        %sub3A_366 = arith.constant 224 : i32
        %sub3A_367 = vector.broadcast %sub3A_366 : i32 to vector<16xi32>
        %sub3A_368 = arith.subi %get3A_358, %sub3A_367 : vector<16xi32>
        %jit3A_369 = arith.constant 0 : i32
        %broadcast_in_dim3A_370 = vector.broadcast %jit3A_369 : i32 to vector<16xi32>
        %select_n3A_371 = arith.select %and3A_365, %sub3A_368, %broadcast_in_dim3A_370 : vector<16xi1>, vector<16xi32>
        %gather3A_372 = tpu.vector_load_idx %arg10[%select_n3A_371, %add3A_265] : memref<112x512xf32, #tpu.memory_space<vmem>>[vector<16xi32>, vector<16xi32>], vector<16xf32>,
        %mul3A_373 = arith.constant 16 : i32
        %mul3A_374 = arith.muli %while3A_261, %mul3A_373 : i32
        %get3A_375 = arith.constant 2 : i32
        %get3A_376 = arith.index_cast %get3A_375 : i32 to index
        %get3A_377 = arith.index_cast %mul3A_374 : i32 to index
        %get3A_378 = tpu.vector_load %arg13[%get3A_376, %get3A_377] {strides = array<i32>} : memref<4x512xf32, #tpu.memory_space<vmem>>, vector<16xf32>,
        %select_n3A_379 = arith.select %and3A_365, %gather3A_372, %get3A_378 : vector<16xi1>, vector<16xf32>
        %mul3A_380 = arith.constant 16 : i32
        %mul3A_381 = arith.muli %while3A_261, %mul3A_380 : i32
        %swap3A_382 = arith.constant 2 : i32
        %swap3A_383 = arith.index_cast %swap3A_382 : i32 to index
        %swap3A_384 = arith.index_cast %mul3A_381 : i32 to index
        %swap3A_385 = tpu.vector_load %arg13[%swap3A_383, %swap3A_384] {strides = array<i32>} : memref<4x512xf32, #tpu.memory_space<vmem>>, vector<16xf32>,
        tpu.vector_store %arg13[%swap3A_383, %swap3A_384], %select_n3A_379 {strides = array<i32>} : memref<4x512xf32, #tpu.memory_space<vmem>>, vector<16xf32>,
        %mul3A_386 = arith.constant 16 : i32
        %mul3A_387 = arith.muli %while3A_261, %mul3A_386 : i32
        %get3A_388 = arith.constant 3 : i32
        %get3A_389 = arith.index_cast %get3A_388 : i32 to index
        %get3A_390 = arith.index_cast %mul3A_387 : i32 to index
        %get3A_391 = tpu.vector_load %arg8[%get3A_389, %get3A_390] {strides = array<i32>} : memref<4x512xi32, #tpu.memory_space<vmem>>, vector<16xi32>,
        %ge3A_392 = arith.constant 224 : i32
        %ge3A_393 = vector.broadcast %ge3A_392 : i32 to vector<16xi32>
        %ge3A_394 = arith.cmpi sge, %get3A_391, %ge3A_393 : vector<16xi32>
        %lt3A_395 = arith.constant 336 : i32
        %lt3A_396 = vector.broadcast %lt3A_395 : i32 to vector<16xi32>
        %lt3A_397 = arith.cmpi slt, %get3A_391, %lt3A_396 : vector<16xi32>
        %and3A_398 = arith.andi %ge3A_394, %lt3A_397 : vector<16xi1>
        %sub3A_399 = arith.constant 224 : i32
        %sub3A_400 = vector.broadcast %sub3A_399 : i32 to vector<16xi32>
        %sub3A_401 = arith.subi %get3A_391, %sub3A_400 : vector<16xi32>
        %jit3A_402 = arith.constant 0 : i32
        %broadcast_in_dim3A_403 = vector.broadcast %jit3A_402 : i32 to vector<16xi32>
        %select_n3A_404 = arith.select %and3A_398, %sub3A_401, %broadcast_in_dim3A_403 : vector<16xi1>, vector<16xi32>
        %gather3A_405 = tpu.vector_load_idx %arg10[%select_n3A_404, %add3A_265] : memref<112x512xf32, #tpu.memory_space<vmem>>[vector<16xi32>, vector<16xi32>], vector<16xf32>,
        %mul3A_406 = arith.constant 16 : i32
        %mul3A_407 = arith.muli %while3A_261, %mul3A_406 : i32
        %get3A_408 = arith.constant 3 : i32
        %get3A_409 = arith.index_cast %get3A_408 : i32 to index
        %get3A_410 = arith.index_cast %mul3A_407 : i32 to index
        %get3A_411 = tpu.vector_load %arg13[%get3A_409, %get3A_410] {strides = array<i32>} : memref<4x512xf32, #tpu.memory_space<vmem>>, vector<16xf32>,
        %select_n3A_412 = arith.select %and3A_398, %gather3A_405, %get3A_411 : vector<16xi1>, vector<16xf32>
        %mul3A_413 = arith.constant 16 : i32
        %mul3A_414 = arith.muli %while3A_261, %mul3A_413 : i32
        %swap3A_415 = arith.constant 3 : i32
        %swap3A_416 = arith.index_cast %swap3A_415 : i32 to index
        %swap3A_417 = arith.index_cast %mul3A_414 : i32 to index
        %swap3A_418 = tpu.vector_load %arg13[%swap3A_416, %swap3A_417] {strides = array<i32>} : memref<4x512xf32, #tpu.memory_space<vmem>>, vector<16xf32>,
        tpu.vector_store %arg13[%swap3A_416, %swap3A_417], %select_n3A_412 {strides = array<i32>} : memref<4x512xf32, #tpu.memory_space<vmem>>, vector<16xf32>,
      }
      %while3A_134 = arith.constant 1 : i32
      scf.for %while3A_261 = %while3A_132 to %while3A_128 step %while3A_134  : i32 {
        %mul3A_262 = arith.constant 16 : i32
        %mul3A_263 = arith.muli %while3A_261, %mul3A_262 : i32
        %add3A_264 = vector.broadcast %mul3A_263 : i32 to vector<16xi32>
        %add3A_265 = arith.addi %add3A_264, %iota3A : vector<16xi32>
        %mul3A_266 = arith.constant 16 : i32
        %mul3A_267 = arith.muli %while3A_261, %mul3A_266 : i32
        %get3A_268 = arith.index_cast %mul3A_267 : i32 to index
        %get3A_269 = tpu.vector_load %arg7[%get3A_268] {strides = array<i32>} : memref<512xi32, #tpu.memory_space<vmem>>, vector<16xi32>,
        %ge3A = arith.constant 224 : i32
        %ge3A_270 = vector.broadcast %ge3A : i32 to vector<16xi32>
        %ge3A_271 = arith.cmpi sge, %get3A_269, %ge3A_270 : vector<16xi32>
        %lt3A_272 = arith.constant 336 : i32
        %lt3A_273 = vector.broadcast %lt3A_272 : i32 to vector<16xi32>
        %lt3A_274 = arith.cmpi slt, %get3A_269, %lt3A_273 : vector<16xi32>
        %and3A = arith.andi %ge3A_271, %lt3A_274 : vector<16xi1>
        %sub3A = arith.constant 224 : i32
        %sub3A_275 = vector.broadcast %sub3A : i32 to vector<16xi32>
        %sub3A_276 = arith.subi %get3A_269, %sub3A_275 : vector<16xi32>
        %jit3A = arith.constant 0 : i32
        %broadcast_in_dim3A_277 = vector.broadcast %jit3A : i32 to vector<16xi32>
        %select_n3A = arith.select %and3A, %sub3A_276, %broadcast_in_dim3A_277 : vector<16xi1>, vector<16xi32>
        %gather3A = tpu.vector_load_idx %arg10[%select_n3A, %add3A_265] : memref<112x512xf32, #tpu.memory_space<vmem>>[vector<16xi32>, vector<16xi32>], vector<16xf32>,
        %mul3A_278 = arith.constant 16 : i32
        %mul3A_279 = arith.muli %while3A_261, %mul3A_278 : i32
        %get3A_280 = arith.index_cast %mul3A_279 : i32 to index
        %get3A_281 = tpu.vector_load %arg12[%get3A_280] {strides = array<i32>} : memref<512xf32, #tpu.memory_space<vmem>>, vector<16xf32>,
        %select_n3A_282 = arith.select %and3A, %gather3A, %get3A_281 : vector<16xi1>, vector<16xf32>
        %mul3A_283 = arith.constant 16 : i32
        %mul3A_284 = arith.muli %while3A_261, %mul3A_283 : i32
        %swap3A_285 = arith.index_cast %mul3A_284 : i32 to index
        %swap3A_286 = tpu.vector_load %arg12[%swap3A_285] {strides = array<i32>} : memref<512xf32, #tpu.memory_space<vmem>>, vector<16xf32>,
        tpu.vector_store %arg12[%swap3A_285], %select_n3A_282 {strides = array<i32>} : memref<512xf32, #tpu.memory_space<vmem>>, vector<16xf32>,
        %mul3A_287 = arith.constant 16 : i32
        %mul3A_288 = arith.muli %while3A_261, %mul3A_287 : i32
        %get3A_289 = arith.constant 0 : i32
        %get3A_290 = arith.index_cast %get3A_289 : i32 to index
        %get3A_291 = arith.index_cast %mul3A_288 : i32 to index
        %get3A_292 = tpu.vector_load %arg8[%get3A_290, %get3A_291] {strides = array<i32>} : memref<4x512xi32, #tpu.memory_space<vmem>>, vector<16xi32>,
        %ge3A_293 = arith.constant 224 : i32
        %ge3A_294 = vector.broadcast %ge3A_293 : i32 to vector<16xi32>
        %ge3A_295 = arith.cmpi sge, %get3A_292, %ge3A_294 : vector<16xi32>
        %lt3A_296 = arith.constant 336 : i32
        %lt3A_297 = vector.broadcast %lt3A_296 : i32 to vector<16xi32>
        %lt3A_298 = arith.cmpi slt, %get3A_292, %lt3A_297 : vector<16xi32>
        %and3A_299 = arith.andi %ge3A_295, %lt3A_298 : vector<16xi1>
        %sub3A_300 = arith.constant 224 : i32
        %sub3A_301 = vector.broadcast %sub3A_300 : i32 to vector<16xi32>
        %sub3A_302 = arith.subi %get3A_292, %sub3A_301 : vector<16xi32>
        %jit3A_303 = arith.constant 0 : i32
        %broadcast_in_dim3A_304 = vector.broadcast %jit3A_303 : i32 to vector<16xi32>
        %select_n3A_305 = arith.select %and3A_299, %sub3A_302, %broadcast_in_dim3A_304 : vector<16xi1>, vector<16xi32>
        %gather3A_306 = tpu.vector_load_idx %arg10[%select_n3A_305, %add3A_265] : memref<112x512xf32, #tpu.memory_space<vmem>>[vector<16xi32>, vector<16xi32>], vector<16xf32>,
        %mul3A_307 = arith.constant 16 : i32
        %mul3A_308 = arith.muli %while3A_261, %mul3A_307 : i32
        %get3A_309 = arith.constant 0 : i32
        %get3A_310 = arith.index_cast %get3A_309 : i32 to index
        %get3A_311 = arith.index_cast %mul3A_308 : i32 to index
        %get3A_312 = tpu.vector_load %arg13[%get3A_310, %get3A_311] {strides = array<i32>} : memref<4x512xf32, #tpu.memory_space<vmem>>, vector<16xf32>,
        %select_n3A_313 = arith.select %and3A_299, %gather3A_306, %get3A_312 : vector<16xi1>, vector<16xf32>
        %mul3A_314 = arith.constant 16 : i32
        %mul3A_315 = arith.muli %while3A_261, %mul3A_314 : i32
        %swap3A_316 = arith.constant 0 : i32
        %swap3A_317 = arith.index_cast %swap3A_316 : i32 to index
        %swap3A_318 = arith.index_cast %mul3A_315 : i32 to index
        %swap3A_319 = tpu.vector_load %arg13[%swap3A_317, %swap3A_318] {strides = array<i32>} : memref<4x512xf32, #tpu.memory_space<vmem>>, vector<16xf32>,
        tpu.vector_store %arg13[%swap3A_317, %swap3A_318], %select_n3A_313 {strides = array<i32>} : memref<4x512xf32, #tpu.memory_space<vmem>>, vector<16xf32>,
        %mul3A_320 = arith.constant 16 : i32
        %mul3A_321 = arith.muli %while3A_261, %mul3A_320 : i32
        %get3A_322 = arith.constant 1 : i32
        %get3A_323 = arith.index_cast %get3A_322 : i32 to index
        %get3A_324 = arith.index_cast %mul3A_321 : i32 to index
        %get3A_325 = tpu.vector_load %arg8[%get3A_323, %get3A_324] {strides = array<i32>} : memref<4x512xi32, #tpu.memory_space<vmem>>, vector<16xi32>,
        %ge3A_326 = arith.constant 224 : i32
        %ge3A_327 = vector.broadcast %ge3A_326 : i32 to vector<16xi32>
        %ge3A_328 = arith.cmpi sge, %get3A_325, %ge3A_327 : vector<16xi32>
        %lt3A_329 = arith.constant 336 : i32
        %lt3A_330 = vector.broadcast %lt3A_329 : i32 to vector<16xi32>
        %lt3A_331 = arith.cmpi slt, %get3A_325, %lt3A_330 : vector<16xi32>
        %and3A_332 = arith.andi %ge3A_328, %lt3A_331 : vector<16xi1>
        %sub3A_333 = arith.constant 224 : i32
        %sub3A_334 = vector.broadcast %sub3A_333 : i32 to vector<16xi32>
        %sub3A_335 = arith.subi %get3A_325, %sub3A_334 : vector<16xi32>
        %jit3A_336 = arith.constant 0 : i32
        %broadcast_in_dim3A_337 = vector.broadcast %jit3A_336 : i32 to vector<16xi32>
        %select_n3A_338 = arith.select %and3A_332, %sub3A_335, %broadcast_in_dim3A_337 : vector<16xi1>, vector<16xi32>
        %gather3A_339 = tpu.vector_load_idx %arg10[%select_n3A_338, %add3A_265] : memref<112x512xf32, #tpu.memory_space<vmem>>[vector<16xi32>, vector<16xi32>], vector<16xf32>,
        %mul3A_340 = arith.constant 16 : i32
        %mul3A_341 = arith.muli %while3A_261, %mul3A_340 : i32
        %get3A_342 = arith.constant 1 : i32
        %get3A_343 = arith.index_cast %get3A_342 : i32 to index
        %get3A_344 = arith.index_cast %mul3A_341 : i32 to index
        %get3A_345 = tpu.vector_load %arg13[%get3A_343, %get3A_344] {strides = array<i32>} : memref<4x512xf32, #tpu.memory_space<vmem>>, vector<16xf32>,
        %select_n3A_346 = arith.select %and3A_332, %gather3A_339, %get3A_345 : vector<16xi1>, vector<16xf32>
        %mul3A_347 = arith.constant 16 : i32
        %mul3A_348 = arith.muli %while3A_261, %mul3A_347 : i32
        %swap3A_349 = arith.constant 1 : i32
        %swap3A_350 = arith.index_cast %swap3A_349 : i32 to index
        %swap3A_351 = arith.index_cast %mul3A_348 : i32 to index
        %swap3A_352 = tpu.vector_load %arg13[%swap3A_350, %swap3A_351] {strides = array<i32>} : memref<4x512xf32, #tpu.memory_space<vmem>>, vector<16xf32>,
        tpu.vector_store %arg13[%swap3A_350, %swap3A_351], %select_n3A_346 {strides = array<i32>} : memref<4x512xf32, #tpu.memory_space<vmem>>, vector<16xf32>,
        %mul3A_353 = arith.constant 16 : i32
        %mul3A_354 = arith.muli %while3A_261, %mul3A_353 : i32
        %get3A_355 = arith.constant 2 : i32
        %get3A_356 = arith.index_cast %get3A_355 : i32 to index
        %get3A_357 = arith.index_cast %mul3A_354 : i32 to index
        %get3A_358 = tpu.vector_load %arg8[%get3A_356, %get3A_357] {strides = array<i32>} : memref<4x512xi32, #tpu.memory_space<vmem>>, vector<16xi32>,
        %ge3A_359 = arith.constant 224 : i32
        %ge3A_360 = vector.broadcast %ge3A_359 : i32 to vector<16xi32>
        %ge3A_361 = arith.cmpi sge, %get3A_358, %ge3A_360 : vector<16xi32>
        %lt3A_362 = arith.constant 336 : i32
        %lt3A_363 = vector.broadcast %lt3A_362 : i32 to vector<16xi32>
        %lt3A_364 = arith.cmpi slt, %get3A_358, %lt3A_363 : vector<16xi32>
        %and3A_365 = arith.andi %ge3A_361, %lt3A_364 : vector<16xi1>
        %sub3A_366 = arith.constant 224 : i32
        %sub3A_367 = vector.broadcast %sub3A_366 : i32 to vector<16xi32>
        %sub3A_368 = arith.subi %get3A_358, %sub3A_367 : vector<16xi32>
        %jit3A_369 = arith.constant 0 : i32
        %broadcast_in_dim3A_370 = vector.broadcast %jit3A_369 : i32 to vector<16xi32>
        %select_n3A_371 = arith.select %and3A_365, %sub3A_368, %broadcast_in_dim3A_370 : vector<16xi1>, vector<16xi32>
        %gather3A_372 = tpu.vector_load_idx %arg10[%select_n3A_371, %add3A_265] : memref<112x512xf32, #tpu.memory_space<vmem>>[vector<16xi32>, vector<16xi32>], vector<16xf32>,
        %mul3A_373 = arith.constant 16 : i32
        %mul3A_374 = arith.muli %while3A_261, %mul3A_373 : i32
        %get3A_375 = arith.constant 2 : i32
        %get3A_376 = arith.index_cast %get3A_375 : i32 to index
        %get3A_377 = arith.index_cast %mul3A_374 : i32 to index
        %get3A_378 = tpu.vector_load %arg13[%get3A_376, %get3A_377] {strides = array<i32>} : memref<4x512xf32, #tpu.memory_space<vmem>>, vector<16xf32>,
        %select_n3A_379 = arith.select %and3A_365, %gather3A_372, %get3A_378 : vector<16xi1>, vector<16xf32>
        %mul3A_380 = arith.constant 16 : i32
        %mul3A_381 = arith.muli %while3A_261, %mul3A_380 : i32
        %swap3A_382 = arith.constant 2 : i32
        %swap3A_383 = arith.index_cast %swap3A_382 : i32 to index
        %swap3A_384 = arith.index_cast %mul3A_381 : i32 to index
        %swap3A_385 = tpu.vector_load %arg13[%swap3A_383, %swap3A_384] {strides = array<i32>} : memref<4x512xf32, #tpu.memory_space<vmem>>, vector<16xf32>,
        tpu.vector_store %arg13[%swap3A_383, %swap3A_384], %select_n3A_379 {strides = array<i32>} : memref<4x512xf32, #tpu.memory_space<vmem>>, vector<16xf32>,
        %mul3A_386 = arith.constant 16 : i32
        %mul3A_387 = arith.muli %while3A_261, %mul3A_386 : i32
        %get3A_388 = arith.constant 3 : i32
        %get3A_389 = arith.index_cast %get3A_388 : i32 to index
        %get3A_390 = arith.index_cast %mul3A_387 : i32 to index
        %get3A_391 = tpu.vector_load %arg8[%get3A_389, %get3A_390] {strides = array<i32>} : memref<4x512xi32, #tpu.memory_space<vmem>>, vector<16xi32>,
        %ge3A_392 = arith.constant 224 : i32
        %ge3A_393 = vector.broadcast %ge3A_392 : i32 to vector<16xi32>
        %ge3A_394 = arith.cmpi sge, %get3A_391, %ge3A_393 : vector<16xi32>
        %lt3A_395 = arith.constant 336 : i32
        %lt3A_396 = vector.broadcast %lt3A_395 : i32 to vector<16xi32>
        %lt3A_397 = arith.cmpi slt, %get3A_391, %lt3A_396 : vector<16xi32>
        %and3A_398 = arith.andi %ge3A_394, %lt3A_397 : vector<16xi1>
        %sub3A_399 = arith.constant 224 : i32
        %sub3A_400 = vector.broadcast %sub3A_399 : i32 to vector<16xi32>
        %sub3A_401 = arith.subi %get3A_391, %sub3A_400 : vector<16xi32>
        %jit3A_402 = arith.constant 0 : i32
        %broadcast_in_dim3A_403 = vector.broadcast %jit3A_402 : i32 to vector<16xi32>
        %select_n3A_404 = arith.select %and3A_398, %sub3A_401, %broadcast_in_dim3A_403 : vector<16xi1>, vector<16xi32>
        %gather3A_405 = tpu.vector_load_idx %arg10[%select_n3A_404, %add3A_265] : memref<112x512xf32, #tpu.memory_space<vmem>>[vector<16xi32>, vector<16xi32>], vector<16xf32>,
        %mul3A_406 = arith.constant 16 : i32
        %mul3A_407 = arith.muli %while3A_261, %mul3A_406 : i32
        %get3A_408 = arith.constant 3 : i32
        %get3A_409 = arith.index_cast %get3A_408 : i32 to index
        %get3A_410 = arith.index_cast %mul3A_407 : i32 to index
        %get3A_411 = tpu.vector_load %arg13[%get3A_409, %get3A_410] {strides = array<i32>} : memref<4x512xf32, #tpu.memory_space<vmem>>, vector<16xf32>,
        %select_n3A_412 = arith.select %and3A_398, %gather3A_405, %get3A_411 : vector<16xi1>, vector<16xf32>
        %mul3A_413 = arith.constant 16 : i32
        %mul3A_414 = arith.muli %while3A_261, %mul3A_413 : i32
        %swap3A_415 = arith.constant 3 : i32
        %swap3A_416 = arith.index_cast %swap3A_415 : i32 to index
        %swap3A_417 = arith.index_cast %mul3A_414 : i32 to index
        %swap3A_418 = tpu.vector_load %arg13[%swap3A_416, %swap3A_417] {strides = array<i32>} : memref<4x512xf32, #tpu.memory_space<vmem>>, vector<16xf32>,
        tpu.vector_store %arg13[%swap3A_416, %swap3A_417], %select_n3A_412 {strides = array<i32>} : memref<4x512xf32, #tpu.memory_space<vmem>>, vector<16xf32>,
      }
      %mul3A_135 = arith.constant 1000 : i32
      %mul3A_136 = arith.muli %div3A_1, %mul3A_135 : i32
      %add3A_137 = arith.constant 448 : i32
      %add3A_138 = arith.addi %mul3A_136, %add3A_137 : i32
      %dma_start3A_139 = tpu.memref_slice %arg2[%add3A_138, %mul3A_4] : memref<8000x2048xf32, #tpu.memory_space<hbm>> -> memref<112x512xf32, #tpu.memory_space<hbm>>
      %dma_start3A_140 = tpu.memref_slice %arg2[%add3A_138, %mul3A_4] : memref<8000x2048xf32, #tpu.memory_space<hbm>> -> memref<112x512xf32, #tpu.memory_space<hbm>>
      tpu.enqueue_dma source(%dma_start3A_140 : memref<112x512xf32, #tpu.memory_space<hbm>>) target(%arg10 : memref<112x512xf32, #tpu.memory_space<vmem>>) target_semaphore(%arg15 : memref<!tpu.dma_semaphore, #tpu.memory_space<semaphore_mem>>)
      %mul3A_141 = arith.constant 1000 : i32
      %mul3A_142 = arith.muli %div3A_1, %mul3A_141 : i32
      %add3A_143 = arith.constant 336 : i32
      %add3A_144 = arith.addi %mul3A_142, %add3A_143 : i32
      %dma_wait3A_145 = tpu.memref_slice %arg2[%add3A_144, %mul3A_4] : memref<8000x2048xf32, #tpu.memory_space<hbm>> -> memref<112x512xf32, #tpu.memory_space<hbm>>
      %dma_wait3A_146 = tpu.memref_slice %arg2[%add3A_144, %mul3A_4] : memref<8000x2048xf32, #tpu.memory_space<hbm>> -> memref<112x512xf32, #tpu.memory_space<hbm>>
      tpu.wait_dma2 semaphore(%arg15 : memref<!tpu.dma_semaphore, #tpu.memory_space<semaphore_mem>>) src(%dma_wait3A_146 : memref<112x512xf32, #tpu.memory_space<hbm>>) dst(%arg11 : memref<112x512xf32, #tpu.memory_space<vmem>>)
      %while3A_147 = arith.constant 0 : i32
      %while3A_148 = arith.constant 0 : i32
      %while3A_149 = arith.subi %add3A_43, %while3A_148 : i32
      %while3A_150 = arith.addi %while3A_148, %while3A_149 : i32
      %while3A_151 = arith.constant 1 : i32
      %while3A_152 = arith.divsi %while3A_149, %while3A_151 : i32
      %while3A_153 = arith.muli %while3A_152, %while3A_151 : i32
      %while3A_154 = arith.addi %while3A_148, %while3A_153 : i32
      %while3A_155 = arith.constant 1 : i32
      scf.for %while3A_261 = %while3A_148 to %while3A_154 step %while3A_155  : i32 {
        %mul3A_262 = arith.constant 16 : i32
        %mul3A_263 = arith.muli %while3A_261, %mul3A_262 : i32
        %add3A_264 = vector.broadcast %mul3A_263 : i32 to vector<16xi32>
        %add3A_265 = arith.addi %add3A_264, %iota3A : vector<16xi32>
        %mul3A_266 = arith.constant 16 : i32
        %mul3A_267 = arith.muli %while3A_261, %mul3A_266 : i32
        %get3A_268 = arith.index_cast %mul3A_267 : i32 to index
        %get3A_269 = tpu.vector_load %arg7[%get3A_268] {strides = array<i32>} : memref<512xi32, #tpu.memory_space<vmem>>, vector<16xi32>,
        %ge3A = arith.constant 336 : i32
        %ge3A_270 = vector.broadcast %ge3A : i32 to vector<16xi32>
        %ge3A_271 = arith.cmpi sge, %get3A_269, %ge3A_270 : vector<16xi32>
        %lt3A_272 = arith.constant 448 : i32
        %lt3A_273 = vector.broadcast %lt3A_272 : i32 to vector<16xi32>
        %lt3A_274 = arith.cmpi slt, %get3A_269, %lt3A_273 : vector<16xi32>
        %and3A = arith.andi %ge3A_271, %lt3A_274 : vector<16xi1>
        %sub3A = arith.constant 336 : i32
        %sub3A_275 = vector.broadcast %sub3A : i32 to vector<16xi32>
        %sub3A_276 = arith.subi %get3A_269, %sub3A_275 : vector<16xi32>
        %jit3A = arith.constant 0 : i32
        %broadcast_in_dim3A_277 = vector.broadcast %jit3A : i32 to vector<16xi32>
        %select_n3A = arith.select %and3A, %sub3A_276, %broadcast_in_dim3A_277 : vector<16xi1>, vector<16xi32>
        %gather3A = tpu.vector_load_idx %arg11[%select_n3A, %add3A_265] : memref<112x512xf32, #tpu.memory_space<vmem>>[vector<16xi32>, vector<16xi32>], vector<16xf32>,
        %mul3A_278 = arith.constant 16 : i32
        %mul3A_279 = arith.muli %while3A_261, %mul3A_278 : i32
        %get3A_280 = arith.index_cast %mul3A_279 : i32 to index
        %get3A_281 = tpu.vector_load %arg12[%get3A_280] {strides = array<i32>} : memref<512xf32, #tpu.memory_space<vmem>>, vector<16xf32>,
        %select_n3A_282 = arith.select %and3A, %gather3A, %get3A_281 : vector<16xi1>, vector<16xf32>
        %mul3A_283 = arith.constant 16 : i32
        %mul3A_284 = arith.muli %while3A_261, %mul3A_283 : i32
        %swap3A_285 = arith.index_cast %mul3A_284 : i32 to index
        %swap3A_286 = tpu.vector_load %arg12[%swap3A_285] {strides = array<i32>} : memref<512xf32, #tpu.memory_space<vmem>>, vector<16xf32>,
        tpu.vector_store %arg12[%swap3A_285], %select_n3A_282 {strides = array<i32>} : memref<512xf32, #tpu.memory_space<vmem>>, vector<16xf32>,
        %mul3A_287 = arith.constant 16 : i32
        %mul3A_288 = arith.muli %while3A_261, %mul3A_287 : i32
        %get3A_289 = arith.constant 0 : i32
        %get3A_290 = arith.index_cast %get3A_289 : i32 to index
        %get3A_291 = arith.index_cast %mul3A_288 : i32 to index
        %get3A_292 = tpu.vector_load %arg8[%get3A_290, %get3A_291] {strides = array<i32>} : memref<4x512xi32, #tpu.memory_space<vmem>>, vector<16xi32>,
        %ge3A_293 = arith.constant 336 : i32
        %ge3A_294 = vector.broadcast %ge3A_293 : i32 to vector<16xi32>
        %ge3A_295 = arith.cmpi sge, %get3A_292, %ge3A_294 : vector<16xi32>
        %lt3A_296 = arith.constant 448 : i32
        %lt3A_297 = vector.broadcast %lt3A_296 : i32 to vector<16xi32>
        %lt3A_298 = arith.cmpi slt, %get3A_292, %lt3A_297 : vector<16xi32>
        %and3A_299 = arith.andi %ge3A_295, %lt3A_298 : vector<16xi1>
        %sub3A_300 = arith.constant 336 : i32
        %sub3A_301 = vector.broadcast %sub3A_300 : i32 to vector<16xi32>
        %sub3A_302 = arith.subi %get3A_292, %sub3A_301 : vector<16xi32>
        %jit3A_303 = arith.constant 0 : i32
        %broadcast_in_dim3A_304 = vector.broadcast %jit3A_303 : i32 to vector<16xi32>
        %select_n3A_305 = arith.select %and3A_299, %sub3A_302, %broadcast_in_dim3A_304 : vector<16xi1>, vector<16xi32>
        %gather3A_306 = tpu.vector_load_idx %arg11[%select_n3A_305, %add3A_265] : memref<112x512xf32, #tpu.memory_space<vmem>>[vector<16xi32>, vector<16xi32>], vector<16xf32>,
        %mul3A_307 = arith.constant 16 : i32
        %mul3A_308 = arith.muli %while3A_261, %mul3A_307 : i32
        %get3A_309 = arith.constant 0 : i32
        %get3A_310 = arith.index_cast %get3A_309 : i32 to index
        %get3A_311 = arith.index_cast %mul3A_308 : i32 to index
        %get3A_312 = tpu.vector_load %arg13[%get3A_310, %get3A_311] {strides = array<i32>} : memref<4x512xf32, #tpu.memory_space<vmem>>, vector<16xf32>,
        %select_n3A_313 = arith.select %and3A_299, %gather3A_306, %get3A_312 : vector<16xi1>, vector<16xf32>
        %mul3A_314 = arith.constant 16 : i32
        %mul3A_315 = arith.muli %while3A_261, %mul3A_314 : i32
        %swap3A_316 = arith.constant 0 : i32
        %swap3A_317 = arith.index_cast %swap3A_316 : i32 to index
        %swap3A_318 = arith.index_cast %mul3A_315 : i32 to index
        %swap3A_319 = tpu.vector_load %arg13[%swap3A_317, %swap3A_318] {strides = array<i32>} : memref<4x512xf32, #tpu.memory_space<vmem>>, vector<16xf32>,
        tpu.vector_store %arg13[%swap3A_317, %swap3A_318], %select_n3A_313 {strides = array<i32>} : memref<4x512xf32, #tpu.memory_space<vmem>>, vector<16xf32>,
        %mul3A_320 = arith.constant 16 : i32
        %mul3A_321 = arith.muli %while3A_261, %mul3A_320 : i32
        %get3A_322 = arith.constant 1 : i32
        %get3A_323 = arith.index_cast %get3A_322 : i32 to index
        %get3A_324 = arith.index_cast %mul3A_321 : i32 to index
        %get3A_325 = tpu.vector_load %arg8[%get3A_323, %get3A_324] {strides = array<i32>} : memref<4x512xi32, #tpu.memory_space<vmem>>, vector<16xi32>,
        %ge3A_326 = arith.constant 336 : i32
        %ge3A_327 = vector.broadcast %ge3A_326 : i32 to vector<16xi32>
        %ge3A_328 = arith.cmpi sge, %get3A_325, %ge3A_327 : vector<16xi32>
        %lt3A_329 = arith.constant 448 : i32
        %lt3A_330 = vector.broadcast %lt3A_329 : i32 to vector<16xi32>
        %lt3A_331 = arith.cmpi slt, %get3A_325, %lt3A_330 : vector<16xi32>
        %and3A_332 = arith.andi %ge3A_328, %lt3A_331 : vector<16xi1>
        %sub3A_333 = arith.constant 336 : i32
        %sub3A_334 = vector.broadcast %sub3A_333 : i32 to vector<16xi32>
        %sub3A_335 = arith.subi %get3A_325, %sub3A_334 : vector<16xi32>
        %jit3A_336 = arith.constant 0 : i32
        %broadcast_in_dim3A_337 = vector.broadcast %jit3A_336 : i32 to vector<16xi32>
        %select_n3A_338 = arith.select %and3A_332, %sub3A_335, %broadcast_in_dim3A_337 : vector<16xi1>, vector<16xi32>
        %gather3A_339 = tpu.vector_load_idx %arg11[%select_n3A_338, %add3A_265] : memref<112x512xf32, #tpu.memory_space<vmem>>[vector<16xi32>, vector<16xi32>], vector<16xf32>,
        %mul3A_340 = arith.constant 16 : i32
        %mul3A_341 = arith.muli %while3A_261, %mul3A_340 : i32
        %get3A_342 = arith.constant 1 : i32
        %get3A_343 = arith.index_cast %get3A_342 : i32 to index
        %get3A_344 = arith.index_cast %mul3A_341 : i32 to index
        %get3A_345 = tpu.vector_load %arg13[%get3A_343, %get3A_344] {strides = array<i32>} : memref<4x512xf32, #tpu.memory_space<vmem>>, vector<16xf32>,
        %select_n3A_346 = arith.select %and3A_332, %gather3A_339, %get3A_345 : vector<16xi1>, vector<16xf32>
        %mul3A_347 = arith.constant 16 : i32
        %mul3A_348 = arith.muli %while3A_261, %mul3A_347 : i32
        %swap3A_349 = arith.constant 1 : i32
        %swap3A_350 = arith.index_cast %swap3A_349 : i32 to index
        %swap3A_351 = arith.index_cast %mul3A_348 : i32 to index
        %swap3A_352 = tpu.vector_load %arg13[%swap3A_350, %swap3A_351] {strides = array<i32>} : memref<4x512xf32, #tpu.memory_space<vmem>>, vector<16xf32>,
        tpu.vector_store %arg13[%swap3A_350, %swap3A_351], %select_n3A_346 {strides = array<i32>} : memref<4x512xf32, #tpu.memory_space<vmem>>, vector<16xf32>,
        %mul3A_353 = arith.constant 16 : i32
        %mul3A_354 = arith.muli %while3A_261, %mul3A_353 : i32
        %get3A_355 = arith.constant 2 : i32
        %get3A_356 = arith.index_cast %get3A_355 : i32 to index
        %get3A_357 = arith.index_cast %mul3A_354 : i32 to index
        %get3A_358 = tpu.vector_load %arg8[%get3A_356, %get3A_357] {strides = array<i32>} : memref<4x512xi32, #tpu.memory_space<vmem>>, vector<16xi32>,
        %ge3A_359 = arith.constant 336 : i32
        %ge3A_360 = vector.broadcast %ge3A_359 : i32 to vector<16xi32>
        %ge3A_361 = arith.cmpi sge, %get3A_358, %ge3A_360 : vector<16xi32>
        %lt3A_362 = arith.constant 448 : i32
        %lt3A_363 = vector.broadcast %lt3A_362 : i32 to vector<16xi32>
        %lt3A_364 = arith.cmpi slt, %get3A_358, %lt3A_363 : vector<16xi32>
        %and3A_365 = arith.andi %ge3A_361, %lt3A_364 : vector<16xi1>
        %sub3A_366 = arith.constant 336 : i32
        %sub3A_367 = vector.broadcast %sub3A_366 : i32 to vector<16xi32>
        %sub3A_368 = arith.subi %get3A_358, %sub3A_367 : vector<16xi32>
        %jit3A_369 = arith.constant 0 : i32
        %broadcast_in_dim3A_370 = vector.broadcast %jit3A_369 : i32 to vector<16xi32>
        %select_n3A_371 = arith.select %and3A_365, %sub3A_368, %broadcast_in_dim3A_370 : vector<16xi1>, vector<16xi32>
        %gather3A_372 = tpu.vector_load_idx %arg11[%select_n3A_371, %add3A_265] : memref<112x512xf32, #tpu.memory_space<vmem>>[vector<16xi32>, vector<16xi32>], vector<16xf32>,
        %mul3A_373 = arith.constant 16 : i32
        %mul3A_374 = arith.muli %while3A_261, %mul3A_373 : i32
        %get3A_375 = arith.constant 2 : i32
        %get3A_376 = arith.index_cast %get3A_375 : i32 to index
        %get3A_377 = arith.index_cast %mul3A_374 : i32 to index
        %get3A_378 = tpu.vector_load %arg13[%get3A_376, %get3A_377] {strides = array<i32>} : memref<4x512xf32, #tpu.memory_space<vmem>>, vector<16xf32>,
        %select_n3A_379 = arith.select %and3A_365, %gather3A_372, %get3A_378 : vector<16xi1>, vector<16xf32>
        %mul3A_380 = arith.constant 16 : i32
        %mul3A_381 = arith.muli %while3A_261, %mul3A_380 : i32
        %swap3A_382 = arith.constant 2 : i32
        %swap3A_383 = arith.index_cast %swap3A_382 : i32 to index
        %swap3A_384 = arith.index_cast %mul3A_381 : i32 to index
        %swap3A_385 = tpu.vector_load %arg13[%swap3A_383, %swap3A_384] {strides = array<i32>} : memref<4x512xf32, #tpu.memory_space<vmem>>, vector<16xf32>,
        tpu.vector_store %arg13[%swap3A_383, %swap3A_384], %select_n3A_379 {strides = array<i32>} : memref<4x512xf32, #tpu.memory_space<vmem>>, vector<16xf32>,
        %mul3A_386 = arith.constant 16 : i32
        %mul3A_387 = arith.muli %while3A_261, %mul3A_386 : i32
        %get3A_388 = arith.constant 3 : i32
        %get3A_389 = arith.index_cast %get3A_388 : i32 to index
        %get3A_390 = arith.index_cast %mul3A_387 : i32 to index
        %get3A_391 = tpu.vector_load %arg8[%get3A_389, %get3A_390] {strides = array<i32>} : memref<4x512xi32, #tpu.memory_space<vmem>>, vector<16xi32>,
        %ge3A_392 = arith.constant 336 : i32
        %ge3A_393 = vector.broadcast %ge3A_392 : i32 to vector<16xi32>
        %ge3A_394 = arith.cmpi sge, %get3A_391, %ge3A_393 : vector<16xi32>
        %lt3A_395 = arith.constant 448 : i32
        %lt3A_396 = vector.broadcast %lt3A_395 : i32 to vector<16xi32>
        %lt3A_397 = arith.cmpi slt, %get3A_391, %lt3A_396 : vector<16xi32>
        %and3A_398 = arith.andi %ge3A_394, %lt3A_397 : vector<16xi1>
        %sub3A_399 = arith.constant 336 : i32
        %sub3A_400 = vector.broadcast %sub3A_399 : i32 to vector<16xi32>
        %sub3A_401 = arith.subi %get3A_391, %sub3A_400 : vector<16xi32>
        %jit3A_402 = arith.constant 0 : i32
        %broadcast_in_dim3A_403 = vector.broadcast %jit3A_402 : i32 to vector<16xi32>
        %select_n3A_404 = arith.select %and3A_398, %sub3A_401, %broadcast_in_dim3A_403 : vector<16xi1>, vector<16xi32>
        %gather3A_405 = tpu.vector_load_idx %arg11[%select_n3A_404, %add3A_265] : memref<112x512xf32, #tpu.memory_space<vmem>>[vector<16xi32>, vector<16xi32>], vector<16xf32>,
        %mul3A_406 = arith.constant 16 : i32
        %mul3A_407 = arith.muli %while3A_261, %mul3A_406 : i32
        %get3A_408 = arith.constant 3 : i32
        %get3A_409 = arith.index_cast %get3A_408 : i32 to index
        %get3A_410 = arith.index_cast %mul3A_407 : i32 to index
        %get3A_411 = tpu.vector_load %arg13[%get3A_409, %get3A_410] {strides = array<i32>} : memref<4x512xf32, #tpu.memory_space<vmem>>, vector<16xf32>,
        %select_n3A_412 = arith.select %and3A_398, %gather3A_405, %get3A_411 : vector<16xi1>, vector<16xf32>
        %mul3A_413 = arith.constant 16 : i32
        %mul3A_414 = arith.muli %while3A_261, %mul3A_413 : i32
        %swap3A_415 = arith.constant 3 : i32
        %swap3A_416 = arith.index_cast %swap3A_415 : i32 to index
        %swap3A_417 = arith.index_cast %mul3A_414 : i32 to index
        %swap3A_418 = tpu.vector_load %arg13[%swap3A_416, %swap3A_417] {strides = array<i32>} : memref<4x512xf32, #tpu.memory_space<vmem>>, vector<16xf32>,
        tpu.vector_store %arg13[%swap3A_416, %swap3A_417], %select_n3A_412 {strides = array<i32>} : memref<4x512xf32, #tpu.memory_space<vmem>>, vector<16xf32>,
      }
      %while3A_156 = arith.constant 1 : i32
      scf.for %while3A_261 = %while3A_154 to %while3A_150 step %while3A_156  : i32 {
        %mul3A_262 = arith.constant 16 : i32
        %mul3A_263 = arith.muli %while3A_261, %mul3A_262 : i32
        %add3A_264 = vector.broadcast %mul3A_263 : i32 to vector<16xi32>
        %add3A_265 = arith.addi %add3A_264, %iota3A : vector<16xi32>
        %mul3A_266 = arith.constant 16 : i32
        %mul3A_267 = arith.muli %while3A_261, %mul3A_266 : i32
        %get3A_268 = arith.index_cast %mul3A_267 : i32 to index
        %get3A_269 = tpu.vector_load %arg7[%get3A_268] {strides = array<i32>} : memref<512xi32, #tpu.memory_space<vmem>>, vector<16xi32>,
        %ge3A = arith.constant 336 : i32
        %ge3A_270 = vector.broadcast %ge3A : i32 to vector<16xi32>
        %ge3A_271 = arith.cmpi sge, %get3A_269, %ge3A_270 : vector<16xi32>
        %lt3A_272 = arith.constant 448 : i32
        %lt3A_273 = vector.broadcast %lt3A_272 : i32 to vector<16xi32>
        %lt3A_274 = arith.cmpi slt, %get3A_269, %lt3A_273 : vector<16xi32>
        %and3A = arith.andi %ge3A_271, %lt3A_274 : vector<16xi1>
        %sub3A = arith.constant 336 : i32
        %sub3A_275 = vector.broadcast %sub3A : i32 to vector<16xi32>
        %sub3A_276 = arith.subi %get3A_269, %sub3A_275 : vector<16xi32>
        %jit3A = arith.constant 0 : i32
        %broadcast_in_dim3A_277 = vector.broadcast %jit3A : i32 to vector<16xi32>
        %select_n3A = arith.select %and3A, %sub3A_276, %broadcast_in_dim3A_277 : vector<16xi1>, vector<16xi32>
        %gather3A = tpu.vector_load_idx %arg11[%select_n3A, %add3A_265] : memref<112x512xf32, #tpu.memory_space<vmem>>[vector<16xi32>, vector<16xi32>], vector<16xf32>,
        %mul3A_278 = arith.constant 16 : i32
        %mul3A_279 = arith.muli %while3A_261, %mul3A_278 : i32
        %get3A_280 = arith.index_cast %mul3A_279 : i32 to index
        %get3A_281 = tpu.vector_load %arg12[%get3A_280] {strides = array<i32>} : memref<512xf32, #tpu.memory_space<vmem>>, vector<16xf32>,
        %select_n3A_282 = arith.select %and3A, %gather3A, %get3A_281 : vector<16xi1>, vector<16xf32>
        %mul3A_283 = arith.constant 16 : i32
        %mul3A_284 = arith.muli %while3A_261, %mul3A_283 : i32
        %swap3A_285 = arith.index_cast %mul3A_284 : i32 to index
        %swap3A_286 = tpu.vector_load %arg12[%swap3A_285] {strides = array<i32>} : memref<512xf32, #tpu.memory_space<vmem>>, vector<16xf32>,
        tpu.vector_store %arg12[%swap3A_285], %select_n3A_282 {strides = array<i32>} : memref<512xf32, #tpu.memory_space<vmem>>, vector<16xf32>,
        %mul3A_287 = arith.constant 16 : i32
        %mul3A_288 = arith.muli %while3A_261, %mul3A_287 : i32
        %get3A_289 = arith.constant 0 : i32
        %get3A_290 = arith.index_cast %get3A_289 : i32 to index
        %get3A_291 = arith.index_cast %mul3A_288 : i32 to index
        %get3A_292 = tpu.vector_load %arg8[%get3A_290, %get3A_291] {strides = array<i32>} : memref<4x512xi32, #tpu.memory_space<vmem>>, vector<16xi32>,
        %ge3A_293 = arith.constant 336 : i32
        %ge3A_294 = vector.broadcast %ge3A_293 : i32 to vector<16xi32>
        %ge3A_295 = arith.cmpi sge, %get3A_292, %ge3A_294 : vector<16xi32>
        %lt3A_296 = arith.constant 448 : i32
        %lt3A_297 = vector.broadcast %lt3A_296 : i32 to vector<16xi32>
        %lt3A_298 = arith.cmpi slt, %get3A_292, %lt3A_297 : vector<16xi32>
        %and3A_299 = arith.andi %ge3A_295, %lt3A_298 : vector<16xi1>
        %sub3A_300 = arith.constant 336 : i32
        %sub3A_301 = vector.broadcast %sub3A_300 : i32 to vector<16xi32>
        %sub3A_302 = arith.subi %get3A_292, %sub3A_301 : vector<16xi32>
        %jit3A_303 = arith.constant 0 : i32
        %broadcast_in_dim3A_304 = vector.broadcast %jit3A_303 : i32 to vector<16xi32>
        %select_n3A_305 = arith.select %and3A_299, %sub3A_302, %broadcast_in_dim3A_304 : vector<16xi1>, vector<16xi32>
        %gather3A_306 = tpu.vector_load_idx %arg11[%select_n3A_305, %add3A_265] : memref<112x512xf32, #tpu.memory_space<vmem>>[vector<16xi32>, vector<16xi32>], vector<16xf32>,
        %mul3A_307 = arith.constant 16 : i32
        %mul3A_308 = arith.muli %while3A_261, %mul3A_307 : i32
        %get3A_309 = arith.constant 0 : i32
        %get3A_310 = arith.index_cast %get3A_309 : i32 to index
        %get3A_311 = arith.index_cast %mul3A_308 : i32 to index
        %get3A_312 = tpu.vector_load %arg13[%get3A_310, %get3A_311] {strides = array<i32>} : memref<4x512xf32, #tpu.memory_space<vmem>>, vector<16xf32>,
        %select_n3A_313 = arith.select %and3A_299, %gather3A_306, %get3A_312 : vector<16xi1>, vector<16xf32>
        %mul3A_314 = arith.constant 16 : i32
        %mul3A_315 = arith.muli %while3A_261, %mul3A_314 : i32
        %swap3A_316 = arith.constant 0 : i32
        %swap3A_317 = arith.index_cast %swap3A_316 : i32 to index
        %swap3A_318 = arith.index_cast %mul3A_315 : i32 to index
        %swap3A_319 = tpu.vector_load %arg13[%swap3A_317, %swap3A_318] {strides = array<i32>} : memref<4x512xf32, #tpu.memory_space<vmem>>, vector<16xf32>,
        tpu.vector_store %arg13[%swap3A_317, %swap3A_318], %select_n3A_313 {strides = array<i32>} : memref<4x512xf32, #tpu.memory_space<vmem>>, vector<16xf32>,
        %mul3A_320 = arith.constant 16 : i32
        %mul3A_321 = arith.muli %while3A_261, %mul3A_320 : i32
        %get3A_322 = arith.constant 1 : i32
        %get3A_323 = arith.index_cast %get3A_322 : i32 to index
        %get3A_324 = arith.index_cast %mul3A_321 : i32 to index
        %get3A_325 = tpu.vector_load %arg8[%get3A_323, %get3A_324] {strides = array<i32>} : memref<4x512xi32, #tpu.memory_space<vmem>>, vector<16xi32>,
        %ge3A_326 = arith.constant 336 : i32
        %ge3A_327 = vector.broadcast %ge3A_326 : i32 to vector<16xi32>
        %ge3A_328 = arith.cmpi sge, %get3A_325, %ge3A_327 : vector<16xi32>
        %lt3A_329 = arith.constant 448 : i32
        %lt3A_330 = vector.broadcast %lt3A_329 : i32 to vector<16xi32>
        %lt3A_331 = arith.cmpi slt, %get3A_325, %lt3A_330 : vector<16xi32>
        %and3A_332 = arith.andi %ge3A_328, %lt3A_331 : vector<16xi1>
        %sub3A_333 = arith.constant 336 : i32
        %sub3A_334 = vector.broadcast %sub3A_333 : i32 to vector<16xi32>
        %sub3A_335 = arith.subi %get3A_325, %sub3A_334 : vector<16xi32>
        %jit3A_336 = arith.constant 0 : i32
        %broadcast_in_dim3A_337 = vector.broadcast %jit3A_336 : i32 to vector<16xi32>
        %select_n3A_338 = arith.select %and3A_332, %sub3A_335, %broadcast_in_dim3A_337 : vector<16xi1>, vector<16xi32>
        %gather3A_339 = tpu.vector_load_idx %arg11[%select_n3A_338, %add3A_265] : memref<112x512xf32, #tpu.memory_space<vmem>>[vector<16xi32>, vector<16xi32>], vector<16xf32>,
        %mul3A_340 = arith.constant 16 : i32
        %mul3A_341 = arith.muli %while3A_261, %mul3A_340 : i32
        %get3A_342 = arith.constant 1 : i32
        %get3A_343 = arith.index_cast %get3A_342 : i32 to index
        %get3A_344 = arith.index_cast %mul3A_341 : i32 to index
        %get3A_345 = tpu.vector_load %arg13[%get3A_343, %get3A_344] {strides = array<i32>} : memref<4x512xf32, #tpu.memory_space<vmem>>, vector<16xf32>,
        %select_n3A_346 = arith.select %and3A_332, %gather3A_339, %get3A_345 : vector<16xi1>, vector<16xf32>
        %mul3A_347 = arith.constant 16 : i32
        %mul3A_348 = arith.muli %while3A_261, %mul3A_347 : i32
        %swap3A_349 = arith.constant 1 : i32
        %swap3A_350 = arith.index_cast %swap3A_349 : i32 to index
        %swap3A_351 = arith.index_cast %mul3A_348 : i32 to index
        %swap3A_352 = tpu.vector_load %arg13[%swap3A_350, %swap3A_351] {strides = array<i32>} : memref<4x512xf32, #tpu.memory_space<vmem>>, vector<16xf32>,
        tpu.vector_store %arg13[%swap3A_350, %swap3A_351], %select_n3A_346 {strides = array<i32>} : memref<4x512xf32, #tpu.memory_space<vmem>>, vector<16xf32>,
        %mul3A_353 = arith.constant 16 : i32
        %mul3A_354 = arith.muli %while3A_261, %mul3A_353 : i32
        %get3A_355 = arith.constant 2 : i32
        %get3A_356 = arith.index_cast %get3A_355 : i32 to index
        %get3A_357 = arith.index_cast %mul3A_354 : i32 to index
        %get3A_358 = tpu.vector_load %arg8[%get3A_356, %get3A_357] {strides = array<i32>} : memref<4x512xi32, #tpu.memory_space<vmem>>, vector<16xi32>,
        %ge3A_359 = arith.constant 336 : i32
        %ge3A_360 = vector.broadcast %ge3A_359 : i32 to vector<16xi32>
        %ge3A_361 = arith.cmpi sge, %get3A_358, %ge3A_360 : vector<16xi32>
        %lt3A_362 = arith.constant 448 : i32
        %lt3A_363 = vector.broadcast %lt3A_362 : i32 to vector<16xi32>
        %lt3A_364 = arith.cmpi slt, %get3A_358, %lt3A_363 : vector<16xi32>
        %and3A_365 = arith.andi %ge3A_361, %lt3A_364 : vector<16xi1>
        %sub3A_366 = arith.constant 336 : i32
        %sub3A_367 = vector.broadcast %sub3A_366 : i32 to vector<16xi32>
        %sub3A_368 = arith.subi %get3A_358, %sub3A_367 : vector<16xi32>
        %jit3A_369 = arith.constant 0 : i32
        %broadcast_in_dim3A_370 = vector.broadcast %jit3A_369 : i32 to vector<16xi32>
        %select_n3A_371 = arith.select %and3A_365, %sub3A_368, %broadcast_in_dim3A_370 : vector<16xi1>, vector<16xi32>
        %gather3A_372 = tpu.vector_load_idx %arg11[%select_n3A_371, %add3A_265] : memref<112x512xf32, #tpu.memory_space<vmem>>[vector<16xi32>, vector<16xi32>], vector<16xf32>,
        %mul3A_373 = arith.constant 16 : i32
        %mul3A_374 = arith.muli %while3A_261, %mul3A_373 : i32
        %get3A_375 = arith.constant 2 : i32
        %get3A_376 = arith.index_cast %get3A_375 : i32 to index
        %get3A_377 = arith.index_cast %mul3A_374 : i32 to index
        %get3A_378 = tpu.vector_load %arg13[%get3A_376, %get3A_377] {strides = array<i32>} : memref<4x512xf32, #tpu.memory_space<vmem>>, vector<16xf32>,
        %select_n3A_379 = arith.select %and3A_365, %gather3A_372, %get3A_378 : vector<16xi1>, vector<16xf32>
        %mul3A_380 = arith.constant 16 : i32
        %mul3A_381 = arith.muli %while3A_261, %mul3A_380 : i32
        %swap3A_382 = arith.constant 2 : i32
        %swap3A_383 = arith.index_cast %swap3A_382 : i32 to index
        %swap3A_384 = arith.index_cast %mul3A_381 : i32 to index
        %swap3A_385 = tpu.vector_load %arg13[%swap3A_383, %swap3A_384] {strides = array<i32>} : memref<4x512xf32, #tpu.memory_space<vmem>>, vector<16xf32>,
        tpu.vector_store %arg13[%swap3A_383, %swap3A_384], %select_n3A_379 {strides = array<i32>} : memref<4x512xf32, #tpu.memory_space<vmem>>, vector<16xf32>,
        %mul3A_386 = arith.constant 16 : i32
        %mul3A_387 = arith.muli %while3A_261, %mul3A_386 : i32
        %get3A_388 = arith.constant 3 : i32
        %get3A_389 = arith.index_cast %get3A_388 : i32 to index
        %get3A_390 = arith.index_cast %mul3A_387 : i32 to index
        %get3A_391 = tpu.vector_load %arg8[%get3A_389, %get3A_390] {strides = array<i32>} : memref<4x512xi32, #tpu.memory_space<vmem>>, vector<16xi32>,
        %ge3A_392 = arith.constant 336 : i32
        %ge3A_393 = vector.broadcast %ge3A_392 : i32 to vector<16xi32>
        %ge3A_394 = arith.cmpi sge, %get3A_391, %ge3A_393 : vector<16xi32>
        %lt3A_395 = arith.constant 448 : i32
        %lt3A_396 = vector.broadcast %lt3A_395 : i32 to vector<16xi32>
        %lt3A_397 = arith.cmpi slt, %get3A_391, %lt3A_396 : vector<16xi32>
        %and3A_398 = arith.andi %ge3A_394, %lt3A_397 : vector<16xi1>
        %sub3A_399 = arith.constant 336 : i32
        %sub3A_400 = vector.broadcast %sub3A_399 : i32 to vector<16xi32>
        %sub3A_401 = arith.subi %get3A_391, %sub3A_400 : vector<16xi32>
        %jit3A_402 = arith.constant 0 : i32
        %broadcast_in_dim3A_403 = vector.broadcast %jit3A_402 : i32 to vector<16xi32>
        %select_n3A_404 = arith.select %and3A_398, %sub3A_401, %broadcast_in_dim3A_403 : vector<16xi1>, vector<16xi32>
        %gather3A_405 = tpu.vector_load_idx %arg11[%select_n3A_404, %add3A_265] : memref<112x512xf32, #tpu.memory_space<vmem>>[vector<16xi32>, vector<16xi32>], vector<16xf32>,
        %mul3A_406 = arith.constant 16 : i32
        %mul3A_407 = arith.muli %while3A_261, %mul3A_406 : i32
        %get3A_408 = arith.constant 3 : i32
        %get3A_409 = arith.index_cast %get3A_408 : i32 to index
        %get3A_410 = arith.index_cast %mul3A_407 : i32 to index
        %get3A_411 = tpu.vector_load %arg13[%get3A_409, %get3A_410] {strides = array<i32>} : memref<4x512xf32, #tpu.memory_space<vmem>>, vector<16xf32>,
        %select_n3A_412 = arith.select %and3A_398, %gather3A_405, %get3A_411 : vector<16xi1>, vector<16xf32>
        %mul3A_413 = arith.constant 16 : i32
        %mul3A_414 = arith.muli %while3A_261, %mul3A_413 : i32
        %swap3A_415 = arith.constant 3 : i32
        %swap3A_416 = arith.index_cast %swap3A_415 : i32 to index
        %swap3A_417 = arith.index_cast %mul3A_414 : i32 to index
        %swap3A_418 = tpu.vector_load %arg13[%swap3A_416, %swap3A_417] {strides = array<i32>} : memref<4x512xf32, #tpu.memory_space<vmem>>, vector<16xf32>,
        tpu.vector_store %arg13[%swap3A_416, %swap3A_417], %select_n3A_412 {strides = array<i32>} : memref<4x512xf32, #tpu.memory_space<vmem>>, vector<16xf32>,
      }
      %mul3A_157 = arith.constant 1000 : i32
      %mul3A_158 = arith.muli %div3A_1, %mul3A_157 : i32
      %add3A_159 = arith.constant 560 : i32
      %add3A_160 = arith.addi %mul3A_158, %add3A_159 : i32
      %dma_start3A_161 = tpu.memref_slice %arg2[%add3A_160, %mul3A_4] : memref<8000x2048xf32, #tpu.memory_space<hbm>> -> memref<112x512xf32, #tpu.memory_space<hbm>>
      %dma_start3A_162 = tpu.memref_slice %arg2[%add3A_160, %mul3A_4] : memref<8000x2048xf32, #tpu.memory_space<hbm>> -> memref<112x512xf32, #tpu.memory_space<hbm>>
      tpu.enqueue_dma source(%dma_start3A_162 : memref<112x512xf32, #tpu.memory_space<hbm>>) target(%arg11 : memref<112x512xf32, #tpu.memory_space<vmem>>) target_semaphore(%arg15 : memref<!tpu.dma_semaphore, #tpu.memory_space<semaphore_mem>>)
      %mul3A_163 = arith.constant 1000 : i32
      %mul3A_164 = arith.muli %div3A_1, %mul3A_163 : i32
      %add3A_165 = arith.constant 448 : i32
      %add3A_166 = arith.addi %mul3A_164, %add3A_165 : i32
      %dma_wait3A_167 = tpu.memref_slice %arg2[%add3A_166, %mul3A_4] : memref<8000x2048xf32, #tpu.memory_space<hbm>> -> memref<112x512xf32, #tpu.memory_space<hbm>>
      %dma_wait3A_168 = tpu.memref_slice %arg2[%add3A_166, %mul3A_4] : memref<8000x2048xf32, #tpu.memory_space<hbm>> -> memref<112x512xf32, #tpu.memory_space<hbm>>
      tpu.wait_dma2 semaphore(%arg15 : memref<!tpu.dma_semaphore, #tpu.memory_space<semaphore_mem>>) src(%dma_wait3A_168 : memref<112x512xf32, #tpu.memory_space<hbm>>) dst(%arg10 : memref<112x512xf32, #tpu.memory_space<vmem>>)
      %while3A_169 = arith.constant 0 : i32
      %while3A_170 = arith.constant 0 : i32
      %while3A_171 = arith.subi %add3A_43, %while3A_170 : i32
      %while3A_172 = arith.addi %while3A_170, %while3A_171 : i32
      %while3A_173 = arith.constant 1 : i32
      %while3A_174 = arith.divsi %while3A_171, %while3A_173 : i32
      %while3A_175 = arith.muli %while3A_174, %while3A_173 : i32
      %while3A_176 = arith.addi %while3A_170, %while3A_175 : i32
      %while3A_177 = arith.constant 1 : i32
      scf.for %while3A_261 = %while3A_170 to %while3A_176 step %while3A_177  : i32 {
        %mul3A_262 = arith.constant 16 : i32
        %mul3A_263 = arith.muli %while3A_261, %mul3A_262 : i32
        %add3A_264 = vector.broadcast %mul3A_263 : i32 to vector<16xi32>
        %add3A_265 = arith.addi %add3A_264, %iota3A : vector<16xi32>
        %mul3A_266 = arith.constant 16 : i32
        %mul3A_267 = arith.muli %while3A_261, %mul3A_266 : i32
        %get3A_268 = arith.index_cast %mul3A_267 : i32 to index
        %get3A_269 = tpu.vector_load %arg7[%get3A_268] {strides = array<i32>} : memref<512xi32, #tpu.memory_space<vmem>>, vector<16xi32>,
        %ge3A = arith.constant 448 : i32
        %ge3A_270 = vector.broadcast %ge3A : i32 to vector<16xi32>
        %ge3A_271 = arith.cmpi sge, %get3A_269, %ge3A_270 : vector<16xi32>
        %lt3A_272 = arith.constant 560 : i32
        %lt3A_273 = vector.broadcast %lt3A_272 : i32 to vector<16xi32>
        %lt3A_274 = arith.cmpi slt, %get3A_269, %lt3A_273 : vector<16xi32>
        %and3A = arith.andi %ge3A_271, %lt3A_274 : vector<16xi1>
        %sub3A = arith.constant 448 : i32
        %sub3A_275 = vector.broadcast %sub3A : i32 to vector<16xi32>
        %sub3A_276 = arith.subi %get3A_269, %sub3A_275 : vector<16xi32>
        %jit3A = arith.constant 0 : i32
        %broadcast_in_dim3A_277 = vector.broadcast %jit3A : i32 to vector<16xi32>
        %select_n3A = arith.select %and3A, %sub3A_276, %broadcast_in_dim3A_277 : vector<16xi1>, vector<16xi32>
        %gather3A = tpu.vector_load_idx %arg10[%select_n3A, %add3A_265] : memref<112x512xf32, #tpu.memory_space<vmem>>[vector<16xi32>, vector<16xi32>], vector<16xf32>,
        %mul3A_278 = arith.constant 16 : i32
        %mul3A_279 = arith.muli %while3A_261, %mul3A_278 : i32
        %get3A_280 = arith.index_cast %mul3A_279 : i32 to index
        %get3A_281 = tpu.vector_load %arg12[%get3A_280] {strides = array<i32>} : memref<512xf32, #tpu.memory_space<vmem>>, vector<16xf32>,
        %select_n3A_282 = arith.select %and3A, %gather3A, %get3A_281 : vector<16xi1>, vector<16xf32>
        %mul3A_283 = arith.constant 16 : i32
        %mul3A_284 = arith.muli %while3A_261, %mul3A_283 : i32
        %swap3A_285 = arith.index_cast %mul3A_284 : i32 to index
        %swap3A_286 = tpu.vector_load %arg12[%swap3A_285] {strides = array<i32>} : memref<512xf32, #tpu.memory_space<vmem>>, vector<16xf32>,
        tpu.vector_store %arg12[%swap3A_285], %select_n3A_282 {strides = array<i32>} : memref<512xf32, #tpu.memory_space<vmem>>, vector<16xf32>,
        %mul3A_287 = arith.constant 16 : i32
        %mul3A_288 = arith.muli %while3A_261, %mul3A_287 : i32
        %get3A_289 = arith.constant 0 : i32
        %get3A_290 = arith.index_cast %get3A_289 : i32 to index
        %get3A_291 = arith.index_cast %mul3A_288 : i32 to index
        %get3A_292 = tpu.vector_load %arg8[%get3A_290, %get3A_291] {strides = array<i32>} : memref<4x512xi32, #tpu.memory_space<vmem>>, vector<16xi32>,
        %ge3A_293 = arith.constant 448 : i32
        %ge3A_294 = vector.broadcast %ge3A_293 : i32 to vector<16xi32>
        %ge3A_295 = arith.cmpi sge, %get3A_292, %ge3A_294 : vector<16xi32>
        %lt3A_296 = arith.constant 560 : i32
        %lt3A_297 = vector.broadcast %lt3A_296 : i32 to vector<16xi32>
        %lt3A_298 = arith.cmpi slt, %get3A_292, %lt3A_297 : vector<16xi32>
        %and3A_299 = arith.andi %ge3A_295, %lt3A_298 : vector<16xi1>
        %sub3A_300 = arith.constant 448 : i32
        %sub3A_301 = vector.broadcast %sub3A_300 : i32 to vector<16xi32>
        %sub3A_302 = arith.subi %get3A_292, %sub3A_301 : vector<16xi32>
        %jit3A_303 = arith.constant 0 : i32
        %broadcast_in_dim3A_304 = vector.broadcast %jit3A_303 : i32 to vector<16xi32>
        %select_n3A_305 = arith.select %and3A_299, %sub3A_302, %broadcast_in_dim3A_304 : vector<16xi1>, vector<16xi32>
        %gather3A_306 = tpu.vector_load_idx %arg10[%select_n3A_305, %add3A_265] : memref<112x512xf32, #tpu.memory_space<vmem>>[vector<16xi32>, vector<16xi32>], vector<16xf32>,
        %mul3A_307 = arith.constant 16 : i32
        %mul3A_308 = arith.muli %while3A_261, %mul3A_307 : i32
        %get3A_309 = arith.constant 0 : i32
        %get3A_310 = arith.index_cast %get3A_309 : i32 to index
        %get3A_311 = arith.index_cast %mul3A_308 : i32 to index
        %get3A_312 = tpu.vector_load %arg13[%get3A_310, %get3A_311] {strides = array<i32>} : memref<4x512xf32, #tpu.memory_space<vmem>>, vector<16xf32>,
        %select_n3A_313 = arith.select %and3A_299, %gather3A_306, %get3A_312 : vector<16xi1>, vector<16xf32>
        %mul3A_314 = arith.constant 16 : i32
        %mul3A_315 = arith.muli %while3A_261, %mul3A_314 : i32
        %swap3A_316 = arith.constant 0 : i32
        %swap3A_317 = arith.index_cast %swap3A_316 : i32 to index
        %swap3A_318 = arith.index_cast %mul3A_315 : i32 to index
        %swap3A_319 = tpu.vector_load %arg13[%swap3A_317, %swap3A_318] {strides = array<i32>} : memref<4x512xf32, #tpu.memory_space<vmem>>, vector<16xf32>,
        tpu.vector_store %arg13[%swap3A_317, %swap3A_318], %select_n3A_313 {strides = array<i32>} : memref<4x512xf32, #tpu.memory_space<vmem>>, vector<16xf32>,
        %mul3A_320 = arith.constant 16 : i32
        %mul3A_321 = arith.muli %while3A_261, %mul3A_320 : i32
        %get3A_322 = arith.constant 1 : i32
        %get3A_323 = arith.index_cast %get3A_322 : i32 to index
        %get3A_324 = arith.index_cast %mul3A_321 : i32 to index
        %get3A_325 = tpu.vector_load %arg8[%get3A_323, %get3A_324] {strides = array<i32>} : memref<4x512xi32, #tpu.memory_space<vmem>>, vector<16xi32>,
        %ge3A_326 = arith.constant 448 : i32
        %ge3A_327 = vector.broadcast %ge3A_326 : i32 to vector<16xi32>
        %ge3A_328 = arith.cmpi sge, %get3A_325, %ge3A_327 : vector<16xi32>
        %lt3A_329 = arith.constant 560 : i32
        %lt3A_330 = vector.broadcast %lt3A_329 : i32 to vector<16xi32>
        %lt3A_331 = arith.cmpi slt, %get3A_325, %lt3A_330 : vector<16xi32>
        %and3A_332 = arith.andi %ge3A_328, %lt3A_331 : vector<16xi1>
        %sub3A_333 = arith.constant 448 : i32
        %sub3A_334 = vector.broadcast %sub3A_333 : i32 to vector<16xi32>
        %sub3A_335 = arith.subi %get3A_325, %sub3A_334 : vector<16xi32>
        %jit3A_336 = arith.constant 0 : i32
        %broadcast_in_dim3A_337 = vector.broadcast %jit3A_336 : i32 to vector<16xi32>
        %select_n3A_338 = arith.select %and3A_332, %sub3A_335, %broadcast_in_dim3A_337 : vector<16xi1>, vector<16xi32>
        %gather3A_339 = tpu.vector_load_idx %arg10[%select_n3A_338, %add3A_265] : memref<112x512xf32, #tpu.memory_space<vmem>>[vector<16xi32>, vector<16xi32>], vector<16xf32>,
        %mul3A_340 = arith.constant 16 : i32
        %mul3A_341 = arith.muli %while3A_261, %mul3A_340 : i32
        %get3A_342 = arith.constant 1 : i32
        %get3A_343 = arith.index_cast %get3A_342 : i32 to index
        %get3A_344 = arith.index_cast %mul3A_341 : i32 to index
        %get3A_345 = tpu.vector_load %arg13[%get3A_343, %get3A_344] {strides = array<i32>} : memref<4x512xf32, #tpu.memory_space<vmem>>, vector<16xf32>,
        %select_n3A_346 = arith.select %and3A_332, %gather3A_339, %get3A_345 : vector<16xi1>, vector<16xf32>
        %mul3A_347 = arith.constant 16 : i32
        %mul3A_348 = arith.muli %while3A_261, %mul3A_347 : i32
        %swap3A_349 = arith.constant 1 : i32
        %swap3A_350 = arith.index_cast %swap3A_349 : i32 to index
        %swap3A_351 = arith.index_cast %mul3A_348 : i32 to index
        %swap3A_352 = tpu.vector_load %arg13[%swap3A_350, %swap3A_351] {strides = array<i32>} : memref<4x512xf32, #tpu.memory_space<vmem>>, vector<16xf32>,
        tpu.vector_store %arg13[%swap3A_350, %swap3A_351], %select_n3A_346 {strides = array<i32>} : memref<4x512xf32, #tpu.memory_space<vmem>>, vector<16xf32>,
        %mul3A_353 = arith.constant 16 : i32
        %mul3A_354 = arith.muli %while3A_261, %mul3A_353 : i32
        %get3A_355 = arith.constant 2 : i32
        %get3A_356 = arith.index_cast %get3A_355 : i32 to index
        %get3A_357 = arith.index_cast %mul3A_354 : i32 to index
        %get3A_358 = tpu.vector_load %arg8[%get3A_356, %get3A_357] {strides = array<i32>} : memref<4x512xi32, #tpu.memory_space<vmem>>, vector<16xi32>,
        %ge3A_359 = arith.constant 448 : i32
        %ge3A_360 = vector.broadcast %ge3A_359 : i32 to vector<16xi32>
        %ge3A_361 = arith.cmpi sge, %get3A_358, %ge3A_360 : vector<16xi32>
        %lt3A_362 = arith.constant 560 : i32
        %lt3A_363 = vector.broadcast %lt3A_362 : i32 to vector<16xi32>
        %lt3A_364 = arith.cmpi slt, %get3A_358, %lt3A_363 : vector<16xi32>
        %and3A_365 = arith.andi %ge3A_361, %lt3A_364 : vector<16xi1>
        %sub3A_366 = arith.constant 448 : i32
        %sub3A_367 = vector.broadcast %sub3A_366 : i32 to vector<16xi32>
        %sub3A_368 = arith.subi %get3A_358, %sub3A_367 : vector<16xi32>
        %jit3A_369 = arith.constant 0 : i32
        %broadcast_in_dim3A_370 = vector.broadcast %jit3A_369 : i32 to vector<16xi32>
        %select_n3A_371 = arith.select %and3A_365, %sub3A_368, %broadcast_in_dim3A_370 : vector<16xi1>, vector<16xi32>
        %gather3A_372 = tpu.vector_load_idx %arg10[%select_n3A_371, %add3A_265] : memref<112x512xf32, #tpu.memory_space<vmem>>[vector<16xi32>, vector<16xi32>], vector<16xf32>,
        %mul3A_373 = arith.constant 16 : i32
        %mul3A_374 = arith.muli %while3A_261, %mul3A_373 : i32
        %get3A_375 = arith.constant 2 : i32
        %get3A_376 = arith.index_cast %get3A_375 : i32 to index
        %get3A_377 = arith.index_cast %mul3A_374 : i32 to index
        %get3A_378 = tpu.vector_load %arg13[%get3A_376, %get3A_377] {strides = array<i32>} : memref<4x512xf32, #tpu.memory_space<vmem>>, vector<16xf32>,
        %select_n3A_379 = arith.select %and3A_365, %gather3A_372, %get3A_378 : vector<16xi1>, vector<16xf32>
        %mul3A_380 = arith.constant 16 : i32
        %mul3A_381 = arith.muli %while3A_261, %mul3A_380 : i32
        %swap3A_382 = arith.constant 2 : i32
        %swap3A_383 = arith.index_cast %swap3A_382 : i32 to index
        %swap3A_384 = arith.index_cast %mul3A_381 : i32 to index
        %swap3A_385 = tpu.vector_load %arg13[%swap3A_383, %swap3A_384] {strides = array<i32>} : memref<4x512xf32, #tpu.memory_space<vmem>>, vector<16xf32>,
        tpu.vector_store %arg13[%swap3A_383, %swap3A_384], %select_n3A_379 {strides = array<i32>} : memref<4x512xf32, #tpu.memory_space<vmem>>, vector<16xf32>,
        %mul3A_386 = arith.constant 16 : i32
        %mul3A_387 = arith.muli %while3A_261, %mul3A_386 : i32
        %get3A_388 = arith.constant 3 : i32
        %get3A_389 = arith.index_cast %get3A_388 : i32 to index
        %get3A_390 = arith.index_cast %mul3A_387 : i32 to index
        %get3A_391 = tpu.vector_load %arg8[%get3A_389, %get3A_390] {strides = array<i32>} : memref<4x512xi32, #tpu.memory_space<vmem>>, vector<16xi32>,
        %ge3A_392 = arith.constant 448 : i32
        %ge3A_393 = vector.broadcast %ge3A_392 : i32 to vector<16xi32>
        %ge3A_394 = arith.cmpi sge, %get3A_391, %ge3A_393 : vector<16xi32>
        %lt3A_395 = arith.constant 560 : i32
        %lt3A_396 = vector.broadcast %lt3A_395 : i32 to vector<16xi32>
        %lt3A_397 = arith.cmpi slt, %get3A_391, %lt3A_396 : vector<16xi32>
        %and3A_398 = arith.andi %ge3A_394, %lt3A_397 : vector<16xi1>
        %sub3A_399 = arith.constant 448 : i32
        %sub3A_400 = vector.broadcast %sub3A_399 : i32 to vector<16xi32>
        %sub3A_401 = arith.subi %get3A_391, %sub3A_400 : vector<16xi32>
        %jit3A_402 = arith.constant 0 : i32
        %broadcast_in_dim3A_403 = vector.broadcast %jit3A_402 : i32 to vector<16xi32>
        %select_n3A_404 = arith.select %and3A_398, %sub3A_401, %broadcast_in_dim3A_403 : vector<16xi1>, vector<16xi32>
        %gather3A_405 = tpu.vector_load_idx %arg10[%select_n3A_404, %add3A_265] : memref<112x512xf32, #tpu.memory_space<vmem>>[vector<16xi32>, vector<16xi32>], vector<16xf32>,
        %mul3A_406 = arith.constant 16 : i32
        %mul3A_407 = arith.muli %while3A_261, %mul3A_406 : i32
        %get3A_408 = arith.constant 3 : i32
        %get3A_409 = arith.index_cast %get3A_408 : i32 to index
        %get3A_410 = arith.index_cast %mul3A_407 : i32 to index
        %get3A_411 = tpu.vector_load %arg13[%get3A_409, %get3A_410] {strides = array<i32>} : memref<4x512xf32, #tpu.memory_space<vmem>>, vector<16xf32>,
        %select_n3A_412 = arith.select %and3A_398, %gather3A_405, %get3A_411 : vector<16xi1>, vector<16xf32>
        %mul3A_413 = arith.constant 16 : i32
        %mul3A_414 = arith.muli %while3A_261, %mul3A_413 : i32
        %swap3A_415 = arith.constant 3 : i32
        %swap3A_416 = arith.index_cast %swap3A_415 : i32 to index
        %swap3A_417 = arith.index_cast %mul3A_414 : i32 to index
        %swap3A_418 = tpu.vector_load %arg13[%swap3A_416, %swap3A_417] {strides = array<i32>} : memref<4x512xf32, #tpu.memory_space<vmem>>, vector<16xf32>,
        tpu.vector_store %arg13[%swap3A_416, %swap3A_417], %select_n3A_412 {strides = array<i32>} : memref<4x512xf32, #tpu.memory_space<vmem>>, vector<16xf32>,
      }
      %while3A_178 = arith.constant 1 : i32
      scf.for %while3A_261 = %while3A_176 to %while3A_172 step %while3A_178  : i32 {
        %mul3A_262 = arith.constant 16 : i32
        %mul3A_263 = arith.muli %while3A_261, %mul3A_262 : i32
        %add3A_264 = vector.broadcast %mul3A_263 : i32 to vector<16xi32>
        %add3A_265 = arith.addi %add3A_264, %iota3A : vector<16xi32>
        %mul3A_266 = arith.constant 16 : i32
        %mul3A_267 = arith.muli %while3A_261, %mul3A_266 : i32
        %get3A_268 = arith.index_cast %mul3A_267 : i32 to index
        %get3A_269 = tpu.vector_load %arg7[%get3A_268] {strides = array<i32>} : memref<512xi32, #tpu.memory_space<vmem>>, vector<16xi32>,
        %ge3A = arith.constant 448 : i32
        %ge3A_270 = vector.broadcast %ge3A : i32 to vector<16xi32>
        %ge3A_271 = arith.cmpi sge, %get3A_269, %ge3A_270 : vector<16xi32>
        %lt3A_272 = arith.constant 560 : i32
        %lt3A_273 = vector.broadcast %lt3A_272 : i32 to vector<16xi32>
        %lt3A_274 = arith.cmpi slt, %get3A_269, %lt3A_273 : vector<16xi32>
        %and3A = arith.andi %ge3A_271, %lt3A_274 : vector<16xi1>
        %sub3A = arith.constant 448 : i32
        %sub3A_275 = vector.broadcast %sub3A : i32 to vector<16xi32>
        %sub3A_276 = arith.subi %get3A_269, %sub3A_275 : vector<16xi32>
        %jit3A = arith.constant 0 : i32
        %broadcast_in_dim3A_277 = vector.broadcast %jit3A : i32 to vector<16xi32>
        %select_n3A = arith.select %and3A, %sub3A_276, %broadcast_in_dim3A_277 : vector<16xi1>, vector<16xi32>
        %gather3A = tpu.vector_load_idx %arg10[%select_n3A, %add3A_265] : memref<112x512xf32, #tpu.memory_space<vmem>>[vector<16xi32>, vector<16xi32>], vector<16xf32>,
        %mul3A_278 = arith.constant 16 : i32
        %mul3A_279 = arith.muli %while3A_261, %mul3A_278 : i32
        %get3A_280 = arith.index_cast %mul3A_279 : i32 to index
        %get3A_281 = tpu.vector_load %arg12[%get3A_280] {strides = array<i32>} : memref<512xf32, #tpu.memory_space<vmem>>, vector<16xf32>,
        %select_n3A_282 = arith.select %and3A, %gather3A, %get3A_281 : vector<16xi1>, vector<16xf32>
        %mul3A_283 = arith.constant 16 : i32
        %mul3A_284 = arith.muli %while3A_261, %mul3A_283 : i32
        %swap3A_285 = arith.index_cast %mul3A_284 : i32 to index
        %swap3A_286 = tpu.vector_load %arg12[%swap3A_285] {strides = array<i32>} : memref<512xf32, #tpu.memory_space<vmem>>, vector<16xf32>,
        tpu.vector_store %arg12[%swap3A_285], %select_n3A_282 {strides = array<i32>} : memref<512xf32, #tpu.memory_space<vmem>>, vector<16xf32>,
        %mul3A_287 = arith.constant 16 : i32
        %mul3A_288 = arith.muli %while3A_261, %mul3A_287 : i32
        %get3A_289 = arith.constant 0 : i32
        %get3A_290 = arith.index_cast %get3A_289 : i32 to index
        %get3A_291 = arith.index_cast %mul3A_288 : i32 to index
        %get3A_292 = tpu.vector_load %arg8[%get3A_290, %get3A_291] {strides = array<i32>} : memref<4x512xi32, #tpu.memory_space<vmem>>, vector<16xi32>,
        %ge3A_293 = arith.constant 448 : i32
        %ge3A_294 = vector.broadcast %ge3A_293 : i32 to vector<16xi32>
        %ge3A_295 = arith.cmpi sge, %get3A_292, %ge3A_294 : vector<16xi32>
        %lt3A_296 = arith.constant 560 : i32
        %lt3A_297 = vector.broadcast %lt3A_296 : i32 to vector<16xi32>
        %lt3A_298 = arith.cmpi slt, %get3A_292, %lt3A_297 : vector<16xi32>
        %and3A_299 = arith.andi %ge3A_295, %lt3A_298 : vector<16xi1>
        %sub3A_300 = arith.constant 448 : i32
        %sub3A_301 = vector.broadcast %sub3A_300 : i32 to vector<16xi32>
        %sub3A_302 = arith.subi %get3A_292, %sub3A_301 : vector<16xi32>
        %jit3A_303 = arith.constant 0 : i32
        %broadcast_in_dim3A_304 = vector.broadcast %jit3A_303 : i32 to vector<16xi32>
        %select_n3A_305 = arith.select %and3A_299, %sub3A_302, %broadcast_in_dim3A_304 : vector<16xi1>, vector<16xi32>
        %gather3A_306 = tpu.vector_load_idx %arg10[%select_n3A_305, %add3A_265] : memref<112x512xf32, #tpu.memory_space<vmem>>[vector<16xi32>, vector<16xi32>], vector<16xf32>,
        %mul3A_307 = arith.constant 16 : i32
        %mul3A_308 = arith.muli %while3A_261, %mul3A_307 : i32
        %get3A_309 = arith.constant 0 : i32
        %get3A_310 = arith.index_cast %get3A_309 : i32 to index
        %get3A_311 = arith.index_cast %mul3A_308 : i32 to index
        %get3A_312 = tpu.vector_load %arg13[%get3A_310, %get3A_311] {strides = array<i32>} : memref<4x512xf32, #tpu.memory_space<vmem>>, vector<16xf32>,
        %select_n3A_313 = arith.select %and3A_299, %gather3A_306, %get3A_312 : vector<16xi1>, vector<16xf32>
        %mul3A_314 = arith.constant 16 : i32
        %mul3A_315 = arith.muli %while3A_261, %mul3A_314 : i32
        %swap3A_316 = arith.constant 0 : i32
        %swap3A_317 = arith.index_cast %swap3A_316 : i32 to index
        %swap3A_318 = arith.index_cast %mul3A_315 : i32 to index
        %swap3A_319 = tpu.vector_load %arg13[%swap3A_317, %swap3A_318] {strides = array<i32>} : memref<4x512xf32, #tpu.memory_space<vmem>>, vector<16xf32>,
        tpu.vector_store %arg13[%swap3A_317, %swap3A_318], %select_n3A_313 {strides = array<i32>} : memref<4x512xf32, #tpu.memory_space<vmem>>, vector<16xf32>,
        %mul3A_320 = arith.constant 16 : i32
        %mul3A_321 = arith.muli %while3A_261, %mul3A_320 : i32
        %get3A_322 = arith.constant 1 : i32
        %get3A_323 = arith.index_cast %get3A_322 : i32 to index
        %get3A_324 = arith.index_cast %mul3A_321 : i32 to index
        %get3A_325 = tpu.vector_load %arg8[%get3A_323, %get3A_324] {strides = array<i32>} : memref<4x512xi32, #tpu.memory_space<vmem>>, vector<16xi32>,
        %ge3A_326 = arith.constant 448 : i32
        %ge3A_327 = vector.broadcast %ge3A_326 : i32 to vector<16xi32>
        %ge3A_328 = arith.cmpi sge, %get3A_325, %ge3A_327 : vector<16xi32>
        %lt3A_329 = arith.constant 560 : i32
        %lt3A_330 = vector.broadcast %lt3A_329 : i32 to vector<16xi32>
        %lt3A_331 = arith.cmpi slt, %get3A_325, %lt3A_330 : vector<16xi32>
        %and3A_332 = arith.andi %ge3A_328, %lt3A_331 : vector<16xi1>
        %sub3A_333 = arith.constant 448 : i32
        %sub3A_334 = vector.broadcast %sub3A_333 : i32 to vector<16xi32>
        %sub3A_335 = arith.subi %get3A_325, %sub3A_334 : vector<16xi32>
        %jit3A_336 = arith.constant 0 : i32
        %broadcast_in_dim3A_337 = vector.broadcast %jit3A_336 : i32 to vector<16xi32>
        %select_n3A_338 = arith.select %and3A_332, %sub3A_335, %broadcast_in_dim3A_337 : vector<16xi1>, vector<16xi32>
        %gather3A_339 = tpu.vector_load_idx %arg10[%select_n3A_338, %add3A_265] : memref<112x512xf32, #tpu.memory_space<vmem>>[vector<16xi32>, vector<16xi32>], vector<16xf32>,
        %mul3A_340 = arith.constant 16 : i32
        %mul3A_341 = arith.muli %while3A_261, %mul3A_340 : i32
        %get3A_342 = arith.constant 1 : i32
        %get3A_343 = arith.index_cast %get3A_342 : i32 to index
        %get3A_344 = arith.index_cast %mul3A_341 : i32 to index
        %get3A_345 = tpu.vector_load %arg13[%get3A_343, %get3A_344] {strides = array<i32>} : memref<4x512xf32, #tpu.memory_space<vmem>>, vector<16xf32>,
        %select_n3A_346 = arith.select %and3A_332, %gather3A_339, %get3A_345 : vector<16xi1>, vector<16xf32>
        %mul3A_347 = arith.constant 16 : i32
        %mul3A_348 = arith.muli %while3A_261, %mul3A_347 : i32
        %swap3A_349 = arith.constant 1 : i32
        %swap3A_350 = arith.index_cast %swap3A_349 : i32 to index
        %swap3A_351 = arith.index_cast %mul3A_348 : i32 to index
        %swap3A_352 = tpu.vector_load %arg13[%swap3A_350, %swap3A_351] {strides = array<i32>} : memref<4x512xf32, #tpu.memory_space<vmem>>, vector<16xf32>,
        tpu.vector_store %arg13[%swap3A_350, %swap3A_351], %select_n3A_346 {strides = array<i32>} : memref<4x512xf32, #tpu.memory_space<vmem>>, vector<16xf32>,
        %mul3A_353 = arith.constant 16 : i32
        %mul3A_354 = arith.muli %while3A_261, %mul3A_353 : i32
        %get3A_355 = arith.constant 2 : i32
        %get3A_356 = arith.index_cast %get3A_355 : i32 to index
        %get3A_357 = arith.index_cast %mul3A_354 : i32 to index
        %get3A_358 = tpu.vector_load %arg8[%get3A_356, %get3A_357] {strides = array<i32>} : memref<4x512xi32, #tpu.memory_space<vmem>>, vector<16xi32>,
        %ge3A_359 = arith.constant 448 : i32
        %ge3A_360 = vector.broadcast %ge3A_359 : i32 to vector<16xi32>
        %ge3A_361 = arith.cmpi sge, %get3A_358, %ge3A_360 : vector<16xi32>
        %lt3A_362 = arith.constant 560 : i32
        %lt3A_363 = vector.broadcast %lt3A_362 : i32 to vector<16xi32>
        %lt3A_364 = arith.cmpi slt, %get3A_358, %lt3A_363 : vector<16xi32>
        %and3A_365 = arith.andi %ge3A_361, %lt3A_364 : vector<16xi1>
        %sub3A_366 = arith.constant 448 : i32
        %sub3A_367 = vector.broadcast %sub3A_366 : i32 to vector<16xi32>
        %sub3A_368 = arith.subi %get3A_358, %sub3A_367 : vector<16xi32>
        %jit3A_369 = arith.constant 0 : i32
        %broadcast_in_dim3A_370 = vector.broadcast %jit3A_369 : i32 to vector<16xi32>
        %select_n3A_371 = arith.select %and3A_365, %sub3A_368, %broadcast_in_dim3A_370 : vector<16xi1>, vector<16xi32>
        %gather3A_372 = tpu.vector_load_idx %arg10[%select_n3A_371, %add3A_265] : memref<112x512xf32, #tpu.memory_space<vmem>>[vector<16xi32>, vector<16xi32>], vector<16xf32>,
        %mul3A_373 = arith.constant 16 : i32
        %mul3A_374 = arith.muli %while3A_261, %mul3A_373 : i32
        %get3A_375 = arith.constant 2 : i32
        %get3A_376 = arith.index_cast %get3A_375 : i32 to index
        %get3A_377 = arith.index_cast %mul3A_374 : i32 to index
        %get3A_378 = tpu.vector_load %arg13[%get3A_376, %get3A_377] {strides = array<i32>} : memref<4x512xf32, #tpu.memory_space<vmem>>, vector<16xf32>,
        %select_n3A_379 = arith.select %and3A_365, %gather3A_372, %get3A_378 : vector<16xi1>, vector<16xf32>
        %mul3A_380 = arith.constant 16 : i32
        %mul3A_381 = arith.muli %while3A_261, %mul3A_380 : i32
        %swap3A_382 = arith.constant 2 : i32
        %swap3A_383 = arith.index_cast %swap3A_382 : i32 to index
        %swap3A_384 = arith.index_cast %mul3A_381 : i32 to index
        %swap3A_385 = tpu.vector_load %arg13[%swap3A_383, %swap3A_384] {strides = array<i32>} : memref<4x512xf32, #tpu.memory_space<vmem>>, vector<16xf32>,
        tpu.vector_store %arg13[%swap3A_383, %swap3A_384], %select_n3A_379 {strides = array<i32>} : memref<4x512xf32, #tpu.memory_space<vmem>>, vector<16xf32>,
        %mul3A_386 = arith.constant 16 : i32
        %mul3A_387 = arith.muli %while3A_261, %mul3A_386 : i32
        %get3A_388 = arith.constant 3 : i32
        %get3A_389 = arith.index_cast %get3A_388 : i32 to index
        %get3A_390 = arith.index_cast %mul3A_387 : i32 to index
        %get3A_391 = tpu.vector_load %arg8[%get3A_389, %get3A_390] {strides = array<i32>} : memref<4x512xi32, #tpu.memory_space<vmem>>, vector<16xi32>,
        %ge3A_392 = arith.constant 448 : i32
        %ge3A_393 = vector.broadcast %ge3A_392 : i32 to vector<16xi32>
        %ge3A_394 = arith.cmpi sge, %get3A_391, %ge3A_393 : vector<16xi32>
        %lt3A_395 = arith.constant 560 : i32
        %lt3A_396 = vector.broadcast %lt3A_395 : i32 to vector<16xi32>
        %lt3A_397 = arith.cmpi slt, %get3A_391, %lt3A_396 : vector<16xi32>
        %and3A_398 = arith.andi %ge3A_394, %lt3A_397 : vector<16xi1>
        %sub3A_399 = arith.constant 448 : i32
        %sub3A_400 = vector.broadcast %sub3A_399 : i32 to vector<16xi32>
        %sub3A_401 = arith.subi %get3A_391, %sub3A_400 : vector<16xi32>
        %jit3A_402 = arith.constant 0 : i32
        %broadcast_in_dim3A_403 = vector.broadcast %jit3A_402 : i32 to vector<16xi32>
        %select_n3A_404 = arith.select %and3A_398, %sub3A_401, %broadcast_in_dim3A_403 : vector<16xi1>, vector<16xi32>
        %gather3A_405 = tpu.vector_load_idx %arg10[%select_n3A_404, %add3A_265] : memref<112x512xf32, #tpu.memory_space<vmem>>[vector<16xi32>, vector<16xi32>], vector<16xf32>,
        %mul3A_406 = arith.constant 16 : i32
        %mul3A_407 = arith.muli %while3A_261, %mul3A_406 : i32
        %get3A_408 = arith.constant 3 : i32
        %get3A_409 = arith.index_cast %get3A_408 : i32 to index
        %get3A_410 = arith.index_cast %mul3A_407 : i32 to index
        %get3A_411 = tpu.vector_load %arg13[%get3A_409, %get3A_410] {strides = array<i32>} : memref<4x512xf32, #tpu.memory_space<vmem>>, vector<16xf32>,
        %select_n3A_412 = arith.select %and3A_398, %gather3A_405, %get3A_411 : vector<16xi1>, vector<16xf32>
        %mul3A_413 = arith.constant 16 : i32
        %mul3A_414 = arith.muli %while3A_261, %mul3A_413 : i32
        %swap3A_415 = arith.constant 3 : i32
        %swap3A_416 = arith.index_cast %swap3A_415 : i32 to index
        %swap3A_417 = arith.index_cast %mul3A_414 : i32 to index
        %swap3A_418 = tpu.vector_load %arg13[%swap3A_416, %swap3A_417] {strides = array<i32>} : memref<4x512xf32, #tpu.memory_space<vmem>>, vector<16xf32>,
        tpu.vector_store %arg13[%swap3A_416, %swap3A_417], %select_n3A_412 {strides = array<i32>} : memref<4x512xf32, #tpu.memory_space<vmem>>, vector<16xf32>,
      }
      %mul3A_179 = arith.constant 1000 : i32
      %mul3A_180 = arith.muli %div3A_1, %mul3A_179 : i32
      %add3A_181 = arith.constant 672 : i32
      %add3A_182 = arith.addi %mul3A_180, %add3A_181 : i32
      %dma_start3A_183 = tpu.memref_slice %arg2[%add3A_182, %mul3A_4] : memref<8000x2048xf32, #tpu.memory_space<hbm>> -> memref<112x512xf32, #tpu.memory_space<hbm>>
      %dma_start3A_184 = tpu.memref_slice %arg2[%add3A_182, %mul3A_4] : memref<8000x2048xf32, #tpu.memory_space<hbm>> -> memref<112x512xf32, #tpu.memory_space<hbm>>
      tpu.enqueue_dma source(%dma_start3A_184 : memref<112x512xf32, #tpu.memory_space<hbm>>) target(%arg10 : memref<112x512xf32, #tpu.memory_space<vmem>>) target_semaphore(%arg15 : memref<!tpu.dma_semaphore, #tpu.memory_space<semaphore_mem>>)
      %mul3A_185 = arith.constant 1000 : i32
      %mul3A_186 = arith.muli %div3A_1, %mul3A_185 : i32
      %add3A_187 = arith.constant 560 : i32
      %add3A_188 = arith.addi %mul3A_186, %add3A_187 : i32
      %dma_wait3A_189 = tpu.memref_slice %arg2[%add3A_188, %mul3A_4] : memref<8000x2048xf32, #tpu.memory_space<hbm>> -> memref<112x512xf32, #tpu.memory_space<hbm>>
      %dma_wait3A_190 = tpu.memref_slice %arg2[%add3A_188, %mul3A_4] : memref<8000x2048xf32, #tpu.memory_space<hbm>> -> memref<112x512xf32, #tpu.memory_space<hbm>>
      tpu.wait_dma2 semaphore(%arg15 : memref<!tpu.dma_semaphore, #tpu.memory_space<semaphore_mem>>) src(%dma_wait3A_190 : memref<112x512xf32, #tpu.memory_space<hbm>>) dst(%arg11 : memref<112x512xf32, #tpu.memory_space<vmem>>)
      %while3A_191 = arith.constant 0 : i32
      %while3A_192 = arith.constant 0 : i32
      %while3A_193 = arith.subi %add3A_43, %while3A_192 : i32
      %while3A_194 = arith.addi %while3A_192, %while3A_193 : i32
      %while3A_195 = arith.constant 1 : i32
      %while3A_196 = arith.divsi %while3A_193, %while3A_195 : i32
      %while3A_197 = arith.muli %while3A_196, %while3A_195 : i32
      %while3A_198 = arith.addi %while3A_192, %while3A_197 : i32
      %while3A_199 = arith.constant 1 : i32
      scf.for %while3A_261 = %while3A_192 to %while3A_198 step %while3A_199  : i32 {
        %mul3A_262 = arith.constant 16 : i32
        %mul3A_263 = arith.muli %while3A_261, %mul3A_262 : i32
        %add3A_264 = vector.broadcast %mul3A_263 : i32 to vector<16xi32>
        %add3A_265 = arith.addi %add3A_264, %iota3A : vector<16xi32>
        %mul3A_266 = arith.constant 16 : i32
        %mul3A_267 = arith.muli %while3A_261, %mul3A_266 : i32
        %get3A_268 = arith.index_cast %mul3A_267 : i32 to index
        %get3A_269 = tpu.vector_load %arg7[%get3A_268] {strides = array<i32>} : memref<512xi32, #tpu.memory_space<vmem>>, vector<16xi32>,
        %ge3A = arith.constant 560 : i32
        %ge3A_270 = vector.broadcast %ge3A : i32 to vector<16xi32>
        %ge3A_271 = arith.cmpi sge, %get3A_269, %ge3A_270 : vector<16xi32>
        %lt3A_272 = arith.constant 672 : i32
        %lt3A_273 = vector.broadcast %lt3A_272 : i32 to vector<16xi32>
        %lt3A_274 = arith.cmpi slt, %get3A_269, %lt3A_273 : vector<16xi32>
        %and3A = arith.andi %ge3A_271, %lt3A_274 : vector<16xi1>
        %sub3A = arith.constant 560 : i32
        %sub3A_275 = vector.broadcast %sub3A : i32 to vector<16xi32>
        %sub3A_276 = arith.subi %get3A_269, %sub3A_275 : vector<16xi32>
        %jit3A = arith.constant 0 : i32
        %broadcast_in_dim3A_277 = vector.broadcast %jit3A : i32 to vector<16xi32>
        %select_n3A = arith.select %and3A, %sub3A_276, %broadcast_in_dim3A_277 : vector<16xi1>, vector<16xi32>
        %gather3A = tpu.vector_load_idx %arg11[%select_n3A, %add3A_265] : memref<112x512xf32, #tpu.memory_space<vmem>>[vector<16xi32>, vector<16xi32>], vector<16xf32>,
        %mul3A_278 = arith.constant 16 : i32
        %mul3A_279 = arith.muli %while3A_261, %mul3A_278 : i32
        %get3A_280 = arith.index_cast %mul3A_279 : i32 to index
        %get3A_281 = tpu.vector_load %arg12[%get3A_280] {strides = array<i32>} : memref<512xf32, #tpu.memory_space<vmem>>, vector<16xf32>,
        %select_n3A_282 = arith.select %and3A, %gather3A, %get3A_281 : vector<16xi1>, vector<16xf32>
        %mul3A_283 = arith.constant 16 : i32
        %mul3A_284 = arith.muli %while3A_261, %mul3A_283 : i32
        %swap3A_285 = arith.index_cast %mul3A_284 : i32 to index
        %swap3A_286 = tpu.vector_load %arg12[%swap3A_285] {strides = array<i32>} : memref<512xf32, #tpu.memory_space<vmem>>, vector<16xf32>,
        tpu.vector_store %arg12[%swap3A_285], %select_n3A_282 {strides = array<i32>} : memref<512xf32, #tpu.memory_space<vmem>>, vector<16xf32>,
        %mul3A_287 = arith.constant 16 : i32
        %mul3A_288 = arith.muli %while3A_261, %mul3A_287 : i32
        %get3A_289 = arith.constant 0 : i32
        %get3A_290 = arith.index_cast %get3A_289 : i32 to index
        %get3A_291 = arith.index_cast %mul3A_288 : i32 to index
        %get3A_292 = tpu.vector_load %arg8[%get3A_290, %get3A_291] {strides = array<i32>} : memref<4x512xi32, #tpu.memory_space<vmem>>, vector<16xi32>,
        %ge3A_293 = arith.constant 560 : i32
        %ge3A_294 = vector.broadcast %ge3A_293 : i32 to vector<16xi32>
        %ge3A_295 = arith.cmpi sge, %get3A_292, %ge3A_294 : vector<16xi32>
        %lt3A_296 = arith.constant 672 : i32
        %lt3A_297 = vector.broadcast %lt3A_296 : i32 to vector<16xi32>
        %lt3A_298 = arith.cmpi slt, %get3A_292, %lt3A_297 : vector<16xi32>
        %and3A_299 = arith.andi %ge3A_295, %lt3A_298 : vector<16xi1>
        %sub3A_300 = arith.constant 560 : i32
        %sub3A_301 = vector.broadcast %sub3A_300 : i32 to vector<16xi32>
        %sub3A_302 = arith.subi %get3A_292, %sub3A_301 : vector<16xi32>
        %jit3A_303 = arith.constant 0 : i32
        %broadcast_in_dim3A_304 = vector.broadcast %jit3A_303 : i32 to vector<16xi32>
        %select_n3A_305 = arith.select %and3A_299, %sub3A_302, %broadcast_in_dim3A_304 : vector<16xi1>, vector<16xi32>
        %gather3A_306 = tpu.vector_load_idx %arg11[%select_n3A_305, %add3A_265] : memref<112x512xf32, #tpu.memory_space<vmem>>[vector<16xi32>, vector<16xi32>], vector<16xf32>,
        %mul3A_307 = arith.constant 16 : i32
        %mul3A_308 = arith.muli %while3A_261, %mul3A_307 : i32
        %get3A_309 = arith.constant 0 : i32
        %get3A_310 = arith.index_cast %get3A_309 : i32 to index
        %get3A_311 = arith.index_cast %mul3A_308 : i32 to index
        %get3A_312 = tpu.vector_load %arg13[%get3A_310, %get3A_311] {strides = array<i32>} : memref<4x512xf32, #tpu.memory_space<vmem>>, vector<16xf32>,
        %select_n3A_313 = arith.select %and3A_299, %gather3A_306, %get3A_312 : vector<16xi1>, vector<16xf32>
        %mul3A_314 = arith.constant 16 : i32
        %mul3A_315 = arith.muli %while3A_261, %mul3A_314 : i32
        %swap3A_316 = arith.constant 0 : i32
        %swap3A_317 = arith.index_cast %swap3A_316 : i32 to index
        %swap3A_318 = arith.index_cast %mul3A_315 : i32 to index
        %swap3A_319 = tpu.vector_load %arg13[%swap3A_317, %swap3A_318] {strides = array<i32>} : memref<4x512xf32, #tpu.memory_space<vmem>>, vector<16xf32>,
        tpu.vector_store %arg13[%swap3A_317, %swap3A_318], %select_n3A_313 {strides = array<i32>} : memref<4x512xf32, #tpu.memory_space<vmem>>, vector<16xf32>,
        %mul3A_320 = arith.constant 16 : i32
        %mul3A_321 = arith.muli %while3A_261, %mul3A_320 : i32
        %get3A_322 = arith.constant 1 : i32
        %get3A_323 = arith.index_cast %get3A_322 : i32 to index
        %get3A_324 = arith.index_cast %mul3A_321 : i32 to index
        %get3A_325 = tpu.vector_load %arg8[%get3A_323, %get3A_324] {strides = array<i32>} : memref<4x512xi32, #tpu.memory_space<vmem>>, vector<16xi32>,
        %ge3A_326 = arith.constant 560 : i32
        %ge3A_327 = vector.broadcast %ge3A_326 : i32 to vector<16xi32>
        %ge3A_328 = arith.cmpi sge, %get3A_325, %ge3A_327 : vector<16xi32>
        %lt3A_329 = arith.constant 672 : i32
        %lt3A_330 = vector.broadcast %lt3A_329 : i32 to vector<16xi32>
        %lt3A_331 = arith.cmpi slt, %get3A_325, %lt3A_330 : vector<16xi32>
        %and3A_332 = arith.andi %ge3A_328, %lt3A_331 : vector<16xi1>
        %sub3A_333 = arith.constant 560 : i32
        %sub3A_334 = vector.broadcast %sub3A_333 : i32 to vector<16xi32>
        %sub3A_335 = arith.subi %get3A_325, %sub3A_334 : vector<16xi32>
        %jit3A_336 = arith.constant 0 : i32
        %broadcast_in_dim3A_337 = vector.broadcast %jit3A_336 : i32 to vector<16xi32>
        %select_n3A_338 = arith.select %and3A_332, %sub3A_335, %broadcast_in_dim3A_337 : vector<16xi1>, vector<16xi32>
        %gather3A_339 = tpu.vector_load_idx %arg11[%select_n3A_338, %add3A_265] : memref<112x512xf32, #tpu.memory_space<vmem>>[vector<16xi32>, vector<16xi32>], vector<16xf32>,
        %mul3A_340 = arith.constant 16 : i32
        %mul3A_341 = arith.muli %while3A_261, %mul3A_340 : i32
        %get3A_342 = arith.constant 1 : i32
        %get3A_343 = arith.index_cast %get3A_342 : i32 to index
        %get3A_344 = arith.index_cast %mul3A_341 : i32 to index
        %get3A_345 = tpu.vector_load %arg13[%get3A_343, %get3A_344] {strides = array<i32>} : memref<4x512xf32, #tpu.memory_space<vmem>>, vector<16xf32>,
        %select_n3A_346 = arith.select %and3A_332, %gather3A_339, %get3A_345 : vector<16xi1>, vector<16xf32>
        %mul3A_347 = arith.constant 16 : i32
        %mul3A_348 = arith.muli %while3A_261, %mul3A_347 : i32
        %swap3A_349 = arith.constant 1 : i32
        %swap3A_350 = arith.index_cast %swap3A_349 : i32 to index
        %swap3A_351 = arith.index_cast %mul3A_348 : i32 to index
        %swap3A_352 = tpu.vector_load %arg13[%swap3A_350, %swap3A_351] {strides = array<i32>} : memref<4x512xf32, #tpu.memory_space<vmem>>, vector<16xf32>,
        tpu.vector_store %arg13[%swap3A_350, %swap3A_351], %select_n3A_346 {strides = array<i32>} : memref<4x512xf32, #tpu.memory_space<vmem>>, vector<16xf32>,
        %mul3A_353 = arith.constant 16 : i32
        %mul3A_354 = arith.muli %while3A_261, %mul3A_353 : i32
        %get3A_355 = arith.constant 2 : i32
        %get3A_356 = arith.index_cast %get3A_355 : i32 to index
        %get3A_357 = arith.index_cast %mul3A_354 : i32 to index
        %get3A_358 = tpu.vector_load %arg8[%get3A_356, %get3A_357] {strides = array<i32>} : memref<4x512xi32, #tpu.memory_space<vmem>>, vector<16xi32>,
        %ge3A_359 = arith.constant 560 : i32
        %ge3A_360 = vector.broadcast %ge3A_359 : i32 to vector<16xi32>
        %ge3A_361 = arith.cmpi sge, %get3A_358, %ge3A_360 : vector<16xi32>
        %lt3A_362 = arith.constant 672 : i32
        %lt3A_363 = vector.broadcast %lt3A_362 : i32 to vector<16xi32>
        %lt3A_364 = arith.cmpi slt, %get3A_358, %lt3A_363 : vector<16xi32>
        %and3A_365 = arith.andi %ge3A_361, %lt3A_364 : vector<16xi1>
        %sub3A_366 = arith.constant 560 : i32
        %sub3A_367 = vector.broadcast %sub3A_366 : i32 to vector<16xi32>
        %sub3A_368 = arith.subi %get3A_358, %sub3A_367 : vector<16xi32>
        %jit3A_369 = arith.constant 0 : i32
        %broadcast_in_dim3A_370 = vector.broadcast %jit3A_369 : i32 to vector<16xi32>
        %select_n3A_371 = arith.select %and3A_365, %sub3A_368, %broadcast_in_dim3A_370 : vector<16xi1>, vector<16xi32>
        %gather3A_372 = tpu.vector_load_idx %arg11[%select_n3A_371, %add3A_265] : memref<112x512xf32, #tpu.memory_space<vmem>>[vector<16xi32>, vector<16xi32>], vector<16xf32>,
        %mul3A_373 = arith.constant 16 : i32
        %mul3A_374 = arith.muli %while3A_261, %mul3A_373 : i32
        %get3A_375 = arith.constant 2 : i32
        %get3A_376 = arith.index_cast %get3A_375 : i32 to index
        %get3A_377 = arith.index_cast %mul3A_374 : i32 to index
        %get3A_378 = tpu.vector_load %arg13[%get3A_376, %get3A_377] {strides = array<i32>} : memref<4x512xf32, #tpu.memory_space<vmem>>, vector<16xf32>,
        %select_n3A_379 = arith.select %and3A_365, %gather3A_372, %get3A_378 : vector<16xi1>, vector<16xf32>
        %mul3A_380 = arith.constant 16 : i32
        %mul3A_381 = arith.muli %while3A_261, %mul3A_380 : i32
        %swap3A_382 = arith.constant 2 : i32
        %swap3A_383 = arith.index_cast %swap3A_382 : i32 to index
        %swap3A_384 = arith.index_cast %mul3A_381 : i32 to index
        %swap3A_385 = tpu.vector_load %arg13[%swap3A_383, %swap3A_384] {strides = array<i32>} : memref<4x512xf32, #tpu.memory_space<vmem>>, vector<16xf32>,
        tpu.vector_store %arg13[%swap3A_383, %swap3A_384], %select_n3A_379 {strides = array<i32>} : memref<4x512xf32, #tpu.memory_space<vmem>>, vector<16xf32>,
        %mul3A_386 = arith.constant 16 : i32
        %mul3A_387 = arith.muli %while3A_261, %mul3A_386 : i32
        %get3A_388 = arith.constant 3 : i32
        %get3A_389 = arith.index_cast %get3A_388 : i32 to index
        %get3A_390 = arith.index_cast %mul3A_387 : i32 to index
        %get3A_391 = tpu.vector_load %arg8[%get3A_389, %get3A_390] {strides = array<i32>} : memref<4x512xi32, #tpu.memory_space<vmem>>, vector<16xi32>,
        %ge3A_392 = arith.constant 560 : i32
        %ge3A_393 = vector.broadcast %ge3A_392 : i32 to vector<16xi32>
        %ge3A_394 = arith.cmpi sge, %get3A_391, %ge3A_393 : vector<16xi32>
        %lt3A_395 = arith.constant 672 : i32
        %lt3A_396 = vector.broadcast %lt3A_395 : i32 to vector<16xi32>
        %lt3A_397 = arith.cmpi slt, %get3A_391, %lt3A_396 : vector<16xi32>
        %and3A_398 = arith.andi %ge3A_394, %lt3A_397 : vector<16xi1>
        %sub3A_399 = arith.constant 560 : i32
        %sub3A_400 = vector.broadcast %sub3A_399 : i32 to vector<16xi32>
        %sub3A_401 = arith.subi %get3A_391, %sub3A_400 : vector<16xi32>
        %jit3A_402 = arith.constant 0 : i32
        %broadcast_in_dim3A_403 = vector.broadcast %jit3A_402 : i32 to vector<16xi32>
        %select_n3A_404 = arith.select %and3A_398, %sub3A_401, %broadcast_in_dim3A_403 : vector<16xi1>, vector<16xi32>
        %gather3A_405 = tpu.vector_load_idx %arg11[%select_n3A_404, %add3A_265] : memref<112x512xf32, #tpu.memory_space<vmem>>[vector<16xi32>, vector<16xi32>], vector<16xf32>,
        %mul3A_406 = arith.constant 16 : i32
        %mul3A_407 = arith.muli %while3A_261, %mul3A_406 : i32
        %get3A_408 = arith.constant 3 : i32
        %get3A_409 = arith.index_cast %get3A_408 : i32 to index
        %get3A_410 = arith.index_cast %mul3A_407 : i32 to index
        %get3A_411 = tpu.vector_load %arg13[%get3A_409, %get3A_410] {strides = array<i32>} : memref<4x512xf32, #tpu.memory_space<vmem>>, vector<16xf32>,
        %select_n3A_412 = arith.select %and3A_398, %gather3A_405, %get3A_411 : vector<16xi1>, vector<16xf32>
        %mul3A_413 = arith.constant 16 : i32
        %mul3A_414 = arith.muli %while3A_261, %mul3A_413 : i32
        %swap3A_415 = arith.constant 3 : i32
        %swap3A_416 = arith.index_cast %swap3A_415 : i32 to index
        %swap3A_417 = arith.index_cast %mul3A_414 : i32 to index
        %swap3A_418 = tpu.vector_load %arg13[%swap3A_416, %swap3A_417] {strides = array<i32>} : memref<4x512xf32, #tpu.memory_space<vmem>>, vector<16xf32>,
        tpu.vector_store %arg13[%swap3A_416, %swap3A_417], %select_n3A_412 {strides = array<i32>} : memref<4x512xf32, #tpu.memory_space<vmem>>, vector<16xf32>,
      }
      %while3A_200 = arith.constant 1 : i32
      scf.for %while3A_261 = %while3A_198 to %while3A_194 step %while3A_200  : i32 {
        %mul3A_262 = arith.constant 16 : i32
        %mul3A_263 = arith.muli %while3A_261, %mul3A_262 : i32
        %add3A_264 = vector.broadcast %mul3A_263 : i32 to vector<16xi32>
        %add3A_265 = arith.addi %add3A_264, %iota3A : vector<16xi32>
        %mul3A_266 = arith.constant 16 : i32
        %mul3A_267 = arith.muli %while3A_261, %mul3A_266 : i32
        %get3A_268 = arith.index_cast %mul3A_267 : i32 to index
        %get3A_269 = tpu.vector_load %arg7[%get3A_268] {strides = array<i32>} : memref<512xi32, #tpu.memory_space<vmem>>, vector<16xi32>,
        %ge3A = arith.constant 560 : i32
        %ge3A_270 = vector.broadcast %ge3A : i32 to vector<16xi32>
        %ge3A_271 = arith.cmpi sge, %get3A_269, %ge3A_270 : vector<16xi32>
        %lt3A_272 = arith.constant 672 : i32
        %lt3A_273 = vector.broadcast %lt3A_272 : i32 to vector<16xi32>
        %lt3A_274 = arith.cmpi slt, %get3A_269, %lt3A_273 : vector<16xi32>
        %and3A = arith.andi %ge3A_271, %lt3A_274 : vector<16xi1>
        %sub3A = arith.constant 560 : i32
        %sub3A_275 = vector.broadcast %sub3A : i32 to vector<16xi32>
        %sub3A_276 = arith.subi %get3A_269, %sub3A_275 : vector<16xi32>
        %jit3A = arith.constant 0 : i32
        %broadcast_in_dim3A_277 = vector.broadcast %jit3A : i32 to vector<16xi32>
        %select_n3A = arith.select %and3A, %sub3A_276, %broadcast_in_dim3A_277 : vector<16xi1>, vector<16xi32>
        %gather3A = tpu.vector_load_idx %arg11[%select_n3A, %add3A_265] : memref<112x512xf32, #tpu.memory_space<vmem>>[vector<16xi32>, vector<16xi32>], vector<16xf32>,
        %mul3A_278 = arith.constant 16 : i32
        %mul3A_279 = arith.muli %while3A_261, %mul3A_278 : i32
        %get3A_280 = arith.index_cast %mul3A_279 : i32 to index
        %get3A_281 = tpu.vector_load %arg12[%get3A_280] {strides = array<i32>} : memref<512xf32, #tpu.memory_space<vmem>>, vector<16xf32>,
        %select_n3A_282 = arith.select %and3A, %gather3A, %get3A_281 : vector<16xi1>, vector<16xf32>
        %mul3A_283 = arith.constant 16 : i32
        %mul3A_284 = arith.muli %while3A_261, %mul3A_283 : i32
        %swap3A_285 = arith.index_cast %mul3A_284 : i32 to index
        %swap3A_286 = tpu.vector_load %arg12[%swap3A_285] {strides = array<i32>} : memref<512xf32, #tpu.memory_space<vmem>>, vector<16xf32>,
        tpu.vector_store %arg12[%swap3A_285], %select_n3A_282 {strides = array<i32>} : memref<512xf32, #tpu.memory_space<vmem>>, vector<16xf32>,
        %mul3A_287 = arith.constant 16 : i32
        %mul3A_288 = arith.muli %while3A_261, %mul3A_287 : i32
        %get3A_289 = arith.constant 0 : i32
        %get3A_290 = arith.index_cast %get3A_289 : i32 to index
        %get3A_291 = arith.index_cast %mul3A_288 : i32 to index
        %get3A_292 = tpu.vector_load %arg8[%get3A_290, %get3A_291] {strides = array<i32>} : memref<4x512xi32, #tpu.memory_space<vmem>>, vector<16xi32>,
        %ge3A_293 = arith.constant 560 : i32
        %ge3A_294 = vector.broadcast %ge3A_293 : i32 to vector<16xi32>
        %ge3A_295 = arith.cmpi sge, %get3A_292, %ge3A_294 : vector<16xi32>
        %lt3A_296 = arith.constant 672 : i32
        %lt3A_297 = vector.broadcast %lt3A_296 : i32 to vector<16xi32>
        %lt3A_298 = arith.cmpi slt, %get3A_292, %lt3A_297 : vector<16xi32>
        %and3A_299 = arith.andi %ge3A_295, %lt3A_298 : vector<16xi1>
        %sub3A_300 = arith.constant 560 : i32
        %sub3A_301 = vector.broadcast %sub3A_300 : i32 to vector<16xi32>
        %sub3A_302 = arith.subi %get3A_292, %sub3A_301 : vector<16xi32>
        %jit3A_303 = arith.constant 0 : i32
        %broadcast_in_dim3A_304 = vector.broadcast %jit3A_303 : i32 to vector<16xi32>
        %select_n3A_305 = arith.select %and3A_299, %sub3A_302, %broadcast_in_dim3A_304 : vector<16xi1>, vector<16xi32>
        %gather3A_306 = tpu.vector_load_idx %arg11[%select_n3A_305, %add3A_265] : memref<112x512xf32, #tpu.memory_space<vmem>>[vector<16xi32>, vector<16xi32>], vector<16xf32>,
        %mul3A_307 = arith.constant 16 : i32
        %mul3A_308 = arith.muli %while3A_261, %mul3A_307 : i32
        %get3A_309 = arith.constant 0 : i32
        %get3A_310 = arith.index_cast %get3A_309 : i32 to index
        %get3A_311 = arith.index_cast %mul3A_308 : i32 to index
        %get3A_312 = tpu.vector_load %arg13[%get3A_310, %get3A_311] {strides = array<i32>} : memref<4x512xf32, #tpu.memory_space<vmem>>, vector<16xf32>,
        %select_n3A_313 = arith.select %and3A_299, %gather3A_306, %get3A_312 : vector<16xi1>, vector<16xf32>
        %mul3A_314 = arith.constant 16 : i32
        %mul3A_315 = arith.muli %while3A_261, %mul3A_314 : i32
        %swap3A_316 = arith.constant 0 : i32
        %swap3A_317 = arith.index_cast %swap3A_316 : i32 to index
        %swap3A_318 = arith.index_cast %mul3A_315 : i32 to index
        %swap3A_319 = tpu.vector_load %arg13[%swap3A_317, %swap3A_318] {strides = array<i32>} : memref<4x512xf32, #tpu.memory_space<vmem>>, vector<16xf32>,
        tpu.vector_store %arg13[%swap3A_317, %swap3A_318], %select_n3A_313 {strides = array<i32>} : memref<4x512xf32, #tpu.memory_space<vmem>>, vector<16xf32>,
        %mul3A_320 = arith.constant 16 : i32
        %mul3A_321 = arith.muli %while3A_261, %mul3A_320 : i32
        %get3A_322 = arith.constant 1 : i32
        %get3A_323 = arith.index_cast %get3A_322 : i32 to index
        %get3A_324 = arith.index_cast %mul3A_321 : i32 to index
        %get3A_325 = tpu.vector_load %arg8[%get3A_323, %get3A_324] {strides = array<i32>} : memref<4x512xi32, #tpu.memory_space<vmem>>, vector<16xi32>,
        %ge3A_326 = arith.constant 560 : i32
        %ge3A_327 = vector.broadcast %ge3A_326 : i32 to vector<16xi32>
        %ge3A_328 = arith.cmpi sge, %get3A_325, %ge3A_327 : vector<16xi32>
        %lt3A_329 = arith.constant 672 : i32
        %lt3A_330 = vector.broadcast %lt3A_329 : i32 to vector<16xi32>
        %lt3A_331 = arith.cmpi slt, %get3A_325, %lt3A_330 : vector<16xi32>
        %and3A_332 = arith.andi %ge3A_328, %lt3A_331 : vector<16xi1>
        %sub3A_333 = arith.constant 560 : i32
        %sub3A_334 = vector.broadcast %sub3A_333 : i32 to vector<16xi32>
        %sub3A_335 = arith.subi %get3A_325, %sub3A_334 : vector<16xi32>
        %jit3A_336 = arith.constant 0 : i32
        %broadcast_in_dim3A_337 = vector.broadcast %jit3A_336 : i32 to vector<16xi32>
        %select_n3A_338 = arith.select %and3A_332, %sub3A_335, %broadcast_in_dim3A_337 : vector<16xi1>, vector<16xi32>
        %gather3A_339 = tpu.vector_load_idx %arg11[%select_n3A_338, %add3A_265] : memref<112x512xf32, #tpu.memory_space<vmem>>[vector<16xi32>, vector<16xi32>], vector<16xf32>,
        %mul3A_340 = arith.constant 16 : i32
        %mul3A_341 = arith.muli %while3A_261, %mul3A_340 : i32
        %get3A_342 = arith.constant 1 : i32
        %get3A_343 = arith.index_cast %get3A_342 : i32 to index
        %get3A_344 = arith.index_cast %mul3A_341 : i32 to index
        %get3A_345 = tpu.vector_load %arg13[%get3A_343, %get3A_344] {strides = array<i32>} : memref<4x512xf32, #tpu.memory_space<vmem>>, vector<16xf32>,
        %select_n3A_346 = arith.select %and3A_332, %gather3A_339, %get3A_345 : vector<16xi1>, vector<16xf32>
        %mul3A_347 = arith.constant 16 : i32
        %mul3A_348 = arith.muli %while3A_261, %mul3A_347 : i32
        %swap3A_349 = arith.constant 1 : i32
        %swap3A_350 = arith.index_cast %swap3A_349 : i32 to index
        %swap3A_351 = arith.index_cast %mul3A_348 : i32 to index
        %swap3A_352 = tpu.vector_load %arg13[%swap3A_350, %swap3A_351] {strides = array<i32>} : memref<4x512xf32, #tpu.memory_space<vmem>>, vector<16xf32>,
        tpu.vector_store %arg13[%swap3A_350, %swap3A_351], %select_n3A_346 {strides = array<i32>} : memref<4x512xf32, #tpu.memory_space<vmem>>, vector<16xf32>,
        %mul3A_353 = arith.constant 16 : i32
        %mul3A_354 = arith.muli %while3A_261, %mul3A_353 : i32
        %get3A_355 = arith.constant 2 : i32
        %get3A_356 = arith.index_cast %get3A_355 : i32 to index
        %get3A_357 = arith.index_cast %mul3A_354 : i32 to index
        %get3A_358 = tpu.vector_load %arg8[%get3A_356, %get3A_357] {strides = array<i32>} : memref<4x512xi32, #tpu.memory_space<vmem>>, vector<16xi32>,
        %ge3A_359 = arith.constant 560 : i32
        %ge3A_360 = vector.broadcast %ge3A_359 : i32 to vector<16xi32>
        %ge3A_361 = arith.cmpi sge, %get3A_358, %ge3A_360 : vector<16xi32>
        %lt3A_362 = arith.constant 672 : i32
        %lt3A_363 = vector.broadcast %lt3A_362 : i32 to vector<16xi32>
        %lt3A_364 = arith.cmpi slt, %get3A_358, %lt3A_363 : vector<16xi32>
        %and3A_365 = arith.andi %ge3A_361, %lt3A_364 : vector<16xi1>
        %sub3A_366 = arith.constant 560 : i32
        %sub3A_367 = vector.broadcast %sub3A_366 : i32 to vector<16xi32>
        %sub3A_368 = arith.subi %get3A_358, %sub3A_367 : vector<16xi32>
        %jit3A_369 = arith.constant 0 : i32
        %broadcast_in_dim3A_370 = vector.broadcast %jit3A_369 : i32 to vector<16xi32>
        %select_n3A_371 = arith.select %and3A_365, %sub3A_368, %broadcast_in_dim3A_370 : vector<16xi1>, vector<16xi32>
        %gather3A_372 = tpu.vector_load_idx %arg11[%select_n3A_371, %add3A_265] : memref<112x512xf32, #tpu.memory_space<vmem>>[vector<16xi32>, vector<16xi32>], vector<16xf32>,
        %mul3A_373 = arith.constant 16 : i32
        %mul3A_374 = arith.muli %while3A_261, %mul3A_373 : i32
        %get3A_375 = arith.constant 2 : i32
        %get3A_376 = arith.index_cast %get3A_375 : i32 to index
        %get3A_377 = arith.index_cast %mul3A_374 : i32 to index
        %get3A_378 = tpu.vector_load %arg13[%get3A_376, %get3A_377] {strides = array<i32>} : memref<4x512xf32, #tpu.memory_space<vmem>>, vector<16xf32>,
        %select_n3A_379 = arith.select %and3A_365, %gather3A_372, %get3A_378 : vector<16xi1>, vector<16xf32>
        %mul3A_380 = arith.constant 16 : i32
        %mul3A_381 = arith.muli %while3A_261, %mul3A_380 : i32
        %swap3A_382 = arith.constant 2 : i32
        %swap3A_383 = arith.index_cast %swap3A_382 : i32 to index
        %swap3A_384 = arith.index_cast %mul3A_381 : i32 to index
        %swap3A_385 = tpu.vector_load %arg13[%swap3A_383, %swap3A_384] {strides = array<i32>} : memref<4x512xf32, #tpu.memory_space<vmem>>, vector<16xf32>,
        tpu.vector_store %arg13[%swap3A_383, %swap3A_384], %select_n3A_379 {strides = array<i32>} : memref<4x512xf32, #tpu.memory_space<vmem>>, vector<16xf32>,
        %mul3A_386 = arith.constant 16 : i32
        %mul3A_387 = arith.muli %while3A_261, %mul3A_386 : i32
        %get3A_388 = arith.constant 3 : i32
        %get3A_389 = arith.index_cast %get3A_388 : i32 to index
        %get3A_390 = arith.index_cast %mul3A_387 : i32 to index
        %get3A_391 = tpu.vector_load %arg8[%get3A_389, %get3A_390] {strides = array<i32>} : memref<4x512xi32, #tpu.memory_space<vmem>>, vector<16xi32>,
        %ge3A_392 = arith.constant 560 : i32
        %ge3A_393 = vector.broadcast %ge3A_392 : i32 to vector<16xi32>
        %ge3A_394 = arith.cmpi sge, %get3A_391, %ge3A_393 : vector<16xi32>
        %lt3A_395 = arith.constant 672 : i32
        %lt3A_396 = vector.broadcast %lt3A_395 : i32 to vector<16xi32>
        %lt3A_397 = arith.cmpi slt, %get3A_391, %lt3A_396 : vector<16xi32>
        %and3A_398 = arith.andi %ge3A_394, %lt3A_397 : vector<16xi1>
        %sub3A_399 = arith.constant 560 : i32
        %sub3A_400 = vector.broadcast %sub3A_399 : i32 to vector<16xi32>
        %sub3A_401 = arith.subi %get3A_391, %sub3A_400 : vector<16xi32>
        %jit3A_402 = arith.constant 0 : i32
        %broadcast_in_dim3A_403 = vector.broadcast %jit3A_402 : i32 to vector<16xi32>
        %select_n3A_404 = arith.select %and3A_398, %sub3A_401, %broadcast_in_dim3A_403 : vector<16xi1>, vector<16xi32>
        %gather3A_405 = tpu.vector_load_idx %arg11[%select_n3A_404, %add3A_265] : memref<112x512xf32, #tpu.memory_space<vmem>>[vector<16xi32>, vector<16xi32>], vector<16xf32>,
        %mul3A_406 = arith.constant 16 : i32
        %mul3A_407 = arith.muli %while3A_261, %mul3A_406 : i32
        %get3A_408 = arith.constant 3 : i32
        %get3A_409 = arith.index_cast %get3A_408 : i32 to index
        %get3A_410 = arith.index_cast %mul3A_407 : i32 to index
        %get3A_411 = tpu.vector_load %arg13[%get3A_409, %get3A_410] {strides = array<i32>} : memref<4x512xf32, #tpu.memory_space<vmem>>, vector<16xf32>,
        %select_n3A_412 = arith.select %and3A_398, %gather3A_405, %get3A_411 : vector<16xi1>, vector<16xf32>
        %mul3A_413 = arith.constant 16 : i32
        %mul3A_414 = arith.muli %while3A_261, %mul3A_413 : i32
        %swap3A_415 = arith.constant 3 : i32
        %swap3A_416 = arith.index_cast %swap3A_415 : i32 to index
        %swap3A_417 = arith.index_cast %mul3A_414 : i32 to index
        %swap3A_418 = tpu.vector_load %arg13[%swap3A_416, %swap3A_417] {strides = array<i32>} : memref<4x512xf32, #tpu.memory_space<vmem>>, vector<16xf32>,
        tpu.vector_store %arg13[%swap3A_416, %swap3A_417], %select_n3A_412 {strides = array<i32>} : memref<4x512xf32, #tpu.memory_space<vmem>>, vector<16xf32>,
      }
      %mul3A_201 = arith.constant 1000 : i32
      %mul3A_202 = arith.muli %div3A_1, %mul3A_201 : i32
      %add3A_203 = arith.constant 784 : i32
      %add3A_204 = arith.addi %mul3A_202, %add3A_203 : i32
      %dma_start3A_205 = tpu.memref_slice %arg2[%add3A_204, %mul3A_4] : memref<8000x2048xf32, #tpu.memory_space<hbm>> -> memref<112x512xf32, #tpu.memory_space<hbm>>
      %dma_start3A_206 = tpu.memref_slice %arg2[%add3A_204, %mul3A_4] : memref<8000x2048xf32, #tpu.memory_space<hbm>> -> memref<112x512xf32, #tpu.memory_space<hbm>>
      tpu.enqueue_dma source(%dma_start3A_206 : memref<112x512xf32, #tpu.memory_space<hbm>>) target(%arg11 : memref<112x512xf32, #tpu.memory_space<vmem>>) target_semaphore(%arg15 : memref<!tpu.dma_semaphore, #tpu.memory_space<semaphore_mem>>)
      %mul3A_207 = arith.constant 1000 : i32
      %mul3A_208 = arith.muli %div3A_1, %mul3A_207 : i32
      %add3A_209 = arith.constant 672 : i32
      %add3A_210 = arith.addi %mul3A_208, %add3A_209 : i32
      %dma_wait3A_211 = tpu.memref_slice %arg2[%add3A_210, %mul3A_4] : memref<8000x2048xf32, #tpu.memory_space<hbm>> -> memref<112x512xf32, #tpu.memory_space<hbm>>
      %dma_wait3A_212 = tpu.memref_slice %arg2[%add3A_210, %mul3A_4] : memref<8000x2048xf32, #tpu.memory_space<hbm>> -> memref<112x512xf32, #tpu.memory_space<hbm>>
      tpu.wait_dma2 semaphore(%arg15 : memref<!tpu.dma_semaphore, #tpu.memory_space<semaphore_mem>>) src(%dma_wait3A_212 : memref<112x512xf32, #tpu.memory_space<hbm>>) dst(%arg10 : memref<112x512xf32, #tpu.memory_space<vmem>>)
      %while3A_213 = arith.constant 0 : i32
      %while3A_214 = arith.constant 0 : i32
      %while3A_215 = arith.subi %add3A_43, %while3A_214 : i32
      %while3A_216 = arith.addi %while3A_214, %while3A_215 : i32
      %while3A_217 = arith.constant 1 : i32
      %while3A_218 = arith.divsi %while3A_215, %while3A_217 : i32
      %while3A_219 = arith.muli %while3A_218, %while3A_217 : i32
      %while3A_220 = arith.addi %while3A_214, %while3A_219 : i32
      %while3A_221 = arith.constant 1 : i32
      scf.for %while3A_261 = %while3A_214 to %while3A_220 step %while3A_221  : i32 {
        %mul3A_262 = arith.constant 16 : i32
        %mul3A_263 = arith.muli %while3A_261, %mul3A_262 : i32
        %add3A_264 = vector.broadcast %mul3A_263 : i32 to vector<16xi32>
        %add3A_265 = arith.addi %add3A_264, %iota3A : vector<16xi32>
        %mul3A_266 = arith.constant 16 : i32
        %mul3A_267 = arith.muli %while3A_261, %mul3A_266 : i32
        %get3A_268 = arith.index_cast %mul3A_267 : i32 to index
        %get3A_269 = tpu.vector_load %arg7[%get3A_268] {strides = array<i32>} : memref<512xi32, #tpu.memory_space<vmem>>, vector<16xi32>,
        %ge3A = arith.constant 672 : i32
        %ge3A_270 = vector.broadcast %ge3A : i32 to vector<16xi32>
        %ge3A_271 = arith.cmpi sge, %get3A_269, %ge3A_270 : vector<16xi32>
        %lt3A_272 = arith.constant 784 : i32
        %lt3A_273 = vector.broadcast %lt3A_272 : i32 to vector<16xi32>
        %lt3A_274 = arith.cmpi slt, %get3A_269, %lt3A_273 : vector<16xi32>
        %and3A = arith.andi %ge3A_271, %lt3A_274 : vector<16xi1>
        %sub3A = arith.constant 672 : i32
        %sub3A_275 = vector.broadcast %sub3A : i32 to vector<16xi32>
        %sub3A_276 = arith.subi %get3A_269, %sub3A_275 : vector<16xi32>
        %jit3A = arith.constant 0 : i32
        %broadcast_in_dim3A_277 = vector.broadcast %jit3A : i32 to vector<16xi32>
        %select_n3A = arith.select %and3A, %sub3A_276, %broadcast_in_dim3A_277 : vector<16xi1>, vector<16xi32>
        %gather3A = tpu.vector_load_idx %arg10[%select_n3A, %add3A_265] : memref<112x512xf32, #tpu.memory_space<vmem>>[vector<16xi32>, vector<16xi32>], vector<16xf32>,
        %mul3A_278 = arith.constant 16 : i32
        %mul3A_279 = arith.muli %while3A_261, %mul3A_278 : i32
        %get3A_280 = arith.index_cast %mul3A_279 : i32 to index
        %get3A_281 = tpu.vector_load %arg12[%get3A_280] {strides = array<i32>} : memref<512xf32, #tpu.memory_space<vmem>>, vector<16xf32>,
        %select_n3A_282 = arith.select %and3A, %gather3A, %get3A_281 : vector<16xi1>, vector<16xf32>
        %mul3A_283 = arith.constant 16 : i32
        %mul3A_284 = arith.muli %while3A_261, %mul3A_283 : i32
        %swap3A_285 = arith.index_cast %mul3A_284 : i32 to index
        %swap3A_286 = tpu.vector_load %arg12[%swap3A_285] {strides = array<i32>} : memref<512xf32, #tpu.memory_space<vmem>>, vector<16xf32>,
        tpu.vector_store %arg12[%swap3A_285], %select_n3A_282 {strides = array<i32>} : memref<512xf32, #tpu.memory_space<vmem>>, vector<16xf32>,
        %mul3A_287 = arith.constant 16 : i32
        %mul3A_288 = arith.muli %while3A_261, %mul3A_287 : i32
        %get3A_289 = arith.constant 0 : i32
        %get3A_290 = arith.index_cast %get3A_289 : i32 to index
        %get3A_291 = arith.index_cast %mul3A_288 : i32 to index
        %get3A_292 = tpu.vector_load %arg8[%get3A_290, %get3A_291] {strides = array<i32>} : memref<4x512xi32, #tpu.memory_space<vmem>>, vector<16xi32>,
        %ge3A_293 = arith.constant 672 : i32
        %ge3A_294 = vector.broadcast %ge3A_293 : i32 to vector<16xi32>
        %ge3A_295 = arith.cmpi sge, %get3A_292, %ge3A_294 : vector<16xi32>
        %lt3A_296 = arith.constant 784 : i32
        %lt3A_297 = vector.broadcast %lt3A_296 : i32 to vector<16xi32>
        %lt3A_298 = arith.cmpi slt, %get3A_292, %lt3A_297 : vector<16xi32>
        %and3A_299 = arith.andi %ge3A_295, %lt3A_298 : vector<16xi1>
        %sub3A_300 = arith.constant 672 : i32
        %sub3A_301 = vector.broadcast %sub3A_300 : i32 to vector<16xi32>
        %sub3A_302 = arith.subi %get3A_292, %sub3A_301 : vector<16xi32>
        %jit3A_303 = arith.constant 0 : i32
        %broadcast_in_dim3A_304 = vector.broadcast %jit3A_303 : i32 to vector<16xi32>
        %select_n3A_305 = arith.select %and3A_299, %sub3A_302, %broadcast_in_dim3A_304 : vector<16xi1>, vector<16xi32>
        %gather3A_306 = tpu.vector_load_idx %arg10[%select_n3A_305, %add3A_265] : memref<112x512xf32, #tpu.memory_space<vmem>>[vector<16xi32>, vector<16xi32>], vector<16xf32>,
        %mul3A_307 = arith.constant 16 : i32
        %mul3A_308 = arith.muli %while3A_261, %mul3A_307 : i32
        %get3A_309 = arith.constant 0 : i32
        %get3A_310 = arith.index_cast %get3A_309 : i32 to index
        %get3A_311 = arith.index_cast %mul3A_308 : i32 to index
        %get3A_312 = tpu.vector_load %arg13[%get3A_310, %get3A_311] {strides = array<i32>} : memref<4x512xf32, #tpu.memory_space<vmem>>, vector<16xf32>,
        %select_n3A_313 = arith.select %and3A_299, %gather3A_306, %get3A_312 : vector<16xi1>, vector<16xf32>
        %mul3A_314 = arith.constant 16 : i32
        %mul3A_315 = arith.muli %while3A_261, %mul3A_314 : i32
        %swap3A_316 = arith.constant 0 : i32
        %swap3A_317 = arith.index_cast %swap3A_316 : i32 to index
        %swap3A_318 = arith.index_cast %mul3A_315 : i32 to index
        %swap3A_319 = tpu.vector_load %arg13[%swap3A_317, %swap3A_318] {strides = array<i32>} : memref<4x512xf32, #tpu.memory_space<vmem>>, vector<16xf32>,
        tpu.vector_store %arg13[%swap3A_317, %swap3A_318], %select_n3A_313 {strides = array<i32>} : memref<4x512xf32, #tpu.memory_space<vmem>>, vector<16xf32>,
        %mul3A_320 = arith.constant 16 : i32
        %mul3A_321 = arith.muli %while3A_261, %mul3A_320 : i32
        %get3A_322 = arith.constant 1 : i32
        %get3A_323 = arith.index_cast %get3A_322 : i32 to index
        %get3A_324 = arith.index_cast %mul3A_321 : i32 to index
        %get3A_325 = tpu.vector_load %arg8[%get3A_323, %get3A_324] {strides = array<i32>} : memref<4x512xi32, #tpu.memory_space<vmem>>, vector<16xi32>,
        %ge3A_326 = arith.constant 672 : i32
        %ge3A_327 = vector.broadcast %ge3A_326 : i32 to vector<16xi32>
        %ge3A_328 = arith.cmpi sge, %get3A_325, %ge3A_327 : vector<16xi32>
        %lt3A_329 = arith.constant 784 : i32
        %lt3A_330 = vector.broadcast %lt3A_329 : i32 to vector<16xi32>
        %lt3A_331 = arith.cmpi slt, %get3A_325, %lt3A_330 : vector<16xi32>
        %and3A_332 = arith.andi %ge3A_328, %lt3A_331 : vector<16xi1>
        %sub3A_333 = arith.constant 672 : i32
        %sub3A_334 = vector.broadcast %sub3A_333 : i32 to vector<16xi32>
        %sub3A_335 = arith.subi %get3A_325, %sub3A_334 : vector<16xi32>
        %jit3A_336 = arith.constant 0 : i32
        %broadcast_in_dim3A_337 = vector.broadcast %jit3A_336 : i32 to vector<16xi32>
        %select_n3A_338 = arith.select %and3A_332, %sub3A_335, %broadcast_in_dim3A_337 : vector<16xi1>, vector<16xi32>
        %gather3A_339 = tpu.vector_load_idx %arg10[%select_n3A_338, %add3A_265] : memref<112x512xf32, #tpu.memory_space<vmem>>[vector<16xi32>, vector<16xi32>], vector<16xf32>,
        %mul3A_340 = arith.constant 16 : i32
        %mul3A_341 = arith.muli %while3A_261, %mul3A_340 : i32
        %get3A_342 = arith.constant 1 : i32
        %get3A_343 = arith.index_cast %get3A_342 : i32 to index
        %get3A_344 = arith.index_cast %mul3A_341 : i32 to index
        %get3A_345 = tpu.vector_load %arg13[%get3A_343, %get3A_344] {strides = array<i32>} : memref<4x512xf32, #tpu.memory_space<vmem>>, vector<16xf32>,
        %select_n3A_346 = arith.select %and3A_332, %gather3A_339, %get3A_345 : vector<16xi1>, vector<16xf32>
        %mul3A_347 = arith.constant 16 : i32
        %mul3A_348 = arith.muli %while3A_261, %mul3A_347 : i32
        %swap3A_349 = arith.constant 1 : i32
        %swap3A_350 = arith.index_cast %swap3A_349 : i32 to index
        %swap3A_351 = arith.index_cast %mul3A_348 : i32 to index
        %swap3A_352 = tpu.vector_load %arg13[%swap3A_350, %swap3A_351] {strides = array<i32>} : memref<4x512xf32, #tpu.memory_space<vmem>>, vector<16xf32>,
        tpu.vector_store %arg13[%swap3A_350, %swap3A_351], %select_n3A_346 {strides = array<i32>} : memref<4x512xf32, #tpu.memory_space<vmem>>, vector<16xf32>,
        %mul3A_353 = arith.constant 16 : i32
        %mul3A_354 = arith.muli %while3A_261, %mul3A_353 : i32
        %get3A_355 = arith.constant 2 : i32
        %get3A_356 = arith.index_cast %get3A_355 : i32 to index
        %get3A_357 = arith.index_cast %mul3A_354 : i32 to index
        %get3A_358 = tpu.vector_load %arg8[%get3A_356, %get3A_357] {strides = array<i32>} : memref<4x512xi32, #tpu.memory_space<vmem>>, vector<16xi32>,
        %ge3A_359 = arith.constant 672 : i32
        %ge3A_360 = vector.broadcast %ge3A_359 : i32 to vector<16xi32>
        %ge3A_361 = arith.cmpi sge, %get3A_358, %ge3A_360 : vector<16xi32>
        %lt3A_362 = arith.constant 784 : i32
        %lt3A_363 = vector.broadcast %lt3A_362 : i32 to vector<16xi32>
        %lt3A_364 = arith.cmpi slt, %get3A_358, %lt3A_363 : vector<16xi32>
        %and3A_365 = arith.andi %ge3A_361, %lt3A_364 : vector<16xi1>
        %sub3A_366 = arith.constant 672 : i32
        %sub3A_367 = vector.broadcast %sub3A_366 : i32 to vector<16xi32>
        %sub3A_368 = arith.subi %get3A_358, %sub3A_367 : vector<16xi32>
        %jit3A_369 = arith.constant 0 : i32
        %broadcast_in_dim3A_370 = vector.broadcast %jit3A_369 : i32 to vector<16xi32>
        %select_n3A_371 = arith.select %and3A_365, %sub3A_368, %broadcast_in_dim3A_370 : vector<16xi1>, vector<16xi32>
        %gather3A_372 = tpu.vector_load_idx %arg10[%select_n3A_371, %add3A_265] : memref<112x512xf32, #tpu.memory_space<vmem>>[vector<16xi32>, vector<16xi32>], vector<16xf32>,
        %mul3A_373 = arith.constant 16 : i32
        %mul3A_374 = arith.muli %while3A_261, %mul3A_373 : i32
        %get3A_375 = arith.constant 2 : i32
        %get3A_376 = arith.index_cast %get3A_375 : i32 to index
        %get3A_377 = arith.index_cast %mul3A_374 : i32 to index
        %get3A_378 = tpu.vector_load %arg13[%get3A_376, %get3A_377] {strides = array<i32>} : memref<4x512xf32, #tpu.memory_space<vmem>>, vector<16xf32>,
        %select_n3A_379 = arith.select %and3A_365, %gather3A_372, %get3A_378 : vector<16xi1>, vector<16xf32>
        %mul3A_380 = arith.constant 16 : i32
        %mul3A_381 = arith.muli %while3A_261, %mul3A_380 : i32
        %swap3A_382 = arith.constant 2 : i32
        %swap3A_383 = arith.index_cast %swap3A_382 : i32 to index
        %swap3A_384 = arith.index_cast %mul3A_381 : i32 to index
        %swap3A_385 = tpu.vector_load %arg13[%swap3A_383, %swap3A_384] {strides = array<i32>} : memref<4x512xf32, #tpu.memory_space<vmem>>, vector<16xf32>,
        tpu.vector_store %arg13[%swap3A_383, %swap3A_384], %select_n3A_379 {strides = array<i32>} : memref<4x512xf32, #tpu.memory_space<vmem>>, vector<16xf32>,
        %mul3A_386 = arith.constant 16 : i32
        %mul3A_387 = arith.muli %while3A_261, %mul3A_386 : i32
        %get3A_388 = arith.constant 3 : i32
        %get3A_389 = arith.index_cast %get3A_388 : i32 to index
        %get3A_390 = arith.index_cast %mul3A_387 : i32 to index
        %get3A_391 = tpu.vector_load %arg8[%get3A_389, %get3A_390] {strides = array<i32>} : memref<4x512xi32, #tpu.memory_space<vmem>>, vector<16xi32>,
        %ge3A_392 = arith.constant 672 : i32
        %ge3A_393 = vector.broadcast %ge3A_392 : i32 to vector<16xi32>
        %ge3A_394 = arith.cmpi sge, %get3A_391, %ge3A_393 : vector<16xi32>
        %lt3A_395 = arith.constant 784 : i32
        %lt3A_396 = vector.broadcast %lt3A_395 : i32 to vector<16xi32>
        %lt3A_397 = arith.cmpi slt, %get3A_391, %lt3A_396 : vector<16xi32>
        %and3A_398 = arith.andi %ge3A_394, %lt3A_397 : vector<16xi1>
        %sub3A_399 = arith.constant 672 : i32
        %sub3A_400 = vector.broadcast %sub3A_399 : i32 to vector<16xi32>
        %sub3A_401 = arith.subi %get3A_391, %sub3A_400 : vector<16xi32>
        %jit3A_402 = arith.constant 0 : i32
        %broadcast_in_dim3A_403 = vector.broadcast %jit3A_402 : i32 to vector<16xi32>
        %select_n3A_404 = arith.select %and3A_398, %sub3A_401, %broadcast_in_dim3A_403 : vector<16xi1>, vector<16xi32>
        %gather3A_405 = tpu.vector_load_idx %arg10[%select_n3A_404, %add3A_265] : memref<112x512xf32, #tpu.memory_space<vmem>>[vector<16xi32>, vector<16xi32>], vector<16xf32>,
        %mul3A_406 = arith.constant 16 : i32
        %mul3A_407 = arith.muli %while3A_261, %mul3A_406 : i32
        %get3A_408 = arith.constant 3 : i32
        %get3A_409 = arith.index_cast %get3A_408 : i32 to index
        %get3A_410 = arith.index_cast %mul3A_407 : i32 to index
        %get3A_411 = tpu.vector_load %arg13[%get3A_409, %get3A_410] {strides = array<i32>} : memref<4x512xf32, #tpu.memory_space<vmem>>, vector<16xf32>,
        %select_n3A_412 = arith.select %and3A_398, %gather3A_405, %get3A_411 : vector<16xi1>, vector<16xf32>
        %mul3A_413 = arith.constant 16 : i32
        %mul3A_414 = arith.muli %while3A_261, %mul3A_413 : i32
        %swap3A_415 = arith.constant 3 : i32
        %swap3A_416 = arith.index_cast %swap3A_415 : i32 to index
        %swap3A_417 = arith.index_cast %mul3A_414 : i32 to index
        %swap3A_418 = tpu.vector_load %arg13[%swap3A_416, %swap3A_417] {strides = array<i32>} : memref<4x512xf32, #tpu.memory_space<vmem>>, vector<16xf32>,
        tpu.vector_store %arg13[%swap3A_416, %swap3A_417], %select_n3A_412 {strides = array<i32>} : memref<4x512xf32, #tpu.memory_space<vmem>>, vector<16xf32>,
      }
      %while3A_222 = arith.constant 1 : i32
      scf.for %while3A_261 = %while3A_220 to %while3A_216 step %while3A_222  : i32 {
        %mul3A_262 = arith.constant 16 : i32
        %mul3A_263 = arith.muli %while3A_261, %mul3A_262 : i32
        %add3A_264 = vector.broadcast %mul3A_263 : i32 to vector<16xi32>
        %add3A_265 = arith.addi %add3A_264, %iota3A : vector<16xi32>
        %mul3A_266 = arith.constant 16 : i32
        %mul3A_267 = arith.muli %while3A_261, %mul3A_266 : i32
        %get3A_268 = arith.index_cast %mul3A_267 : i32 to index
        %get3A_269 = tpu.vector_load %arg7[%get3A_268] {strides = array<i32>} : memref<512xi32, #tpu.memory_space<vmem>>, vector<16xi32>,
        %ge3A = arith.constant 672 : i32
        %ge3A_270 = vector.broadcast %ge3A : i32 to vector<16xi32>
        %ge3A_271 = arith.cmpi sge, %get3A_269, %ge3A_270 : vector<16xi32>
        %lt3A_272 = arith.constant 784 : i32
        %lt3A_273 = vector.broadcast %lt3A_272 : i32 to vector<16xi32>
        %lt3A_274 = arith.cmpi slt, %get3A_269, %lt3A_273 : vector<16xi32>
        %and3A = arith.andi %ge3A_271, %lt3A_274 : vector<16xi1>
        %sub3A = arith.constant 672 : i32
        %sub3A_275 = vector.broadcast %sub3A : i32 to vector<16xi32>
        %sub3A_276 = arith.subi %get3A_269, %sub3A_275 : vector<16xi32>
        %jit3A = arith.constant 0 : i32
        %broadcast_in_dim3A_277 = vector.broadcast %jit3A : i32 to vector<16xi32>
        %select_n3A = arith.select %and3A, %sub3A_276, %broadcast_in_dim3A_277 : vector<16xi1>, vector<16xi32>
        %gather3A = tpu.vector_load_idx %arg10[%select_n3A, %add3A_265] : memref<112x512xf32, #tpu.memory_space<vmem>>[vector<16xi32>, vector<16xi32>], vector<16xf32>,
        %mul3A_278 = arith.constant 16 : i32
        %mul3A_279 = arith.muli %while3A_261, %mul3A_278 : i32
        %get3A_280 = arith.index_cast %mul3A_279 : i32 to index
        %get3A_281 = tpu.vector_load %arg12[%get3A_280] {strides = array<i32>} : memref<512xf32, #tpu.memory_space<vmem>>, vector<16xf32>,
        %select_n3A_282 = arith.select %and3A, %gather3A, %get3A_281 : vector<16xi1>, vector<16xf32>
        %mul3A_283 = arith.constant 16 : i32
        %mul3A_284 = arith.muli %while3A_261, %mul3A_283 : i32
        %swap3A_285 = arith.index_cast %mul3A_284 : i32 to index
        %swap3A_286 = tpu.vector_load %arg12[%swap3A_285] {strides = array<i32>} : memref<512xf32, #tpu.memory_space<vmem>>, vector<16xf32>,
        tpu.vector_store %arg12[%swap3A_285], %select_n3A_282 {strides = array<i32>} : memref<512xf32, #tpu.memory_space<vmem>>, vector<16xf32>,
        %mul3A_287 = arith.constant 16 : i32
        %mul3A_288 = arith.muli %while3A_261, %mul3A_287 : i32
        %get3A_289 = arith.constant 0 : i32
        %get3A_290 = arith.index_cast %get3A_289 : i32 to index
        %get3A_291 = arith.index_cast %mul3A_288 : i32 to index
        %get3A_292 = tpu.vector_load %arg8[%get3A_290, %get3A_291] {strides = array<i32>} : memref<4x512xi32, #tpu.memory_space<vmem>>, vector<16xi32>,
        %ge3A_293 = arith.constant 672 : i32
        %ge3A_294 = vector.broadcast %ge3A_293 : i32 to vector<16xi32>
        %ge3A_295 = arith.cmpi sge, %get3A_292, %ge3A_294 : vector<16xi32>
        %lt3A_296 = arith.constant 784 : i32
        %lt3A_297 = vector.broadcast %lt3A_296 : i32 to vector<16xi32>
        %lt3A_298 = arith.cmpi slt, %get3A_292, %lt3A_297 : vector<16xi32>
        %and3A_299 = arith.andi %ge3A_295, %lt3A_298 : vector<16xi1>
        %sub3A_300 = arith.constant 672 : i32
        %sub3A_301 = vector.broadcast %sub3A_300 : i32 to vector<16xi32>
        %sub3A_302 = arith.subi %get3A_292, %sub3A_301 : vector<16xi32>
        %jit3A_303 = arith.constant 0 : i32
        %broadcast_in_dim3A_304 = vector.broadcast %jit3A_303 : i32 to vector<16xi32>
        %select_n3A_305 = arith.select %and3A_299, %sub3A_302, %broadcast_in_dim3A_304 : vector<16xi1>, vector<16xi32>
        %gather3A_306 = tpu.vector_load_idx %arg10[%select_n3A_305, %add3A_265] : memref<112x512xf32, #tpu.memory_space<vmem>>[vector<16xi32>, vector<16xi32>], vector<16xf32>,
        %mul3A_307 = arith.constant 16 : i32
        %mul3A_308 = arith.muli %while3A_261, %mul3A_307 : i32
        %get3A_309 = arith.constant 0 : i32
        %get3A_310 = arith.index_cast %get3A_309 : i32 to index
        %get3A_311 = arith.index_cast %mul3A_308 : i32 to index
        %get3A_312 = tpu.vector_load %arg13[%get3A_310, %get3A_311] {strides = array<i32>} : memref<4x512xf32, #tpu.memory_space<vmem>>, vector<16xf32>,
        %select_n3A_313 = arith.select %and3A_299, %gather3A_306, %get3A_312 : vector<16xi1>, vector<16xf32>
        %mul3A_314 = arith.constant 16 : i32
        %mul3A_315 = arith.muli %while3A_261, %mul3A_314 : i32
        %swap3A_316 = arith.constant 0 : i32
        %swap3A_317 = arith.index_cast %swap3A_316 : i32 to index
        %swap3A_318 = arith.index_cast %mul3A_315 : i32 to index
        %swap3A_319 = tpu.vector_load %arg13[%swap3A_317, %swap3A_318] {strides = array<i32>} : memref<4x512xf32, #tpu.memory_space<vmem>>, vector<16xf32>,
        tpu.vector_store %arg13[%swap3A_317, %swap3A_318], %select_n3A_313 {strides = array<i32>} : memref<4x512xf32, #tpu.memory_space<vmem>>, vector<16xf32>,
        %mul3A_320 = arith.constant 16 : i32
        %mul3A_321 = arith.muli %while3A_261, %mul3A_320 : i32
        %get3A_322 = arith.constant 1 : i32
        %get3A_323 = arith.index_cast %get3A_322 : i32 to index
        %get3A_324 = arith.index_cast %mul3A_321 : i32 to index
        %get3A_325 = tpu.vector_load %arg8[%get3A_323, %get3A_324] {strides = array<i32>} : memref<4x512xi32, #tpu.memory_space<vmem>>, vector<16xi32>,
        %ge3A_326 = arith.constant 672 : i32
        %ge3A_327 = vector.broadcast %ge3A_326 : i32 to vector<16xi32>
        %ge3A_328 = arith.cmpi sge, %get3A_325, %ge3A_327 : vector<16xi32>
        %lt3A_329 = arith.constant 784 : i32
        %lt3A_330 = vector.broadcast %lt3A_329 : i32 to vector<16xi32>
        %lt3A_331 = arith.cmpi slt, %get3A_325, %lt3A_330 : vector<16xi32>
        %and3A_332 = arith.andi %ge3A_328, %lt3A_331 : vector<16xi1>
        %sub3A_333 = arith.constant 672 : i32
        %sub3A_334 = vector.broadcast %sub3A_333 : i32 to vector<16xi32>
        %sub3A_335 = arith.subi %get3A_325, %sub3A_334 : vector<16xi32>
        %jit3A_336 = arith.constant 0 : i32
        %broadcast_in_dim3A_337 = vector.broadcast %jit3A_336 : i32 to vector<16xi32>
        %select_n3A_338 = arith.select %and3A_332, %sub3A_335, %broadcast_in_dim3A_337 : vector<16xi1>, vector<16xi32>
        %gather3A_339 = tpu.vector_load_idx %arg10[%select_n3A_338, %add3A_265] : memref<112x512xf32, #tpu.memory_space<vmem>>[vector<16xi32>, vector<16xi32>], vector<16xf32>,
        %mul3A_340 = arith.constant 16 : i32
        %mul3A_341 = arith.muli %while3A_261, %mul3A_340 : i32
        %get3A_342 = arith.constant 1 : i32
        %get3A_343 = arith.index_cast %get3A_342 : i32 to index
        %get3A_344 = arith.index_cast %mul3A_341 : i32 to index
        %get3A_345 = tpu.vector_load %arg13[%get3A_343, %get3A_344] {strides = array<i32>} : memref<4x512xf32, #tpu.memory_space<vmem>>, vector<16xf32>,
        %select_n3A_346 = arith.select %and3A_332, %gather3A_339, %get3A_345 : vector<16xi1>, vector<16xf32>
        %mul3A_347 = arith.constant 16 : i32
        %mul3A_348 = arith.muli %while3A_261, %mul3A_347 : i32
        %swap3A_349 = arith.constant 1 : i32
        %swap3A_350 = arith.index_cast %swap3A_349 : i32 to index
        %swap3A_351 = arith.index_cast %mul3A_348 : i32 to index
        %swap3A_352 = tpu.vector_load %arg13[%swap3A_350, %swap3A_351] {strides = array<i32>} : memref<4x512xf32, #tpu.memory_space<vmem>>, vector<16xf32>,
        tpu.vector_store %arg13[%swap3A_350, %swap3A_351], %select_n3A_346 {strides = array<i32>} : memref<4x512xf32, #tpu.memory_space<vmem>>, vector<16xf32>,
        %mul3A_353 = arith.constant 16 : i32
        %mul3A_354 = arith.muli %while3A_261, %mul3A_353 : i32
        %get3A_355 = arith.constant 2 : i32
        %get3A_356 = arith.index_cast %get3A_355 : i32 to index
        %get3A_357 = arith.index_cast %mul3A_354 : i32 to index
        %get3A_358 = tpu.vector_load %arg8[%get3A_356, %get3A_357] {strides = array<i32>} : memref<4x512xi32, #tpu.memory_space<vmem>>, vector<16xi32>,
        %ge3A_359 = arith.constant 672 : i32
        %ge3A_360 = vector.broadcast %ge3A_359 : i32 to vector<16xi32>
        %ge3A_361 = arith.cmpi sge, %get3A_358, %ge3A_360 : vector<16xi32>
        %lt3A_362 = arith.constant 784 : i32
        %lt3A_363 = vector.broadcast %lt3A_362 : i32 to vector<16xi32>
        %lt3A_364 = arith.cmpi slt, %get3A_358, %lt3A_363 : vector<16xi32>
        %and3A_365 = arith.andi %ge3A_361, %lt3A_364 : vector<16xi1>
        %sub3A_366 = arith.constant 672 : i32
        %sub3A_367 = vector.broadcast %sub3A_366 : i32 to vector<16xi32>
        %sub3A_368 = arith.subi %get3A_358, %sub3A_367 : vector<16xi32>
        %jit3A_369 = arith.constant 0 : i32
        %broadcast_in_dim3A_370 = vector.broadcast %jit3A_369 : i32 to vector<16xi32>
        %select_n3A_371 = arith.select %and3A_365, %sub3A_368, %broadcast_in_dim3A_370 : vector<16xi1>, vector<16xi32>
        %gather3A_372 = tpu.vector_load_idx %arg10[%select_n3A_371, %add3A_265] : memref<112x512xf32, #tpu.memory_space<vmem>>[vector<16xi32>, vector<16xi32>], vector<16xf32>,
        %mul3A_373 = arith.constant 16 : i32
        %mul3A_374 = arith.muli %while3A_261, %mul3A_373 : i32
        %get3A_375 = arith.constant 2 : i32
        %get3A_376 = arith.index_cast %get3A_375 : i32 to index
        %get3A_377 = arith.index_cast %mul3A_374 : i32 to index
        %get3A_378 = tpu.vector_load %arg13[%get3A_376, %get3A_377] {strides = array<i32>} : memref<4x512xf32, #tpu.memory_space<vmem>>, vector<16xf32>,
        %select_n3A_379 = arith.select %and3A_365, %gather3A_372, %get3A_378 : vector<16xi1>, vector<16xf32>
        %mul3A_380 = arith.constant 16 : i32
        %mul3A_381 = arith.muli %while3A_261, %mul3A_380 : i32
        %swap3A_382 = arith.constant 2 : i32
        %swap3A_383 = arith.index_cast %swap3A_382 : i32 to index
        %swap3A_384 = arith.index_cast %mul3A_381 : i32 to index
        %swap3A_385 = tpu.vector_load %arg13[%swap3A_383, %swap3A_384] {strides = array<i32>} : memref<4x512xf32, #tpu.memory_space<vmem>>, vector<16xf32>,
        tpu.vector_store %arg13[%swap3A_383, %swap3A_384], %select_n3A_379 {strides = array<i32>} : memref<4x512xf32, #tpu.memory_space<vmem>>, vector<16xf32>,
        %mul3A_386 = arith.constant 16 : i32
        %mul3A_387 = arith.muli %while3A_261, %mul3A_386 : i32
        %get3A_388 = arith.constant 3 : i32
        %get3A_389 = arith.index_cast %get3A_388 : i32 to index
        %get3A_390 = arith.index_cast %mul3A_387 : i32 to index
        %get3A_391 = tpu.vector_load %arg8[%get3A_389, %get3A_390] {strides = array<i32>} : memref<4x512xi32, #tpu.memory_space<vmem>>, vector<16xi32>,
        %ge3A_392 = arith.constant 672 : i32
        %ge3A_393 = vector.broadcast %ge3A_392 : i32 to vector<16xi32>
        %ge3A_394 = arith.cmpi sge, %get3A_391, %ge3A_393 : vector<16xi32>
        %lt3A_395 = arith.constant 784 : i32
        %lt3A_396 = vector.broadcast %lt3A_395 : i32 to vector<16xi32>
        %lt3A_397 = arith.cmpi slt, %get3A_391, %lt3A_396 : vector<16xi32>
        %and3A_398 = arith.andi %ge3A_394, %lt3A_397 : vector<16xi1>
        %sub3A_399 = arith.constant 672 : i32
        %sub3A_400 = vector.broadcast %sub3A_399 : i32 to vector<16xi32>
        %sub3A_401 = arith.subi %get3A_391, %sub3A_400 : vector<16xi32>
        %jit3A_402 = arith.constant 0 : i32
        %broadcast_in_dim3A_403 = vector.broadcast %jit3A_402 : i32 to vector<16xi32>
        %select_n3A_404 = arith.select %and3A_398, %sub3A_401, %broadcast_in_dim3A_403 : vector<16xi1>, vector<16xi32>
        %gather3A_405 = tpu.vector_load_idx %arg10[%select_n3A_404, %add3A_265] : memref<112x512xf32, #tpu.memory_space<vmem>>[vector<16xi32>, vector<16xi32>], vector<16xf32>,
        %mul3A_406 = arith.constant 16 : i32
        %mul3A_407 = arith.muli %while3A_261, %mul3A_406 : i32
        %get3A_408 = arith.constant 3 : i32
        %get3A_409 = arith.index_cast %get3A_408 : i32 to index
        %get3A_410 = arith.index_cast %mul3A_407 : i32 to index
        %get3A_411 = tpu.vector_load %arg13[%get3A_409, %get3A_410] {strides = array<i32>} : memref<4x512xf32, #tpu.memory_space<vmem>>, vector<16xf32>,
        %select_n3A_412 = arith.select %and3A_398, %gather3A_405, %get3A_411 : vector<16xi1>, vector<16xf32>
        %mul3A_413 = arith.constant 16 : i32
        %mul3A_414 = arith.muli %while3A_261, %mul3A_413 : i32
        %swap3A_415 = arith.constant 3 : i32
        %swap3A_416 = arith.index_cast %swap3A_415 : i32 to index
        %swap3A_417 = arith.index_cast %mul3A_414 : i32 to index
        %swap3A_418 = tpu.vector_load %arg13[%swap3A_416, %swap3A_417] {strides = array<i32>} : memref<4x512xf32, #tpu.memory_space<vmem>>, vector<16xf32>,
        tpu.vector_store %arg13[%swap3A_416, %swap3A_417], %select_n3A_412 {strides = array<i32>} : memref<4x512xf32, #tpu.memory_space<vmem>>, vector<16xf32>,
      }
      %mul3A_223 = arith.constant 1000 : i32
      %mul3A_224 = arith.muli %div3A_1, %mul3A_223 : i32
      %add3A_225 = arith.constant 888 : i32
      %add3A_226 = arith.addi %mul3A_224, %add3A_225 : i32
      %dma_start3A_227 = tpu.memref_slice %arg2[%add3A_226, %mul3A_4] : memref<8000x2048xf32, #tpu.memory_space<hbm>> -> memref<112x512xf32, #tpu.memory_space<hbm>>
      %dma_start3A_228 = tpu.memref_slice %arg2[%add3A_226, %mul3A_4] : memref<8000x2048xf32, #tpu.memory_space<hbm>> -> memref<112x512xf32, #tpu.memory_space<hbm>>
      tpu.enqueue_dma source(%dma_start3A_228 : memref<112x512xf32, #tpu.memory_space<hbm>>) target(%arg10 : memref<112x512xf32, #tpu.memory_space<vmem>>) target_semaphore(%arg15 : memref<!tpu.dma_semaphore, #tpu.memory_space<semaphore_mem>>)
      %mul3A_229 = arith.constant 1000 : i32
      %mul3A_230 = arith.muli %div3A_1, %mul3A_229 : i32
      %add3A_231 = arith.constant 784 : i32
      %add3A_232 = arith.addi %mul3A_230, %add3A_231 : i32
      %dma_wait3A_233 = tpu.memref_slice %arg2[%add3A_232, %mul3A_4] : memref<8000x2048xf32, #tpu.memory_space<hbm>> -> memref<112x512xf32, #tpu.memory_space<hbm>>
      %dma_wait3A_234 = tpu.memref_slice %arg2[%add3A_232, %mul3A_4] : memref<8000x2048xf32, #tpu.memory_space<hbm>> -> memref<112x512xf32, #tpu.memory_space<hbm>>
      tpu.wait_dma2 semaphore(%arg15 : memref<!tpu.dma_semaphore, #tpu.memory_space<semaphore_mem>>) src(%dma_wait3A_234 : memref<112x512xf32, #tpu.memory_space<hbm>>) dst(%arg11 : memref<112x512xf32, #tpu.memory_space<vmem>>)
      %while3A_235 = arith.constant 0 : i32
      %while3A_236 = arith.constant 0 : i32
      %while3A_237 = arith.subi %add3A_43, %while3A_236 : i32
      %while3A_238 = arith.addi %while3A_236, %while3A_237 : i32
      %while3A_239 = arith.constant 1 : i32
      %while3A_240 = arith.divsi %while3A_237, %while3A_239 : i32
      %while3A_241 = arith.muli %while3A_240, %while3A_239 : i32
      %while3A_242 = arith.addi %while3A_236, %while3A_241 : i32
      %while3A_243 = arith.constant 1 : i32
      scf.for %while3A_261 = %while3A_236 to %while3A_242 step %while3A_243  : i32 {
        %mul3A_262 = arith.constant 16 : i32
        %mul3A_263 = arith.muli %while3A_261, %mul3A_262 : i32
        %add3A_264 = vector.broadcast %mul3A_263 : i32 to vector<16xi32>
        %add3A_265 = arith.addi %add3A_264, %iota3A : vector<16xi32>
        %mul3A_266 = arith.constant 16 : i32
        %mul3A_267 = arith.muli %while3A_261, %mul3A_266 : i32
        %get3A_268 = arith.index_cast %mul3A_267 : i32 to index
        %get3A_269 = tpu.vector_load %arg7[%get3A_268] {strides = array<i32>} : memref<512xi32, #tpu.memory_space<vmem>>, vector<16xi32>,
        %ge3A = arith.constant 784 : i32
        %ge3A_270 = vector.broadcast %ge3A : i32 to vector<16xi32>
        %ge3A_271 = arith.cmpi sge, %get3A_269, %ge3A_270 : vector<16xi32>
        %lt3A_272 = arith.constant 896 : i32
        %lt3A_273 = vector.broadcast %lt3A_272 : i32 to vector<16xi32>
        %lt3A_274 = arith.cmpi slt, %get3A_269, %lt3A_273 : vector<16xi32>
        %and3A = arith.andi %ge3A_271, %lt3A_274 : vector<16xi1>
        %sub3A = arith.constant 784 : i32
        %sub3A_275 = vector.broadcast %sub3A : i32 to vector<16xi32>
        %sub3A_276 = arith.subi %get3A_269, %sub3A_275 : vector<16xi32>
        %jit3A = arith.constant 0 : i32
        %broadcast_in_dim3A_277 = vector.broadcast %jit3A : i32 to vector<16xi32>
        %select_n3A = arith.select %and3A, %sub3A_276, %broadcast_in_dim3A_277 : vector<16xi1>, vector<16xi32>
        %gather3A = tpu.vector_load_idx %arg11[%select_n3A, %add3A_265] : memref<112x512xf32, #tpu.memory_space<vmem>>[vector<16xi32>, vector<16xi32>], vector<16xf32>,
        %mul3A_278 = arith.constant 16 : i32
        %mul3A_279 = arith.muli %while3A_261, %mul3A_278 : i32
        %get3A_280 = arith.index_cast %mul3A_279 : i32 to index
        %get3A_281 = tpu.vector_load %arg12[%get3A_280] {strides = array<i32>} : memref<512xf32, #tpu.memory_space<vmem>>, vector<16xf32>,
        %select_n3A_282 = arith.select %and3A, %gather3A, %get3A_281 : vector<16xi1>, vector<16xf32>
        %mul3A_283 = arith.constant 16 : i32
        %mul3A_284 = arith.muli %while3A_261, %mul3A_283 : i32
        %swap3A_285 = arith.index_cast %mul3A_284 : i32 to index
        %swap3A_286 = tpu.vector_load %arg12[%swap3A_285] {strides = array<i32>} : memref<512xf32, #tpu.memory_space<vmem>>, vector<16xf32>,
        tpu.vector_store %arg12[%swap3A_285], %select_n3A_282 {strides = array<i32>} : memref<512xf32, #tpu.memory_space<vmem>>, vector<16xf32>,
        %mul3A_287 = arith.constant 16 : i32
        %mul3A_288 = arith.muli %while3A_261, %mul3A_287 : i32
        %get3A_289 = arith.constant 0 : i32
        %get3A_290 = arith.index_cast %get3A_289 : i32 to index
        %get3A_291 = arith.index_cast %mul3A_288 : i32 to index
        %get3A_292 = tpu.vector_load %arg8[%get3A_290, %get3A_291] {strides = array<i32>} : memref<4x512xi32, #tpu.memory_space<vmem>>, vector<16xi32>,
        %ge3A_293 = arith.constant 784 : i32
        %ge3A_294 = vector.broadcast %ge3A_293 : i32 to vector<16xi32>
        %ge3A_295 = arith.cmpi sge, %get3A_292, %ge3A_294 : vector<16xi32>
        %lt3A_296 = arith.constant 896 : i32
        %lt3A_297 = vector.broadcast %lt3A_296 : i32 to vector<16xi32>
        %lt3A_298 = arith.cmpi slt, %get3A_292, %lt3A_297 : vector<16xi32>
        %and3A_299 = arith.andi %ge3A_295, %lt3A_298 : vector<16xi1>
        %sub3A_300 = arith.constant 784 : i32
        %sub3A_301 = vector.broadcast %sub3A_300 : i32 to vector<16xi32>
        %sub3A_302 = arith.subi %get3A_292, %sub3A_301 : vector<16xi32>
        %jit3A_303 = arith.constant 0 : i32
        %broadcast_in_dim3A_304 = vector.broadcast %jit3A_303 : i32 to vector<16xi32>
        %select_n3A_305 = arith.select %and3A_299, %sub3A_302, %broadcast_in_dim3A_304 : vector<16xi1>, vector<16xi32>
        %gather3A_306 = tpu.vector_load_idx %arg11[%select_n3A_305, %add3A_265] : memref<112x512xf32, #tpu.memory_space<vmem>>[vector<16xi32>, vector<16xi32>], vector<16xf32>,
        %mul3A_307 = arith.constant 16 : i32
        %mul3A_308 = arith.muli %while3A_261, %mul3A_307 : i32
        %get3A_309 = arith.constant 0 : i32
        %get3A_310 = arith.index_cast %get3A_309 : i32 to index
        %get3A_311 = arith.index_cast %mul3A_308 : i32 to index
        %get3A_312 = tpu.vector_load %arg13[%get3A_310, %get3A_311] {strides = array<i32>} : memref<4x512xf32, #tpu.memory_space<vmem>>, vector<16xf32>,
        %select_n3A_313 = arith.select %and3A_299, %gather3A_306, %get3A_312 : vector<16xi1>, vector<16xf32>
        %mul3A_314 = arith.constant 16 : i32
        %mul3A_315 = arith.muli %while3A_261, %mul3A_314 : i32
        %swap3A_316 = arith.constant 0 : i32
        %swap3A_317 = arith.index_cast %swap3A_316 : i32 to index
        %swap3A_318 = arith.index_cast %mul3A_315 : i32 to index
        %swap3A_319 = tpu.vector_load %arg13[%swap3A_317, %swap3A_318] {strides = array<i32>} : memref<4x512xf32, #tpu.memory_space<vmem>>, vector<16xf32>,
        tpu.vector_store %arg13[%swap3A_317, %swap3A_318], %select_n3A_313 {strides = array<i32>} : memref<4x512xf32, #tpu.memory_space<vmem>>, vector<16xf32>,
        %mul3A_320 = arith.constant 16 : i32
        %mul3A_321 = arith.muli %while3A_261, %mul3A_320 : i32
        %get3A_322 = arith.constant 1 : i32
        %get3A_323 = arith.index_cast %get3A_322 : i32 to index
        %get3A_324 = arith.index_cast %mul3A_321 : i32 to index
        %get3A_325 = tpu.vector_load %arg8[%get3A_323, %get3A_324] {strides = array<i32>} : memref<4x512xi32, #tpu.memory_space<vmem>>, vector<16xi32>,
        %ge3A_326 = arith.constant 784 : i32
        %ge3A_327 = vector.broadcast %ge3A_326 : i32 to vector<16xi32>
        %ge3A_328 = arith.cmpi sge, %get3A_325, %ge3A_327 : vector<16xi32>
        %lt3A_329 = arith.constant 896 : i32
        %lt3A_330 = vector.broadcast %lt3A_329 : i32 to vector<16xi32>
        %lt3A_331 = arith.cmpi slt, %get3A_325, %lt3A_330 : vector<16xi32>
        %and3A_332 = arith.andi %ge3A_328, %lt3A_331 : vector<16xi1>
        %sub3A_333 = arith.constant 784 : i32
        %sub3A_334 = vector.broadcast %sub3A_333 : i32 to vector<16xi32>
        %sub3A_335 = arith.subi %get3A_325, %sub3A_334 : vector<16xi32>
        %jit3A_336 = arith.constant 0 : i32
        %broadcast_in_dim3A_337 = vector.broadcast %jit3A_336 : i32 to vector<16xi32>
        %select_n3A_338 = arith.select %and3A_332, %sub3A_335, %broadcast_in_dim3A_337 : vector<16xi1>, vector<16xi32>
        %gather3A_339 = tpu.vector_load_idx %arg11[%select_n3A_338, %add3A_265] : memref<112x512xf32, #tpu.memory_space<vmem>>[vector<16xi32>, vector<16xi32>], vector<16xf32>,
        %mul3A_340 = arith.constant 16 : i32
        %mul3A_341 = arith.muli %while3A_261, %mul3A_340 : i32
        %get3A_342 = arith.constant 1 : i32
        %get3A_343 = arith.index_cast %get3A_342 : i32 to index
        %get3A_344 = arith.index_cast %mul3A_341 : i32 to index
        %get3A_345 = tpu.vector_load %arg13[%get3A_343, %get3A_344] {strides = array<i32>} : memref<4x512xf32, #tpu.memory_space<vmem>>, vector<16xf32>,
        %select_n3A_346 = arith.select %and3A_332, %gather3A_339, %get3A_345 : vector<16xi1>, vector<16xf32>
        %mul3A_347 = arith.constant 16 : i32
        %mul3A_348 = arith.muli %while3A_261, %mul3A_347 : i32
        %swap3A_349 = arith.constant 1 : i32
        %swap3A_350 = arith.index_cast %swap3A_349 : i32 to index
        %swap3A_351 = arith.index_cast %mul3A_348 : i32 to index
        %swap3A_352 = tpu.vector_load %arg13[%swap3A_350, %swap3A_351] {strides = array<i32>} : memref<4x512xf32, #tpu.memory_space<vmem>>, vector<16xf32>,
        tpu.vector_store %arg13[%swap3A_350, %swap3A_351], %select_n3A_346 {strides = array<i32>} : memref<4x512xf32, #tpu.memory_space<vmem>>, vector<16xf32>,
        %mul3A_353 = arith.constant 16 : i32
        %mul3A_354 = arith.muli %while3A_261, %mul3A_353 : i32
        %get3A_355 = arith.constant 2 : i32
        %get3A_356 = arith.index_cast %get3A_355 : i32 to index
        %get3A_357 = arith.index_cast %mul3A_354 : i32 to index
        %get3A_358 = tpu.vector_load %arg8[%get3A_356, %get3A_357] {strides = array<i32>} : memref<4x512xi32, #tpu.memory_space<vmem>>, vector<16xi32>,
        %ge3A_359 = arith.constant 784 : i32
        %ge3A_360 = vector.broadcast %ge3A_359 : i32 to vector<16xi32>
        %ge3A_361 = arith.cmpi sge, %get3A_358, %ge3A_360 : vector<16xi32>
        %lt3A_362 = arith.constant 896 : i32
        %lt3A_363 = vector.broadcast %lt3A_362 : i32 to vector<16xi32>
        %lt3A_364 = arith.cmpi slt, %get3A_358, %lt3A_363 : vector<16xi32>
        %and3A_365 = arith.andi %ge3A_361, %lt3A_364 : vector<16xi1>
        %sub3A_366 = arith.constant 784 : i32
        %sub3A_367 = vector.broadcast %sub3A_366 : i32 to vector<16xi32>
        %sub3A_368 = arith.subi %get3A_358, %sub3A_367 : vector<16xi32>
        %jit3A_369 = arith.constant 0 : i32
        %broadcast_in_dim3A_370 = vector.broadcast %jit3A_369 : i32 to vector<16xi32>
        %select_n3A_371 = arith.select %and3A_365, %sub3A_368, %broadcast_in_dim3A_370 : vector<16xi1>, vector<16xi32>
        %gather3A_372 = tpu.vector_load_idx %arg11[%select_n3A_371, %add3A_265] : memref<112x512xf32, #tpu.memory_space<vmem>>[vector<16xi32>, vector<16xi32>], vector<16xf32>,
        %mul3A_373 = arith.constant 16 : i32
        %mul3A_374 = arith.muli %while3A_261, %mul3A_373 : i32
        %get3A_375 = arith.constant 2 : i32
        %get3A_376 = arith.index_cast %get3A_375 : i32 to index
        %get3A_377 = arith.index_cast %mul3A_374 : i32 to index
        %get3A_378 = tpu.vector_load %arg13[%get3A_376, %get3A_377] {strides = array<i32>} : memref<4x512xf32, #tpu.memory_space<vmem>>, vector<16xf32>,
        %select_n3A_379 = arith.select %and3A_365, %gather3A_372, %get3A_378 : vector<16xi1>, vector<16xf32>
        %mul3A_380 = arith.constant 16 : i32
        %mul3A_381 = arith.muli %while3A_261, %mul3A_380 : i32
        %swap3A_382 = arith.constant 2 : i32
        %swap3A_383 = arith.index_cast %swap3A_382 : i32 to index
        %swap3A_384 = arith.index_cast %mul3A_381 : i32 to index
        %swap3A_385 = tpu.vector_load %arg13[%swap3A_383, %swap3A_384] {strides = array<i32>} : memref<4x512xf32, #tpu.memory_space<vmem>>, vector<16xf32>,
        tpu.vector_store %arg13[%swap3A_383, %swap3A_384], %select_n3A_379 {strides = array<i32>} : memref<4x512xf32, #tpu.memory_space<vmem>>, vector<16xf32>,
        %mul3A_386 = arith.constant 16 : i32
        %mul3A_387 = arith.muli %while3A_261, %mul3A_386 : i32
        %get3A_388 = arith.constant 3 : i32
        %get3A_389 = arith.index_cast %get3A_388 : i32 to index
        %get3A_390 = arith.index_cast %mul3A_387 : i32 to index
        %get3A_391 = tpu.vector_load %arg8[%get3A_389, %get3A_390] {strides = array<i32>} : memref<4x512xi32, #tpu.memory_space<vmem>>, vector<16xi32>,
        %ge3A_392 = arith.constant 784 : i32
        %ge3A_393 = vector.broadcast %ge3A_392 : i32 to vector<16xi32>
        %ge3A_394 = arith.cmpi sge, %get3A_391, %ge3A_393 : vector<16xi32>
        %lt3A_395 = arith.constant 896 : i32
        %lt3A_396 = vector.broadcast %lt3A_395 : i32 to vector<16xi32>
        %lt3A_397 = arith.cmpi slt, %get3A_391, %lt3A_396 : vector<16xi32>
        %and3A_398 = arith.andi %ge3A_394, %lt3A_397 : vector<16xi1>
        %sub3A_399 = arith.constant 784 : i32
        %sub3A_400 = vector.broadcast %sub3A_399 : i32 to vector<16xi32>
        %sub3A_401 = arith.subi %get3A_391, %sub3A_400 : vector<16xi32>
        %jit3A_402 = arith.constant 0 : i32
        %broadcast_in_dim3A_403 = vector.broadcast %jit3A_402 : i32 to vector<16xi32>
        %select_n3A_404 = arith.select %and3A_398, %sub3A_401, %broadcast_in_dim3A_403 : vector<16xi1>, vector<16xi32>
        %gather3A_405 = tpu.vector_load_idx %arg11[%select_n3A_404, %add3A_265] : memref<112x512xf32, #tpu.memory_space<vmem>>[vector<16xi32>, vector<16xi32>], vector<16xf32>,
        %mul3A_406 = arith.constant 16 : i32
        %mul3A_407 = arith.muli %while3A_261, %mul3A_406 : i32
        %get3A_408 = arith.constant 3 : i32
        %get3A_409 = arith.index_cast %get3A_408 : i32 to index
        %get3A_410 = arith.index_cast %mul3A_407 : i32 to index
        %get3A_411 = tpu.vector_load %arg13[%get3A_409, %get3A_410] {strides = array<i32>} : memref<4x512xf32, #tpu.memory_space<vmem>>, vector<16xf32>,
        %select_n3A_412 = arith.select %and3A_398, %gather3A_405, %get3A_411 : vector<16xi1>, vector<16xf32>
        %mul3A_413 = arith.constant 16 : i32
        %mul3A_414 = arith.muli %while3A_261, %mul3A_413 : i32
        %swap3A_415 = arith.constant 3 : i32
        %swap3A_416 = arith.index_cast %swap3A_415 : i32 to index
        %swap3A_417 = arith.index_cast %mul3A_414 : i32 to index
        %swap3A_418 = tpu.vector_load %arg13[%swap3A_416, %swap3A_417] {strides = array<i32>} : memref<4x512xf32, #tpu.memory_space<vmem>>, vector<16xf32>,
        tpu.vector_store %arg13[%swap3A_416, %swap3A_417], %select_n3A_412 {strides = array<i32>} : memref<4x512xf32, #tpu.memory_space<vmem>>, vector<16xf32>,
      }
      %while3A_244 = arith.constant 1 : i32
      scf.for %while3A_261 = %while3A_242 to %while3A_238 step %while3A_244  : i32 {
        %mul3A_262 = arith.constant 16 : i32
        %mul3A_263 = arith.muli %while3A_261, %mul3A_262 : i32
        %add3A_264 = vector.broadcast %mul3A_263 : i32 to vector<16xi32>
        %add3A_265 = arith.addi %add3A_264, %iota3A : vector<16xi32>
        %mul3A_266 = arith.constant 16 : i32
        %mul3A_267 = arith.muli %while3A_261, %mul3A_266 : i32
        %get3A_268 = arith.index_cast %mul3A_267 : i32 to index
        %get3A_269 = tpu.vector_load %arg7[%get3A_268] {strides = array<i32>} : memref<512xi32, #tpu.memory_space<vmem>>, vector<16xi32>,
        %ge3A = arith.constant 784 : i32
        %ge3A_270 = vector.broadcast %ge3A : i32 to vector<16xi32>
        %ge3A_271 = arith.cmpi sge, %get3A_269, %ge3A_270 : vector<16xi32>
        %lt3A_272 = arith.constant 896 : i32
        %lt3A_273 = vector.broadcast %lt3A_272 : i32 to vector<16xi32>
        %lt3A_274 = arith.cmpi slt, %get3A_269, %lt3A_273 : vector<16xi32>
        %and3A = arith.andi %ge3A_271, %lt3A_274 : vector<16xi1>
        %sub3A = arith.constant 784 : i32
        %sub3A_275 = vector.broadcast %sub3A : i32 to vector<16xi32>
        %sub3A_276 = arith.subi %get3A_269, %sub3A_275 : vector<16xi32>
        %jit3A = arith.constant 0 : i32
        %broadcast_in_dim3A_277 = vector.broadcast %jit3A : i32 to vector<16xi32>
        %select_n3A = arith.select %and3A, %sub3A_276, %broadcast_in_dim3A_277 : vector<16xi1>, vector<16xi32>
        %gather3A = tpu.vector_load_idx %arg11[%select_n3A, %add3A_265] : memref<112x512xf32, #tpu.memory_space<vmem>>[vector<16xi32>, vector<16xi32>], vector<16xf32>,
        %mul3A_278 = arith.constant 16 : i32
        %mul3A_279 = arith.muli %while3A_261, %mul3A_278 : i32
        %get3A_280 = arith.index_cast %mul3A_279 : i32 to index
        %get3A_281 = tpu.vector_load %arg12[%get3A_280] {strides = array<i32>} : memref<512xf32, #tpu.memory_space<vmem>>, vector<16xf32>,
        %select_n3A_282 = arith.select %and3A, %gather3A, %get3A_281 : vector<16xi1>, vector<16xf32>
        %mul3A_283 = arith.constant 16 : i32
        %mul3A_284 = arith.muli %while3A_261, %mul3A_283 : i32
        %swap3A_285 = arith.index_cast %mul3A_284 : i32 to index
        %swap3A_286 = tpu.vector_load %arg12[%swap3A_285] {strides = array<i32>} : memref<512xf32, #tpu.memory_space<vmem>>, vector<16xf32>,
        tpu.vector_store %arg12[%swap3A_285], %select_n3A_282 {strides = array<i32>} : memref<512xf32, #tpu.memory_space<vmem>>, vector<16xf32>,
        %mul3A_287 = arith.constant 16 : i32
        %mul3A_288 = arith.muli %while3A_261, %mul3A_287 : i32
        %get3A_289 = arith.constant 0 : i32
        %get3A_290 = arith.index_cast %get3A_289 : i32 to index
        %get3A_291 = arith.index_cast %mul3A_288 : i32 to index
        %get3A_292 = tpu.vector_load %arg8[%get3A_290, %get3A_291] {strides = array<i32>} : memref<4x512xi32, #tpu.memory_space<vmem>>, vector<16xi32>,
        %ge3A_293 = arith.constant 784 : i32
        %ge3A_294 = vector.broadcast %ge3A_293 : i32 to vector<16xi32>
        %ge3A_295 = arith.cmpi sge, %get3A_292, %ge3A_294 : vector<16xi32>
        %lt3A_296 = arith.constant 896 : i32
        %lt3A_297 = vector.broadcast %lt3A_296 : i32 to vector<16xi32>
        %lt3A_298 = arith.cmpi slt, %get3A_292, %lt3A_297 : vector<16xi32>
        %and3A_299 = arith.andi %ge3A_295, %lt3A_298 : vector<16xi1>
        %sub3A_300 = arith.constant 784 : i32
        %sub3A_301 = vector.broadcast %sub3A_300 : i32 to vector<16xi32>
        %sub3A_302 = arith.subi %get3A_292, %sub3A_301 : vector<16xi32>
        %jit3A_303 = arith.constant 0 : i32
        %broadcast_in_dim3A_304 = vector.broadcast %jit3A_303 : i32 to vector<16xi32>
        %select_n3A_305 = arith.select %and3A_299, %sub3A_302, %broadcast_in_dim3A_304 : vector<16xi1>, vector<16xi32>
        %gather3A_306 = tpu.vector_load_idx %arg11[%select_n3A_305, %add3A_265] : memref<112x512xf32, #tpu.memory_space<vmem>>[vector<16xi32>, vector<16xi32>], vector<16xf32>,
        %mul3A_307 = arith.constant 16 : i32
        %mul3A_308 = arith.muli %while3A_261, %mul3A_307 : i32
        %get3A_309 = arith.constant 0 : i32
        %get3A_310 = arith.index_cast %get3A_309 : i32 to index
        %get3A_311 = arith.index_cast %mul3A_308 : i32 to index
        %get3A_312 = tpu.vector_load %arg13[%get3A_310, %get3A_311] {strides = array<i32>} : memref<4x512xf32, #tpu.memory_space<vmem>>, vector<16xf32>,
        %select_n3A_313 = arith.select %and3A_299, %gather3A_306, %get3A_312 : vector<16xi1>, vector<16xf32>
        %mul3A_314 = arith.constant 16 : i32
        %mul3A_315 = arith.muli %while3A_261, %mul3A_314 : i32
        %swap3A_316 = arith.constant 0 : i32
        %swap3A_317 = arith.index_cast %swap3A_316 : i32 to index
        %swap3A_318 = arith.index_cast %mul3A_315 : i32 to index
        %swap3A_319 = tpu.vector_load %arg13[%swap3A_317, %swap3A_318] {strides = array<i32>} : memref<4x512xf32, #tpu.memory_space<vmem>>, vector<16xf32>,
        tpu.vector_store %arg13[%swap3A_317, %swap3A_318], %select_n3A_313 {strides = array<i32>} : memref<4x512xf32, #tpu.memory_space<vmem>>, vector<16xf32>,
        %mul3A_320 = arith.constant 16 : i32
        %mul3A_321 = arith.muli %while3A_261, %mul3A_320 : i32
        %get3A_322 = arith.constant 1 : i32
        %get3A_323 = arith.index_cast %get3A_322 : i32 to index
        %get3A_324 = arith.index_cast %mul3A_321 : i32 to index
        %get3A_325 = tpu.vector_load %arg8[%get3A_323, %get3A_324] {strides = array<i32>} : memref<4x512xi32, #tpu.memory_space<vmem>>, vector<16xi32>,
        %ge3A_326 = arith.constant 784 : i32
        %ge3A_327 = vector.broadcast %ge3A_326 : i32 to vector<16xi32>
        %ge3A_328 = arith.cmpi sge, %get3A_325, %ge3A_327 : vector<16xi32>
        %lt3A_329 = arith.constant 896 : i32
        %lt3A_330 = vector.broadcast %lt3A_329 : i32 to vector<16xi32>
        %lt3A_331 = arith.cmpi slt, %get3A_325, %lt3A_330 : vector<16xi32>
        %and3A_332 = arith.andi %ge3A_328, %lt3A_331 : vector<16xi1>
        %sub3A_333 = arith.constant 784 : i32
        %sub3A_334 = vector.broadcast %sub3A_333 : i32 to vector<16xi32>
        %sub3A_335 = arith.subi %get3A_325, %sub3A_334 : vector<16xi32>
        %jit3A_336 = arith.constant 0 : i32
        %broadcast_in_dim3A_337 = vector.broadcast %jit3A_336 : i32 to vector<16xi32>
        %select_n3A_338 = arith.select %and3A_332, %sub3A_335, %broadcast_in_dim3A_337 : vector<16xi1>, vector<16xi32>
        %gather3A_339 = tpu.vector_load_idx %arg11[%select_n3A_338, %add3A_265] : memref<112x512xf32, #tpu.memory_space<vmem>>[vector<16xi32>, vector<16xi32>], vector<16xf32>,
        %mul3A_340 = arith.constant 16 : i32
        %mul3A_341 = arith.muli %while3A_261, %mul3A_340 : i32
        %get3A_342 = arith.constant 1 : i32
        %get3A_343 = arith.index_cast %get3A_342 : i32 to index
        %get3A_344 = arith.index_cast %mul3A_341 : i32 to index
        %get3A_345 = tpu.vector_load %arg13[%get3A_343, %get3A_344] {strides = array<i32>} : memref<4x512xf32, #tpu.memory_space<vmem>>, vector<16xf32>,
        %select_n3A_346 = arith.select %and3A_332, %gather3A_339, %get3A_345 : vector<16xi1>, vector<16xf32>
        %mul3A_347 = arith.constant 16 : i32
        %mul3A_348 = arith.muli %while3A_261, %mul3A_347 : i32
        %swap3A_349 = arith.constant 1 : i32
        %swap3A_350 = arith.index_cast %swap3A_349 : i32 to index
        %swap3A_351 = arith.index_cast %mul3A_348 : i32 to index
        %swap3A_352 = tpu.vector_load %arg13[%swap3A_350, %swap3A_351] {strides = array<i32>} : memref<4x512xf32, #tpu.memory_space<vmem>>, vector<16xf32>,
        tpu.vector_store %arg13[%swap3A_350, %swap3A_351], %select_n3A_346 {strides = array<i32>} : memref<4x512xf32, #tpu.memory_space<vmem>>, vector<16xf32>,
        %mul3A_353 = arith.constant 16 : i32
        %mul3A_354 = arith.muli %while3A_261, %mul3A_353 : i32
        %get3A_355 = arith.constant 2 : i32
        %get3A_356 = arith.index_cast %get3A_355 : i32 to index
        %get3A_357 = arith.index_cast %mul3A_354 : i32 to index
        %get3A_358 = tpu.vector_load %arg8[%get3A_356, %get3A_357] {strides = array<i32>} : memref<4x512xi32, #tpu.memory_space<vmem>>, vector<16xi32>,
        %ge3A_359 = arith.constant 784 : i32
        %ge3A_360 = vector.broadcast %ge3A_359 : i32 to vector<16xi32>
        %ge3A_361 = arith.cmpi sge, %get3A_358, %ge3A_360 : vector<16xi32>
        %lt3A_362 = arith.constant 896 : i32
        %lt3A_363 = vector.broadcast %lt3A_362 : i32 to vector<16xi32>
        %lt3A_364 = arith.cmpi slt, %get3A_358, %lt3A_363 : vector<16xi32>
        %and3A_365 = arith.andi %ge3A_361, %lt3A_364 : vector<16xi1>
        %sub3A_366 = arith.constant 784 : i32
        %sub3A_367 = vector.broadcast %sub3A_366 : i32 to vector<16xi32>
        %sub3A_368 = arith.subi %get3A_358, %sub3A_367 : vector<16xi32>
        %jit3A_369 = arith.constant 0 : i32
        %broadcast_in_dim3A_370 = vector.broadcast %jit3A_369 : i32 to vector<16xi32>
        %select_n3A_371 = arith.select %and3A_365, %sub3A_368, %broadcast_in_dim3A_370 : vector<16xi1>, vector<16xi32>
        %gather3A_372 = tpu.vector_load_idx %arg11[%select_n3A_371, %add3A_265] : memref<112x512xf32, #tpu.memory_space<vmem>>[vector<16xi32>, vector<16xi32>], vector<16xf32>,
        %mul3A_373 = arith.constant 16 : i32
        %mul3A_374 = arith.muli %while3A_261, %mul3A_373 : i32
        %get3A_375 = arith.constant 2 : i32
        %get3A_376 = arith.index_cast %get3A_375 : i32 to index
        %get3A_377 = arith.index_cast %mul3A_374 : i32 to index
        %get3A_378 = tpu.vector_load %arg13[%get3A_376, %get3A_377] {strides = array<i32>} : memref<4x512xf32, #tpu.memory_space<vmem>>, vector<16xf32>,
        %select_n3A_379 = arith.select %and3A_365, %gather3A_372, %get3A_378 : vector<16xi1>, vector<16xf32>
        %mul3A_380 = arith.constant 16 : i32
        %mul3A_381 = arith.muli %while3A_261, %mul3A_380 : i32
        %swap3A_382 = arith.constant 2 : i32
        %swap3A_383 = arith.index_cast %swap3A_382 : i32 to index
        %swap3A_384 = arith.index_cast %mul3A_381 : i32 to index
        %swap3A_385 = tpu.vector_load %arg13[%swap3A_383, %swap3A_384] {strides = array<i32>} : memref<4x512xf32, #tpu.memory_space<vmem>>, vector<16xf32>,
        tpu.vector_store %arg13[%swap3A_383, %swap3A_384], %select_n3A_379 {strides = array<i32>} : memref<4x512xf32, #tpu.memory_space<vmem>>, vector<16xf32>,
        %mul3A_386 = arith.constant 16 : i32
        %mul3A_387 = arith.muli %while3A_261, %mul3A_386 : i32
        %get3A_388 = arith.constant 3 : i32
        %get3A_389 = arith.index_cast %get3A_388 : i32 to index
        %get3A_390 = arith.index_cast %mul3A_387 : i32 to index
        %get3A_391 = tpu.vector_load %arg8[%get3A_389, %get3A_390] {strides = array<i32>} : memref<4x512xi32, #tpu.memory_space<vmem>>, vector<16xi32>,
        %ge3A_392 = arith.constant 784 : i32
        %ge3A_393 = vector.broadcast %ge3A_392 : i32 to vector<16xi32>
        %ge3A_394 = arith.cmpi sge, %get3A_391, %ge3A_393 : vector<16xi32>
        %lt3A_395 = arith.constant 896 : i32
        %lt3A_396 = vector.broadcast %lt3A_395 : i32 to vector<16xi32>
        %lt3A_397 = arith.cmpi slt, %get3A_391, %lt3A_396 : vector<16xi32>
        %and3A_398 = arith.andi %ge3A_394, %lt3A_397 : vector<16xi1>
        %sub3A_399 = arith.constant 784 : i32
        %sub3A_400 = vector.broadcast %sub3A_399 : i32 to vector<16xi32>
        %sub3A_401 = arith.subi %get3A_391, %sub3A_400 : vector<16xi32>
        %jit3A_402 = arith.constant 0 : i32
        %broadcast_in_dim3A_403 = vector.broadcast %jit3A_402 : i32 to vector<16xi32>
        %select_n3A_404 = arith.select %and3A_398, %sub3A_401, %broadcast_in_dim3A_403 : vector<16xi1>, vector<16xi32>
        %gather3A_405 = tpu.vector_load_idx %arg11[%select_n3A_404, %add3A_265] : memref<112x512xf32, #tpu.memory_space<vmem>>[vector<16xi32>, vector<16xi32>], vector<16xf32>,
        %mul3A_406 = arith.constant 16 : i32
        %mul3A_407 = arith.muli %while3A_261, %mul3A_406 : i32
        %get3A_408 = arith.constant 3 : i32
        %get3A_409 = arith.index_cast %get3A_408 : i32 to index
        %get3A_410 = arith.index_cast %mul3A_407 : i32 to index
        %get3A_411 = tpu.vector_load %arg13[%get3A_409, %get3A_410] {strides = array<i32>} : memref<4x512xf32, #tpu.memory_space<vmem>>, vector<16xf32>,
        %select_n3A_412 = arith.select %and3A_398, %gather3A_405, %get3A_411 : vector<16xi1>, vector<16xf32>
        %mul3A_413 = arith.constant 16 : i32
        %mul3A_414 = arith.muli %while3A_261, %mul3A_413 : i32
        %swap3A_415 = arith.constant 3 : i32
        %swap3A_416 = arith.index_cast %swap3A_415 : i32 to index
        %swap3A_417 = arith.index_cast %mul3A_414 : i32 to index
        %swap3A_418 = tpu.vector_load %arg13[%swap3A_416, %swap3A_417] {strides = array<i32>} : memref<4x512xf32, #tpu.memory_space<vmem>>, vector<16xf32>,
        tpu.vector_store %arg13[%swap3A_416, %swap3A_417], %select_n3A_412 {strides = array<i32>} : memref<4x512xf32, #tpu.memory_space<vmem>>, vector<16xf32>,
      }
      %mul3A_245 = arith.constant 1000 : i32
      %mul3A_246 = arith.muli %div3A_1, %mul3A_245 : i32
      %add3A_247 = arith.constant 888 : i32
      %add3A_248 = arith.addi %mul3A_246, %add3A_247 : i32
      %dma_wait3A_249 = tpu.memref_slice %arg2[%add3A_248, %mul3A_4] : memref<8000x2048xf32, #tpu.memory_space<hbm>> -> memref<112x512xf32, #tpu.memory_space<hbm>>
      %dma_wait3A_250 = tpu.memref_slice %arg2[%add3A_248, %mul3A_4] : memref<8000x2048xf32, #tpu.memory_space<hbm>> -> memref<112x512xf32, #tpu.memory_space<hbm>>
      tpu.wait_dma2 semaphore(%arg15 : memref<!tpu.dma_semaphore, #tpu.memory_space<semaphore_mem>>) src(%dma_wait3A_250 : memref<112x512xf32, #tpu.memory_space<hbm>>) dst(%arg10 : memref<112x512xf32, #tpu.memory_space<vmem>>)
      %while3A_251 = arith.constant 0 : i32
      %while3A_252 = arith.constant 0 : i32
      %while3A_253 = arith.subi %add3A_43, %while3A_252 : i32
      %while3A_254 = arith.addi %while3A_252, %while3A_253 : i32
      %while3A_255 = arith.constant 1 : i32
      %while3A_256 = arith.divsi %while3A_253, %while3A_255 : i32
      %while3A_257 = arith.muli %while3A_256, %while3A_255 : i32
      %while3A_258 = arith.addi %while3A_252, %while3A_257 : i32
      %while3A_259 = arith.constant 1 : i32
      scf.for %while3A_261 = %while3A_252 to %while3A_258 step %while3A_259  : i32 {
        %mul3A_262 = arith.constant 16 : i32
        %mul3A_263 = arith.muli %while3A_261, %mul3A_262 : i32
        %add3A_264 = vector.broadcast %mul3A_263 : i32 to vector<16xi32>
        %add3A_265 = arith.addi %add3A_264, %iota3A : vector<16xi32>
        %mul3A_266 = arith.constant 16 : i32
        %mul3A_267 = arith.muli %while3A_261, %mul3A_266 : i32
        %get3A_268 = arith.index_cast %mul3A_267 : i32 to index
        %get3A_269 = tpu.vector_load %arg7[%get3A_268] {strides = array<i32>} : memref<512xi32, #tpu.memory_space<vmem>>, vector<16xi32>,
        %ge3A = arith.constant 896 : i32
        %ge3A_270 = vector.broadcast %ge3A : i32 to vector<16xi32>
        %ge3A_271 = arith.cmpi sge, %get3A_269, %ge3A_270 : vector<16xi32>
        %lt3A_272 = arith.constant 1000 : i32
        %lt3A_273 = vector.broadcast %lt3A_272 : i32 to vector<16xi32>
        %lt3A_274 = arith.cmpi slt, %get3A_269, %lt3A_273 : vector<16xi32>
        %and3A = arith.andi %ge3A_271, %lt3A_274 : vector<16xi1>
        %sub3A = arith.constant 888 : i32
        %sub3A_275 = vector.broadcast %sub3A : i32 to vector<16xi32>
        %sub3A_276 = arith.subi %get3A_269, %sub3A_275 : vector<16xi32>
        %jit3A = arith.constant 0 : i32
        %broadcast_in_dim3A_277 = vector.broadcast %jit3A : i32 to vector<16xi32>
        %select_n3A = arith.select %and3A, %sub3A_276, %broadcast_in_dim3A_277 : vector<16xi1>, vector<16xi32>
        %gather3A = tpu.vector_load_idx %arg10[%select_n3A, %add3A_265] : memref<112x512xf32, #tpu.memory_space<vmem>>[vector<16xi32>, vector<16xi32>], vector<16xf32>,
        %mul3A_278 = arith.constant 16 : i32
        %mul3A_279 = arith.muli %while3A_261, %mul3A_278 : i32
        %get3A_280 = arith.index_cast %mul3A_279 : i32 to index
        %get3A_281 = tpu.vector_load %arg12[%get3A_280] {strides = array<i32>} : memref<512xf32, #tpu.memory_space<vmem>>, vector<16xf32>,
        %select_n3A_282 = arith.select %and3A, %gather3A, %get3A_281 : vector<16xi1>, vector<16xf32>
        %mul3A_283 = arith.constant 16 : i32
        %mul3A_284 = arith.muli %while3A_261, %mul3A_283 : i32
        %swap3A_285 = arith.index_cast %mul3A_284 : i32 to index
        %swap3A_286 = tpu.vector_load %arg12[%swap3A_285] {strides = array<i32>} : memref<512xf32, #tpu.memory_space<vmem>>, vector<16xf32>,
        tpu.vector_store %arg12[%swap3A_285], %select_n3A_282 {strides = array<i32>} : memref<512xf32, #tpu.memory_space<vmem>>, vector<16xf32>,
        %mul3A_287 = arith.constant 16 : i32
        %mul3A_288 = arith.muli %while3A_261, %mul3A_287 : i32
        %get3A_289 = arith.constant 0 : i32
        %get3A_290 = arith.index_cast %get3A_289 : i32 to index
        %get3A_291 = arith.index_cast %mul3A_288 : i32 to index
        %get3A_292 = tpu.vector_load %arg8[%get3A_290, %get3A_291] {strides = array<i32>} : memref<4x512xi32, #tpu.memory_space<vmem>>, vector<16xi32>,
        %ge3A_293 = arith.constant 896 : i32
        %ge3A_294 = vector.broadcast %ge3A_293 : i32 to vector<16xi32>
        %ge3A_295 = arith.cmpi sge, %get3A_292, %ge3A_294 : vector<16xi32>
        %lt3A_296 = arith.constant 1000 : i32
        %lt3A_297 = vector.broadcast %lt3A_296 : i32 to vector<16xi32>
        %lt3A_298 = arith.cmpi slt, %get3A_292, %lt3A_297 : vector<16xi32>
        %and3A_299 = arith.andi %ge3A_295, %lt3A_298 : vector<16xi1>
        %sub3A_300 = arith.constant 888 : i32
        %sub3A_301 = vector.broadcast %sub3A_300 : i32 to vector<16xi32>
        %sub3A_302 = arith.subi %get3A_292, %sub3A_301 : vector<16xi32>
        %jit3A_303 = arith.constant 0 : i32
        %broadcast_in_dim3A_304 = vector.broadcast %jit3A_303 : i32 to vector<16xi32>
        %select_n3A_305 = arith.select %and3A_299, %sub3A_302, %broadcast_in_dim3A_304 : vector<16xi1>, vector<16xi32>
        %gather3A_306 = tpu.vector_load_idx %arg10[%select_n3A_305, %add3A_265] : memref<112x512xf32, #tpu.memory_space<vmem>>[vector<16xi32>, vector<16xi32>], vector<16xf32>,
        %mul3A_307 = arith.constant 16 : i32
        %mul3A_308 = arith.muli %while3A_261, %mul3A_307 : i32
        %get3A_309 = arith.constant 0 : i32
        %get3A_310 = arith.index_cast %get3A_309 : i32 to index
        %get3A_311 = arith.index_cast %mul3A_308 : i32 to index
        %get3A_312 = tpu.vector_load %arg13[%get3A_310, %get3A_311] {strides = array<i32>} : memref<4x512xf32, #tpu.memory_space<vmem>>, vector<16xf32>,
        %select_n3A_313 = arith.select %and3A_299, %gather3A_306, %get3A_312 : vector<16xi1>, vector<16xf32>
        %mul3A_314 = arith.constant 16 : i32
        %mul3A_315 = arith.muli %while3A_261, %mul3A_314 : i32
        %swap3A_316 = arith.constant 0 : i32
        %swap3A_317 = arith.index_cast %swap3A_316 : i32 to index
        %swap3A_318 = arith.index_cast %mul3A_315 : i32 to index
        %swap3A_319 = tpu.vector_load %arg13[%swap3A_317, %swap3A_318] {strides = array<i32>} : memref<4x512xf32, #tpu.memory_space<vmem>>, vector<16xf32>,
        tpu.vector_store %arg13[%swap3A_317, %swap3A_318], %select_n3A_313 {strides = array<i32>} : memref<4x512xf32, #tpu.memory_space<vmem>>, vector<16xf32>,
        %mul3A_320 = arith.constant 16 : i32
        %mul3A_321 = arith.muli %while3A_261, %mul3A_320 : i32
        %get3A_322 = arith.constant 1 : i32
        %get3A_323 = arith.index_cast %get3A_322 : i32 to index
        %get3A_324 = arith.index_cast %mul3A_321 : i32 to index
        %get3A_325 = tpu.vector_load %arg8[%get3A_323, %get3A_324] {strides = array<i32>} : memref<4x512xi32, #tpu.memory_space<vmem>>, vector<16xi32>,
        %ge3A_326 = arith.constant 896 : i32
        %ge3A_327 = vector.broadcast %ge3A_326 : i32 to vector<16xi32>
        %ge3A_328 = arith.cmpi sge, %get3A_325, %ge3A_327 : vector<16xi32>
        %lt3A_329 = arith.constant 1000 : i32
        %lt3A_330 = vector.broadcast %lt3A_329 : i32 to vector<16xi32>
        %lt3A_331 = arith.cmpi slt, %get3A_325, %lt3A_330 : vector<16xi32>
        %and3A_332 = arith.andi %ge3A_328, %lt3A_331 : vector<16xi1>
        %sub3A_333 = arith.constant 888 : i32
        %sub3A_334 = vector.broadcast %sub3A_333 : i32 to vector<16xi32>
        %sub3A_335 = arith.subi %get3A_325, %sub3A_334 : vector<16xi32>
        %jit3A_336 = arith.constant 0 : i32
        %broadcast_in_dim3A_337 = vector.broadcast %jit3A_336 : i32 to vector<16xi32>
        %select_n3A_338 = arith.select %and3A_332, %sub3A_335, %broadcast_in_dim3A_337 : vector<16xi1>, vector<16xi32>
        %gather3A_339 = tpu.vector_load_idx %arg10[%select_n3A_338, %add3A_265] : memref<112x512xf32, #tpu.memory_space<vmem>>[vector<16xi32>, vector<16xi32>], vector<16xf32>,
        %mul3A_340 = arith.constant 16 : i32
        %mul3A_341 = arith.muli %while3A_261, %mul3A_340 : i32
        %get3A_342 = arith.constant 1 : i32
        %get3A_343 = arith.index_cast %get3A_342 : i32 to index
        %get3A_344 = arith.index_cast %mul3A_341 : i32 to index
        %get3A_345 = tpu.vector_load %arg13[%get3A_343, %get3A_344] {strides = array<i32>} : memref<4x512xf32, #tpu.memory_space<vmem>>, vector<16xf32>,
        %select_n3A_346 = arith.select %and3A_332, %gather3A_339, %get3A_345 : vector<16xi1>, vector<16xf32>
        %mul3A_347 = arith.constant 16 : i32
        %mul3A_348 = arith.muli %while3A_261, %mul3A_347 : i32
        %swap3A_349 = arith.constant 1 : i32
        %swap3A_350 = arith.index_cast %swap3A_349 : i32 to index
        %swap3A_351 = arith.index_cast %mul3A_348 : i32 to index
        %swap3A_352 = tpu.vector_load %arg13[%swap3A_350, %swap3A_351] {strides = array<i32>} : memref<4x512xf32, #tpu.memory_space<vmem>>, vector<16xf32>,
        tpu.vector_store %arg13[%swap3A_350, %swap3A_351], %select_n3A_346 {strides = array<i32>} : memref<4x512xf32, #tpu.memory_space<vmem>>, vector<16xf32>,
        %mul3A_353 = arith.constant 16 : i32
        %mul3A_354 = arith.muli %while3A_261, %mul3A_353 : i32
        %get3A_355 = arith.constant 2 : i32
        %get3A_356 = arith.index_cast %get3A_355 : i32 to index
        %get3A_357 = arith.index_cast %mul3A_354 : i32 to index
        %get3A_358 = tpu.vector_load %arg8[%get3A_356, %get3A_357] {strides = array<i32>} : memref<4x512xi32, #tpu.memory_space<vmem>>, vector<16xi32>,
        %ge3A_359 = arith.constant 896 : i32
        %ge3A_360 = vector.broadcast %ge3A_359 : i32 to vector<16xi32>
        %ge3A_361 = arith.cmpi sge, %get3A_358, %ge3A_360 : vector<16xi32>
        %lt3A_362 = arith.constant 1000 : i32
        %lt3A_363 = vector.broadcast %lt3A_362 : i32 to vector<16xi32>
        %lt3A_364 = arith.cmpi slt, %get3A_358, %lt3A_363 : vector<16xi32>
        %and3A_365 = arith.andi %ge3A_361, %lt3A_364 : vector<16xi1>
        %sub3A_366 = arith.constant 888 : i32
        %sub3A_367 = vector.broadcast %sub3A_366 : i32 to vector<16xi32>
        %sub3A_368 = arith.subi %get3A_358, %sub3A_367 : vector<16xi32>
        %jit3A_369 = arith.constant 0 : i32
        %broadcast_in_dim3A_370 = vector.broadcast %jit3A_369 : i32 to vector<16xi32>
        %select_n3A_371 = arith.select %and3A_365, %sub3A_368, %broadcast_in_dim3A_370 : vector<16xi1>, vector<16xi32>
        %gather3A_372 = tpu.vector_load_idx %arg10[%select_n3A_371, %add3A_265] : memref<112x512xf32, #tpu.memory_space<vmem>>[vector<16xi32>, vector<16xi32>], vector<16xf32>,
        %mul3A_373 = arith.constant 16 : i32
        %mul3A_374 = arith.muli %while3A_261, %mul3A_373 : i32
        %get3A_375 = arith.constant 2 : i32
        %get3A_376 = arith.index_cast %get3A_375 : i32 to index
        %get3A_377 = arith.index_cast %mul3A_374 : i32 to index
        %get3A_378 = tpu.vector_load %arg13[%get3A_376, %get3A_377] {strides = array<i32>} : memref<4x512xf32, #tpu.memory_space<vmem>>, vector<16xf32>,
        %select_n3A_379 = arith.select %and3A_365, %gather3A_372, %get3A_378 : vector<16xi1>, vector<16xf32>
        %mul3A_380 = arith.constant 16 : i32
        %mul3A_381 = arith.muli %while3A_261, %mul3A_380 : i32
        %swap3A_382 = arith.constant 2 : i32
        %swap3A_383 = arith.index_cast %swap3A_382 : i32 to index
        %swap3A_384 = arith.index_cast %mul3A_381 : i32 to index
        %swap3A_385 = tpu.vector_load %arg13[%swap3A_383, %swap3A_384] {strides = array<i32>} : memref<4x512xf32, #tpu.memory_space<vmem>>, vector<16xf32>,
        tpu.vector_store %arg13[%swap3A_383, %swap3A_384], %select_n3A_379 {strides = array<i32>} : memref<4x512xf32, #tpu.memory_space<vmem>>, vector<16xf32>,
        %mul3A_386 = arith.constant 16 : i32
        %mul3A_387 = arith.muli %while3A_261, %mul3A_386 : i32
        %get3A_388 = arith.constant 3 : i32
        %get3A_389 = arith.index_cast %get3A_388 : i32 to index
        %get3A_390 = arith.index_cast %mul3A_387 : i32 to index
        %get3A_391 = tpu.vector_load %arg8[%get3A_389, %get3A_390] {strides = array<i32>} : memref<4x512xi32, #tpu.memory_space<vmem>>, vector<16xi32>,
        %ge3A_392 = arith.constant 896 : i32
        %ge3A_393 = vector.broadcast %ge3A_392 : i32 to vector<16xi32>
        %ge3A_394 = arith.cmpi sge, %get3A_391, %ge3A_393 : vector<16xi32>
        %lt3A_395 = arith.constant 1000 : i32
        %lt3A_396 = vector.broadcast %lt3A_395 : i32 to vector<16xi32>
        %lt3A_397 = arith.cmpi slt, %get3A_391, %lt3A_396 : vector<16xi32>
        %and3A_398 = arith.andi %ge3A_394, %lt3A_397 : vector<16xi1>
        %sub3A_399 = arith.constant 888 : i32
        %sub3A_400 = vector.broadcast %sub3A_399 : i32 to vector<16xi32>
        %sub3A_401 = arith.subi %get3A_391, %sub3A_400 : vector<16xi32>
        %jit3A_402 = arith.constant 0 : i32
        %broadcast_in_dim3A_403 = vector.broadcast %jit3A_402 : i32 to vector<16xi32>
        %select_n3A_404 = arith.select %and3A_398, %sub3A_401, %broadcast_in_dim3A_403 : vector<16xi1>, vector<16xi32>
        %gather3A_405 = tpu.vector_load_idx %arg10[%select_n3A_404, %add3A_265] : memref<112x512xf32, #tpu.memory_space<vmem>>[vector<16xi32>, vector<16xi32>], vector<16xf32>,
        %mul3A_406 = arith.constant 16 : i32
        %mul3A_407 = arith.muli %while3A_261, %mul3A_406 : i32
        %get3A_408 = arith.constant 3 : i32
        %get3A_409 = arith.index_cast %get3A_408 : i32 to index
        %get3A_410 = arith.index_cast %mul3A_407 : i32 to index
        %get3A_411 = tpu.vector_load %arg13[%get3A_409, %get3A_410] {strides = array<i32>} : memref<4x512xf32, #tpu.memory_space<vmem>>, vector<16xf32>,
        %select_n3A_412 = arith.select %and3A_398, %gather3A_405, %get3A_411 : vector<16xi1>, vector<16xf32>
        %mul3A_413 = arith.constant 16 : i32
        %mul3A_414 = arith.muli %while3A_261, %mul3A_413 : i32
        %swap3A_415 = arith.constant 3 : i32
        %swap3A_416 = arith.index_cast %swap3A_415 : i32 to index
        %swap3A_417 = arith.index_cast %mul3A_414 : i32 to index
        %swap3A_418 = tpu.vector_load %arg13[%swap3A_416, %swap3A_417] {strides = array<i32>} : memref<4x512xf32, #tpu.memory_space<vmem>>, vector<16xf32>,
        tpu.vector_store %arg13[%swap3A_416, %swap3A_417], %select_n3A_412 {strides = array<i32>} : memref<4x512xf32, #tpu.memory_space<vmem>>, vector<16xf32>,
      }
      %while3A_260 = arith.constant 1 : i32
      scf.for %while3A_261 = %while3A_258 to %while3A_254 step %while3A_260  : i32 {
        %mul3A_262 = arith.constant 16 : i32
        %mul3A_263 = arith.muli %while3A_261, %mul3A_262 : i32
        %add3A_264 = vector.broadcast %mul3A_263 : i32 to vector<16xi32>
        %add3A_265 = arith.addi %add3A_264, %iota3A : vector<16xi32>
        %mul3A_266 = arith.constant 16 : i32
        %mul3A_267 = arith.muli %while3A_261, %mul3A_266 : i32
        %get3A_268 = arith.index_cast %mul3A_267 : i32 to index
        %get3A_269 = tpu.vector_load %arg7[%get3A_268] {strides = array<i32>} : memref<512xi32, #tpu.memory_space<vmem>>, vector<16xi32>,
        %ge3A = arith.constant 896 : i32
        %ge3A_270 = vector.broadcast %ge3A : i32 to vector<16xi32>
        %ge3A_271 = arith.cmpi sge, %get3A_269, %ge3A_270 : vector<16xi32>
        %lt3A_272 = arith.constant 1000 : i32
        %lt3A_273 = vector.broadcast %lt3A_272 : i32 to vector<16xi32>
        %lt3A_274 = arith.cmpi slt, %get3A_269, %lt3A_273 : vector<16xi32>
        %and3A = arith.andi %ge3A_271, %lt3A_274 : vector<16xi1>
        %sub3A = arith.constant 888 : i32
        %sub3A_275 = vector.broadcast %sub3A : i32 to vector<16xi32>
        %sub3A_276 = arith.subi %get3A_269, %sub3A_275 : vector<16xi32>
        %jit3A = arith.constant 0 : i32
        %broadcast_in_dim3A_277 = vector.broadcast %jit3A : i32 to vector<16xi32>
        %select_n3A = arith.select %and3A, %sub3A_276, %broadcast_in_dim3A_277 : vector<16xi1>, vector<16xi32>
        %gather3A = tpu.vector_load_idx %arg10[%select_n3A, %add3A_265] : memref<112x512xf32, #tpu.memory_space<vmem>>[vector<16xi32>, vector<16xi32>], vector<16xf32>,
        %mul3A_278 = arith.constant 16 : i32
        %mul3A_279 = arith.muli %while3A_261, %mul3A_278 : i32
        %get3A_280 = arith.index_cast %mul3A_279 : i32 to index
        %get3A_281 = tpu.vector_load %arg12[%get3A_280] {strides = array<i32>} : memref<512xf32, #tpu.memory_space<vmem>>, vector<16xf32>,
        %select_n3A_282 = arith.select %and3A, %gather3A, %get3A_281 : vector<16xi1>, vector<16xf32>
        %mul3A_283 = arith.constant 16 : i32
        %mul3A_284 = arith.muli %while3A_261, %mul3A_283 : i32
        %swap3A_285 = arith.index_cast %mul3A_284 : i32 to index
        %swap3A_286 = tpu.vector_load %arg12[%swap3A_285] {strides = array<i32>} : memref<512xf32, #tpu.memory_space<vmem>>, vector<16xf32>,
        tpu.vector_store %arg12[%swap3A_285], %select_n3A_282 {strides = array<i32>} : memref<512xf32, #tpu.memory_space<vmem>>, vector<16xf32>,
        %mul3A_287 = arith.constant 16 : i32
        %mul3A_288 = arith.muli %while3A_261, %mul3A_287 : i32
        %get3A_289 = arith.constant 0 : i32
        %get3A_290 = arith.index_cast %get3A_289 : i32 to index
        %get3A_291 = arith.index_cast %mul3A_288 : i32 to index
        %get3A_292 = tpu.vector_load %arg8[%get3A_290, %get3A_291] {strides = array<i32>} : memref<4x512xi32, #tpu.memory_space<vmem>>, vector<16xi32>,
        %ge3A_293 = arith.constant 896 : i32
        %ge3A_294 = vector.broadcast %ge3A_293 : i32 to vector<16xi32>
        %ge3A_295 = arith.cmpi sge, %get3A_292, %ge3A_294 : vector<16xi32>
        %lt3A_296 = arith.constant 1000 : i32
        %lt3A_297 = vector.broadcast %lt3A_296 : i32 to vector<16xi32>
        %lt3A_298 = arith.cmpi slt, %get3A_292, %lt3A_297 : vector<16xi32>
        %and3A_299 = arith.andi %ge3A_295, %lt3A_298 : vector<16xi1>
        %sub3A_300 = arith.constant 888 : i32
        %sub3A_301 = vector.broadcast %sub3A_300 : i32 to vector<16xi32>
        %sub3A_302 = arith.subi %get3A_292, %sub3A_301 : vector<16xi32>
        %jit3A_303 = arith.constant 0 : i32
        %broadcast_in_dim3A_304 = vector.broadcast %jit3A_303 : i32 to vector<16xi32>
        %select_n3A_305 = arith.select %and3A_299, %sub3A_302, %broadcast_in_dim3A_304 : vector<16xi1>, vector<16xi32>
        %gather3A_306 = tpu.vector_load_idx %arg10[%select_n3A_305, %add3A_265] : memref<112x512xf32, #tpu.memory_space<vmem>>[vector<16xi32>, vector<16xi32>], vector<16xf32>,
        %mul3A_307 = arith.constant 16 : i32
        %mul3A_308 = arith.muli %while3A_261, %mul3A_307 : i32
        %get3A_309 = arith.constant 0 : i32
        %get3A_310 = arith.index_cast %get3A_309 : i32 to index
        %get3A_311 = arith.index_cast %mul3A_308 : i32 to index
        %get3A_312 = tpu.vector_load %arg13[%get3A_310, %get3A_311] {strides = array<i32>} : memref<4x512xf32, #tpu.memory_space<vmem>>, vector<16xf32>,
        %select_n3A_313 = arith.select %and3A_299, %gather3A_306, %get3A_312 : vector<16xi1>, vector<16xf32>
        %mul3A_314 = arith.constant 16 : i32
        %mul3A_315 = arith.muli %while3A_261, %mul3A_314 : i32
        %swap3A_316 = arith.constant 0 : i32
        %swap3A_317 = arith.index_cast %swap3A_316 : i32 to index
        %swap3A_318 = arith.index_cast %mul3A_315 : i32 to index
        %swap3A_319 = tpu.vector_load %arg13[%swap3A_317, %swap3A_318] {strides = array<i32>} : memref<4x512xf32, #tpu.memory_space<vmem>>, vector<16xf32>,
        tpu.vector_store %arg13[%swap3A_317, %swap3A_318], %select_n3A_313 {strides = array<i32>} : memref<4x512xf32, #tpu.memory_space<vmem>>, vector<16xf32>,
        %mul3A_320 = arith.constant 16 : i32
        %mul3A_321 = arith.muli %while3A_261, %mul3A_320 : i32
        %get3A_322 = arith.constant 1 : i32
        %get3A_323 = arith.index_cast %get3A_322 : i32 to index
        %get3A_324 = arith.index_cast %mul3A_321 : i32 to index
        %get3A_325 = tpu.vector_load %arg8[%get3A_323, %get3A_324] {strides = array<i32>} : memref<4x512xi32, #tpu.memory_space<vmem>>, vector<16xi32>,
        %ge3A_326 = arith.constant 896 : i32
        %ge3A_327 = vector.broadcast %ge3A_326 : i32 to vector<16xi32>
        %ge3A_328 = arith.cmpi sge, %get3A_325, %ge3A_327 : vector<16xi32>
        %lt3A_329 = arith.constant 1000 : i32
        %lt3A_330 = vector.broadcast %lt3A_329 : i32 to vector<16xi32>
        %lt3A_331 = arith.cmpi slt, %get3A_325, %lt3A_330 : vector<16xi32>
        %and3A_332 = arith.andi %ge3A_328, %lt3A_331 : vector<16xi1>
        %sub3A_333 = arith.constant 888 : i32
        %sub3A_334 = vector.broadcast %sub3A_333 : i32 to vector<16xi32>
        %sub3A_335 = arith.subi %get3A_325, %sub3A_334 : vector<16xi32>
        %jit3A_336 = arith.constant 0 : i32
        %broadcast_in_dim3A_337 = vector.broadcast %jit3A_336 : i32 to vector<16xi32>
        %select_n3A_338 = arith.select %and3A_332, %sub3A_335, %broadcast_in_dim3A_337 : vector<16xi1>, vector<16xi32>
        %gather3A_339 = tpu.vector_load_idx %arg10[%select_n3A_338, %add3A_265] : memref<112x512xf32, #tpu.memory_space<vmem>>[vector<16xi32>, vector<16xi32>], vector<16xf32>,
        %mul3A_340 = arith.constant 16 : i32
        %mul3A_341 = arith.muli %while3A_261, %mul3A_340 : i32
        %get3A_342 = arith.constant 1 : i32
        %get3A_343 = arith.index_cast %get3A_342 : i32 to index
        %get3A_344 = arith.index_cast %mul3A_341 : i32 to index
        %get3A_345 = tpu.vector_load %arg13[%get3A_343, %get3A_344] {strides = array<i32>} : memref<4x512xf32, #tpu.memory_space<vmem>>, vector<16xf32>,
        %select_n3A_346 = arith.select %and3A_332, %gather3A_339, %get3A_345 : vector<16xi1>, vector<16xf32>
        %mul3A_347 = arith.constant 16 : i32
        %mul3A_348 = arith.muli %while3A_261, %mul3A_347 : i32
        %swap3A_349 = arith.constant 1 : i32
        %swap3A_350 = arith.index_cast %swap3A_349 : i32 to index
        %swap3A_351 = arith.index_cast %mul3A_348 : i32 to index
        %swap3A_352 = tpu.vector_load %arg13[%swap3A_350, %swap3A_351] {strides = array<i32>} : memref<4x512xf32, #tpu.memory_space<vmem>>, vector<16xf32>,
        tpu.vector_store %arg13[%swap3A_350, %swap3A_351], %select_n3A_346 {strides = array<i32>} : memref<4x512xf32, #tpu.memory_space<vmem>>, vector<16xf32>,
        %mul3A_353 = arith.constant 16 : i32
        %mul3A_354 = arith.muli %while3A_261, %mul3A_353 : i32
        %get3A_355 = arith.constant 2 : i32
        %get3A_356 = arith.index_cast %get3A_355 : i32 to index
        %get3A_357 = arith.index_cast %mul3A_354 : i32 to index
        %get3A_358 = tpu.vector_load %arg8[%get3A_356, %get3A_357] {strides = array<i32>} : memref<4x512xi32, #tpu.memory_space<vmem>>, vector<16xi32>,
        %ge3A_359 = arith.constant 896 : i32
        %ge3A_360 = vector.broadcast %ge3A_359 : i32 to vector<16xi32>
        %ge3A_361 = arith.cmpi sge, %get3A_358, %ge3A_360 : vector<16xi32>
        %lt3A_362 = arith.constant 1000 : i32
        %lt3A_363 = vector.broadcast %lt3A_362 : i32 to vector<16xi32>
        %lt3A_364 = arith.cmpi slt, %get3A_358, %lt3A_363 : vector<16xi32>
        %and3A_365 = arith.andi %ge3A_361, %lt3A_364 : vector<16xi1>
        %sub3A_366 = arith.constant 888 : i32
        %sub3A_367 = vector.broadcast %sub3A_366 : i32 to vector<16xi32>
        %sub3A_368 = arith.subi %get3A_358, %sub3A_367 : vector<16xi32>
        %jit3A_369 = arith.constant 0 : i32
        %broadcast_in_dim3A_370 = vector.broadcast %jit3A_369 : i32 to vector<16xi32>
        %select_n3A_371 = arith.select %and3A_365, %sub3A_368, %broadcast_in_dim3A_370 : vector<16xi1>, vector<16xi32>
        %gather3A_372 = tpu.vector_load_idx %arg10[%select_n3A_371, %add3A_265] : memref<112x512xf32, #tpu.memory_space<vmem>>[vector<16xi32>, vector<16xi32>], vector<16xf32>,
        %mul3A_373 = arith.constant 16 : i32
        %mul3A_374 = arith.muli %while3A_261, %mul3A_373 : i32
        %get3A_375 = arith.constant 2 : i32
        %get3A_376 = arith.index_cast %get3A_375 : i32 to index
        %get3A_377 = arith.index_cast %mul3A_374 : i32 to index
        %get3A_378 = tpu.vector_load %arg13[%get3A_376, %get3A_377] {strides = array<i32>} : memref<4x512xf32, #tpu.memory_space<vmem>>, vector<16xf32>,
        %select_n3A_379 = arith.select %and3A_365, %gather3A_372, %get3A_378 : vector<16xi1>, vector<16xf32>
        %mul3A_380 = arith.constant 16 : i32
        %mul3A_381 = arith.muli %while3A_261, %mul3A_380 : i32
        %swap3A_382 = arith.constant 2 : i32
        %swap3A_383 = arith.index_cast %swap3A_382 : i32 to index
        %swap3A_384 = arith.index_cast %mul3A_381 : i32 to index
        %swap3A_385 = tpu.vector_load %arg13[%swap3A_383, %swap3A_384] {strides = array<i32>} : memref<4x512xf32, #tpu.memory_space<vmem>>, vector<16xf32>,
        tpu.vector_store %arg13[%swap3A_383, %swap3A_384], %select_n3A_379 {strides = array<i32>} : memref<4x512xf32, #tpu.memory_space<vmem>>, vector<16xf32>,
        %mul3A_386 = arith.constant 16 : i32
        %mul3A_387 = arith.muli %while3A_261, %mul3A_386 : i32
        %get3A_388 = arith.constant 3 : i32
        %get3A_389 = arith.index_cast %get3A_388 : i32 to index
        %get3A_390 = arith.index_cast %mul3A_387 : i32 to index
        %get3A_391 = tpu.vector_load %arg8[%get3A_389, %get3A_390] {strides = array<i32>} : memref<4x512xi32, #tpu.memory_space<vmem>>, vector<16xi32>,
        %ge3A_392 = arith.constant 896 : i32
        %ge3A_393 = vector.broadcast %ge3A_392 : i32 to vector<16xi32>
        %ge3A_394 = arith.cmpi sge, %get3A_391, %ge3A_393 : vector<16xi32>
        %lt3A_395 = arith.constant 1000 : i32
        %lt3A_396 = vector.broadcast %lt3A_395 : i32 to vector<16xi32>
        %lt3A_397 = arith.cmpi slt, %get3A_391, %lt3A_396 : vector<16xi32>
        %and3A_398 = arith.andi %ge3A_394, %lt3A_397 : vector<16xi1>
        %sub3A_399 = arith.constant 888 : i32
        %sub3A_400 = vector.broadcast %sub3A_399 : i32 to vector<16xi32>
        %sub3A_401 = arith.subi %get3A_391, %sub3A_400 : vector<16xi32>
        %jit3A_402 = arith.constant 0 : i32
        %broadcast_in_dim3A_403 = vector.broadcast %jit3A_402 : i32 to vector<16xi32>
        %select_n3A_404 = arith.select %and3A_398, %sub3A_401, %broadcast_in_dim3A_403 : vector<16xi1>, vector<16xi32>
        %gather3A_405 = tpu.vector_load_idx %arg10[%select_n3A_404, %add3A_265] : memref<112x512xf32, #tpu.memory_space<vmem>>[vector<16xi32>, vector<16xi32>], vector<16xf32>,
        %mul3A_406 = arith.constant 16 : i32
        %mul3A_407 = arith.muli %while3A_261, %mul3A_406 : i32
        %get3A_408 = arith.constant 3 : i32
        %get3A_409 = arith.index_cast %get3A_408 : i32 to index
        %get3A_410 = arith.index_cast %mul3A_407 : i32 to index
        %get3A_411 = tpu.vector_load %arg13[%get3A_409, %get3A_410] {strides = array<i32>} : memref<4x512xf32, #tpu.memory_space<vmem>>, vector<16xf32>,
        %select_n3A_412 = arith.select %and3A_398, %gather3A_405, %get3A_411 : vector<16xi1>, vector<16xf32>
        %mul3A_413 = arith.constant 16 : i32
        %mul3A_414 = arith.muli %while3A_261, %mul3A_413 : i32
        %swap3A_415 = arith.constant 3 : i32
        %swap3A_416 = arith.index_cast %swap3A_415 : i32 to index
        %swap3A_417 = arith.index_cast %mul3A_414 : i32 to index
        %swap3A_418 = tpu.vector_load %arg13[%swap3A_416, %swap3A_417] {strides = array<i32>} : memref<4x512xf32, #tpu.memory_space<vmem>>, vector<16xf32>,
        tpu.vector_store %arg13[%swap3A_416, %swap3A_417], %select_n3A_412 {strides = array<i32>} : memref<4x512xf32, #tpu.memory_space<vmem>>, vector<16xf32>,
      }
    } else {
    }
    %max3A = arith.constant 1 : i32
    %max3A_46 = vector.broadcast %max3A : i32 to vector<16xi32>
    %max3A_47 = arith.maxsi %get3A_25, %max3A_46 : vector<16xi32>
    %convert_element_type3A_48 = arith.sitofp %max3A_47 : vector<16xi32> to vector<16xf32>
    %div3A_49 = arith.constant -1.250000e-01 : f32
    %div3A_50 = vector.broadcast %div3A_49 : f32 to vector<16xf32>
    %div3A_51 = arith.divf %div3A_50, %convert_element_type3A_48 : vector<16xf32>
    %broadcast_in_dim3A = arith.constant 0.000000e+00 : f32
    %broadcast_in_dim3A_52 = vector.broadcast %broadcast_in_dim3A : f32 to vector<16xf32>
    %while3A = arith.constant 0 : i32
    %while3A_53 = arith.subi %add3A_43, %while3A : i32
    %while3A_54 = arith.addi %while3A, %while3A_53 : i32
    %while3A_55 = arith.constant 1 : i32
    %while3A_56 = arith.divsi %while3A_53, %while3A_55 : i32
    %while3A_57 = arith.muli %while3A_56, %while3A_55 : i32
    %while3A_58 = arith.addi %while3A, %while3A_57 : i32
    %while3A_59 = arith.constant 1 : i32
    %while3A_60 = scf.for %while3A_65 = %while3A to %while3A_58 step %while3A_59 iter_args(%while3A_66 = %broadcast_in_dim3A_52) -> (vector<16xf32>)  : i32 {
      %mul3A_67 = arith.constant 16 : i32
      %mul3A_68 = arith.muli %while3A_65, %mul3A_67 : i32
      %get3A_69 = arith.index_cast %mul3A_68 : i32 to index
      %get3A_70 = tpu.vector_load %arg12[%get3A_69] {strides = array<i32>} : memref<512xf32, #tpu.memory_space<vmem>>, vector<16xf32>,
      %broadcast_in_dim3A_71 = arith.constant 0.000000e+00 : f32
      %broadcast_in_dim3A_72 = vector.broadcast %broadcast_in_dim3A_71 : f32 to vector<16xf32>
      %mul3A_73 = arith.constant 16 : i32
      %mul3A_74 = arith.muli %while3A_65, %mul3A_73 : i32
      %get3A_75 = arith.constant 0 : i32
      %get3A_76 = arith.index_cast %get3A_75 : i32 to index
      %get3A_77 = arith.index_cast %mul3A_74 : i32 to index
      %get3A_78 = tpu.vector_load %arg13[%get3A_76, %get3A_77] {strides = array<i32>} : memref<4x512xf32, #tpu.memory_space<vmem>>, vector<16xf32>,
      %sub3A = arith.subf %get3A_70, %get3A_78 : vector<16xf32>
      %abs3A = math.absf %sub3A : vector<16xf32>
      %neg3A = arith.constant 0.000000e+00 : f32
      %neg3A_79 = vector.broadcast %neg3A : f32 to vector<16xf32>
      %neg3A_80 = arith.subf %neg3A_79, %abs3A : vector<16xf32>
      %exp3A = math.exp %neg3A_80 : vector<16xf32>
      %min3A = arith.constant 0.000000e+00 : f32
      %min3A_81 = vector.broadcast %min3A : f32 to vector<16xf32>
      %min3A_82 = arith.minimumf %sub3A, %min3A_81 : vector<16xf32>
      %add3A_83 = arith.constant 2.000000e+00 : f32
      %add3A_84 = vector.broadcast %add3A_83 : f32 to vector<16xf32>
      %add3A_85 = arith.addf %exp3A, %add3A_84 : vector<16xf32>
      %div3A_86 = arith.divf %exp3A, %add3A_85 : vector<16xf32>
      %mul3A_87 = arith.mulf %div3A_86, %div3A_86 : vector<16xf32>
      %mul3A_88 = arith.constant 0.111111112 : f32
      %mul3A_89 = vector.broadcast %mul3A_88 : f32 to vector<16xf32>
      %mul3A_90 = arith.mulf %mul3A_87, %mul3A_89 : vector<16xf32>
      %add3A_91 = arith.constant 0.142857149 : f32
      %add3A_92 = vector.broadcast %add3A_91 : f32 to vector<16xf32>
      %add3A_93 = arith.addf %add3A_92, %mul3A_90 : vector<16xf32>
      %mul3A_94 = arith.mulf %mul3A_87, %add3A_93 : vector<16xf32>
      %add3A_95 = arith.constant 2.000000e-01 : f32
      %add3A_96 = vector.broadcast %add3A_95 : f32 to vector<16xf32>
      %add3A_97 = arith.addf %add3A_96, %mul3A_94 : vector<16xf32>
      %mul3A_98 = arith.mulf %mul3A_87, %add3A_97 : vector<16xf32>
      %add3A_99 = arith.constant 0.333333343 : f32
      %add3A_100 = vector.broadcast %add3A_99 : f32 to vector<16xf32>
      %add3A_101 = arith.addf %add3A_100, %mul3A_98 : vector<16xf32>
      %mul3A_102 = arith.constant 2.000000e+00 : f32
      %mul3A_103 = vector.broadcast %mul3A_102 : f32 to vector<16xf32>
      %mul3A_104 = arith.mulf %mul3A_103, %div3A_86 : vector<16xf32>
      %mul3A_105 = arith.mulf %mul3A_87, %add3A_101 : vector<16xf32>
      %add3A_106 = arith.constant 1.000000e+00 : f32
      %add3A_107 = vector.broadcast %add3A_106 : f32 to vector<16xf32>
      %add3A_108 = arith.addf %add3A_107, %mul3A_105 : vector<16xf32>
      %mul3A_109 = arith.mulf %mul3A_104, %add3A_108 : vector<16xf32>
      %sub3A_110 = arith.subf %min3A_82, %mul3A_109 : vector<16xf32>
      %add3A_111 = arith.addf %broadcast_in_dim3A_72, %sub3A_110 : vector<16xf32>
      %mul3A_112 = arith.constant 16 : i32
      %mul3A_113 = arith.muli %while3A_65, %mul3A_112 : i32
      %get3A_114 = arith.constant 1 : i32
      %get3A_115 = arith.index_cast %get3A_114 : i32 to index
      %get3A_116 = arith.index_cast %mul3A_113 : i32 to index
      %get3A_117 = tpu.vector_load %arg13[%get3A_115, %get3A_116] {strides = array<i32>} : memref<4x512xf32, #tpu.memory_space<vmem>>, vector<16xf32>,
      %sub3A_118 = arith.subf %get3A_70, %get3A_117 : vector<16xf32>
      %abs3A_119 = math.absf %sub3A_118 : vector<16xf32>
      %neg3A_120 = arith.constant 0.000000e+00 : f32
      %neg3A_121 = vector.broadcast %neg3A_120 : f32 to vector<16xf32>
      %neg3A_122 = arith.subf %neg3A_121, %abs3A_119 : vector<16xf32>
      %exp3A_123 = math.exp %neg3A_122 : vector<16xf32>
      %min3A_124 = arith.constant 0.000000e+00 : f32
      %min3A_125 = vector.broadcast %min3A_124 : f32 to vector<16xf32>
      %min3A_126 = arith.minimumf %sub3A_118, %min3A_125 : vector<16xf32>
      %add3A_127 = arith.constant 2.000000e+00 : f32
      %add3A_128 = vector.broadcast %add3A_127 : f32 to vector<16xf32>
      %add3A_129 = arith.addf %exp3A_123, %add3A_128 : vector<16xf32>
      %div3A_130 = arith.divf %exp3A_123, %add3A_129 : vector<16xf32>
      %mul3A_131 = arith.mulf %div3A_130, %div3A_130 : vector<16xf32>
      %mul3A_132 = arith.constant 0.111111112 : f32
      %mul3A_133 = vector.broadcast %mul3A_132 : f32 to vector<16xf32>
      %mul3A_134 = arith.mulf %mul3A_131, %mul3A_133 : vector<16xf32>
      %add3A_135 = arith.constant 0.142857149 : f32
      %add3A_136 = vector.broadcast %add3A_135 : f32 to vector<16xf32>
      %add3A_137 = arith.addf %add3A_136, %mul3A_134 : vector<16xf32>
      %mul3A_138 = arith.mulf %mul3A_131, %add3A_137 : vector<16xf32>
      %add3A_139 = arith.constant 2.000000e-01 : f32
      %add3A_140 = vector.broadcast %add3A_139 : f32 to vector<16xf32>
      %add3A_141 = arith.addf %add3A_140, %mul3A_138 : vector<16xf32>
      %mul3A_142 = arith.mulf %mul3A_131, %add3A_141 : vector<16xf32>
      %add3A_143 = arith.constant 0.333333343 : f32
      %add3A_144 = vector.broadcast %add3A_143 : f32 to vector<16xf32>
      %add3A_145 = arith.addf %add3A_144, %mul3A_142 : vector<16xf32>
      %mul3A_146 = arith.constant 2.000000e+00 : f32
      %mul3A_147 = vector.broadcast %mul3A_146 : f32 to vector<16xf32>
      %mul3A_148 = arith.mulf %mul3A_147, %div3A_130 : vector<16xf32>
      %mul3A_149 = arith.mulf %mul3A_131, %add3A_145 : vector<16xf32>
      %add3A_150 = arith.constant 1.000000e+00 : f32
      %add3A_151 = vector.broadcast %add3A_150 : f32 to vector<16xf32>
      %add3A_152 = arith.addf %add3A_151, %mul3A_149 : vector<16xf32>
      %mul3A_153 = arith.mulf %mul3A_148, %add3A_152 : vector<16xf32>
      %sub3A_154 = arith.subf %min3A_126, %mul3A_153 : vector<16xf32>
      %add3A_155 = arith.addf %add3A_111, %sub3A_154 : vector<16xf32>
      %mul3A_156 = arith.constant 16 : i32
      %mul3A_157 = arith.muli %while3A_65, %mul3A_156 : i32
      %get3A_158 = arith.constant 2 : i32
      %get3A_159 = arith.index_cast %get3A_158 : i32 to index
      %get3A_160 = arith.index_cast %mul3A_157 : i32 to index
      %get3A_161 = tpu.vector_load %arg13[%get3A_159, %get3A_160] {strides = array<i32>} : memref<4x512xf32, #tpu.memory_space<vmem>>, vector<16xf32>,
      %sub3A_162 = arith.subf %get3A_70, %get3A_161 : vector<16xf32>
      %abs3A_163 = math.absf %sub3A_162 : vector<16xf32>
      %neg3A_164 = arith.constant 0.000000e+00 : f32
      %neg3A_165 = vector.broadcast %neg3A_164 : f32 to vector<16xf32>
      %neg3A_166 = arith.subf %neg3A_165, %abs3A_163 : vector<16xf32>
      %exp3A_167 = math.exp %neg3A_166 : vector<16xf32>
      %min3A_168 = arith.constant 0.000000e+00 : f32
      %min3A_169 = vector.broadcast %min3A_168 : f32 to vector<16xf32>
      %min3A_170 = arith.minimumf %sub3A_162, %min3A_169 : vector<16xf32>
      %add3A_171 = arith.constant 2.000000e+00 : f32
      %add3A_172 = vector.broadcast %add3A_171 : f32 to vector<16xf32>
      %add3A_173 = arith.addf %exp3A_167, %add3A_172 : vector<16xf32>
      %div3A_174 = arith.divf %exp3A_167, %add3A_173 : vector<16xf32>
      %mul3A_175 = arith.mulf %div3A_174, %div3A_174 : vector<16xf32>
      %mul3A_176 = arith.constant 0.111111112 : f32
      %mul3A_177 = vector.broadcast %mul3A_176 : f32 to vector<16xf32>
      %mul3A_178 = arith.mulf %mul3A_175, %mul3A_177 : vector<16xf32>
      %add3A_179 = arith.constant 0.142857149 : f32
      %add3A_180 = vector.broadcast %add3A_179 : f32 to vector<16xf32>
      %add3A_181 = arith.addf %add3A_180, %mul3A_178 : vector<16xf32>
      %mul3A_182 = arith.mulf %mul3A_175, %add3A_181 : vector<16xf32>
      %add3A_183 = arith.constant 2.000000e-01 : f32
      %add3A_184 = vector.broadcast %add3A_183 : f32 to vector<16xf32>
      %add3A_185 = arith.addf %add3A_184, %mul3A_182 : vector<16xf32>
      %mul3A_186 = arith.mulf %mul3A_175, %add3A_185 : vector<16xf32>
      %add3A_187 = arith.constant 0.333333343 : f32
      %add3A_188 = vector.broadcast %add3A_187 : f32 to vector<16xf32>
      %add3A_189 = arith.addf %add3A_188, %mul3A_186 : vector<16xf32>
      %mul3A_190 = arith.constant 2.000000e+00 : f32
      %mul3A_191 = vector.broadcast %mul3A_190 : f32 to vector<16xf32>
      %mul3A_192 = arith.mulf %mul3A_191, %div3A_174 : vector<16xf32>
      %mul3A_193 = arith.mulf %mul3A_175, %add3A_189 : vector<16xf32>
      %add3A_194 = arith.constant 1.000000e+00 : f32
      %add3A_195 = vector.broadcast %add3A_194 : f32 to vector<16xf32>
      %add3A_196 = arith.addf %add3A_195, %mul3A_193 : vector<16xf32>
      %mul3A_197 = arith.mulf %mul3A_192, %add3A_196 : vector<16xf32>
      %sub3A_198 = arith.subf %min3A_170, %mul3A_197 : vector<16xf32>
      %add3A_199 = arith.addf %add3A_155, %sub3A_198 : vector<16xf32>
      %mul3A_200 = arith.constant 16 : i32
      %mul3A_201 = arith.muli %while3A_65, %mul3A_200 : i32
      %get3A_202 = arith.constant 3 : i32
      %get3A_203 = arith.index_cast %get3A_202 : i32 to index
      %get3A_204 = arith.index_cast %mul3A_201 : i32 to index
      %get3A_205 = tpu.vector_load %arg13[%get3A_203, %get3A_204] {strides = array<i32>} : memref<4x512xf32, #tpu.memory_space<vmem>>, vector<16xf32>,
      %sub3A_206 = arith.subf %get3A_70, %get3A_205 : vector<16xf32>
      %abs3A_207 = math.absf %sub3A_206 : vector<16xf32>
      %neg3A_208 = arith.constant 0.000000e+00 : f32
      %neg3A_209 = vector.broadcast %neg3A_208 : f32 to vector<16xf32>
      %neg3A_210 = arith.subf %neg3A_209, %abs3A_207 : vector<16xf32>
      %exp3A_211 = math.exp %neg3A_210 : vector<16xf32>
      %min3A_212 = arith.constant 0.000000e+00 : f32
      %min3A_213 = vector.broadcast %min3A_212 : f32 to vector<16xf32>
      %min3A_214 = arith.minimumf %sub3A_206, %min3A_213 : vector<16xf32>
      %add3A_215 = arith.constant 2.000000e+00 : f32
      %add3A_216 = vector.broadcast %add3A_215 : f32 to vector<16xf32>
      %add3A_217 = arith.addf %exp3A_211, %add3A_216 : vector<16xf32>
      %div3A_218 = arith.divf %exp3A_211, %add3A_217 : vector<16xf32>
      %mul3A_219 = arith.mulf %div3A_218, %div3A_218 : vector<16xf32>
      %mul3A_220 = arith.constant 0.111111112 : f32
      %mul3A_221 = vector.broadcast %mul3A_220 : f32 to vector<16xf32>
      %mul3A_222 = arith.mulf %mul3A_219, %mul3A_221 : vector<16xf32>
      %add3A_223 = arith.constant 0.142857149 : f32
      %add3A_224 = vector.broadcast %add3A_223 : f32 to vector<16xf32>
      %add3A_225 = arith.addf %add3A_224, %mul3A_222 : vector<16xf32>
      %mul3A_226 = arith.mulf %mul3A_219, %add3A_225 : vector<16xf32>
      %add3A_227 = arith.constant 2.000000e-01 : f32
      %add3A_228 = vector.broadcast %add3A_227 : f32 to vector<16xf32>
      %add3A_229 = arith.addf %add3A_228, %mul3A_226 : vector<16xf32>
      %mul3A_230 = arith.mulf %mul3A_219, %add3A_229 : vector<16xf32>
      %add3A_231 = arith.constant 0.333333343 : f32
      %add3A_232 = vector.broadcast %add3A_231 : f32 to vector<16xf32>
      %add3A_233 = arith.addf %add3A_232, %mul3A_230 : vector<16xf32>
      %mul3A_234 = arith.constant 2.000000e+00 : f32
      %mul3A_235 = vector.broadcast %mul3A_234 : f32 to vector<16xf32>
      %mul3A_236 = arith.mulf %mul3A_235, %div3A_218 : vector<16xf32>
      %mul3A_237 = arith.mulf %mul3A_219, %add3A_233 : vector<16xf32>
      %add3A_238 = arith.constant 1.000000e+00 : f32
      %add3A_239 = vector.broadcast %add3A_238 : f32 to vector<16xf32>
      %add3A_240 = arith.addf %add3A_239, %mul3A_237 : vector<16xf32>
      %mul3A_241 = arith.mulf %mul3A_236, %add3A_240 : vector<16xf32>
      %sub3A_242 = arith.subf %min3A_214, %mul3A_241 : vector<16xf32>
      %add3A_243 = arith.addf %add3A_199, %sub3A_242 : vector<16xf32>
      %mul3A_244 = arith.constant 16 : i32
      %mul3A_245 = arith.muli %while3A_65, %mul3A_244 : i32
      %add3A_246 = arith.addi %mul3A_4, %mul3A_245 : i32
      %add3A_247 = vector.broadcast %add3A_246 : i32 to vector<16xi32>
      %add3A_248 = arith.addi %add3A_247, %iota3A : vector<16xi32>
      %lt3A_249 = arith.cmpi slt, %add3A_248, %get3A_25 : vector<16xi32>
      %jit3A = arith.constant 0.000000e+00 : f32
      %broadcast_in_dim3A_250 = vector.broadcast %jit3A : f32 to vector<16xf32>
      %select_n3A = arith.select %lt3A_249, %add3A_243, %broadcast_in_dim3A_250 : vector<16xi1>, vector<16xf32>
      %add3A_251 = arith.addf %while3A_66, %select_n3A : vector<16xf32>
      scf.yield %add3A_251 : vector<16xf32>
    }
    %while3A_61 = arith.constant 1 : i32
    %while3A_62 = scf.for %while3A_65 = %while3A_58 to %while3A_54 step %while3A_61 iter_args(%while3A_66 = %while3A_60) -> (vector<16xf32>)  : i32 {
      %mul3A_67 = arith.constant 16 : i32
      %mul3A_68 = arith.muli %while3A_65, %mul3A_67 : i32
      %get3A_69 = arith.index_cast %mul3A_68 : i32 to index
      %get3A_70 = tpu.vector_load %arg12[%get3A_69] {strides = array<i32>} : memref<512xf32, #tpu.memory_space<vmem>>, vector<16xf32>,
      %broadcast_in_dim3A_71 = arith.constant 0.000000e+00 : f32
      %broadcast_in_dim3A_72 = vector.broadcast %broadcast_in_dim3A_71 : f32 to vector<16xf32>
      %mul3A_73 = arith.constant 16 : i32
      %mul3A_74 = arith.muli %while3A_65, %mul3A_73 : i32
      %get3A_75 = arith.constant 0 : i32
      %get3A_76 = arith.index_cast %get3A_75 : i32 to index
      %get3A_77 = arith.index_cast %mul3A_74 : i32 to index
      %get3A_78 = tpu.vector_load %arg13[%get3A_76, %get3A_77] {strides = array<i32>} : memref<4x512xf32, #tpu.memory_space<vmem>>, vector<16xf32>,
      %sub3A = arith.subf %get3A_70, %get3A_78 : vector<16xf32>
      %abs3A = math.absf %sub3A : vector<16xf32>
      %neg3A = arith.constant 0.000000e+00 : f32
      %neg3A_79 = vector.broadcast %neg3A : f32 to vector<16xf32>
      %neg3A_80 = arith.subf %neg3A_79, %abs3A : vector<16xf32>
      %exp3A = math.exp %neg3A_80 : vector<16xf32>
      %min3A = arith.constant 0.000000e+00 : f32
      %min3A_81 = vector.broadcast %min3A : f32 to vector<16xf32>
      %min3A_82 = arith.minimumf %sub3A, %min3A_81 : vector<16xf32>
      %add3A_83 = arith.constant 2.000000e+00 : f32
      %add3A_84 = vector.broadcast %add3A_83 : f32 to vector<16xf32>
      %add3A_85 = arith.addf %exp3A, %add3A_84 : vector<16xf32>
      %div3A_86 = arith.divf %exp3A, %add3A_85 : vector<16xf32>
      %mul3A_87 = arith.mulf %div3A_86, %div3A_86 : vector<16xf32>
      %mul3A_88 = arith.constant 0.111111112 : f32
      %mul3A_89 = vector.broadcast %mul3A_88 : f32 to vector<16xf32>
      %mul3A_90 = arith.mulf %mul3A_87, %mul3A_89 : vector<16xf32>
      %add3A_91 = arith.constant 0.142857149 : f32
      %add3A_92 = vector.broadcast %add3A_91 : f32 to vector<16xf32>
      %add3A_93 = arith.addf %add3A_92, %mul3A_90 : vector<16xf32>
      %mul3A_94 = arith.mulf %mul3A_87, %add3A_93 : vector<16xf32>
      %add3A_95 = arith.constant 2.000000e-01 : f32
      %add3A_96 = vector.broadcast %add3A_95 : f32 to vector<16xf32>
      %add3A_97 = arith.addf %add3A_96, %mul3A_94 : vector<16xf32>
      %mul3A_98 = arith.mulf %mul3A_87, %add3A_97 : vector<16xf32>
      %add3A_99 = arith.constant 0.333333343 : f32
      %add3A_100 = vector.broadcast %add3A_99 : f32 to vector<16xf32>
      %add3A_101 = arith.addf %add3A_100, %mul3A_98 : vector<16xf32>
      %mul3A_102 = arith.constant 2.000000e+00 : f32
      %mul3A_103 = vector.broadcast %mul3A_102 : f32 to vector<16xf32>
      %mul3A_104 = arith.mulf %mul3A_103, %div3A_86 : vector<16xf32>
      %mul3A_105 = arith.mulf %mul3A_87, %add3A_101 : vector<16xf32>
      %add3A_106 = arith.constant 1.000000e+00 : f32
      %add3A_107 = vector.broadcast %add3A_106 : f32 to vector<16xf32>
      %add3A_108 = arith.addf %add3A_107, %mul3A_105 : vector<16xf32>
      %mul3A_109 = arith.mulf %mul3A_104, %add3A_108 : vector<16xf32>
      %sub3A_110 = arith.subf %min3A_82, %mul3A_109 : vector<16xf32>
      %add3A_111 = arith.addf %broadcast_in_dim3A_72, %sub3A_110 : vector<16xf32>
      %mul3A_112 = arith.constant 16 : i32
      %mul3A_113 = arith.muli %while3A_65, %mul3A_112 : i32
      %get3A_114 = arith.constant 1 : i32
      %get3A_115 = arith.index_cast %get3A_114 : i32 to index
      %get3A_116 = arith.index_cast %mul3A_113 : i32 to index
      %get3A_117 = tpu.vector_load %arg13[%get3A_115, %get3A_116] {strides = array<i32>} : memref<4x512xf32, #tpu.memory_space<vmem>>, vector<16xf32>,
      %sub3A_118 = arith.subf %get3A_70, %get3A_117 : vector<16xf32>
      %abs3A_119 = math.absf %sub3A_118 : vector<16xf32>
      %neg3A_120 = arith.constant 0.000000e+00 : f32
      %neg3A_121 = vector.broadcast %neg3A_120 : f32 to vector<16xf32>
      %neg3A_122 = arith.subf %neg3A_121, %abs3A_119 : vector<16xf32>
      %exp3A_123 = math.exp %neg3A_122 : vector<16xf32>
      %min3A_124 = arith.constant 0.000000e+00 : f32
      %min3A_125 = vector.broadcast %min3A_124 : f32 to vector<16xf32>
      %min3A_126 = arith.minimumf %sub3A_118, %min3A_125 : vector<16xf32>
      %add3A_127 = arith.constant 2.000000e+00 : f32
      %add3A_128 = vector.broadcast %add3A_127 : f32 to vector<16xf32>
      %add3A_129 = arith.addf %exp3A_123, %add3A_128 : vector<16xf32>
      %div3A_130 = arith.divf %exp3A_123, %add3A_129 : vector<16xf32>
      %mul3A_131 = arith.mulf %div3A_130, %div3A_130 : vector<16xf32>
      %mul3A_132 = arith.constant 0.111111112 : f32
      %mul3A_133 = vector.broadcast %mul3A_132 : f32 to vector<16xf32>
      %mul3A_134 = arith.mulf %mul3A_131, %mul3A_133 : vector<16xf32>
      %add3A_135 = arith.constant 0.142857149 : f32
      %add3A_136 = vector.broadcast %add3A_135 : f32 to vector<16xf32>
      %add3A_137 = arith.addf %add3A_136, %mul3A_134 : vector<16xf32>
      %mul3A_138 = arith.mulf %mul3A_131, %add3A_137 : vector<16xf32>
      %add3A_139 = arith.constant 2.000000e-01 : f32
      %add3A_140 = vector.broadcast %add3A_139 : f32 to vector<16xf32>
      %add3A_141 = arith.addf %add3A_140, %mul3A_138 : vector<16xf32>
      %mul3A_142 = arith.mulf %mul3A_131, %add3A_141 : vector<16xf32>
      %add3A_143 = arith.constant 0.333333343 : f32
      %add3A_144 = vector.broadcast %add3A_143 : f32 to vector<16xf32>
      %add3A_145 = arith.addf %add3A_144, %mul3A_142 : vector<16xf32>
      %mul3A_146 = arith.constant 2.000000e+00 : f32
      %mul3A_147 = vector.broadcast %mul3A_146 : f32 to vector<16xf32>
      %mul3A_148 = arith.mulf %mul3A_147, %div3A_130 : vector<16xf32>
      %mul3A_149 = arith.mulf %mul3A_131, %add3A_145 : vector<16xf32>
      %add3A_150 = arith.constant 1.000000e+00 : f32
      %add3A_151 = vector.broadcast %add3A_150 : f32 to vector<16xf32>
      %add3A_152 = arith.addf %add3A_151, %mul3A_149 : vector<16xf32>
      %mul3A_153 = arith.mulf %mul3A_148, %add3A_152 : vector<16xf32>
      %sub3A_154 = arith.subf %min3A_126, %mul3A_153 : vector<16xf32>
      %add3A_155 = arith.addf %add3A_111, %sub3A_154 : vector<16xf32>
      %mul3A_156 = arith.constant 16 : i32
      %mul3A_157 = arith.muli %while3A_65, %mul3A_156 : i32
      %get3A_158 = arith.constant 2 : i32
      %get3A_159 = arith.index_cast %get3A_158 : i32 to index
      %get3A_160 = arith.index_cast %mul3A_157 : i32 to index
      %get3A_161 = tpu.vector_load %arg13[%get3A_159, %get3A_160] {strides = array<i32>} : memref<4x512xf32, #tpu.memory_space<vmem>>, vector<16xf32>,
      %sub3A_162 = arith.subf %get3A_70, %get3A_161 : vector<16xf32>
      %abs3A_163 = math.absf %sub3A_162 : vector<16xf32>
      %neg3A_164 = arith.constant 0.000000e+00 : f32
      %neg3A_165 = vector.broadcast %neg3A_164 : f32 to vector<16xf32>
      %neg3A_166 = arith.subf %neg3A_165, %abs3A_163 : vector<16xf32>
      %exp3A_167 = math.exp %neg3A_166 : vector<16xf32>
      %min3A_168 = arith.constant 0.000000e+00 : f32
      %min3A_169 = vector.broadcast %min3A_168 : f32 to vector<16xf32>
      %min3A_170 = arith.minimumf %sub3A_162, %min3A_169 : vector<16xf32>
      %add3A_171 = arith.constant 2.000000e+00 : f32
      %add3A_172 = vector.broadcast %add3A_171 : f32 to vector<16xf32>
      %add3A_173 = arith.addf %exp3A_167, %add3A_172 : vector<16xf32>
      %div3A_174 = arith.divf %exp3A_167, %add3A_173 : vector<16xf32>
      %mul3A_175 = arith.mulf %div3A_174, %div3A_174 : vector<16xf32>
      %mul3A_176 = arith.constant 0.111111112 : f32
      %mul3A_177 = vector.broadcast %mul3A_176 : f32 to vector<16xf32>
      %mul3A_178 = arith.mulf %mul3A_175, %mul3A_177 : vector<16xf32>
      %add3A_179 = arith.constant 0.142857149 : f32
      %add3A_180 = vector.broadcast %add3A_179 : f32 to vector<16xf32>
      %add3A_181 = arith.addf %add3A_180, %mul3A_178 : vector<16xf32>
      %mul3A_182 = arith.mulf %mul3A_175, %add3A_181 : vector<16xf32>
      %add3A_183 = arith.constant 2.000000e-01 : f32
      %add3A_184 = vector.broadcast %add3A_183 : f32 to vector<16xf32>
      %add3A_185 = arith.addf %add3A_184, %mul3A_182 : vector<16xf32>
      %mul3A_186 = arith.mulf %mul3A_175, %add3A_185 : vector<16xf32>
      %add3A_187 = arith.constant 0.333333343 : f32
      %add3A_188 = vector.broadcast %add3A_187 : f32 to vector<16xf32>
      %add3A_189 = arith.addf %add3A_188, %mul3A_186 : vector<16xf32>
      %mul3A_190 = arith.constant 2.000000e+00 : f32
      %mul3A_191 = vector.broadcast %mul3A_190 : f32 to vector<16xf32>
      %mul3A_192 = arith.mulf %mul3A_191, %div3A_174 : vector<16xf32>
      %mul3A_193 = arith.mulf %mul3A_175, %add3A_189 : vector<16xf32>
      %add3A_194 = arith.constant 1.000000e+00 : f32
      %add3A_195 = vector.broadcast %add3A_194 : f32 to vector<16xf32>
      %add3A_196 = arith.addf %add3A_195, %mul3A_193 : vector<16xf32>
      %mul3A_197 = arith.mulf %mul3A_192, %add3A_196 : vector<16xf32>
      %sub3A_198 = arith.subf %min3A_170, %mul3A_197 : vector<16xf32>
      %add3A_199 = arith.addf %add3A_155, %sub3A_198 : vector<16xf32>
      %mul3A_200 = arith.constant 16 : i32
      %mul3A_201 = arith.muli %while3A_65, %mul3A_200 : i32
      %get3A_202 = arith.constant 3 : i32
      %get3A_203 = arith.index_cast %get3A_202 : i32 to index
      %get3A_204 = arith.index_cast %mul3A_201 : i32 to index
      %get3A_205 = tpu.vector_load %arg13[%get3A_203, %get3A_204] {strides = array<i32>} : memref<4x512xf32, #tpu.memory_space<vmem>>, vector<16xf32>,
      %sub3A_206 = arith.subf %get3A_70, %get3A_205 : vector<16xf32>
      %abs3A_207 = math.absf %sub3A_206 : vector<16xf32>
      %neg3A_208 = arith.constant 0.000000e+00 : f32
      %neg3A_209 = vector.broadcast %neg3A_208 : f32 to vector<16xf32>
      %neg3A_210 = arith.subf %neg3A_209, %abs3A_207 : vector<16xf32>
      %exp3A_211 = math.exp %neg3A_210 : vector<16xf32>
      %min3A_212 = arith.constant 0.000000e+00 : f32
      %min3A_213 = vector.broadcast %min3A_212 : f32 to vector<16xf32>
      %min3A_214 = arith.minimumf %sub3A_206, %min3A_213 : vector<16xf32>
      %add3A_215 = arith.constant 2.000000e+00 : f32
      %add3A_216 = vector.broadcast %add3A_215 : f32 to vector<16xf32>
      %add3A_217 = arith.addf %exp3A_211, %add3A_216 : vector<16xf32>
      %div3A_218 = arith.divf %exp3A_211, %add3A_217 : vector<16xf32>
      %mul3A_219 = arith.mulf %div3A_218, %div3A_218 : vector<16xf32>
      %mul3A_220 = arith.constant 0.111111112 : f32
      %mul3A_221 = vector.broadcast %mul3A_220 : f32 to vector<16xf32>
      %mul3A_222 = arith.mulf %mul3A_219, %mul3A_221 : vector<16xf32>
      %add3A_223 = arith.constant 0.142857149 : f32
      %add3A_224 = vector.broadcast %add3A_223 : f32 to vector<16xf32>
      %add3A_225 = arith.addf %add3A_224, %mul3A_222 : vector<16xf32>
      %mul3A_226 = arith.mulf %mul3A_219, %add3A_225 : vector<16xf32>
      %add3A_227 = arith.constant 2.000000e-01 : f32
      %add3A_228 = vector.broadcast %add3A_227 : f32 to vector<16xf32>
      %add3A_229 = arith.addf %add3A_228, %mul3A_226 : vector<16xf32>
      %mul3A_230 = arith.mulf %mul3A_219, %add3A_229 : vector<16xf32>
      %add3A_231 = arith.constant 0.333333343 : f32
      %add3A_232 = vector.broadcast %add3A_231 : f32 to vector<16xf32>
      %add3A_233 = arith.addf %add3A_232, %mul3A_230 : vector<16xf32>
      %mul3A_234 = arith.constant 2.000000e+00 : f32
      %mul3A_235 = vector.broadcast %mul3A_234 : f32 to vector<16xf32>
      %mul3A_236 = arith.mulf %mul3A_235, %div3A_218 : vector<16xf32>
      %mul3A_237 = arith.mulf %mul3A_219, %add3A_233 : vector<16xf32>
      %add3A_238 = arith.constant 1.000000e+00 : f32
      %add3A_239 = vector.broadcast %add3A_238 : f32 to vector<16xf32>
      %add3A_240 = arith.addf %add3A_239, %mul3A_237 : vector<16xf32>
      %mul3A_241 = arith.mulf %mul3A_236, %add3A_240 : vector<16xf32>
      %sub3A_242 = arith.subf %min3A_214, %mul3A_241 : vector<16xf32>
      %add3A_243 = arith.addf %add3A_199, %sub3A_242 : vector<16xf32>
      %mul3A_244 = arith.constant 16 : i32
      %mul3A_245 = arith.muli %while3A_65, %mul3A_244 : i32
      %add3A_246 = arith.addi %mul3A_4, %mul3A_245 : i32
      %add3A_247 = vector.broadcast %add3A_246 : i32 to vector<16xi32>
      %add3A_248 = arith.addi %add3A_247, %iota3A : vector<16xi32>
      %lt3A_249 = arith.cmpi slt, %add3A_248, %get3A_25 : vector<16xi32>
      %jit3A = arith.constant 0.000000e+00 : f32
      %broadcast_in_dim3A_250 = vector.broadcast %jit3A : f32 to vector<16xf32>
      %select_n3A = arith.select %lt3A_249, %add3A_243, %broadcast_in_dim3A_250 : vector<16xi1>, vector<16xf32>
      %add3A_251 = arith.addf %while3A_66, %select_n3A : vector<16xf32>
      scf.yield %add3A_251 : vector<16xf32>
    }
    %mul3A_63 = arith.mulf %while3A_62, %div3A_51 : vector<16xf32>
    %swap3A = arith.constant 0 : index
    %swap3A_64 = tpu.vector_load %arg14[%swap3A] {strides = array<i32>} : memref<16xf32, #tpu.memory_space<vmem>>, vector<16xf32>,
    tpu.vector_store %arg14[%swap3A], %mul3A_63 {strides = array<i32>} : memref<16xf32, #tpu.memory_space<vmem>>, vector<16xf32>,
    "tpu.region"() ({
      %run_scoped3A_65 = tpu.sem_alloc : memref<!tpu.dma_semaphore, #tpu.memory_space<semaphore_mem>>
      %dma_start3A = arith.constant 0 : i32
      %dma_start3A_66 = tpu.memref_slice %arg6[%add3A, %dma_start3A] : memref<32x16xf32, #tpu.memory_space<hbm>> -> memref<1x16xf32, #tpu.memory_space<hbm>>
      %dma_start3A_67 = tpu.memref_squeeze %dma_start3A_66 : memref<1x16xf32, #tpu.memory_space<hbm>> -> memref<16xf32, #tpu.memory_space<hbm>>
      %dma_start3A_68 = arith.constant 0 : i32
      %dma_start3A_69 = tpu.memref_slice %arg6[%add3A, %dma_start3A_68] : memref<32x16xf32, #tpu.memory_space<hbm>> -> memref<1x16xf32, #tpu.memory_space<hbm>>
      %dma_start3A_70 = tpu.memref_squeeze %dma_start3A_69 : memref<1x16xf32, #tpu.memory_space<hbm>> -> memref<16xf32, #tpu.memory_space<hbm>>
      tpu.enqueue_dma source(%arg14 : memref<16xf32, #tpu.memory_space<vmem>>) target(%dma_start3A_70 : memref<16xf32, #tpu.memory_space<hbm>>) target_semaphore(%run_scoped3A_65 : memref<!tpu.dma_semaphore, #tpu.memory_space<semaphore_mem>>)
      %dma_wait3A = arith.constant 0 : i32
      %dma_wait3A_71 = tpu.memref_slice %arg6[%add3A, %dma_wait3A] : memref<32x16xf32, #tpu.memory_space<hbm>> -> memref<1x16xf32, #tpu.memory_space<hbm>>
      %dma_wait3A_72 = tpu.memref_squeeze %dma_wait3A_71 : memref<1x16xf32, #tpu.memory_space<hbm>> -> memref<16xf32, #tpu.memory_space<hbm>>
      %dma_wait3A_73 = arith.constant 0 : i32
      %dma_wait3A_74 = tpu.memref_slice %arg6[%add3A, %dma_wait3A_73] : memref<32x16xf32, #tpu.memory_space<hbm>> -> memref<1x16xf32, #tpu.memory_space<hbm>>
      %dma_wait3A_75 = tpu.memref_squeeze %dma_wait3A_74 : memref<1x16xf32, #tpu.memory_space<hbm>> -> memref<16xf32, #tpu.memory_space<hbm>>
      tpu.wait_dma2 semaphore(%run_scoped3A_65 : memref<!tpu.dma_semaphore, #tpu.memory_space<semaphore_mem>>) src(%arg14 : memref<16xf32, #tpu.memory_space<vmem>>) dst(%dma_wait3A_75 : memref<16xf32, #tpu.memory_space<hbm>>)
      tpu.yield
    }) : () -> ()
    return
  }
}

module attributes {stable_mosaic.version = 14 : i64} {
  func.func @_body2(%arg0: memref<32x16xf32, #tpu.memory_space<vmem>>, %arg1: memref<1x1xf32, #tpu.memory_space<vmem>>) attributes {dimension_semantics = [], scalar_prefetch = 0 : i64, scratch_operands = 0 : i64, tpu.core_type = #tpu.core_type<tc>} {
    %get3A = arith.constant 0 : index
    %get3A_0 = arith.constant 0 : index
    %get3A_1 = vector.load %arg0[%get3A, %get3A_0] : memref<32x16xf32, #tpu.memory_space<vmem>>, vector<32x16xf32>
    %reduce_sum3A = vector.shape_cast %get3A_1 : vector<32x16xf32> to vector<1x32x16xf32>
    %reduce_sum3A_2 = arith.constant dense<0.000000e+00> : vector<1xf32>
    %reduce_sum3A_3 = vector.multi_reduction <add>, %reduce_sum3A, %reduce_sum3A_2 [1, 2] : vector<1x32x16xf32> to vector<1xf32>
    %reduce_sum3A_4 = vector.shape_cast %reduce_sum3A_3 : vector<1xf32> to vector<1x1x1xf32>
    %reduce_sum3A_5 = vector.extract %reduce_sum3A_4[0, 0, 0] : f32 from vector<1x1x1xf32>
    %reshape3A = vector.broadcast %reduce_sum3A_5 : f32 to vector<1x1xf32>
    %swap3A = arith.constant 0 : index
    %swap3A_6 = arith.constant 0 : index
    %swap3A_7 = vector.load %arg1[%swap3A, %swap3A_6] : memref<1x1xf32, #tpu.memory_space<vmem>>, vector<1x1xf32>
    tpu.vector_store %arg1[%swap3A, %swap3A_6], %reshape3A {strides = array<i32>} : memref<1x1xf32, #tpu.memory_space<vmem>>, vector<1x1xf32>,
    return
  }
}

</mosaic_0001>

<sc_bundles>
// kernel: _bpr_loss.4.cloned.1.call-start
scs
__scs_entry_jumppad:
0x0: {  	(pc) =	sbr.rel $0x88, $3  }
0x1: {  	(tag) =	ssettag $0x0;
	lr =	simm.s32 $0x1  }
0x2: {  	[smem:$0x3F9D] =	sst lr;
	_ =	strace $0xD0000000  }
0x3: {  	_ = 	snop  }
0x4: {  	_ = 	snop  }
0x5: {  	_ = 	snop  }
0x6: {  	_ = 	snop  }
0x7: {  	_ = 	snop  }
__scs_overlays_trampoline_lowered:
0x8: {  	[smem:$0x3FAC] =	sst s0  }
0x9: {  	[smem:$0x3FAD] =	sst s1  }
0xa: {  	[smem:$0x3FAE] =	sst s2  }
0xb: {  	[smem:$0x3FAF] =	sst s3  }
0xc: {  	[smem:$0x3FB0] =	sst s4  }
0xd: {  	[smem:$0x3FB1] =	sst s5  }
0xe: {  	[smem:$0x3FB2] =	sst s6  }
0xf: {  	[smem:$0x3FB3] =	sst s7  }
0x10: {  	[smem:$0x3FB4] =	sst s8  }
0x11: {  	[smem:$0x3FB5] =	sst s9;
	s0 =	simm.s32 @!p0 $0x0  }
0x12: {  	s1 =	sld [smem:$0x3F9B];
	s0 =	simm.s32 @p0 $0x1  }
0x13: {  	[smem:$0x3FB6] =	sst s0;
	s0 =	simm.s32 @!p1 $0x0  }
0x14: {  	s2 =	sld [smem:$0x3F9A];
	s0 =	simm.s32 @p1 $0x1  }
0x15: {  	[smem:$0x3FB7] =	sst s0;
	s0 =	simm.s32 @!p2 $0x0  }
0x16: {  	s3 =	sld [smem:$0x3FDB];
	s0 =	simm.s32 @p2 $0x1  }
0x17: {  	s4 =	simm.s32 $0x1BF5;
	[smem:$0x3FB9] =	sst s0  }
0x18: {  	s0 =	sld [smem:$0x3F9C];
	_ =	swait.ge [sflag:s4], $0x0  }
0x19: {  	s7 =	sld [smem:$0x3F9D]  }
0x1a: {  	s8 =	sadd.s32 $0xFFFFE003, lr  }
0x1b: {  	s9 =	sadd.s32 $0xFFFFFEF7, lr;
	s5 =	simm.s32 $0xFFFFFFFF;
	p2 =	slt.u32 s8, $0xFFFFF086  }
0x1c: {  	p1 =	slt.u32 s9, $0xF7A;
	s5 =	simm.s32 @!p2 $0x0  }
0x1d: {  	s5 =	simm.s32 @p1 $0x1;
	p0 =	seq.s32 s7, s2  }
0x1e: {  	s7 =	smul.u32 @!p0 $0xF7A, s2;
	p2 =	seq.s32 @!p0 s5, $0x0  }
0x1f: {  	s9 =	smul.u32 $0xF7A, s1;
	s8 =	simm.s32 @!p0 $0x1BF5;
	p2 =	por !p2, p0  }
0x20: {  	[sflag:s8] =	ssyncset.s32 @!p0 $0xFFFFF086;
	s6 =	sadd.s32 @!p0 s3, s7;
	s7 =	simm.s32 @!p0 $0x108  }
0x21: {  	s3 =	sadd.s32 s3, s9;
	s6 =	sadd.s32 @!p0 $0x88, s6;
	s7 =	simm.s32 @p2 $0x1082  }
0x22: {  	[simem:s7], [sflag:s8] =	dma.local @!p0 [hbm:s6], $0xF7A  }
0x23: {  	s9 =	sor.u32 $0xD0000000, s2;
	s6 =	simm.s32 $0x108;
	_ =	swait.ge @!p0 [sflag:s8], $0x0  }
0x24: {  	s3 =	sadd.s32 $0x88, s3;
	s6 =	simm.s32 @!p1 $0x1082;
	[sflag:s4] =	ssyncset.s32 $0xFFFFF086  }
0x25: {  	[simem:s6], [sflag:s4] =	dma.local [hbm:s3], $0xF7A  }
0x26: {  	[smem:$0x3F9D] =	sst s1;
	(tag) =	ssettag s2;
	_ =	strace s9  }
0x27: {  	s1 =	sld [smem:$0x3FAD]  }
0x28: {  	s2 =	sld [smem:$0x3FAE]  }
0x29: {  	s4 =	sld [smem:$0x3FB0]  }
0x2a: {  	p0 =	seq.s32 s5, $0x0;
	s5 =	sld [smem:$0x3FB1]  }
0x2b: {  	s6 =	sld [smem:$0x3FB2]  }
0x2c: {  	s7 =	sld [smem:$0x3FB3]  }
0x2d: {  	s3 =	simm.s32 $0x108;
	s8 =	sld [smem:$0x3FB4]  }
0x2e: {  	s3 =	simm.s32 @!p0 $0x1082;
	s9 =	sld [smem:$0x3FB5]  }
0x2f: {  	lr =	sadd.s32 s0, s3;
	s0 =	sld [smem:$0x3FAC]  }
0x30: {  	s3 =	sld [smem:$0x3FAF]  }
0x31: {  	[smem:$0x3FB8] =	sst s10  }
0x32: {  	s10 =	sld [smem:$0x3FB6];
	_ =	sdelay $0x3  }
0x33: {  	p0 =	seq.s32 s10, $0x1;
	s10 =	sld [smem:$0x3FB8];
	_ =	sdelay $0x3  }
0x34: {  	[smem:$0x3FB8] =	sst s10  }
0x35: {  	s10 =	sld [smem:$0x3FB7];
	_ =	sdelay $0x3  }
0x36: {  	p1 =	seq.s32 s10, $0x1;
	s10 =	sld [smem:$0x3FB8];
	_ =	sdelay $0x3  }
0x37: {  	[smem:$0x3FB8] =	sst s10  }
0x38: {  	s10 =	sld [smem:$0x3FB9]  }
0x39: {  	_ = 	snop;
	(pc) =	sbr.ind lr, $3  }
0x3a: {  	_ = 	snop  }
0x3b: {  	_ = 	snop  }
0x3c: {  	p2 =	seq.s32 s10, $0x1;
	s10 =	sld [smem:$0x3FB8]  }
0x3d: {  	_ =	shalt  }
0x3e: {  	_ =	shalt  }
0x3f: {  	_ =	shalt  }
0x40: {  	_ =	shalt  }
0x41: {  	_ =	shalt  }
0x42: {  	_ =	shalt  }
0x43: {  	_ =	shalt  }
0x44: {  	_ =	shalt  }
0x45: {  	_ =	shalt  }
0x46: {  	_ =	shalt  }
0x47: {  	_ =	shalt  }
0x48: {  	_ =	shalt  }
0x49: {  	_ =	shalt  }
0x4a: {  	_ =	shalt  }
0x4b: {  	_ =	shalt  }
0x4c: {  	_ =	shalt  }
0x4d: {  	_ =	shalt  }
0x4e: {  	_ =	shalt  }
0x4f: {  	_ =	shalt  }
0x50: {  	_ =	shalt  }
0x51: {  	_ =	shalt  }
0x52: {  	_ =	shalt  }
0x53: {  	_ =	shalt  }
0x54: {  	_ =	shalt  }
0x55: {  	_ =	shalt  }
0x56: {  	_ =	shalt  }
0x57: {  	_ =	shalt  }
0x58: {  	_ =	shalt  }
0x59: {  	_ =	shalt  }
0x5a: {  	_ =	shalt  }
0x5b: {  	_ =	shalt  }
0x5c: {  	_ =	shalt  }
0x5d: {  	_ =	shalt  }
0x5e: {  	_ =	shalt  }
0x5f: {  	_ =	shalt  }
0x60: {  	_ =	shalt  }
0x61: {  	_ =	shalt  }
0x62: {  	_ =	shalt  }
0x63: {  	_ =	shalt  }
0x64: {  	_ =	shalt  }
0x65: {  	_ =	shalt  }
0x66: {  	_ =	shalt  }
0x67: {  	_ =	shalt  }
0x68: {  	_ =	shalt  }
0x69: {  	_ =	shalt  }
0x6a: {  	_ =	shalt  }
0x6b: {  	_ =	shalt  }
0x6c: {  	_ =	shalt  }
0x6d: {  	_ =	shalt  }
0x6e: {  	_ =	shalt  }
0x6f: {  	_ =	shalt  }
0x70: {  	_ =	shalt  }
0x71: {  	_ =	shalt  }
0x72: {  	_ =	shalt  }
0x73: {  	_ =	shalt  }
0x74: {  	_ =	shalt  }
0x75: {  	_ =	shalt  }
0x76: {  	_ =	shalt  }
0x77: {  	_ =	shalt  }
0x78: {  	_ =	shalt  }
0x79: {  	_ =	shalt  }
0x7a: {  	_ =	shalt  }
0x7b: {  	_ =	shalt  }
0x7c: {  	_ =	shalt  }
0x7d: {  	_ =	shalt  }
0x7e: {  	_ =	shalt  }
0x7f: {  	_ =	shalt  }
0x80: {  	_ =	shalt  }
0x81: {  	_ =	shalt  }
0x82: {  	_ =	shalt  }
0x83: {  	_ =	shalt  }
0x84: {  	_ =	shalt  }
0x85: {  	_ =	shalt  }
0x86: {  	_ =	shalt  }
0x87: {  	_ =	shalt  }
.Lfunc_end0:
.L_simem_size_0:
called_computation_lowered:
.L_overlay_start_0:
0x88: {  	s2 =	sld [smem:$0x3FD9]  }
0x89: {  	s3 =	sld [smem:$0x3FFE];
	_ =	sdelay $0x1  }
0x8a: {  	s1 =	srdreg.scid  }
0x8b: {  	s0 =	sand.u32 $0x1, s1  }
0x8c: {  	s17 =	sshll.u32 s0, $0xA;
	s2 =	sadd.s32 s3, s2  }
0x8d: {  	s2 =	sadd.s32 s2, s17  }
0x8e: {  	[smem:$0x3FC4] =	sst s2  }
0x8f: {  	_ = 	snop  }
0x90: {  	s2 =	sld [smem:$0x3FC9]  }
0x91: {  	s18 =	sld [smem:$0x3FC8];
	(tm) =	ssettm $0x1  }
0x92: {  	s4 =	sld [smem:$0x3FFB];
	_ =	sdelay $0x3  }
0x93: {  	_ =	strace s4  }
0x94: {  	s4 =	sld [smem:$0x3FFC];
	_ =	sdelay $0x3  }
0x95: {  	_ =	strace s4  }
0x96: {  	s4 =	sld [smem:$0x3FFD];
	_ =	sdelay $0x3  }
0x97: {  	_ =	strace s4  }
0x98: {  	_ =	strace $0x8FFFFFFF  }
0x99: {  	s19 =	sld [smem:$0x3FDB];
	_ =	sdelay $0x1  }
0x9a: {  	s5 =	simm.s32 $_scs_section_size  }
0x9b: {  	s6 =	simm.s32 $_size__tile_overlayer_lowered;
	s7 =	simm.s32 $_tile_overlayer_lowered  }
0x9c: {  	s22 =	simm.s32 $0x1BFF;
	s21 =	sshll.u32 s7, $0x1;
	s4 =	sadd.s32 s5, s19  }
0x9d: {  	s8 =	simm.s32 $0x0;
	s20 =	sshll.u32 s6, $0x1;
	s6 =	sadd.s32 s21, s4  }
0x9e: {  	[timem:s8], [sflag:s22] =	dma.local [hbm:s6], s20  }
0x9f: {  	_ =	swait.ge [sflag:s22], s20  }
0xa0: {  	s5 =	ssub.s32 $0x0, s20;
	[sflag:s22] =	ssyncset.done $0x0  }
0xa1: {  	[sflag:s22] =	ssyncadd.s32 s5;
	_ =	sdelay $0x1  }
0xa2: {  	s23 =	simm.s32 $0x1B8B  }
0xa3: {  	_ =	swait.ge [sflag:s23], $0x1  }
0xa4: {  	[sflag:s23] =	ssyncset.done $0x0  }
0xa5: {  	s25 =	simm.s32 $0x1B8E;
	s24 =	sld [smem:$0x3FFE];
	[sflag:s23] =	ssyncadd.s32 $0xFFFFFFFF  }
0xa6: {  	s26 =	simm.s32 $execute0_lowered;
	[smem:$0x3FD2] =	sst s25  }
0xa7: {  	s6 =	sshll.u32 s26, $0x1;
	_ =	strace $0x80000046;
	[dreg:$0x1] =	wrdreg $0xFFFFFFFF  }
0xa8: {  	s28 =	simm.s32 $_size_execute0_lowered;
	s4 =	sadd.s32 s4, s6;
	[dreg:$0x0] =	wrdreg $0x0  }
0xa9: {  	s6 =	sshll.u32 s28, $0x1;
	[dreg:$0x2] =	wrdreg s4  }
0xaa: {  	[dreg:$0x3] =	wrdreg s6  }
0xab: {  	[dreg:$0x4] =	wrdreg $0xC0  }
0xac: {  	_ =	task [dreg:s8], $0x5FFFF  }
0xad: {  	[dreg:$0x1] =	wrdreg $0xFFFFFFFF  }
0xae: {  	[dreg:$0x0] =	wrdreg $0x60  }
0xaf: {  	[dreg:$0x2] =	wrdreg s2  }
0xb0: {  	[dreg:$0x3] =	wrdreg s18  }
0xb1: {  	[dreg:$0x4] =	wrdreg s24  }
0xb2: {  	[dreg:$0x5] =	wrdreg $0x9  }
0xb3: {  	_ =	task.clear_ibuf [dreg:s8], $0x6FFFF;
	_ =	strace $0x90000046  }
0xb4: {  	s29 =	simm.s32 $0x9;
	_ =	strace $0x80000048  }
0xb5: {  	_ =	swait.ge [sflag:s29], $0x1  }
0xb6: {  	[sflag:s29] =	ssyncadd.s32 $0xFFFFFFFF  }
0xb7: {  	_ =	strace $0x90000048  }
0xb8: {  	_ =	sfence  }
0xb9: {  	s30 =	sld [smem:$0x0];
	_ =	sdelay $0x2  }
0xba: {  	s31 =	sshll.u32 s1, $0xD;
	s1 =	sshrl.u32 s1, $0x2  }
0xbb: {  	s3 =	sand.u32 $0x4000, s31;
	s1 =	sadd.s32 s1, s30  }
0xbc: {  	s0 =	sor.u32 s3, s0;
	s1 =	sshll.u32 s1, $0x11  }
0xbd: {  	s0 =	sor.u32 s1, s0  }
0xbe: {  	s0 =	sadd.s32 $0x8F2B, s0  }
0xbf: {  	[sflag:s0] =	ssyncadd.remote.s32 $0x1  }
0xc0: {  	_ =	sfence.sel $0xFFFF  }
0xc1: {  	[dreg:$0x0] =	wrdreg $0xFFFFFFFF;
	(pc) =	sbr.abs _section_cstart, $3  }
0xc2: {  	[dreg:$0x1] =	wrdreg $0xFFFFFFFF  }
0xc3: {  	_ =	task.clear_ibuf [dreg:s8], $0x2FFFF;
	_ =	strace $0x9FFFFFFF  }
0xc4: {  	(tm) =	ssettm $0x7FFFFFFF  }
0xc5: {  	_ =	shalt  }
tec
execute0_lowered:
.L_overlay_start_1:
0x0: {  	(tag) =	ssettag $0x1  }
0x1: {  	s0 =	rddreg [dreg:$0x0]  }
0x2: {  	s1 =	rddreg [dreg:$0x1];
	s2 =	srdreg.scid  }
0x3: {  	s7 =	stileid.u32;
	s4 =	rddreg [dreg:$0x2]  }
0x4: {  	s28 =	simm.s32 $0x1;
	s30 =	simm.s32 $0x0;
	s5 =	sand.u32 $0x1, s2  }
0x5: {  	s14 =	sshll.u32 s7, $0x1;
	s15 =	sshll.u32 s7, $0x8;
	s3 =	sshll.u32 s7, $0xC  }
0x6: {  	s2 =	simm.s32 $0x0;
	s7 =	sshrl.u32 s7, $0x1;
	s10 =	sor.u32 s5, s14  }
0x7: {  	s3 =	sor.u32 s15, s3;
	[smem:$0x7FF] =	sst s2;
	s5 =	ssub.s32 $0x2, s5  }
0x8: {  	s12 =	sshll.u32 s7, $0x7;
	s13 =	smul.u32 $0x1F4000, s7;
	s6 =	sand.u32 $0x3, s10  }
0x9: {  	s3 =	sand.u32 $0xC200, s3;
	_ =	strace $0x80000047;
	s8 =	sshll.u32 s10, $0x4  }
0xa: {  	s16 =	sshrl.u32 s5, $0x1;
	s10 =	sshll.u32 s10, $0x9;
	s9 =	sshll.u32 s6, $0xC  }
0xb: {  	s19 =	sadd.s32 s8, s4;
	s3 =	sor.u32 s9, s3;
	s17 =	sor.u32 s12, s9  }
0xc: {  	s12 =	ssub.s32 s5, s16;
	s20 =	sor.u32 s13, s9;
	s19 =	sadd.s32 $0x2800, s19  }
0xd: {  	s3 =	sshrl.u32 s3, $0x3;
	s18 =	sshrl.u32 s17, $0x3;
	s21 =	sadd.s32 $0x38000, s20  }
0xe: {  	s13 =	sshrl.u32 s20, $0x3;
	s14 =	sadd.s32 $0x70000, s20;
	s23 =	sadd.s32 $0xA8000, s20  }
0xf: {  	s24 =	sadd.s32 $0xE0000, s20;
	s15 =	sadd.s32 $0x118000, s20;
	s31 =	sadd.s32 $0x150000, s20  }
0x10: {  	s16 =	sadd.s32 $0x188000, s20;
	s11 =	sadd.s32 s3, s4;
	s3 =	sadd.s32 $0x2600, s4  }
0x11: {  	s4 =	sshll.u32 s6, $0x9;
	s5 =	sadd.s32 s1, s18;
	s13 =	sadd.s32 s0, s13  }
0x12: {  	s22 =	sshrl.u32 s14, $0x3;
	s25 =	sshrl.u32 s24, $0x3;
	s29 =	sshrl.u32 s15, $0x3  }
0x13: {  	s17 =	sshrl.u32 s16, $0x3;
	s1 =	sadd.s32 $0x1BC000, s20;
	s20 =	smax.u32 s12, $0x1  }
0x14: {  	s24 =	simm.s32 $0x1A00;
	s6 =	sadd.s32 $0x600, s11;
	s7 =	sadd.s32 $0x610, s11  }
0x15: {  	s8 =	sadd.s32 $0x620, s11;
	s9 =	sadd.s32 $0x630, s11;
	s11 =	sshrl.u32 s21, $0x3  }
0x16: {  	[dreg:$0x4] =	wrdreg s13;
	s26 =	sadd.s32 s0, s25;
	s17 =	sadd.s32 s0, s17  }
0x17: {  	s1 =	sshrl.u32 s1, $0x3;
	s25 =	sshrl.u32 s10, $0x2;
	s11 =	sadd.s32 s0, s11  }
0x18: {  	s21 =	simm.s32 $0x4000;
	[dreg:$0x5] =	wrdreg s11;
	s11 =	sadd.s32 s0, s22  }
.Ltmp0:
0x19: {  	v0 =	vlaneseq.u32;
	[dreg:$0x6] =	wrdreg s11;
	s11 =	sshrl.u32 s23, $0x3;
	(pc) =	sbr.rel .LBB2_1-.Ltmp0, $4  }
0x1a: {  	v1 =	vmul.u32 $0x10, v0;
	[dreg:$0x8] =	wrdreg s26;
	s18 =	sadd.s32 s0, s1;
	s11 =	sadd.s32 s0, s11  }
0x1b: {  	s26 =	simm.s32 $0xFA00;
	[dreg:$0x7] =	wrdreg s11;
	s11 =	sadd.s32 s0, s29  }
0x1c: {  	v2 =	vor.u32 $0x100, v1;
	s22 =	simm.s32 $0x400;
	[dreg:$0x9] =	wrdreg s11;
	s11 =	sshrl.u32 s31, $0x3  }
0x1d: {  	v1 =	vor.u32 s4, v1;
	v2 =	vor.u32 s4, v2;
	s23 =	simm.s32 $0x2;
	s16 =	sadd.s32 s0, s11;
	s0 =	simm.s32 $0x1000  }
.LBB2_31:
0x1e: {  	vm0 =	vgt.s32 v3, $0x1  }
0x1f: {  	v3 =	vnsel vm0, $0x1, v3  }
0x20: {  	v3 =	vcvt.s32.f32 v3;
	_ =	sdelay $0x1  }
0x21: {  	(erf) = vrcp.f32 v3;
	_ =	sdelay $0x8  }
0x22: {  	v3 =	vimm.f32 $0.0e+00;
	v4 =	vpop (erf)  }
.LBB2_29:
0x23: {  	v4 =	vmul.f32 $-1.250000000e-01, v4;
	_ =	sdelay $0x1  }
0x24: {  	s30 =	sadd.s32 $0x1, s30;
	v3 =	vmul.f32 v3, v4  }
0x25: {  	p0 =	sne.s32 s30, s20  }
.Ltmp1:
0x26: {  	s1 =	simm.s32 $0x1E400;
	[tilespmem:$0x1E400] =	vst v3;
	(pc) =	sbr.rel @!p0 .LBB2_30-.Ltmp1, $4  }
0x27: {  	[hbm4b:s19+s2] =	stream.linear.scatter [tilespmem:s1], [sflag:$0x2], $0x80, $0x38;
	[tilespmem:$0x1E480] =	vst v63  }
0x28: {  	_ =	swait.ge [sflag:s23], $0x80  }
0x29: {  	[sflag:s23] =	ssyncset.done $0x0  }
0x2a: {  	[sflag:s23] =	ssyncadd.s32 $0xFFFFFF80  }
.LBB2_1:
0x2b: {  	s1 =	simm.s32 $0x80  }
0x2c: {  	[tilespmem:s2], [sflag:$0x2] =	stream.strided.gather [hbm4b:s5+s1], $0x200, s22, s1, $0x38;
	[tilespmem:$0x1E480] =	vst v63  }
0x2d: {  	_ =	swait.ge [sflag:s23], $0x200  }
0x2e: {  	[sflag:s23] =	ssyncset.done $0x0  }
0x2f: {  	s29 =	simm.s32 $0x200;
	[sflag:s23] =	ssyncadd.s32 $0xFFFFFE00  }
0x30: {  	[tilespmem:s29], [sflag:$0x2] =	stream.linear.gather [hbm4b:s6+s2], $0x80, $0x38;
	[tilespmem:$0x1E480] =	vst v63  }
0x31: {  	s10 =	sadd.s32 $0x80, s6  }
0x32: {  	[tilespmem:s22], [sflag:$0x2] =	stream.linear.gather [hbm4b:s10+s2], $0x80, $0x38;
	[tilespmem:$0x1E480] =	vst v63  }
0x33: {  	s11 =	sadd.s32 $0x100, s6;
	s10 =	simm.s32 $0x600  }
0x34: {  	[tilespmem:s10], [sflag:$0x2] =	stream.linear.gather [hbm4b:s11+s2], $0x80, $0x38;
	[tilespmem:$0x1E480] =	vst v63  }
0x35: {  	s12 =	sadd.s32 $0x180, s6;
	s13 =	simm.s32 $0x800  }
0x36: {  	[tilespmem:s13], [sflag:$0x2] =	stream.linear.gather [hbm4b:s12+s2], $0x80, $0x38;
	[tilespmem:$0x1E480] =	vst v63  }
0x37: {  	_ =	swait.ge [sflag:s23], $0x200  }
0x38: {  	[sflag:s23] =	ssyncset.done $0x0  }
0x39: {  	s14 =	simm.s32 $0x280;
	[sflag:s23] =	ssyncadd.s32 $0xFFFFFE00  }
0x3a: {  	[tilespmem:s14], [sflag:$0x2] =	stream.linear.gather [hbm4b:s7+s2], $0x80, $0x38;
	[tilespmem:$0x1E480] =	vst v63  }
0x3b: {  	s15 =	sadd.s32 $0x80, s7;
	s29 =	simm.s32 $0x480  }
0x3c: {  	[tilespmem:s29], [sflag:$0x2] =	stream.linear.gather [hbm4b:s15+s2], $0x80, $0x38;
	[tilespmem:$0x1E480] =	vst v63  }
0x3d: {  	s10 =	sadd.s32 $0x100, s7;
	s11 =	simm.s32 $0x680  }
0x3e: {  	[tilespmem:s11], [sflag:$0x2] =	stream.linear.gather [hbm4b:s10+s2], $0x80, $0x38;
	[tilespmem:$0x1E480] =	vst v63  }
0x3f: {  	s12 =	sadd.s32 $0x180, s7;
	s13 =	simm.s32 $0x880  }
0x40: {  	[tilespmem:s13], [sflag:$0x2] =	stream.linear.gather [hbm4b:s12+s2], $0x80, $0x38;
	[tilespmem:$0x1E480] =	vst v63  }
0x41: {  	_ =	swait.ge [sflag:s23], $0x200  }
0x42: {  	[sflag:s23] =	ssyncset.done $0x0  }
0x43: {  	s14 =	simm.s32 $0x300;
	[sflag:s23] =	ssyncadd.s32 $0xFFFFFE00  }
0x44: {  	[tilespmem:s14], [sflag:$0x2] =	stream.linear.gather [hbm4b:s8+s2], $0x80, $0x38;
	[tilespmem:$0x1E480] =	vst v63  }
0x45: {  	s15 =	sadd.s32 $0x80, s8;
	s29 =	simm.s32 $0x500  }
0x46: {  	[tilespmem:s29], [sflag:$0x2] =	stream.linear.gather [hbm4b:s15+s2], $0x80, $0x38;
	[tilespmem:$0x1E480] =	vst v63  }
0x47: {  	s10 =	sadd.s32 $0x100, s8;
	s11 =	simm.s32 $0x700  }
0x48: {  	[tilespmem:s11], [sflag:$0x2] =	stream.linear.gather [hbm4b:s10+s2], $0x80, $0x38;
	[tilespmem:$0x1E480] =	vst v63  }
0x49: {  	s12 =	sadd.s32 $0x180, s8;
	s13 =	simm.s32 $0x900  }
0x4a: {  	[tilespmem:s13], [sflag:$0x2] =	stream.linear.gather [hbm4b:s12+s2], $0x80, $0x38;
	[tilespmem:$0x1E480] =	vst v63  }
0x4b: {  	_ =	swait.ge [sflag:s23], $0x200  }
0x4c: {  	[sflag:s23] =	ssyncset.done $0x0  }
0x4d: {  	s14 =	simm.s32 $0x380;
	[sflag:s23] =	ssyncadd.s32 $0xFFFFFE00  }
0x4e: {  	[tilespmem:s14], [sflag:$0x2] =	stream.linear.gather [hbm4b:s9+s2], $0x80, $0x38;
	[tilespmem:$0x1E480] =	vst v63  }
0x4f: {  	s15 =	sadd.s32 $0x80, s9;
	s29 =	simm.s32 $0x580  }
0x50: {  	[tilespmem:s29], [sflag:$0x2] =	stream.linear.gather [hbm4b:s15+s2], $0x80, $0x38;
	[tilespmem:$0x1E480] =	vst v63  }
0x51: {  	s10 =	sadd.s32 $0x100, s9;
	s11 =	simm.s32 $0x780  }
0x52: {  	[tilespmem:s11], [sflag:$0x2] =	stream.linear.gather [hbm4b:s10+s2], $0x80, $0x38;
	[tilespmem:$0x1E480] =	vst v63  }
0x53: {  	s12 =	sadd.s32 $0x180, s9;
	s13 =	simm.s32 $0x980  }
0x54: {  	[tilespmem:s13], [sflag:$0x2] =	stream.linear.gather [hbm4b:s12+s2], $0x80, $0x38;
	[tilespmem:$0x1E480] =	vst v63  }
0x55: {  	_ =	swait.ge [sflag:s23], $0x200  }
0x56: {  	[sflag:s23] =	ssyncset.done $0x0  }
0x57: {  	s14 =	simm.s32 $0xA00;
	[sflag:s23] =	ssyncadd.s32 $0xFFFFFE00  }
0x58: {  	[tilespmem:s14], [sflag:$0x2] =	stream.linear.gather [hbm4b:s3+s2], $0x1000, $0x38;
	[tilespmem:$0x1E480] =	vst v63  }
0x59: {  	_ =	swait.ge [sflag:s23], $0x1000  }
0x5a: {  	[sflag:s23] =	ssyncset.done $0x0  }
0x5b: {  	[sflag:s23] =	ssyncadd.s32 $0xFFFFF000  }
0x5c: {  	v3 =	vld [tilespmem:s25+$0xA00];
	_ =	sdelay $0x4  }
0x5d: {  	vm0 =	vlt.s32 v1, v3  }
0x5e: {  	vm1 =	vlt.s32 v2, v3;
	v4 =	vmpcnt.ones.xlane vm0  }
0x5f: {  	v5 =	vmpcnt.ones.xlane vm1  }
0x60: {  	(v2sf) =	vpush v4, $0x0  }
0x61: {  	(v2sf) =	vpush v5, $0x0;
	_ =	sdelay $0xd  }
0x62: {  	s15 =	spop (v2sf)  }
0x63: {  	s29 =	spop (v2sf)  }
0x64: {  	s31 =	sadd.s32 s15, s29  }
0x65: {  	p0 =	slt.s32 s31, $0x1  }
.Ltmp2:
0x66: {  	_ = 	snop;
	(pc) =	sbr.rel @p0 .LBB2_31-.Ltmp2, $1  }
0x67: {  	_ =	sdelay $0x3  }
0x68: {  	s1 =	rddreg [dreg:$0x4]  }
0x69: {  	[tilespmem:s24], [sflag:$0x1] =	stream.strided.gather [hbm4b:s1+s0], $0xE000, s21, s0, $0x38;
	[tilespmem:$0x1E480] =	vst v63  }
0x6a: {  	s29 =	rddreg [dreg:$0x5]  }
0x6b: {  	[tilespmem:s26], [sflag:$0x1] =	stream.strided.gather [hbm4b:s29+s0], $0xE000, s21, s0, $0x38;
	[tilespmem:$0x1E480] =	vst v63  }
0x6c: {  	_ =	swait.ge [sflag:s28], $0xE000  }
0x6d: {  	s10 =	simm.s32 $0x0;
	[sflag:s28] =	ssyncset.done $0x0  }
0x6e: {  	s11 =	smov.u32 s31;
	s1 =	simm.s32 $0x0;
	[sflag:s28] =	ssyncadd.s32 $0xFFFF2000  }
.LBB2_3:
0x6f: {  	s12 =	sshra.s32 s10, $0x2  }
0x70: {  	v4 =	vld [tilespmem:s12+$0x0];
	_ =	sdelay $0x4  }
0x71: {  	vm0 =	vlt.u32 v4, $0x70  }
0x72: {  	v5 =	vmov s1;
	v4 =	vnsel vm0, $0x0, v4  }
0x73: {  	v5 =	vshll.u32 v5, $0x3;
	v6 =	vshll.u32 v4, $0x9  }
0x74: {  	v5 =	vand.u32 $0xFFFFFC00, v5;
	v4 =	vshll.u32 v4, $0x7;
	v6 =	vand.u32 $0xFFFFF000, v6  }
0x75: {  	v7 =	vor.u32 s1, v0;
	v4 =	vand.u32 $0x380, v4;
	v6 =	vadd.s32 v5, v6  }
0x76: {  	v7 =	vand.u32 $0x7F, v7;
	v4 =	vor.u32 v4, v6  }
0x77: {  	v4 =	vor.u32 v7, v4;
	_ =	sdelay $0x3  }
0x78: {  	v55 =	vld [tilespmem:s12+$0x1DA00]  }
0x79: {  	v4 =	vld.idx.msk [tilespmem:v4+s24+$0x0], $0xffff;
	_ =	sdelay $0x4  }
0x7a: {  	s29 =	sand.u32 $0x70, s1;
	s13 =	sand.u32 $0xFFFFFE00, s10;
	v4 =	vsel vm0, v4, v55  }
0x7b: {  	s29 =	sor.u32 s29, s13;
	[tilespmem:s12+$0x1DA00] =	vst v4  }
0x7c: {  	v4 =	vld [tilespmem:s29+$0x200];
	_ =	sdelay $0x4  }
0x7d: {  	vm14 =	vlt.u32 v4, $0x70  }
0x7e: {  	v4 =	vnsel vm14, $0x0, v4  }
0x7f: {  	v56 =	vshll.u32 v4, $0x9  }
0x80: {  	v4 =	vshll.u32 v4, $0x7;
	v6 =	vand.u32 $0xFFFFF000, v56  }
0x81: {  	v8 =	vld [tilespmem:s29+$0x280];
	v4 =	vand.u32 $0x380, v4;
	v6 =	vadd.s32 v5, v6  }
0x82: {  	v4 =	vor.u32 v4, v6  }
0x83: {  	v4 =	vor.u32 v7, v4;
	_ =	sdelay $0x2  }
0x84: {  	v9 =	vld [tilespmem:s29+$0x1DC00];
	vm1 =	vlt.u32 v8, $0x70  }
0x85: {  	v10 =	vld [tilespmem:s29+$0x300];
	v57 =	vnsel vm1, $0x0, v8  }
0x86: {  	v8 =	vshll.u32 v57, $0x9;
	v4 =	vld.idx.msk [tilespmem:v4+s24+$0x0], $0xffff  }
0x87: {  	v8 =	vand.u32 $0xFFFFF000, v8;
	v6 =	vshll.u32 v57, $0x7  }
0x88: {  	v8 =	vadd.s32 v5, v8;
	v6 =	vand.u32 $0x380, v6  }
0x89: {  	v6 =	vor.u32 v6, v8  }
0x8a: {  	v6 =	vor.u32 v7, v6  }
0x8b: {  	vm15 =	vlt.u32 v10, $0x70;
	v4 =	vsel vm14, v4, v9  }
0x8c: {  	[tilespmem:s29+$0x1DC00] =	vst v4;
	v4 =	vnsel vm15, $0x0, v10  }
0x8d: {  	v59 =	vld [tilespmem:s29+$0x380];
	v58 =	vshll.u32 v4, $0x9  }
0x8e: {  	v60 =	vld [tilespmem:s29+$0x1DC80];
	v4 =	vshll.u32 v4, $0x7;
	v8 =	vand.u32 $0xFFFFF000, v58  }
0x8f: {  	v6 =	vld.idx.msk [tilespmem:v6+s24+$0x0], $0xffff;
	v4 =	vand.u32 $0x380, v4;
	v8 =	vadd.s32 v5, v8  }
0x90: {  	v4 =	vor.u32 v4, v8  }
0x91: {  	v4 =	vor.u32 v7, v4  }
0x92: {  	vm2 =	vlt.u32 v59, $0x70  }
0x93: {  	v61 =	vnsel vm2, $0x0, v59  }
0x94: {  	v62 =	vshll.u32 v61, $0x9;
	v6 =	vsel vm1, v6, v60  }
0x95: {  	v63 =	vld [tilespmem:s29+$0x1DD00];
	v8 =	vshll.u32 v61, $0x7;
	[tilespmem:s29+$0x1DC80] =	vst v6;
	v6 =	vand.u32 $0xFFFFF000, v62  }
0x96: {  	v8 =	vand.u32 $0x380, v8;
	v5 =	vadd.s32 v5, v6;
	v4 =	vld.idx.msk [tilespmem:v4+s24+$0x0], $0xffff  }
0x97: {  	v5 =	vor.u32 v8, v5  }
0x98: {  	v5 =	vor.u32 v7, v5;
	_ =	sdelay $0x2  }
0x99: {  	v4 =	vsel vm15, v4, v63  }
0x9a: {  	[tilespmem:s29+$0x1DD00] =	vst v4  }
0x9b: {  	v4 =	vld.idx.msk [tilespmem:v5+s24+$0x0], $0xffff  }
0x9c: {  	v5 =	vld [tilespmem:s29+$0x1DD80]  }
0x9d: {  	p0 =	sne.s32 s11, $0x1  }
.Ltmp3:
0x9e: {  	_ = 	snop;
	(pc) =	sbr.rel @p0 .LBB2_3-.Ltmp3, $3  }
0x9f: {  	_ =	sdelay $0x1  }
0xa0: {  	v4 =	vsel vm2, v4, v5  }
0xa1: {  	s10 =	sadd.s32 $0x40, s10;
	s1 =	sadd.s32 $0x10, s1;
	s11 =	sadd.s32 $0xFFFFFFFF, s11;
	[tilespmem:s29+$0x1DD80] =	vst v4  }
0xa2: {  	s1 =	rddreg [dreg:$0x6]  }
0xa3: {  	[tilespmem:s24], [sflag:$0x1] =	stream.strided.gather [hbm4b:s1+s0], $0xE000, s21, s0, $0x38;
	[tilespmem:$0x1E480] =	vst v63  }
0xa4: {  	_ =	swait.ge [sflag:s28], $0xE000  }
0xa5: {  	s10 =	simm.s32 $0x0;
	[sflag:s28] =	ssyncset.done $0x0  }
0xa6: {  	s11 =	smov.u32 s31;
	s1 =	simm.s32 $0x0;
	[sflag:s28] =	ssyncadd.s32 $0xFFFF2000  }
.LBB2_5:
0xa7: {  	s12 =	sshra.s32 s10, $0x2  }
0xa8: {  	v4 =	vld [tilespmem:s12+$0x0];
	_ =	sdelay $0x4  }
0xa9: {  	v4 =	vadd.s32 $0xFFFFFF90, v4  }
0xaa: {  	vm0 =	vlt.u32 v4, $0x70  }
0xab: {  	v5 =	vmov s1;
	v4 =	vnsel vm0, $0x0, v4  }
0xac: {  	v5 =	vshll.u32 v5, $0x3;
	v6 =	vshll.u32 v4, $0x9  }
0xad: {  	v5 =	vand.u32 $0xFFFFFC00, v5;
	v4 =	vshll.u32 v4, $0x7;
	v6 =	vand.u32 $0xFFFFF000, v6  }
0xae: {  	v7 =	vor.u32 s1, v0;
	v4 =	vand.u32 $0x380, v4;
	v6 =	vadd.s32 v5, v6  }
0xaf: {  	v7 =	vand.u32 $0x7F, v7;
	v4 =	vor.u32 v4, v6  }
0xb0: {  	v4 =	vor.u32 v7, v4;
	_ =	sdelay $0x3  }
0xb1: {  	v54 =	vld [tilespmem:s12+$0x1DA00]  }
0xb2: {  	v4 =	vld.idx.msk [tilespmem:v4+s26+$0x0], $0xffff;
	_ =	sdelay $0x4  }
0xb3: {  	s13 =	sand.u32 $0x70, s1;
	s29 =	sand.u32 $0xFFFFFE00, s10;
	v4 =	vsel vm0, v4, v54  }
0xb4: {  	s29 =	sor.u32 s13, s29;
	[tilespmem:s12+$0x1DA00] =	vst v4  }
0xb5: {  	v4 =	vld [tilespmem:s29+$0x200];
	_ =	sdelay $0x4  }
0xb6: {  	v4 =	vadd.s32 $0xFFFFFF90, v4  }
0xb7: {  	vm14 =	vlt.u32 v4, $0x70  }
0xb8: {  	v4 =	vnsel vm14, $0x0, v4  }
0xb9: {  	v8 =	vld [tilespmem:s29+$0x280];
	v55 =	vshll.u32 v4, $0x9  }
0xba: {  	v4 =	vshll.u32 v4, $0x7;
	v6 =	vand.u32 $0xFFFFF000, v55  }
0xbb: {  	v4 =	vand.u32 $0x380, v4;
	v6 =	vadd.s32 v5, v6  }
0xbc: {  	v4 =	vor.u32 v4, v6  }
0xbd: {  	v4 =	vor.u32 v7, v4  }
0xbe: {  	v56 =	vadd.s32 $0xFFFFFF90, v8  }
0xbf: {  	vm1 =	vlt.u32 v56, $0x70  }
0xc0: {  	v9 =	vld [tilespmem:s29+$0x300];
	v6 =	vnsel vm1, $0x0, v56  }
0xc1: {  	v10 =	vld [tilespmem:s29+$0x1DC00];
	v57 =	vshll.u32 v6, $0x9  }
0xc2: {  	v6 =	vshll.u32 v6, $0x7;
	v8 =	vand.u32 $0xFFFFF000, v57;
	v4 =	vld.idx.msk [tilespmem:v4+s26+$0x0], $0xffff  }
0xc3: {  	v6 =	vand.u32 $0x380, v6;
	v8 =	vadd.s32 v5, v8  }
0xc4: {  	v6 =	vor.u32 v6, v8  }
0xc5: {  	v58 =	vadd.s32 $0xFFFFFF90, v9;
	v6 =	vor.u32 v7, v6  }
0xc6: {  	vm2 =	vlt.u32 v58, $0x70  }
0xc7: {  	v59 =	vld [tilespmem:s29+$0x380];
	v8 =	vnsel vm2, $0x0, v58;
	v4 =	vsel vm14, v4, v10  }
0xc8: {  	[tilespmem:s29+$0x1DC00] =	vst v4;
	v4 =	vshll.u32 v8, $0x9  }
0xc9: {  	v60 =	vld [tilespmem:s29+$0x1DC80];
	v8 =	vshll.u32 v8, $0x7;
	v4 =	vand.u32 $0xFFFFF000, v4  }
0xca: {  	v6 =	vld.idx.msk [tilespmem:v6+s26+$0x0], $0xffff;
	v8 =	vand.u32 $0x380, v8;
	v4 =	vadd.s32 v5, v4  }
0xcb: {  	v4 =	vor.u32 v8, v4  }
0xcc: {  	v61 =	vadd.s32 $0xFFFFFF90, v59;
	v4 =	vor.u32 v7, v4  }
0xcd: {  	vm15 =	vlt.u32 v61, $0x70  }
0xce: {  	v8 =	vnsel vm15, $0x0, v61  }
0xcf: {  	v62 =	vshll.u32 v8, $0x9;
	v6 =	vsel vm1, v6, v60  }
0xd0: {  	v63 =	vld [tilespmem:s29+$0x1DD00];
	v8 =	vshll.u32 v8, $0x7;
	[tilespmem:s29+$0x1DC80] =	vst v6;
	v6 =	vand.u32 $0xFFFFF000, v62  }
0xd1: {  	v8 =	vand.u32 $0x380, v8;
	v5 =	vadd.s32 v5, v6;
	v4 =	vld.idx.msk [tilespmem:v4+s26+$0x0], $0xffff  }
0xd2: {  	v5 =	vor.u32 v8, v5  }
0xd3: {  	v5 =	vor.u32 v7, v5;
	_ =	sdelay $0x2  }
0xd4: {  	v4 =	vsel vm2, v4, v63  }
0xd5: {  	[tilespmem:s29+$0x1DD00] =	vst v4  }
0xd6: {  	v4 =	vld.idx.msk [tilespmem:v5+s26+$0x0], $0xffff  }
0xd7: {  	v5 =	vld [tilespmem:s29+$0x1DD80]  }
0xd8: {  	p0 =	sne.s32 s11, $0x1  }
.Ltmp4:
0xd9: {  	_ = 	snop;
	(pc) =	sbr.rel @p0 .LBB2_5-.Ltmp4, $3  }
0xda: {  	_ =	sdelay $0x1  }
0xdb: {  	v4 =	vsel vm15, v4, v5  }
0xdc: {  	s10 =	sadd.s32 $0x40, s10;
	s1 =	sadd.s32 $0x10, s1;
	s11 =	sadd.s32 $0xFFFFFFFF, s11;
	[tilespmem:s29+$0x1DD80] =	vst v4  }
0xdd: {  	s1 =	rddreg [dreg:$0x7]  }
0xde: {  	[tilespmem:s26], [sflag:$0x1] =	stream.strided.gather [hbm4b:s1+s0], $0xE000, s21, s0, $0x38;
	[tilespmem:$0x1E480] =	vst v63  }
0xdf: {  	_ =	swait.ge [sflag:s28], $0xE000  }
0xe0: {  	s10 =	simm.s32 $0x0;
	[sflag:s28] =	ssyncset.done $0x0  }
0xe1: {  	s11 =	smov.u32 s31;
	s1 =	simm.s32 $0x0;
	[sflag:s28] =	ssyncadd.s32 $0xFFFF2000  }
.LBB2_7:
0xe2: {  	s12 =	sshra.s32 s10, $0x2  }
0xe3: {  	v4 =	vld [tilespmem:s12+$0x0];
	_ =	sdelay $0x4  }
0xe4: {  	v4 =	vadd.s32 $0xFFFFFF20, v4  }
0xe5: {  	vm0 =	vlt.u32 v4, $0x70  }
0xe6: {  	v5 =	vmov s1;
	v4 =	vnsel vm0, $0x0, v4  }
0xe7: {  	v5 =	vshll.u32 v5, $0x3;
	v6 =	vshll.u32 v4, $0x9  }
0xe8: {  	v5 =	vand.u32 $0xFFFFFC00, v5;
	v4 =	vshll.u32 v4, $0x7;
	v6 =	vand.u32 $0xFFFFF000, v6  }
0xe9: {  	v7 =	vor.u32 s1, v0;
	v4 =	vand.u32 $0x380, v4;
	v6 =	vadd.s32 v5, v6  }
0xea: {  	v7 =	vand.u32 $0x7F, v7;
	v4 =	vor.u32 v4, v6  }
0xeb: {  	v4 =	vor.u32 v7, v4;
	_ =	sdelay $0x3  }
0xec: {  	v54 =	vld [tilespmem:s12+$0x1DA00]  }
0xed: {  	v4 =	vld.idx.msk [tilespmem:v4+s24+$0x0], $0xffff;
	_ =	sdelay $0x4  }
0xee: {  	s13 =	sand.u32 $0x70, s1;
	s29 =	sand.u32 $0xFFFFFE00, s10;
	v4 =	vsel vm0, v4, v54  }
0xef: {  	s29 =	sor.u32 s13, s29;
	[tilespmem:s12+$0x1DA00] =	vst v4  }
0xf0: {  	v4 =	vld [tilespmem:s29+$0x200];
	_ =	sdelay $0x4  }
0xf1: {  	v4 =	vadd.s32 $0xFFFFFF20, v4  }
0xf2: {  	vm14 =	vlt.u32 v4, $0x70  }
0xf3: {  	v4 =	vnsel vm14, $0x0, v4  }
0xf4: {  	v8 =	vld [tilespmem:s29+$0x280];
	v55 =	vshll.u32 v4, $0x9  }
0xf5: {  	v4 =	vshll.u32 v4, $0x7;
	v6 =	vand.u32 $0xFFFFF000, v55  }
0xf6: {  	v4 =	vand.u32 $0x380, v4;
	v6 =	vadd.s32 v5, v6  }
0xf7: {  	v4 =	vor.u32 v4, v6  }
0xf8: {  	v4 =	vor.u32 v7, v4  }
0xf9: {  	v56 =	vadd.s32 $0xFFFFFF20, v8  }
0xfa: {  	vm1 =	vlt.u32 v56, $0x70  }
0xfb: {  	v9 =	vld [tilespmem:s29+$0x300];
	v6 =	vnsel vm1, $0x0, v56  }
0xfc: {  	v10 =	vld [tilespmem:s29+$0x1DC00];
	v57 =	vshll.u32 v6, $0x9  }
0xfd: {  	v6 =	vshll.u32 v6, $0x7;
	v8 =	vand.u32 $0xFFFFF000, v57;
	v4 =	vld.idx.msk [tilespmem:v4+s24+$0x0], $0xffff  }
0xfe: {  	v6 =	vand.u32 $0x380, v6;
	v8 =	vadd.s32 v5, v8  }
0xff: {  	v6 =	vor.u32 v6, v8  }
0x100: {  	v58 =	vadd.s32 $0xFFFFFF20, v9;
	v6 =	vor.u32 v7, v6  }
0x101: {  	vm2 =	vlt.u32 v58, $0x70  }
0x102: {  	v59 =	vld [tilespmem:s29+$0x380];
	v8 =	vnsel vm2, $0x0, v58;
	v4 =	vsel vm14, v4, v10  }
0x103: {  	[tilespmem:s29+$0x1DC00] =	vst v4;
	v4 =	vshll.u32 v8, $0x9  }
0x104: {  	v60 =	vld [tilespmem:s29+$0x1DC80];
	v8 =	vshll.u32 v8, $0x7;
	v4 =	vand.u32 $0xFFFFF000, v4  }
0x105: {  	v6 =	vld.idx.msk [tilespmem:v6+s24+$0x0], $0xffff;
	v8 =	vand.u32 $0x380, v8;
	v4 =	vadd.s32 v5, v4  }
0x106: {  	v4 =	vor.u32 v8, v4  }
0x107: {  	v61 =	vadd.s32 $0xFFFFFF20, v59;
	v4 =	vor.u32 v7, v4  }
0x108: {  	vm15 =	vlt.u32 v61, $0x70  }
0x109: {  	v8 =	vnsel vm15, $0x0, v61  }
0x10a: {  	v62 =	vshll.u32 v8, $0x9;
	v6 =	vsel vm1, v6, v60  }
0x10b: {  	v63 =	vld [tilespmem:s29+$0x1DD00];
	v8 =	vshll.u32 v8, $0x7;
	[tilespmem:s29+$0x1DC80] =	vst v6;
	v6 =	vand.u32 $0xFFFFF000, v62  }
0x10c: {  	v8 =	vand.u32 $0x380, v8;
	v5 =	vadd.s32 v5, v6;
	v4 =	vld.idx.msk [tilespmem:v4+s24+$0x0], $0xffff  }
0x10d: {  	v5 =	vor.u32 v8, v5  }
0x10e: {  	v5 =	vor.u32 v7, v5;
	_ =	sdelay $0x2  }
0x10f: {  	v4 =	vsel vm2, v4, v63  }
0x110: {  	[tilespmem:s29+$0x1DD00] =	vst v4  }
0x111: {  	v4 =	vld.idx.msk [tilespmem:v5+s24+$0x0], $0xffff  }
0x112: {  	v5 =	vld [tilespmem:s29+$0x1DD80]  }
0x113: {  	p0 =	sne.s32 s11, $0x1  }
.Ltmp5:
0x114: {  	_ = 	snop;
	(pc) =	sbr.rel @p0 .LBB2_7-.Ltmp5, $3  }
0x115: {  	_ =	sdelay $0x1  }
0x116: {  	v4 =	vsel vm15, v4, v5  }
0x117: {  	s10 =	sadd.s32 $0x40, s10;
	s1 =	sadd.s32 $0x10, s1;
	s11 =	sadd.s32 $0xFFFFFFFF, s11;
	[tilespmem:s29+$0x1DD80] =	vst v4  }
0x118: {  	s1 =	rddreg [dreg:$0x8]  }
0x119: {  	[tilespmem:s24], [sflag:$0x1] =	stream.strided.gather [hbm4b:s1+s0], $0xE000, s21, s0, $0x38;
	[tilespmem:$0x1E480] =	vst v63  }
0x11a: {  	_ =	swait.ge [sflag:s28], $0xE000  }
0x11b: {  	s10 =	simm.s32 $0x0;
	[sflag:s28] =	ssyncset.done $0x0  }
0x11c: {  	s11 =	smov.u32 s31;
	s1 =	simm.s32 $0x0;
	[sflag:s28] =	ssyncadd.s32 $0xFFFF2000  }
.LBB2_9:
0x11d: {  	s12 =	sshra.s32 s10, $0x2  }
0x11e: {  	v4 =	vld [tilespmem:s12+$0x0];
	_ =	sdelay $0x4  }
0x11f: {  	v4 =	vadd.s32 $0xFFFFFEB0, v4  }
0x120: {  	vm0 =	vlt.u32 v4, $0x70  }
0x121: {  	v5 =	vmov s1;
	v4 =	vnsel vm0, $0x0, v4  }
0x122: {  	v5 =	vshll.u32 v5, $0x3;
	v6 =	vshll.u32 v4, $0x9  }
0x123: {  	v5 =	vand.u32 $0xFFFFFC00, v5;
	v4 =	vshll.u32 v4, $0x7;
	v6 =	vand.u32 $0xFFFFF000, v6  }
0x124: {  	v7 =	vor.u32 s1, v0;
	v4 =	vand.u32 $0x380, v4;
	v6 =	vadd.s32 v5, v6  }
0x125: {  	v7 =	vand.u32 $0x7F, v7;
	v4 =	vor.u32 v4, v6  }
0x126: {  	v4 =	vor.u32 v7, v4;
	_ =	sdelay $0x3  }
0x127: {  	v54 =	vld [tilespmem:s12+$0x1DA00]  }
0x128: {  	v4 =	vld.idx.msk [tilespmem:v4+s26+$0x0], $0xffff;
	_ =	sdelay $0x4  }
0x129: {  	s13 =	sand.u32 $0x70, s1;
	s29 =	sand.u32 $0xFFFFFE00, s10;
	v4 =	vsel vm0, v4, v54  }
0x12a: {  	s29 =	sor.u32 s13, s29;
	[tilespmem:s12+$0x1DA00] =	vst v4  }
0x12b: {  	v4 =	vld [tilespmem:s29+$0x200];
	_ =	sdelay $0x4  }
0x12c: {  	v4 =	vadd.s32 $0xFFFFFEB0, v4  }
0x12d: {  	vm14 =	vlt.u32 v4, $0x70  }
0x12e: {  	v4 =	vnsel vm14, $0x0, v4  }
0x12f: {  	v8 =	vld [tilespmem:s29+$0x280];
	v55 =	vshll.u32 v4, $0x9  }
0x130: {  	v4 =	vshll.u32 v4, $0x7;
	v6 =	vand.u32 $0xFFFFF000, v55  }
0x131: {  	v4 =	vand.u32 $0x380, v4;
	v6 =	vadd.s32 v5, v6  }
0x132: {  	v4 =	vor.u32 v4, v6  }
0x133: {  	v4 =	vor.u32 v7, v4  }
0x134: {  	v56 =	vadd.s32 $0xFFFFFEB0, v8  }
0x135: {  	vm1 =	vlt.u32 v56, $0x70  }
0x136: {  	v9 =	vld [tilespmem:s29+$0x300];
	v6 =	vnsel vm1, $0x0, v56  }
0x137: {  	v10 =	vld [tilespmem:s29+$0x1DC00];
	v57 =	vshll.u32 v6, $0x9  }
0x138: {  	v6 =	vshll.u32 v6, $0x7;
	v8 =	vand.u32 $0xFFFFF000, v57;
	v4 =	vld.idx.msk [tilespmem:v4+s26+$0x0], $0xffff  }
0x139: {  	v6 =	vand.u32 $0x380, v6;
	v8 =	vadd.s32 v5, v8  }
0x13a: {  	v6 =	vor.u32 v6, v8  }
0x13b: {  	v58 =	vadd.s32 $0xFFFFFEB0, v9;
	v6 =	vor.u32 v7, v6  }
0x13c: {  	vm2 =	vlt.u32 v58, $0x70  }
0x13d: {  	v59 =	vld [tilespmem:s29+$0x380];
	v8 =	vnsel vm2, $0x0, v58;
	v4 =	vsel vm14, v4, v10  }
0x13e: {  	[tilespmem:s29+$0x1DC00] =	vst v4;
	v4 =	vshll.u32 v8, $0x9  }
0x13f: {  	v60 =	vld [tilespmem:s29+$0x1DC80];
	v8 =	vshll.u32 v8, $0x7;
	v4 =	vand.u32 $0xFFFFF000, v4  }
0x140: {  	v6 =	vld.idx.msk [tilespmem:v6+s26+$0x0], $0xffff;
	v8 =	vand.u32 $0x380, v8;
	v4 =	vadd.s32 v5, v4  }
0x141: {  	v4 =	vor.u32 v8, v4  }
0x142: {  	v61 =	vadd.s32 $0xFFFFFEB0, v59;
	v4 =	vor.u32 v7, v4  }
0x143: {  	vm15 =	vlt.u32 v61, $0x70  }
0x144: {  	v8 =	vnsel vm15, $0x0, v61  }
0x145: {  	v62 =	vshll.u32 v8, $0x9;
	v6 =	vsel vm1, v6, v60  }
0x146: {  	v63 =	vld [tilespmem:s29+$0x1DD00];
	v8 =	vshll.u32 v8, $0x7;
	[tilespmem:s29+$0x1DC80] =	vst v6;
	v6 =	vand.u32 $0xFFFFF000, v62  }
0x147: {  	v8 =	vand.u32 $0x380, v8;
	v5 =	vadd.s32 v5, v6;
	v4 =	vld.idx.msk [tilespmem:v4+s26+$0x0], $0xffff  }
0x148: {  	v5 =	vor.u32 v8, v5  }
0x149: {  	v5 =	vor.u32 v7, v5;
	_ =	sdelay $0x2  }
0x14a: {  	v4 =	vsel vm2, v4, v63  }
0x14b: {  	[tilespmem:s29+$0x1DD00] =	vst v4  }
0x14c: {  	v4 =	vld.idx.msk [tilespmem:v5+s26+$0x0], $0xffff  }
0x14d: {  	v5 =	vld [tilespmem:s29+$0x1DD80]  }
0x14e: {  	p0 =	sne.s32 s11, $0x1  }
.Ltmp6:
0x14f: {  	_ = 	snop;
	(pc) =	sbr.rel @p0 .LBB2_9-.Ltmp6, $3  }
0x150: {  	_ =	sdelay $0x1  }
0x151: {  	v4 =	vsel vm15, v4, v5  }
0x152: {  	s10 =	sadd.s32 $0x40, s10;
	s1 =	sadd.s32 $0x10, s1;
	s11 =	sadd.s32 $0xFFFFFFFF, s11;
	[tilespmem:s29+$0x1DD80] =	vst v4  }
0x153: {  	s1 =	rddreg [dreg:$0x9]  }
0x154: {  	[tilespmem:s26], [sflag:$0x1] =	stream.strided.gather [hbm4b:s1+s0], $0xE000, s21, s0, $0x38;
	[tilespmem:$0x1E480] =	vst v63  }
0x155: {  	_ =	swait.ge [sflag:s28], $0xE000  }
0x156: {  	s10 =	simm.s32 $0x0;
	[sflag:s28] =	ssyncset.done $0x0  }
0x157: {  	s11 =	smov.u32 s31;
	s1 =	simm.s32 $0x0;
	[sflag:s28] =	ssyncadd.s32 $0xFFFF2000  }
.LBB2_11:
0x158: {  	s12 =	sshra.s32 s10, $0x2  }
0x159: {  	v4 =	vld [tilespmem:s12+$0x0];
	_ =	sdelay $0x4  }
0x15a: {  	v4 =	vadd.s32 $0xFFFFFE40, v4  }
0x15b: {  	vm0 =	vlt.u32 v4, $0x70  }
0x15c: {  	v5 =	vmov s1;
	v4 =	vnsel vm0, $0x0, v4  }
0x15d: {  	v5 =	vshll.u32 v5, $0x3;
	v6 =	vshll.u32 v4, $0x9  }
0x15e: {  	v5 =	vand.u32 $0xFFFFFC00, v5;
	v4 =	vshll.u32 v4, $0x7;
	v6 =	vand.u32 $0xFFFFF000, v6  }
0x15f: {  	v7 =	vor.u32 s1, v0;
	v4 =	vand.u32 $0x380, v4;
	v6 =	vadd.s32 v5, v6  }
0x160: {  	v7 =	vand.u32 $0x7F, v7;
	v4 =	vor.u32 v4, v6  }
0x161: {  	v4 =	vor.u32 v7, v4;
	_ =	sdelay $0x3  }
0x162: {  	v54 =	vld [tilespmem:s12+$0x1DA00]  }
0x163: {  	v4 =	vld.idx.msk [tilespmem:v4+s24+$0x0], $0xffff;
	_ =	sdelay $0x4  }
0x164: {  	s13 =	sand.u32 $0x70, s1;
	s29 =	sand.u32 $0xFFFFFE00, s10;
	v4 =	vsel vm0, v4, v54  }
0x165: {  	s29 =	sor.u32 s13, s29;
	[tilespmem:s12+$0x1DA00] =	vst v4  }
0x166: {  	v4 =	vld [tilespmem:s29+$0x200];
	_ =	sdelay $0x4  }
0x167: {  	v4 =	vadd.s32 $0xFFFFFE40, v4  }
0x168: {  	vm14 =	vlt.u32 v4, $0x70  }
0x169: {  	v4 =	vnsel vm14, $0x0, v4  }
0x16a: {  	v8 =	vld [tilespmem:s29+$0x280];
	v55 =	vshll.u32 v4, $0x9  }
0x16b: {  	v4 =	vshll.u32 v4, $0x7;
	v6 =	vand.u32 $0xFFFFF000, v55  }
0x16c: {  	v4 =	vand.u32 $0x380, v4;
	v6 =	vadd.s32 v5, v6  }
0x16d: {  	v4 =	vor.u32 v4, v6  }
0x16e: {  	v4 =	vor.u32 v7, v4  }
0x16f: {  	v56 =	vadd.s32 $0xFFFFFE40, v8  }
0x170: {  	vm1 =	vlt.u32 v56, $0x70  }
0x171: {  	v9 =	vld [tilespmem:s29+$0x300];
	v6 =	vnsel vm1, $0x0, v56  }
0x172: {  	v10 =	vld [tilespmem:s29+$0x1DC00];
	v57 =	vshll.u32 v6, $0x9  }
0x173: {  	v6 =	vshll.u32 v6, $0x7;
	v8 =	vand.u32 $0xFFFFF000, v57;
	v4 =	vld.idx.msk [tilespmem:v4+s24+$0x0], $0xffff  }
0x174: {  	v6 =	vand.u32 $0x380, v6;
	v8 =	vadd.s32 v5, v8  }
0x175: {  	v6 =	vor.u32 v6, v8  }
0x176: {  	v58 =	vadd.s32 $0xFFFFFE40, v9;
	v6 =	vor.u32 v7, v6  }
0x177: {  	vm2 =	vlt.u32 v58, $0x70  }
0x178: {  	v59 =	vld [tilespmem:s29+$0x380];
	v8 =	vnsel vm2, $0x0, v58;
	v4 =	vsel vm14, v4, v10  }
0x179: {  	[tilespmem:s29+$0x1DC00] =	vst v4;
	v4 =	vshll.u32 v8, $0x9  }
0x17a: {  	v60 =	vld [tilespmem:s29+$0x1DC80];
	v8 =	vshll.u32 v8, $0x7;
	v4 =	vand.u32 $0xFFFFF000, v4  }
0x17b: {  	v6 =	vld.idx.msk [tilespmem:v6+s24+$0x0], $0xffff;
	v8 =	vand.u32 $0x380, v8;
	v4 =	vadd.s32 v5, v4  }
0x17c: {  	v4 =	vor.u32 v8, v4  }
0x17d: {  	v61 =	vadd.s32 $0xFFFFFE40, v59;
	v4 =	vor.u32 v7, v4  }
0x17e: {  	vm15 =	vlt.u32 v61, $0x70  }
0x17f: {  	v8 =	vnsel vm15, $0x0, v61  }
0x180: {  	v62 =	vshll.u32 v8, $0x9;
	v6 =	vsel vm1, v6, v60  }
0x181: {  	v63 =	vld [tilespmem:s29+$0x1DD00];
	v8 =	vshll.u32 v8, $0x7;
	[tilespmem:s29+$0x1DC80] =	vst v6;
	v6 =	vand.u32 $0xFFFFF000, v62  }
0x182: {  	v8 =	vand.u32 $0x380, v8;
	v5 =	vadd.s32 v5, v6;
	v4 =	vld.idx.msk [tilespmem:v4+s24+$0x0], $0xffff  }
0x183: {  	v5 =	vor.u32 v8, v5  }
0x184: {  	v5 =	vor.u32 v7, v5;
	_ =	sdelay $0x2  }
0x185: {  	v4 =	vsel vm2, v4, v63  }
0x186: {  	[tilespmem:s29+$0x1DD00] =	vst v4  }
0x187: {  	v4 =	vld.idx.msk [tilespmem:v5+s24+$0x0], $0xffff  }
0x188: {  	v5 =	vld [tilespmem:s29+$0x1DD80]  }
0x189: {  	p0 =	sne.s32 s11, $0x1  }
.Ltmp7:
0x18a: {  	_ = 	snop;
	(pc) =	sbr.rel @p0 .LBB2_11-.Ltmp7, $3  }
0x18b: {  	_ =	sdelay $0x1  }
0x18c: {  	v4 =	vsel vm15, v4, v5  }
0x18d: {  	s10 =	sadd.s32 $0x40, s10;
	s1 =	sadd.s32 $0x10, s1;
	s11 =	sadd.s32 $0xFFFFFFFF, s11;
	[tilespmem:s29+$0x1DD80] =	vst v4  }
0x18e: {  	[tilespmem:s24], [sflag:$0x1] =	stream.strided.gather [hbm4b:s16+s0], $0xE000, s21, s0, $0x38;
	[tilespmem:$0x1E480] =	vst v63  }
0x18f: {  	_ =	swait.ge [sflag:s28], $0xE000  }
0x190: {  	s1 =	simm.s32 $0x0;
	[sflag:s28] =	ssyncset.done $0x0  }
0x191: {  	s10 =	simm.s32 $0x0;
	s11 =	smov.u32 s31;
	[sflag:s28] =	ssyncadd.s32 $0xFFFF2000  }
.LBB2_13:
0x192: {  	s12 =	sshra.s32 s10, $0x2  }
0x193: {  	v4 =	vld [tilespmem:s12+$0x0];
	_ =	sdelay $0x4  }
0x194: {  	v4 =	vadd.s32 $0xFFFFFDD0, v4  }
0x195: {  	vm0 =	vlt.u32 v4, $0x70  }
0x196: {  	v5 =	vmov s1;
	v4 =	vnsel vm0, $0x0, v4  }
0x197: {  	v5 =	vshll.u32 v5, $0x3;
	v6 =	vshll.u32 v4, $0x9  }
0x198: {  	v5 =	vand.u32 $0xFFFFFC00, v5;
	v4 =	vshll.u32 v4, $0x7;
	v6 =	vand.u32 $0xFFFFF000, v6  }
0x199: {  	v7 =	vor.u32 s1, v0;
	v4 =	vand.u32 $0x380, v4;
	v6 =	vadd.s32 v5, v6  }
0x19a: {  	v7 =	vand.u32 $0x7F, v7;
	v4 =	vor.u32 v4, v6  }
0x19b: {  	v4 =	vor.u32 v7, v4;
	_ =	sdelay $0x3  }
0x19c: {  	v54 =	vld [tilespmem:s12+$0x1DA00]  }
0x19d: {  	v4 =	vld.idx.msk [tilespmem:v4+s26+$0x0], $0xffff;
	_ =	sdelay $0x4  }
0x19e: {  	s13 =	sand.u32 $0x70, s1;
	s29 =	sand.u32 $0xFFFFFE00, s10;
	v4 =	vsel vm0, v4, v54  }
0x19f: {  	s29 =	sor.u32 s13, s29;
	[tilespmem:s12+$0x1DA00] =	vst v4  }
0x1a0: {  	v4 =	vld [tilespmem:s29+$0x200];
	_ =	sdelay $0x4  }
0x1a1: {  	v4 =	vadd.s32 $0xFFFFFDD0, v4  }
0x1a2: {  	vm14 =	vlt.u32 v4, $0x70  }
0x1a3: {  	v4 =	vnsel vm14, $0x0, v4  }
0x1a4: {  	v8 =	vld [tilespmem:s29+$0x280];
	v55 =	vshll.u32 v4, $0x9  }
0x1a5: {  	v4 =	vshll.u32 v4, $0x7;
	v6 =	vand.u32 $0xFFFFF000, v55  }
0x1a6: {  	v4 =	vand.u32 $0x380, v4;
	v6 =	vadd.s32 v5, v6  }
0x1a7: {  	v4 =	vor.u32 v4, v6  }
0x1a8: {  	v4 =	vor.u32 v7, v4  }
0x1a9: {  	v56 =	vadd.s32 $0xFFFFFDD0, v8  }
0x1aa: {  	vm1 =	vlt.u32 v56, $0x70  }
0x1ab: {  	v9 =	vld [tilespmem:s29+$0x300];
	v6 =	vnsel vm1, $0x0, v56  }
0x1ac: {  	v10 =	vld [tilespmem:s29+$0x1DC00];
	v57 =	vshll.u32 v6, $0x9  }
0x1ad: {  	v6 =	vshll.u32 v6, $0x7;
	v8 =	vand.u32 $0xFFFFF000, v57;
	v4 =	vld.idx.msk [tilespmem:v4+s26+$0x0], $0xffff  }
0x1ae: {  	v6 =	vand.u32 $0x380, v6;
	v8 =	vadd.s32 v5, v8  }
0x1af: {  	v6 =	vor.u32 v6, v8  }
0x1b0: {  	v58 =	vadd.s32 $0xFFFFFDD0, v9;
	v6 =	vor.u32 v7, v6  }
0x1b1: {  	vm2 =	vlt.u32 v58, $0x70  }
0x1b2: {  	v59 =	vld [tilespmem:s29+$0x380];
	v8 =	vnsel vm2, $0x0, v58;
	v4 =	vsel vm14, v4, v10  }
0x1b3: {  	[tilespmem:s29+$0x1DC00] =	vst v4;
	v4 =	vshll.u32 v8, $0x9  }
0x1b4: {  	v60 =	vld [tilespmem:s29+$0x1DC80];
	v8 =	vshll.u32 v8, $0x7;
	v4 =	vand.u32 $0xFFFFF000, v4  }
0x1b5: {  	v6 =	vld.idx.msk [tilespmem:v6+s26+$0x0], $0xffff;
	v8 =	vand.u32 $0x380, v8;
	v4 =	vadd.s32 v5, v4  }
0x1b6: {  	v4 =	vor.u32 v8, v4  }
0x1b7: {  	v61 =	vadd.s32 $0xFFFFFDD0, v59;
	v4 =	vor.u32 v7, v4  }
0x1b8: {  	vm15 =	vlt.u32 v61, $0x70  }
0x1b9: {  	v8 =	vnsel vm15, $0x0, v61  }
0x1ba: {  	v62 =	vshll.u32 v8, $0x9;
	v6 =	vsel vm1, v6, v60  }
0x1bb: {  	v63 =	vld [tilespmem:s29+$0x1DD00];
	v8 =	vshll.u32 v8, $0x7;
	[tilespmem:s29+$0x1DC80] =	vst v6;
	v6 =	vand.u32 $0xFFFFF000, v62  }
0x1bc: {  	v8 =	vand.u32 $0x380, v8;
	v5 =	vadd.s32 v5, v6;
	v4 =	vld.idx.msk [tilespmem:v4+s26+$0x0], $0xffff  }
0x1bd: {  	v5 =	vor.u32 v8, v5  }
0x1be: {  	v5 =	vor.u32 v7, v5;
	_ =	sdelay $0x2  }
0x1bf: {  	v4 =	vsel vm2, v4, v63  }
0x1c0: {  	[tilespmem:s29+$0x1DD00] =	vst v4  }
0x1c1: {  	v4 =	vld.idx.msk [tilespmem:v5+s26+$0x0], $0xffff  }
0x1c2: {  	v5 =	vld [tilespmem:s29+$0x1DD80]  }
0x1c3: {  	p0 =	sne.s32 s11, $0x1  }
.Ltmp8:
0x1c4: {  	_ = 	snop;
	(pc) =	sbr.rel @p0 .LBB2_13-.Ltmp8, $3  }
0x1c5: {  	_ =	sdelay $0x1  }
0x1c6: {  	v4 =	vsel vm15, v4, v5  }
0x1c7: {  	s10 =	sadd.s32 $0x40, s10;
	s1 =	sadd.s32 $0x10, s1;
	s11 =	sadd.s32 $0xFFFFFFFF, s11;
	[tilespmem:s29+$0x1DD80] =	vst v4  }
0x1c8: {  	[tilespmem:s26], [sflag:$0x1] =	stream.strided.gather [hbm4b:s17+s0], $0xE000, s21, s0, $0x38;
	[tilespmem:$0x1E480] =	vst v63  }
0x1c9: {  	_ =	swait.ge [sflag:s28], $0xE000  }
0x1ca: {  	s1 =	simm.s32 $0x0;
	[sflag:s28] =	ssyncset.done $0x0  }
0x1cb: {  	s10 =	simm.s32 $0x0;
	s11 =	smov.u32 s31;
	[sflag:s28] =	ssyncadd.s32 $0xFFFF2000  }
.LBB2_15:
0x1cc: {  	s12 =	sshra.s32 s10, $0x2  }
0x1cd: {  	v4 =	vld [tilespmem:s12+$0x0];
	_ =	sdelay $0x4  }
0x1ce: {  	v4 =	vadd.s32 $0xFFFFFD60, v4  }
0x1cf: {  	vm0 =	vlt.u32 v4, $0x70  }
0x1d0: {  	v5 =	vmov s1;
	v4 =	vnsel vm0, $0x0, v4  }
0x1d1: {  	v5 =	vshll.u32 v5, $0x3;
	v6 =	vshll.u32 v4, $0x9  }
0x1d2: {  	v5 =	vand.u32 $0xFFFFFC00, v5;
	v4 =	vshll.u32 v4, $0x7;
	v6 =	vand.u32 $0xFFFFF000, v6  }
0x1d3: {  	v7 =	vor.u32 s1, v0;
	v4 =	vand.u32 $0x380, v4;
	v6 =	vadd.s32 v5, v6  }
0x1d4: {  	v7 =	vand.u32 $0x7F, v7;
	v4 =	vor.u32 v4, v6  }
0x1d5: {  	v4 =	vor.u32 v7, v4;
	_ =	sdelay $0x3  }
0x1d6: {  	v54 =	vld [tilespmem:s12+$0x1DA00]  }
0x1d7: {  	v4 =	vld.idx.msk [tilespmem:v4+s24+$0x0], $0xffff;
	_ =	sdelay $0x4  }
0x1d8: {  	s13 =	sand.u32 $0x70, s1;
	s29 =	sand.u32 $0xFFFFFE00, s10;
	v4 =	vsel vm0, v4, v54  }
0x1d9: {  	s29 =	sor.u32 s13, s29;
	[tilespmem:s12+$0x1DA00] =	vst v4  }
0x1da: {  	v4 =	vld [tilespmem:s29+$0x200];
	_ =	sdelay $0x4  }
0x1db: {  	v4 =	vadd.s32 $0xFFFFFD60, v4  }
0x1dc: {  	vm14 =	vlt.u32 v4, $0x70  }
0x1dd: {  	v4 =	vnsel vm14, $0x0, v4  }
0x1de: {  	v8 =	vld [tilespmem:s29+$0x280];
	v55 =	vshll.u32 v4, $0x9  }
0x1df: {  	v4 =	vshll.u32 v4, $0x7;
	v6 =	vand.u32 $0xFFFFF000, v55  }
0x1e0: {  	v4 =	vand.u32 $0x380, v4;
	v6 =	vadd.s32 v5, v6  }
0x1e1: {  	v4 =	vor.u32 v4, v6  }
0x1e2: {  	v4 =	vor.u32 v7, v4  }
0x1e3: {  	v56 =	vadd.s32 $0xFFFFFD60, v8  }
0x1e4: {  	vm1 =	vlt.u32 v56, $0x70  }
0x1e5: {  	v9 =	vld [tilespmem:s29+$0x300];
	v6 =	vnsel vm1, $0x0, v56  }
0x1e6: {  	v10 =	vld [tilespmem:s29+$0x1DC00];
	v57 =	vshll.u32 v6, $0x9  }
0x1e7: {  	v6 =	vshll.u32 v6, $0x7;
	v8 =	vand.u32 $0xFFFFF000, v57;
	v4 =	vld.idx.msk [tilespmem:v4+s24+$0x0], $0xffff  }
0x1e8: {  	v6 =	vand.u32 $0x380, v6;
	v8 =	vadd.s32 v5, v8  }
0x1e9: {  	v6 =	vor.u32 v6, v8  }
0x1ea: {  	v58 =	vadd.s32 $0xFFFFFD60, v9;
	v6 =	vor.u32 v7, v6  }
0x1eb: {  	vm2 =	vlt.u32 v58, $0x70  }
0x1ec: {  	v59 =	vld [tilespmem:s29+$0x380];
	v8 =	vnsel vm2, $0x0, v58;
	v4 =	vsel vm14, v4, v10  }
0x1ed: {  	[tilespmem:s29+$0x1DC00] =	vst v4;
	v4 =	vshll.u32 v8, $0x9  }
0x1ee: {  	v60 =	vld [tilespmem:s29+$0x1DC80];
	v8 =	vshll.u32 v8, $0x7;
	v4 =	vand.u32 $0xFFFFF000, v4  }
0x1ef: {  	v6 =	vld.idx.msk [tilespmem:v6+s24+$0x0], $0xffff;
	v8 =	vand.u32 $0x380, v8;
	v4 =	vadd.s32 v5, v4  }
0x1f0: {  	v4 =	vor.u32 v8, v4  }
0x1f1: {  	v61 =	vadd.s32 $0xFFFFFD60, v59;
	v4 =	vor.u32 v7, v4  }
0x1f2: {  	vm15 =	vlt.u32 v61, $0x70  }
0x1f3: {  	v8 =	vnsel vm15, $0x0, v61  }
0x1f4: {  	v62 =	vshll.u32 v8, $0x9;
	v6 =	vsel vm1, v6, v60  }
0x1f5: {  	v63 =	vld [tilespmem:s29+$0x1DD00];
	v8 =	vshll.u32 v8, $0x7;
	[tilespmem:s29+$0x1DC80] =	vst v6;
	v6 =	vand.u32 $0xFFFFF000, v62  }
0x1f6: {  	v8 =	vand.u32 $0x380, v8;
	v5 =	vadd.s32 v5, v6;
	v4 =	vld.idx.msk [tilespmem:v4+s24+$0x0], $0xffff  }
0x1f7: {  	v5 =	vor.u32 v8, v5  }
0x1f8: {  	v5 =	vor.u32 v7, v5;
	_ =	sdelay $0x2  }
0x1f9: {  	v4 =	vsel vm2, v4, v63  }
0x1fa: {  	[tilespmem:s29+$0x1DD00] =	vst v4  }
0x1fb: {  	v4 =	vld.idx.msk [tilespmem:v5+s24+$0x0], $0xffff  }
0x1fc: {  	v5 =	vld [tilespmem:s29+$0x1DD80]  }
0x1fd: {  	p0 =	sne.s32 s11, $0x1  }
.Ltmp9:
0x1fe: {  	_ = 	snop;
	(pc) =	sbr.rel @p0 .LBB2_15-.Ltmp9, $3  }
0x1ff: {  	_ =	sdelay $0x1  }
0x200: {  	v4 =	vsel vm15, v4, v5  }
0x201: {  	s10 =	sadd.s32 $0x40, s10;
	s1 =	sadd.s32 $0x10, s1;
	s11 =	sadd.s32 $0xFFFFFFFF, s11;
	[tilespmem:s29+$0x1DD80] =	vst v4  }
0x202: {  	[tilespmem:s24], [sflag:$0x1] =	stream.strided.gather [hbm4b:s18+s0], $0xE000, s21, s0, $0x38;
	[tilespmem:$0x1E480] =	vst v63  }
0x203: {  	_ =	swait.ge [sflag:s28], $0xE000  }
0x204: {  	s1 =	simm.s32 $0x0;
	[sflag:s28] =	ssyncset.done $0x0  }
0x205: {  	s10 =	simm.s32 $0x0;
	s11 =	smov.u32 s31;
	[sflag:s28] =	ssyncadd.s32 $0xFFFF2000  }
.LBB2_17:
0x206: {  	s12 =	sshra.s32 s10, $0x2  }
0x207: {  	v4 =	vld [tilespmem:s12+$0x0];
	_ =	sdelay $0x4  }
0x208: {  	v4 =	vadd.s32 $0xFFFFFCF0, v4  }
0x209: {  	vm0 =	vlt.u32 v4, $0x70  }
0x20a: {  	v5 =	vmov s1;
	v4 =	vnsel vm0, $0x0, v4  }
0x20b: {  	v5 =	vshll.u32 v5, $0x3;
	v6 =	vshll.u32 v4, $0x9  }
0x20c: {  	v5 =	vand.u32 $0xFFFFFC00, v5;
	v4 =	vshll.u32 v4, $0x7;
	v6 =	vand.u32 $0xFFFFF000, v6  }
0x20d: {  	v7 =	vor.u32 s1, v0;
	v4 =	vand.u32 $0x380, v4;
	v6 =	vadd.s32 v5, v6  }
0x20e: {  	v7 =	vand.u32 $0x7F, v7;
	v4 =	vor.u32 v4, v6  }
0x20f: {  	v4 =	vor.u32 v7, v4;
	_ =	sdelay $0x3  }
0x210: {  	v54 =	vld [tilespmem:s12+$0x1DA00]  }
0x211: {  	v4 =	vld.idx.msk [tilespmem:v4+s26+$0x0], $0xffff;
	_ =	sdelay $0x4  }
0x212: {  	s13 =	sand.u32 $0x70, s1;
	s29 =	sand.u32 $0xFFFFFE00, s10;
	v4 =	vsel vm0, v4, v54  }
0x213: {  	s29 =	sor.u32 s13, s29;
	[tilespmem:s12+$0x1DA00] =	vst v4  }
0x214: {  	v4 =	vld [tilespmem:s29+$0x200];
	_ =	sdelay $0x4  }
0x215: {  	v4 =	vadd.s32 $0xFFFFFCF0, v4  }
0x216: {  	vm14 =	vlt.u32 v4, $0x70  }
0x217: {  	v4 =	vnsel vm14, $0x0, v4  }
0x218: {  	v8 =	vld [tilespmem:s29+$0x280];
	v55 =	vshll.u32 v4, $0x9  }
0x219: {  	v4 =	vshll.u32 v4, $0x7;
	v6 =	vand.u32 $0xFFFFF000, v55  }
0x21a: {  	v4 =	vand.u32 $0x380, v4;
	v6 =	vadd.s32 v5, v6  }
0x21b: {  	v4 =	vor.u32 v4, v6  }
0x21c: {  	v4 =	vor.u32 v7, v4  }
0x21d: {  	v56 =	vadd.s32 $0xFFFFFCF0, v8  }
0x21e: {  	vm1 =	vlt.u32 v56, $0x70  }
0x21f: {  	v9 =	vld [tilespmem:s29+$0x300];
	v6 =	vnsel vm1, $0x0, v56  }
0x220: {  	v10 =	vld [tilespmem:s29+$0x1DC00];
	v57 =	vshll.u32 v6, $0x9  }
0x221: {  	v6 =	vshll.u32 v6, $0x7;
	v8 =	vand.u32 $0xFFFFF000, v57;
	v4 =	vld.idx.msk [tilespmem:v4+s26+$0x0], $0xffff  }
0x222: {  	v6 =	vand.u32 $0x380, v6;
	v8 =	vadd.s32 v5, v8  }
0x223: {  	v6 =	vor.u32 v6, v8  }
0x224: {  	v58 =	vadd.s32 $0xFFFFFCF0, v9;
	v6 =	vor.u32 v7, v6  }
0x225: {  	vm2 =	vlt.u32 v58, $0x70  }
0x226: {  	v59 =	vld [tilespmem:s29+$0x380];
	v8 =	vnsel vm2, $0x0, v58;
	v4 =	vsel vm14, v4, v10  }
0x227: {  	[tilespmem:s29+$0x1DC00] =	vst v4;
	v4 =	vshll.u32 v8, $0x9  }
0x228: {  	v60 =	vld [tilespmem:s29+$0x1DC80];
	v8 =	vshll.u32 v8, $0x7;
	v4 =	vand.u32 $0xFFFFF000, v4  }
0x229: {  	v6 =	vld.idx.msk [tilespmem:v6+s26+$0x0], $0xffff;
	v8 =	vand.u32 $0x380, v8;
	v4 =	vadd.s32 v5, v4  }
0x22a: {  	v4 =	vor.u32 v8, v4  }
0x22b: {  	v61 =	vadd.s32 $0xFFFFFCF0, v59;
	v4 =	vor.u32 v7, v4  }
0x22c: {  	vm15 =	vlt.u32 v61, $0x70  }
0x22d: {  	v8 =	vnsel vm15, $0x0, v61  }
0x22e: {  	v62 =	vshll.u32 v8, $0x9;
	v6 =	vsel vm1, v6, v60  }
0x22f: {  	v63 =	vld [tilespmem:s29+$0x1DD00];
	v8 =	vshll.u32 v8, $0x7;
	[tilespmem:s29+$0x1DC80] =	vst v6;
	v6 =	vand.u32 $0xFFFFF000, v62  }
0x230: {  	v8 =	vand.u32 $0x380, v8;
	v5 =	vadd.s32 v5, v6;
	v4 =	vld.idx.msk [tilespmem:v4+s26+$0x0], $0xffff  }
0x231: {  	v5 =	vor.u32 v8, v5  }
0x232: {  	v5 =	vor.u32 v7, v5;
	_ =	sdelay $0x2  }
0x233: {  	v4 =	vsel vm2, v4, v63  }
0x234: {  	[tilespmem:s29+$0x1DD00] =	vst v4  }
0x235: {  	v4 =	vld.idx.msk [tilespmem:v5+s26+$0x0], $0xffff  }
0x236: {  	v5 =	vld [tilespmem:s29+$0x1DD80]  }
0x237: {  	p0 =	sne.s32 s11, $0x1  }
.Ltmp10:
0x238: {  	_ = 	snop;
	(pc) =	sbr.rel @p0 .LBB2_17-.Ltmp10, $3  }
0x239: {  	_ =	sdelay $0x1  }
0x23a: {  	v4 =	vsel vm15, v4, v5  }
0x23b: {  	s10 =	sadd.s32 $0x40, s10;
	s1 =	sadd.s32 $0x10, s1;
	s11 =	sadd.s32 $0xFFFFFFFF, s11;
	[tilespmem:s29+$0x1DD80] =	vst v4  }
0x23c: {  	_ =	swait.ge [sflag:s28], $0xE000  }
0x23d: {  	s1 =	simm.s32 $0x0;
	[sflag:s28] =	ssyncset.done $0x0  }
0x23e: {  	s10 =	simm.s32 $0x0;
	s11 =	smov.u32 s31;
	[sflag:s28] =	ssyncadd.s32 $0xFFFF2000  }
.LBB2_19:
0x23f: {  	s12 =	sshra.s32 s10, $0x2  }
0x240: {  	v4 =	vld [tilespmem:s12+$0x0];
	_ =	sdelay $0x4  }
0x241: {  	v5 =	vadd.s32 $0xFFFFFC80, v4  }
0x242: {  	v4 =	vadd.s32 $0xFFFFFC88, v4;
	vm0 =	vlt.u32 v5, $0x68  }
0x243: {  	v5 =	vmov s1;
	v4 =	vnsel vm0, $0x0, v4  }
0x244: {  	v5 =	vshll.u32 v5, $0x3;
	v6 =	vshll.u32 v4, $0x9  }
0x245: {  	v5 =	vand.u32 $0xFFFFFC00, v5;
	v4 =	vshll.u32 v4, $0x7;
	v6 =	vand.u32 $0xFFFFF000, v6  }
0x246: {  	v7 =	vor.u32 s1, v0;
	v4 =	vand.u32 $0x380, v4;
	v6 =	vadd.s32 v5, v6  }
0x247: {  	v7 =	vand.u32 $0x7F, v7;
	v4 =	vor.u32 v4, v6  }
0x248: {  	v4 =	vor.u32 v7, v4;
	_ =	sdelay $0x3  }
0x249: {  	v50 =	vld [tilespmem:s12+$0x1DA00]  }
0x24a: {  	v4 =	vld.idx.msk [tilespmem:v4+s24+$0x0], $0xffff;
	_ =	sdelay $0x4  }
0x24b: {  	s13 =	sand.u32 $0x70, s1;
	s29 =	sand.u32 $0xFFFFFE00, s10;
	v4 =	vsel vm0, v4, v50  }
0x24c: {  	s29 =	sor.u32 s13, s29;
	[tilespmem:s12+$0x1DA00] =	vst v4  }
0x24d: {  	v4 =	vld [tilespmem:s29+$0x200];
	_ =	sdelay $0x4  }
0x24e: {  	v51 =	vadd.s32 $0xFFFFFC80, v4  }
0x24f: {  	v4 =	vadd.s32 $0xFFFFFC88, v4;
	vm14 =	vlt.u32 v51, $0x68  }
0x250: {  	v4 =	vnsel vm14, $0x0, v4  }
0x251: {  	v8 =	vld [tilespmem:s29+$0x280];
	v52 =	vshll.u32 v4, $0x9  }
0x252: {  	v4 =	vshll.u32 v4, $0x7;
	v6 =	vand.u32 $0xFFFFF000, v52  }
0x253: {  	v4 =	vand.u32 $0x380, v4;
	v6 =	vadd.s32 v5, v6  }
0x254: {  	v4 =	vor.u32 v4, v6  }
0x255: {  	v4 =	vor.u32 v7, v4  }
0x256: {  	v53 =	vadd.s32 $0xFFFFFC80, v8  }
0x257: {  	v54 =	vadd.s32 $0xFFFFFC88, v8;
	vm1 =	vlt.u32 v53, $0x68  }
0x258: {  	v9 =	vld [tilespmem:s29+$0x300];
	v6 =	vnsel vm1, $0x0, v54  }
0x259: {  	v10 =	vld [tilespmem:s29+$0x1DC00];
	v55 =	vshll.u32 v6, $0x9  }
0x25a: {  	v6 =	vshll.u32 v6, $0x7;
	v8 =	vand.u32 $0xFFFFF000, v55;
	v4 =	vld.idx.msk [tilespmem:v4+s24+$0x0], $0xffff  }
0x25b: {  	v6 =	vand.u32 $0x380, v6;
	v8 =	vadd.s32 v5, v8  }
0x25c: {  	v6 =	vor.u32 v6, v8  }
0x25d: {  	v56 =	vadd.s32 $0xFFFFFC80, v9;
	v6 =	vor.u32 v7, v6  }
0x25e: {  	v57 =	vadd.s32 $0xFFFFFC88, v9;
	vm2 =	vlt.u32 v56, $0x68  }
0x25f: {  	v58 =	vld [tilespmem:s29+$0x380];
	v8 =	vnsel vm2, $0x0, v57;
	v4 =	vsel vm14, v4, v10  }
0x260: {  	[tilespmem:s29+$0x1DC00] =	vst v4;
	v4 =	vshll.u32 v8, $0x9  }
0x261: {  	v59 =	vld [tilespmem:s29+$0x1DC80];
	v8 =	vshll.u32 v8, $0x7;
	v4 =	vand.u32 $0xFFFFF000, v4  }
0x262: {  	v6 =	vld.idx.msk [tilespmem:v6+s24+$0x0], $0xffff;
	v8 =	vand.u32 $0x380, v8;
	v4 =	vadd.s32 v5, v4  }
0x263: {  	v4 =	vor.u32 v8, v4  }
0x264: {  	v60 =	vadd.s32 $0xFFFFFC80, v58;
	v4 =	vor.u32 v7, v4  }
0x265: {  	v61 =	vadd.s32 $0xFFFFFC88, v58;
	vm15 =	vlt.u32 v60, $0x68  }
0x266: {  	v8 =	vnsel vm15, $0x0, v61  }
0x267: {  	v62 =	vshll.u32 v8, $0x9;
	v6 =	vsel vm1, v6, v59  }
0x268: {  	v63 =	vld [tilespmem:s29+$0x1DD00];
	v8 =	vshll.u32 v8, $0x7;
	[tilespmem:s29+$0x1DC80] =	vst v6;
	v6 =	vand.u32 $0xFFFFF000, v62  }
0x269: {  	v8 =	vand.u32 $0x380, v8;
	v5 =	vadd.s32 v5, v6;
	v4 =	vld.idx.msk [tilespmem:v4+s24+$0x0], $0xffff  }
0x26a: {  	v5 =	vor.u32 v8, v5  }
0x26b: {  	v5 =	vor.u32 v7, v5;
	_ =	sdelay $0x2  }
0x26c: {  	v4 =	vsel vm2, v4, v63  }
0x26d: {  	[tilespmem:s29+$0x1DD00] =	vst v4  }
0x26e: {  	v4 =	vld.idx.msk [tilespmem:v5+s24+$0x0], $0xffff  }
0x26f: {  	v5 =	vld [tilespmem:s29+$0x1DD80]  }
0x270: {  	p0 =	seq.s32 s11, $0x1  }
.Ltmp11:
0x271: {  	_ = 	snop;
	(pc) =	sbr.rel @!p0 .LBB2_19-.Ltmp11, $3  }
0x272: {  	_ =	sdelay $0x1  }
0x273: {  	v4 =	vsel vm15, v4, v5  }
0x274: {  	s10 =	sadd.s32 $0x40, s10;
	s11 =	sadd.s32 $0xFFFFFFFF, s11;
	s1 =	sadd.s32 $0x10, s1;
	[tilespmem:s29+$0x1DD80] =	vst v4  }
0x275: {  	vm0 =	vgt.s32 v3, $0x1  }
0x276: {  	v4 =	vnsel vm0, $0x1, v3  }
0x277: {  	s29 =	simm.s32 $0x0;
	v4 =	vcvt.s32.f32 v4  }
0x278: {  	s10 =	simm.s32 $0x0;
	s1 =	sand.u32 $0x70, s29;
	s11 =	sand.u32 $0xFFFFFE00, s29  }
0x279: {  	v6 =	vld [tilespmem:s10+$0x1DA00];
	s1 =	sor.u32 s1, s11;
	(erf) = vrcp.f32 v4  }
0x27a: {  	s15 =	sadd.s32 $0x1DC00, s1;
	v4 =	vld [tilespmem:s1+$0x1DC00]  }
0x27b: {  	v5 =	vld [tilespmem:s15+$0x180]  }
0x27c: {  	v7 =	vld [tilespmem:s15+$0x100]  }
0x27d: {  	p2 =	sne.s32 s31, $0x1;
	v9 =	vld [tilespmem:s15+$0x80]  }
.Ltmp12:
0x27e: {  	_ = 	snop;
	(pc) =	sbr.rel @!p2 .LBB2_21-.Ltmp12, $4  }
0x27f: {  	_ = 	snop  }
0x280: {  	v15 =	vsub.f32 v6, v4;
	v8 =	vsub.f32 v6, v5  }
0x281: {  	p0 =	por $0x0, $0x0;
	v5 =	vimm.f32 $0.0e+00;
	v14 =	vsub.f32 v6, v7  }
0x282: {  	p1 =	por $0x0, $0x0;
	s10 =	simm.s32 $0x40;
	s1 =	sadd.s32 $0xFFFFFFFF, s31;
	v22 =	vsub.f32 v6, v9;
	v24 =	vand.u32 $0x7FFFFFFF, v15;
	v25 =	vand.u32 $0x7FFFFFFF, v8;
	v4 =	vpop (erf)  }
0x283: {  	v6 =	vsub.f32 $0.0e+00, v24  }
0x284: {  	v7 =	vand.u32 $0x7FFFFFFF, v14;
	v9 =	vsub.f32 $0.0e+00, v25  }
0x285: {  	v10 =	vand.u32 $0x7FFFFFFF, v22;
	v7 =	vsub.f32 $0.0e+00, v7;
	v6 =	vmul.f32 $1.442695020e+00, v6  }
0x286: {  	v10 =	vsub.f32 $0.0e+00, v10;
	v9 =	vmul.f32 $1.442695020e+00, v9  }
0x287: {  	v7 =	vmul.f32 $1.442695020e+00, v7;
	(erf) = vpow2.f32 v6  }
0x288: {  	v6 =	vmul.f32 $1.442695020e+00, v10;
	(erf) = vpow2.f32 v9  }
0x289: {  	s31 =	simm.s32 $0x10;
	(erf) = vpow2.f32 v7  }
0x28a: {  	s10 =	sand.u32 $0xFFFFFE00, s10;
	s11 =	sand.u32 $0x70, s31;
	(erf) = vpow2.f32 v6  }
0x28b: {  	s10 =	sor.u32 s11, s10  }
0x28c: {  	s11 =	sadd.s32 $0x1DC00, s10  }
0x28d: {  	v10 =	vld [tilespmem:s11+$0x180]  }
0x28e: {  	s12 =	simm.s32 $0x10;
	v7 =	vld [tilespmem:s10+$0x1DC00]  }
0x28f: {  	v6 =	vld [tilespmem:s12+$0x1DA00]  }
0x290: {  	v12 =	vld [tilespmem:s11+$0x100];
	v17 =	vpop (erf)  }
0x291: {  	v13 =	vld [tilespmem:s11+$0x80];
	v9 =	vpop (erf)  }
0x292: {  	p2 =	sne.s32 s1, $0x1;
	v18 =	vadd.f32 $2.000000000e+00, v17;
	v16 =	vpop (erf)  }
.Ltmp13:
0x293: {  	v19 =	vadd.f32 $2.000000000e+00, v16;
	v20 =	vpop (erf);
	(pc) =	sbr.rel @!p2 .LBB2_23-.Ltmp13, $4  }
0x294: {  	v11 =	vsub.f32 v6, v7;
	(erf) = vrcp.f32 v18;
	v7 =	vadd.f32 $2.000000000e+00, v20  }
0x295: {  	v10 =	vsub.f32 v6, v10;
	v18 =	vadd.f32 $2.000000000e+00, v9;
	(erf) = vrcp.f32 v19  }
0x296: {  	v12 =	vsub.f32 v6, v12;
	v13 =	vsub.f32 v6, v13;
	(erf) = vrcp.f32 v7  }
0x297: {  	p0 =	por $0x1, $0x1;
	s11 =	sadd.s32 $0xFFFFFFFF, s1;
	s10 =	simm.s32 $0x80;
	v24 =	vand.u32 $0x7FFFFFFF, v11;
	v25 =	vand.u32 $0x7FFFFFFF, v10;
	(erf) = vrcp.f32 v18  }
0x298: {  	_ =	sdelay $0x1  }
0x299: {  	v6 =	vsub.f32 $0.0e+00, v24;
	_ =	sdelay $0x1  }
0x29a: {  	v7 =	vand.u32 $0x7FFFFFFF, v12;
	v6 =	vmul.f32 $1.442695020e+00, v6  }
0x29b: {  	s1 =	simm.s32 $0x20;
	v18 =	vsub.f32 $0.0e+00, v25;
	v7 =	vsub.f32 $0.0e+00, v7;
	v19 =	vpop (erf)  }
0x29c: {  	s13 =	simm.s32 $0x20;
	s10 =	sand.u32 $0xFFFFFE00, s10;
	v21 =	vand.u32 $0x7FFFFFFF, v13;
	s12 =	sand.u32 $0x70, s1;
	v26 =	vmul.f32 v19, v17  }
0x29d: {  	v23 =	vld [tilespmem:s13+$0x1DA00];
	s10 =	sor.u32 s12, s10;
	v18 =	vmul.f32 $1.442695020e+00, v18;
	v7 =	vmul.f32 $1.442695020e+00, v7;
	v25 =	vpop (erf);
	v17 =	vsub.f32 $0.0e+00, v21  }
0x29e: {  	v24 =	vld [tilespmem:s10+$0x1DC00];
	s10 =	sadd.s32 $0x1DC00, s10;
	(erf) = vpow2.f32 v6;
	v6 =	vpop (erf);
	v27 =	vmul.f32 v26, v26  }
0x29f: {  	v28 =	vmul.f32 v6, v20;
	v6 =	vmul.f32 $1.442695020e+00, v17;
	v17 =	vld [tilespmem:s10+$0x100]  }
0x2a0: {  	v15 =	vmin.f32 v15, $0.0e+00;
	(erf) = vpow2.f32 v18;
	v25 =	vmul.f32 v25, v16  }
0x2a1: {  	v22 =	vmin.f32 v22, $0.0e+00;
	v18 =	vld [tilespmem:s10+$0x80];
	v16 =	vpop (erf);
	v20 =	vmul.f32 $1.111111120e-01, v27;
	v29 =	vmul.f32 v28, v28  }
0x2a2: {  	v14 =	vmin.f32 v14, $0.0e+00;
	(erf) = vpow2.f32 v7;
	v30 =	vmul.f32 v16, v9  }
0x2a3: {  	v21 =	vld [tilespmem:s10+$0x180];
	v31 =	vmul.f32 v25, v25;
	v7 =	vadd.f32 $1.428571490e-01, v20;
	v9 =	vmul.f32 $1.111111120e-01, v29  }
0x2a4: {  	(erf) = vpow2.f32 v6;
	v32 =	vmul.f32 v30, v30;
	v6 =	vsub.f32 v23, v17  }
0x2a5: {  	v17 =	vmul.f32 $1.111111120e-01, v31;
	v16 =	vmul.f32 v7, v27;
	v9 =	vadd.f32 $1.428571490e-01, v9  }
0x2a6: {  	v19 =	vsub.f32 v23, v24;
	v7 =	vsub.f32 v23, v18;
	v18 =	vmul.f32 $1.111111120e-01, v32  }
0x2a7: {  	v20 =	vadd.f32 $1.428571490e-01, v17;
	v16 =	vadd.f32 $2.000000030e-01, v16;
	v9 =	vmul.f32 v9, v29  }
0x2a8: {  	v21 =	vsub.f32 v23, v21;
	v23 =	vmin.f32 v8, $0.0e+00;
	v18 =	vadd.f32 $1.428571490e-01, v18  }
0x2a9: {  	v20 =	vmul.f32 v20, v31;
	v8 =	vmul.f32 v16, v27;
	v33 =	vadd.f32 $2.000000030e-01, v9  }
0x2aa: {  	v26 =	vadd.f32 v26, v26;
	v25 =	vadd.f32 v25, v25;
	v18 =	vmul.f32 v18, v32  }
0x2ab: {  	v36 =	vadd.f32 $2.000000030e-01, v20;
	v8 =	vadd.f32 $3.333333430e-01, v8;
	v33 =	vmul.f32 v33, v29  }
0x2ac: {  	v24 =	vand.u32 $0x7FFFFFFF, v19;
	v28 =	vadd.f32 v28, v28;
	v17 =	vpop (erf);
	v18 =	vadd.f32 $2.000000030e-01, v18  }
0x2ad: {  	v9 =	vpop (erf);
	v62 =	vmul.f32 v36, v31;
	v8 =	vmul.f32 v8, v27;
	v27 =	vadd.f32 $3.333333430e-01, v33  }
0x2ae: {  	v34 =	vadd.f32 $2.000000000e+00, v17;
	v35 =	vadd.f32 $2.000000000e+00, v9;
	v18 =	vmul.f32 v18, v32  }
0x2af: {  	v16 =	vpop (erf);
	v8 =	vadd.f32 $1.000000000e+00, v8;
	v27 =	vmul.f32 v27, v29;
	v29 =	vadd.f32 $3.333333430e-01, v62  }
0x2b0: {  	v37 =	vadd.f32 $2.000000000e+00, v16;
	v20 =	vpop (erf);
	(erf) = vrcp.f32 v34;
	v18 =	vadd.f32 $3.333333430e-01, v18  }
0x2b1: {  	v8 =	vmul.f32 v8, v26;
	v26 =	vadd.f32 $1.000000000e+00, v27;
	v27 =	vmul.f32 v29, v31  }
0x2b2: {  	p2 =	sne.s32 s11, $0x1;
	v63 =	vadd.f32 $2.000000000e+00, v20;
	(erf) = vrcp.f32 v37;
	v18 =	vmul.f32 v18, v32  }
.Ltmp14:
0x2b3: {  	v8 =	vsub.f32 v15, v8;
	v15 =	vmul.f32 v26, v28;
	v26 =	vadd.f32 $1.000000000e+00, v27;
	(pc) =	sbr.rel @!p2 .LBB2_25-.Ltmp14, $4  }
0x2b4: {  	(erf) = vrcp.f32 v63;
	v29 =	vadd.f32 v30, v30;
	v18 =	vadd.f32 $1.000000000e+00, v18  }
0x2b5: {  	v8 =	vadd.f32 $0.0e+00, v8;
	v15 =	vsub.f32 v22, v15;
	v22 =	vmul.f32 v26, v25  }
0x2b6: {  	s11 =	sadd.s32 $0xFFFFFFFF, s11;
	(erf) = vrcp.f32 v35;
	v25 =	vand.u32 $0x7FFFFFFF, v21;
	v29 =	vmul.f32 v18, v29  }
0x2b7: {  	p1 =	por $0x1, $0x1;
	s12 =	simm.s32 $0x20;
	s10 =	simm.s32 $0xC0;
	v18 =	vimm.f32 $0.0e+00;
	v27 =	vadd.f32 v15, v8;
	v28 =	vsub.f32 v14, v22  }
.LBB2_26:
0x2b8: {  	p2 =	sne.s32 s11, $0x1;
	v8 =	vsub.f32 $0.0e+00, v24;
	v14 =	vand.u32 $0x7FFFFFFF, v6;
	v15 =	vsub.f32 $0.0e+00, v25;
	s12 =	sadd.s32 $0x10, s12;
	s13 =	sadd.s32 s29, s4  }
0x2b9: {  	s14 =	sshra.s32 s10, $0x2;
	s15 =	sand.u32 $0xFFFFFE00, s10;
	v22 =	vand.u32 $0x7FFFFFFF, v7;
	s29 =	sand.u32 $0x70, s12;
	v24 =	vpop (erf);
	v25 =	vadd.f32 v28, v27;
	v23 =	vsub.f32 v23, v29  }
0x2ba: {  	v22 =	vsub.f32 $0.0e+00, v22;
	v14 =	vsub.f32 $0.0e+00, v14;
	v27 =	vor.u32 s13, v0;
	v26 =	vld [tilespmem:s14+$0x1DA00];
	s14 =	sor.u32 s29, s15;
	s29 =	smov.u32 s31;
	s31 =	smov.u32 s1  }
0x2bb: {  	v31 =	vmul.f32 $1.442695020e+00, v8;
	v15 =	vmul.f32 $1.442695020e+00, v15;
	s1 =	smov.u32 s12;
	s13 =	sadd.s32 $0x1DC00, s14;
	v28 =	vld [tilespmem:s14+$0x1DC00];
	v29 =	vpop (erf);
	v23 =	vadd.f32 v23, v25  }
0x2bc: {  	v30 =	vmul.f32 v24, v17;
	vm0 =	vlt.s32 v27, v3;
	v14 =	vmul.f32 $1.442695020e+00, v14;
	v25 =	vld [tilespmem:s13+$0x180]  }
0x2bd: {  	v17 =	vmul.f32 $1.442695020e+00, v22;
	(erf) = vpow2.f32 v31;
	v8 =	vpop (erf);
	v22 =	vnsel vm0, $0x0, v23  }
0x2be: {  	v27 =	vmul.f32 v30, v30;
	v23 =	vld [tilespmem:s13+$0x100];
	v8 =	vmul.f32 v8, v20;
	v18 =	vadd.f32 v22, v18  }
0x2bf: {  	(erf) = vpow2.f32 v15;
	v15 =	vmul.f32 v29, v16;
	v16 =	vpop (erf)  }
0x2c0: {  	v24 =	vmul.f32 $1.111111120e-01, v27;
	v20 =	vsub.f32 v26, v28;
	v22 =	vld [tilespmem:s13+$0x80];
	v28 =	vmul.f32 v8, v8  }
0x2c1: {  	v25 =	vsub.f32 v26, v25;
	(erf) = vpow2.f32 v14;
	v14 =	vmul.f32 v16, v9  }
0x2c2: {  	v9 =	vadd.f32 $1.428571490e-01, v24;
	v29 =	vmul.f32 v15, v15;
	v16 =	vmul.f32 $1.111111120e-01, v28  }
0x2c3: {  	v31 =	vsub.f32 v26, v23;
	(erf) = vpow2.f32 v17;
	v32 =	vmul.f32 v14, v14  }
0x2c4: {  	v9 =	vmul.f32 v9, v27;
	v23 =	vmul.f32 $1.111111120e-01, v29;
	v16 =	vadd.f32 $1.428571490e-01, v16  }
0x2c5: {  	v22 =	vsub.f32 v26, v22;
	v26 =	vmin.f32 v11, $0.0e+00;
	v33 =	vmul.f32 $1.111111120e-01, v32;
	v11 =	vmovc v19;
	v19 =	vmovc v20  }
0x2c6: {  	v20 =	vadd.f32 $2.000000030e-01, v9;
	v34 =	vadd.f32 $1.428571490e-01, v23;
	v17 =	vpop (erf);
	v16 =	vmul.f32 v16, v28  }
0x2c7: {  	v23 =	vmin.f32 v10, $0.0e+00;
	v10 =	vmovc v21;
	v21 =	vmovc v25;
	v24 =	vand.u32 $0x7FFFFFFF, v19;
	v33 =	vadd.f32 $1.428571490e-01, v33  }
0x2c8: {  	v20 =	vmul.f32 v20, v27;
	v34 =	vmul.f32 v34, v29;
	v9 =	vpop (erf);
	v25 =	vadd.f32 $2.000000030e-01, v16  }
0x2c9: {  	v35 =	vadd.f32 $2.000000000e+00, v17;
	v36 =	vadd.f32 $2.000000000e+00, v9;
	v33 =	vmul.f32 v33, v32  }
0x2ca: {  	v37 =	vadd.f32 $3.333333430e-01, v20;
	v34 =	vadd.f32 $2.000000030e-01, v34;
	v16 =	vpop (erf);
	v25 =	vmul.f32 v25, v28  }
0x2cb: {  	v39 =	vmin.f32 v13, $0.0e+00;
	v13 =	vmovc v7;
	v7 =	vmovc v22;
	v38 =	vadd.f32 $2.000000000e+00, v16;
	v33 =	vadd.f32 $2.000000030e-01, v33  }
0x2cc: {  	v22 =	vmul.f32 v37, v27;
	v27 =	vmul.f32 v34, v29;
	v20 =	vpop (erf);
	v25 =	vadd.f32 $3.333333430e-01, v25  }
0x2cd: {  	v30 =	vadd.f32 v30, v30;
	v34 =	vadd.f32 $2.000000000e+00, v20;
	v33 =	vmul.f32 v33, v32  }
0x2ce: {  	v22 =	vadd.f32 $1.000000000e+00, v22;
	v27 =	vadd.f32 $3.333333430e-01, v27;
	v25 =	vmul.f32 v25, v28  }
0x2cf: {  	v8 =	vadd.f32 v8, v8;
	(erf) = vrcp.f32 v35;
	v28 =	vadd.f32 $3.333333430e-01, v33  }
0x2d0: {  	v22 =	vmul.f32 v22, v30;
	v27 =	vmul.f32 v27, v29;
	v25 =	vadd.f32 $1.000000000e+00, v25  }
0x2d1: {  	v15 =	vadd.f32 v15, v15;
	(erf) = vrcp.f32 v38;
	v28 =	vmul.f32 v28, v32  }
.Ltmp15:
0x2d2: {  	v22 =	vsub.f32 v26, v22;
	v8 =	vmul.f32 v25, v8;
	v25 =	vadd.f32 $1.000000000e+00, v27;
	(pc) =	sbr.rel @p2 .LBB2_26-.Ltmp15, $4  }
0x2d3: {  	v14 =	vadd.f32 v14, v14;
	(erf) = vrcp.f32 v34;
	v26 =	vadd.f32 $1.000000000e+00, v28  }
0x2d4: {  	v22 =	vadd.f32 $0.0e+00, v22;
	v8 =	vsub.f32 v39, v8;
	v15 =	vmul.f32 v25, v15  }
0x2d5: {  	v28 =	vmin.f32 v12, $0.0e+00;
	v12 =	vmovc v6;
	v6 =	vmovc v31;
	v25 =	vand.u32 $0x7FFFFFFF, v21;
	(erf) = vrcp.f32 v36  }
0x2d6: {  	s10 =	sadd.s32 $0x40, s10;
	s11 =	sadd.s32 $0xFFFFFFFF, s11;
	v29 =	vmul.f32 v26, v14;
	v27 =	vadd.f32 v8, v22;
	v28 =	vsub.f32 v28, v15  }
0x2d7: {  	v26 =	vmov v11  }
0x2d8: {  	s10 =	smov.u32 s29;
	s29 =	smov.u32 s1;
	v15 =	vmovc v19;
	v19 =	vmovc v10;
	v8 =	vmov v21;
	v22 =	vmov v13;
	v14 =	vmov v12  }
.LBB2_28:
0x2d9: {  	v10 =	vsub.f32 $0.0e+00, v24;
	v11 =	vand.u32 $0x7FFFFFFF, v6  }
0x2da: {  	v12 =	vsub.f32 $0.0e+00, v25;
	v11 =	vsub.f32 $0.0e+00, v11  }
0x2db: {  	v13 =	vand.u32 $0x7FFFFFFF, v7;
	v10 =	vmul.f32 $1.442695020e+00, v10  }
0x2dc: {  	v13 =	vsub.f32 $0.0e+00, v13;
	v12 =	vmul.f32 $1.442695020e+00, v12;
	v11 =	vmul.f32 $1.442695020e+00, v11  }
0x2dd: {  	(erf) = vpow2.f32 v10  }
0x2de: {  	v60 =	vmul.f32 $1.442695020e+00, v13;
	(erf) = vpow2.f32 v12  }
0x2df: {  	v10 =	vpop @p0 (erf);
	(erf) = vpow2.f32 v11  }
0x2e0: {  	v11 =	vpop @p0 (erf);
	(erf) = vpow2.f32 v60;
	_ =	sdelay $0x1  }
0x2e1: {  	v23 =	vsub.f32 @p1 v23, v29;
	v19 =	vmin.f32 @p0 v19, $0.0e+00  }
0x2e2: {  	s1 =	sadd.s32 @p1 s10, s4;
	v22 =	vmin.f32 @p0 v22, $0.0e+00;
	v14 =	vmin.f32 @p0 v14, $0.0e+00;
	v10 =	vmul.f32 @p0 v10, v17  }
0x2e3: {  	v15 =	vmin.f32 v15, $0.0e+00;
	v24 =	vor.u32 @p1 s1, v0;
	v17 =	vadd.f32 @p1 v28, v27;
	v12 =	vpop @p0 (erf)  }
0x2e4: {  	vm0 =	vlt.s32 @p1 v24, v3;
	v13 =	vmul.f32 @p0 v10, v10;
	v12 =	vmul.f32 @p0 v12, v20;
	v21 =	vpop @p0 (erf)  }
0x2e5: {  	v11 =	vmul.f32 @p0 v11, v16;
	v17 =	vadd.f32 @p1 v23, v17;
	v9 =	vmul.f32 @p0 v21, v9;
	v61 =	vpop (erf)  }
0x2e6: {  	v10 =	vadd.f32 @p0 v10, v10;
	v20 =	vmul.f32 @p0 $1.111111120e-01, v13;
	v16 =	vmul.f32 @p0 v12, v12;
	v62 =	vpop (erf)  }
0x2e7: {  	v25 =	vmul.f32 @p0 v11, v11;
	v28 =	vmul.f32 @p0 v9, v9;
	v63 =	vadd.f32 $2.000000000e+00, v61;
	v30 =	vpop (erf)  }
0x2e8: {  	v20 =	vadd.f32 @p0 $1.428571490e-01, v20;
	v23 =	vmul.f32 @p0 $1.111111120e-01, v16;
	v32 =	vadd.f32 $2.000000000e+00, v30;
	v36 =	vpop (erf)  }
0x2e9: {  	v31 =	vmul.f32 @p0 $1.111111120e-01, v25;
	(erf) = vrcp.f32 v63;
	v37 =	vadd.f32 $2.000000000e+00, v36  }
0x2ea: {  	v20 =	vmul.f32 @p0 v20, v13;
	v23 =	vadd.f32 @p0 $1.428571490e-01, v23;
	(erf) = vrcp.f32 v32  }
0x2eb: {  	v33 =	vmul.f32 @p0 $1.111111120e-01, v28;
	v24 =	vadd.f32 @p0 $1.428571490e-01, v31;
	(erf) = vrcp.f32 v37  }
0x2ec: {  	v38 =	vadd.f32 $2.000000000e+00, v62;
	v20 =	vadd.f32 @p0 $2.000000030e-01, v20;
	v23 =	vmul.f32 @p0 v23, v16  }
0x2ed: {  	v11 =	vadd.f32 @p0 v11, v11;
	v31 =	vadd.f32 @p0 $1.428571490e-01, v33;
	v24 =	vmul.f32 @p0 v24, v25  }
0x2ee: {  	v20 =	vmul.f32 @p0 v20, v13;
	v23 =	vadd.f32 @p0 $2.000000030e-01, v23;
	(erf) = vrcp.f32 v38  }
0x2ef: {  	v17 =	vnsel @p1 vm0, $0x0, v17;
	v12 =	vadd.f32 @p0 v12, v12;
	v31 =	vmul.f32 @p0 v31, v28  }
0x2f0: {  	v24 =	vadd.f32 @p0 $2.000000030e-01, v24;
	v20 =	vadd.f32 @p0 $3.333333430e-01, v20;
	v23 =	vmul.f32 @p0 v23, v16  }
0x2f1: {  	v7 =	vmin.f32 v7, $0.0e+00;
	v17 =	vadd.f32 @p1 v17, v18;
	v31 =	vadd.f32 @p0 $2.000000030e-01, v31  }
0x2f2: {  	v13 =	vmul.f32 @p0 v20, v13;
	v20 =	vadd.f32 @p0 $3.333333430e-01, v23;
	v23 =	vmul.f32 @p0 v24, v25;
	v39 =	vpop (erf)  }
0x2f3: {  	v18 =	vmin.f32 @p0 v26, $0.0e+00;
	v24 =	vmul.f32 @p0 v31, v28;
	v21 =	vmul.f32 v39, v61;
	v40 =	vpop (erf)  }
0x2f4: {  	v13 =	vadd.f32 @p0 $1.000000000e+00, v13;
	v16 =	vmul.f32 @p0 v20, v16;
	v20 =	vadd.f32 @p0 $3.333333430e-01, v23;
	v41 =	vpop (erf)  }
0x2f5: {  	v23 =	vadd.f32 @p0 $3.333333430e-01, v24;
	v42 =	vmul.f32 v21, v21;
	v24 =	vmul.f32 v41, v36  }
0x2f6: {  	v10 =	vmul.f32 @p0 v13, v10;
	v16 =	vadd.f32 @p0 $1.000000000e+00, v16;
	v13 =	vmul.f32 v40, v30  }
0x2f7: {  	v9 =	vadd.f32 @p0 v9, v9;
	v43 =	vpop (erf);
	v44 =	vmul.f32 $1.111111120e-01, v42;
	v45 =	vmul.f32 v24, v24  }
0x2f8: {  	v12 =	vmul.f32 @p0 v16, v12;
	v10 =	vsub.f32 @p0 v18, v10;
	v16 =	vmul.f32 v43, v62  }
0x2f9: {  	v47 =	vmul.f32 v13, v13;
	v18 =	vadd.f32 $1.428571490e-01, v44;
	v46 =	vmul.f32 $1.111111120e-01, v45  }
0x2fa: {  	v20 =	vmul.f32 @p0 v20, v25;
	v21 =	vadd.f32 v21, v21;
	v48 =	vmul.f32 v16, v16  }
0x2fb: {  	v49 =	vmul.f32 $1.111111120e-01, v47;
	v18 =	vmul.f32 v18, v42;
	v27 =	vadd.f32 $1.428571490e-01, v46  }
0x2fc: {  	v20 =	vadd.f32 @p0 $1.000000000e+00, v20;
	v10 =	vadd.f32 @p0 $0.0e+00, v10;
	v50 =	vmul.f32 $1.111111120e-01, v48  }
0x2fd: {  	v52 =	vadd.f32 $1.428571490e-01, v49;
	v18 =	vadd.f32 $2.000000030e-01, v18;
	v51 =	vmul.f32 v27, v45  }
0x2fe: {  	v19 =	vpsel p0, v19, v0;
	v12 =	vsub.f32 @p0 v22, v12;
	v53 =	vadd.f32 $1.428571490e-01, v50  }
0x2ff: {  	v55 =	vmul.f32 v52, v47;
	v18 =	vmul.f32 v18, v42;
	v54 =	vadd.f32 $2.000000030e-01, v51  }
0x300: {  	v11 =	vmul.f32 @p0 v20, v11;
	v10 =	vadd.f32 @p0 v12, v10;
	v12 =	vmul.f32 v53, v48  }
0x301: {  	v58 =	vadd.f32 $2.000000030e-01, v55;
	v56 =	vadd.f32 $3.333333430e-01, v18;
	v57 =	vmul.f32 v54, v45  }
0x302: {  	v23 =	vmul.f32 @p0 v23, v28;
	v11 =	vsub.f32 @p0 v14, v11;
	v12 =	vadd.f32 $2.000000030e-01, v12  }
0x303: {  	v20 =	vmul.f32 v58, v47;
	v14 =	vmul.f32 v56, v42;
	v18 =	vadd.f32 $3.333333430e-01, v57  }
0x304: {  	v23 =	vadd.f32 @p0 $1.000000000e+00, v23;
	v13 =	vadd.f32 v13, v13;
	v12 =	vmul.f32 v12, v48  }
0x305: {  	v20 =	vadd.f32 $3.333333430e-01, v20;
	v14 =	vadd.f32 $1.000000000e+00, v14;
	v18 =	vmul.f32 v18, v45  }
0x306: {  	v9 =	vmul.f32 @p0 v23, v9;
	v59 =	vadd.f32 v24, v24;
	v12 =	vadd.f32 $3.333333430e-01, v12  }
0x307: {  	v20 =	vmul.f32 v20, v47;
	v14 =	vmul.f32 v14, v21;
	v18 =	vadd.f32 $1.000000000e+00, v18  }
0x308: {  	v16 =	vadd.f32 v16, v16;
	v9 =	vpsel p0, v9, v0;
	v12 =	vmul.f32 v12, v48  }
0x309: {  	v61 =	vadd.f32 $1.000000000e+00, v20;
	v14 =	vsub.f32 v15, v14;
	v60 =	vmul.f32 v18, v59  }
0x30a: {  	v10 =	vpsel p0, v10, v0;
	v11 =	vpsel p0, v11, v0;
	v12 =	vadd.f32 $1.000000000e+00, v12  }
0x30b: {  	s1 =	smov.u32 @p0 s31;
	v13 =	vmul.f32 v61, v13;
	v14 =	vadd.f32 $0.0e+00, v14;
	v7 =	vsub.f32 v7, v60  }
0x30c: {  	v6 =	vmin.f32 v6, $0.0e+00;
	s1 =	smov.u32 @p0 s1;
	v9 =	vsub.f32 @p0 v19, v9;
	v10 =	vadd.f32 @p0 v11, v10  }
0x30d: {  	s1 =	sadd.s32 @p0 s1, s4;
	v6 =	vsub.f32 v6, v13;
	v62 =	vmul.f32 v12, v16;
	v7 =	vadd.f32 v7, v14  }
0x30e: {  	v8 =	vmin.f32 v8, $0.0e+00;
	v9 =	vadd.f32 @p0 v9, v10;
	v12 =	vor.u32 @p0 s1, v0  }
0x30f: {  	vm0 =	vlt.s32 @p0 v12, v3;
	v6 =	vadd.f32 v6, v7;
	v7 =	vsub.f32 v8, v62  }
.Ltmp16:
0x310: {  	s31 =	sadd.s32 s29, s4;
	v9 =	vnsel @p0 vm0, $0x0, v9;
	v8 =	vpsel p1, v17, v5;
	(pc) =	sbr.rel .LBB2_29-.Ltmp16, $4  }
0x311: {  	v63 =	vor.u32 s31, v0;
	v8 =	vadd.f32 @p0 v9, v8;
	v6 =	vadd.f32 v7, v6  }
0x312: {  	vm15 =	vlt.s32 v63, v3  }
0x313: {  	v3 =	vpsel p0, v8, v5;
	v5 =	vnsel vm15, $0x0, v6  }
0x314: {  	v3 =	vadd.f32 v5, v3  }
.LBB2_21:
.Ltmp17:
0x315: {  	(pc) =	sbr.rel .LBB2_28-.Ltmp17, $2  }
0x316: {  	_ =	sdelay $0x2  }
0x317: {  	v6 =	vmov v14;
	v18 =	vimm.f32 $0.0e+00;
	v7 =	vmov v22  }
.LBB2_23:
.Ltmp18:
0x318: {  	(pc) =	sbr.rel .LBB2_28-.Ltmp18, $3  }
0x319: {  	_ =	sdelay $0x1  }
0x31a: {  	v26 =	vmov v15;
	v19 =	vmov v8  }
0x31b: {  	v6 =	vmovc v12;
	v7 =	vmovc v13;
	s31 =	simm.s32 $0x0;
	s29 =	simm.s32 $0x10;
	v18 =	vimm.f32 $0.0e+00;
	v15 =	vmov v11;
	v8 =	vmov v10  }
.LBB2_25:
.Ltmp19:
0x31c: {  	(pc) =	sbr.rel .LBB2_28-.Ltmp19, $3  }
0x31d: {  	_ =	sdelay $0x1  }
0x31e: {  	v18 =	vimm.f32 $0.0e+00;
	v26 =	vmov v11  }
0x31f: {  	s10 =	simm.s32 $0x0;
	s29 =	simm.s32 $0x20;
	v15 =	vmovc v19;
	v19 =	vmovc v10;
	v8 =	vmov v21;
	v22 =	vmov v13;
	v14 =	vmov v12  }
.LBB2_30:
0x320: {  	_ =	sfence.sel $0x180000  }
0x321: {  	[bflag:$0x0] =	sbarrier.arrive $0xFFFF  }
0x322: {  	_ =	strace $0x90000047  }
0x323: {  	s0 =	stileid.u32;
	[bflag:$0x2] =	sbarrier.arrive $0xFFFF  }
0x324: {  	p0 =	sne.s32 s0, $0x0;
	s0 =	rddreg [dreg:$0x3]  }
0x325: {  	s0 =	sadd.s32 @!p0 $0x100000, s0  }
0x326: {  	[sflag:s0] =	ssyncadd.tile.s32 @!p0 $0x1;
	_ =	shalt  }
.Lfunc_end2:
_tile_overlayer_lowered:
.L_overlay_start_2:
0x327: {  	(tag) =	ssettag $0x2  }
0x328: {  	s0 =	rddreg [dreg:$0x0];
	s2 =	stileid.u32  }
0x329: {  	s1 =	rddreg [dreg:$0x1];
	p0 =	sne.s32 s2, $0x0  }
0x32a: {  	s3 =	rddreg [dreg:$0x2];
	[bflag:$0x3] =	sbarrier.arrive $0xFFFF;
	s2 =	simm.s32 @!p0 $0x1C02  }
0x32b: {  	[timem:s3], [sflag:s2] =	dma.local @!p0 [hbm:s0], s1  }
0x32c: {  	s0 =	simm.s32 @!p0 $0x2  }
0x32d: {  	_ =	swait.ge @!p0 [sflag:s0], s1  }
0x32e: {  	s1 =	ssub.s32 @!p0 $0x0, s1;
	[sflag:s0] =	ssyncset.done @!p0 $0x0  }
0x32f: {  	[sflag:s0] =	ssyncadd.s32 @!p0 s1  }
0x330: {  	[bflag:$0x3] =	sbarrier.arrive $0xFFFF  }
0x331: {  	_ =	shalt  }

</sc_bundles>
